<compile_context>
chip_gen: v7x
topology: tpu7x:2x2x1
jax: 0.10.2.dev20260603
libtpu: 0.0.44.dev20260713+nightly
codegen_flags: <defaults>
</compile_context>

<pallas_src>
import functools
import math

import jax
import jax.numpy as jnp
from jax import lax
from jax.experimental import pallas as pl
from jax.experimental.pallas import tpu as pltpu
from jax.experimental.pallas import tpu_sc as plsc

N_SENSORS = 4760
K = 16
HID = 64
LPROJ = 128
POSD = 96
FED = 32
OUTC = 2
NH = 4
HD = LPROJ // NH
NTOK = 6
B = 8

N_PAD = 4864
S_BLK = 256
GATHER_WIN = 128
N_IDX_PAD = 4864


def _pre_body(pos_ref, fid_ref, femb_ref, tfemb_ref, lat_ref,
              x01t_ref, mkt_ref,
              wpf_p_ref, wpf_f_ref, bn_ref, wv_ref,
              wql_p_ref, wql_f_ref, bql_ref,
              wqg_p_ref, wqg_f_ref, bqg_ref,
              wlat_ref, blat_ref, wlf_ref, blf_ref,
              wk_ref, bk_ref, wv2_ref, bv2_ref,
              table_out, ql_out, a_out, qg_out, msk_out, kg_out, vg_out):
    n = pos_ref.shape[0]
    pos = pos_ref[...]
    fid = fid_ref[...]
    oh = (fid == lax.broadcasted_iota(jnp.int32, (1, 6), 1)).astype(jnp.float32)
    fpart = jnp.dot(oh, femb_ref[...], preferred_element_type=jnp.float32)

    pf = (jnp.dot(pos, wpf_p_ref[...], preferred_element_type=jnp.float32)
          + jnp.dot(fpart, wpf_f_ref[...], preferred_element_type=jnp.float32)
          + bn_ref[...])
    table_out[:, 0:HID] = pf
    table_out[:, HID:HID + 16] = x01t_ref[...]
    table_out[:, HID + 16:HID + 24] = mkt_ref[...]
    table_out[:, HID + 24:] = jnp.zeros((n, LPROJ - HID - 24), jnp.float32)

    ql = (jnp.dot(pos, wql_p_ref[...], preferred_element_type=jnp.float32)
          + jnp.dot(fpart, wql_f_ref[...], preferred_element_type=jnp.float32)
          + bql_ref[...]) * (HID ** -0.5)
    ql_out[0:n] = ql
    ql_out[n:] = jnp.zeros((N_PAD - n, HID), jnp.float32)

    a = lax.dot_general(ql, wv_ref[...], (((1,), (1,)), ((), ())),
                        preferred_element_type=jnp.float32)
    a_out[0:n] = a
    a_out[n:] = jnp.zeros((N_PAD - n, 2), jnp.float32)

    qg = (jnp.dot(pos, wqg_p_ref[...], preferred_element_type=jnp.float32)
          + jnp.dot(fpart, wqg_f_ref[...], preferred_element_type=jnp.float32)
          + bqg_ref[...]) * (HD ** -0.5)
    qg_out[0:n] = qg
    qg_out[n:] = jnp.zeros((N_PAD - n, LPROJ), jnp.float32)

    msk_out[0:n] = mkt_ref[...]
    msk_out[n:] = jnp.zeros((N_PAD - n, 8), jnp.float32)

    bias = jnp.dot(tfemb_ref[...], wlf_ref[...],
                   preferred_element_type=jnp.float32) + blf_ref[...]
    kv = jnp.dot(lat_ref[...], wlat_ref[...],
                 preferred_element_type=jnp.float32) + blat_ref[...] + bias
    kg_out[...] = jnp.dot(kv, wk_ref[...],
                          preferred_element_type=jnp.float32) + bk_ref[...]
    vg_out[...] = jnp.dot(kv, wv2_ref[...],
                          preferred_element_type=jnp.float32) + bv2_ref[...]


def _precompute(pos_embed, face_idx, face_emb, tf_emb_tiled, latent2d,
                x01t, mkt,
                wpf_p, wpf_f, bn, wv01,
                wql_p, wql_f, bql, wqg_p, wqg_f, bqg,
                wlat, blat, wlf, blf, wk, bk, wv2, bv2):
    n = pos_embed.shape[0]
    out_shapes = (
        jax.ShapeDtypeStruct((n, LPROJ), jnp.float32),
        jax.ShapeDtypeStruct((N_PAD, HID), jnp.float32),
        jax.ShapeDtypeStruct((N_PAD, 2), jnp.float32),
        jax.ShapeDtypeStruct((N_PAD, LPROJ), jnp.float32),
        jax.ShapeDtypeStruct((N_PAD, 8), jnp.float32),
        jax.ShapeDtypeStruct((B * NTOK, LPROJ), jnp.float32),
        jax.ShapeDtypeStruct((B * NTOK, LPROJ), jnp.float32),
    )
    return pl.pallas_call(_pre_body, out_shape=out_shapes)(
        pos_embed, face_idx, face_emb, tf_emb_tiled, latent2d, x01t, mkt,
        wpf_p, wpf_f, bn, wv01, wql_p, wql_f, bql, wqg_p, wqg_f, bqg,
        wlat, blat, wlf, blf, wk, bk, wv2, bv2)


def _sc_gather(table, idx_flat):
    ni = idx_flat.shape[0]
    idx2 = idx_flat.reshape(1, ni)
    mesh = plsc.VectorSubcoreMesh(core_axis_name="core",
                                  subcore_axis_name="subcore")

    @functools.partial(
        pl.kernel,
        out_type=jax.ShapeDtypeStruct((ni, LPROJ), jnp.float32),
        mesh=mesh)
    def kern(t_hbm, i_hbm, o_hbm):
        def body(i_vmem, o_vmem):
            pltpu.sync_copy(t_hbm.at[i_vmem.at[0]], o_vmem)

        pltpu.emit_pipeline(
            body,
            grid=(ni // GATHER_WIN,),
            in_specs=[pl.BlockSpec((1, GATHER_WIN), index_map=lambda i: (0, i))],
            out_specs=[pl.BlockSpec((GATHER_WIN, LPROJ),
                                    index_map=lambda i: (i, 0))],
            core_axis_name=("core", "subcore"),
            dimension_semantics=(pltpu.PARALLEL,),
        )(i_hbm, o_hbm)

    return kern(table, idx2)


def _main_body(g_ref, ql_ref, a_ref, qg_ref, msk_ref,
               kmat_ref, vmat_ref, wv_ref, wgo_ref, bgo_ref,
               lng_l_ref, lnb_l_ref, lng_g_ref, lnb_g_ref,
               wm1_l_ref, wm1_g_ref, bm1_ref, wm2_ref, bm2_ref,
               out_ref):
    s = g_ref.shape[0]
    ql = ql_ref[...]
    a0 = a_ref[:, 0:1]
    a1 = a_ref[:, 1:2]
    qg = qg_ref[...]
    g = g_ref[...]

    bf = []
    v01s = []
    logit = []
    for k in range(K):
        ch = g[:, k * LPROJ:(k + 1) * LPROJ]
        bfk = ch[:, 0:HID]
        bf.append(bfk)
        bd = jnp.sum(bfk * ql, axis=1, keepdims=True)
        v01 = ch[:, 64:80]
        mk = ch[:, 80:88]
        v01s.append(v01)
        lk = bd + v01[:, 0:8] * a0 + v01[:, 8:16] * a1
        logit.append(jnp.where(mk != 0.0, -10000.0, lk))

    mx = logit[0]
    for k in range(1, K):
        mx = jnp.maximum(mx, logit[k])
    es = [jnp.exp(logit[k] - mx) for k in range(K)]
    z = es[0]
    for k in range(1, K):
        z = z + es[k]
    rz = 1.0 / z

    wv0 = es[0] * v01s[0][:, 0:8]
    wv1 = es[0] * v01s[0][:, 8:16]
    for k in range(1, K):
        wv0 = wv0 + es[k] * v01s[k][:, 0:8]
        wv1 = wv1 + es[k] * v01s[k][:, 8:16]
    wv0 = wv0 * rz
    wv1 = wv1 * rz

    wv = wv_ref[...]
    wgo = wgo_ref[...]
    bgo = bgo_ref[...]
    lng_l = lng_l_ref[...]
    lnb_l = lnb_l_ref[...]
    lng_g = lng_g_ref[...]
    lnb_g = lnb_g_ref[...]
    wm1_l = wm1_l_ref[...]
    wm1_g = wm1_g_ref[...]
    bm1 = bm1_ref[...]
    wm2 = wm2_ref[...]
    bm2 = bm2_ref[...]
    col8 = lax.broadcasted_iota(jnp.int32, (1, 8), 1)
    inv_d = 1.0 / (HID + LPROJ)
    inv_sqrt2 = 1.0 / math.sqrt(2.0)

    for b in range(B):
        ebk = es[0][:, b:b + 1]
        wb = ebk * bf[0]
        for k in range(1, K):
            ebk = es[k][:, b:b + 1]
            wb = wb + ebk * bf[k]
        rzb = rz[:, b:b + 1]
        local = (wb * rzb
                 + wv0[:, b:b + 1] * wv[0:1, :]
                 + wv1[:, b:b + 1] * wv[1:2, :])

        kb = kmat_ref[b * LPROJ:(b + 1) * LPROJ, :]
        lg = jnp.dot(qg, kb, preferred_element_type=jnp.float32)
        ctx = jnp.zeros((s, LPROJ), dtype=jnp.float32)
        for h in range(NH):
            sl = lg[:, 8 * h:8 * h + 8]
            sl = jnp.where(col8 < NTOK, sl, -1e30)
            mh = jnp.max(sl, axis=1, keepdims=True)
            eh = jnp.exp(sl - mh)
            attn_h = eh / jnp.sum(eh, axis=1, keepdims=True)
            vb = vmat_ref[b * 32 + 8 * h:b * 32 + 8 * h + 8, :]
            ctx = ctx + jnp.dot(attn_h, vb, preferred_element_type=jnp.float32)
        gf = jnp.dot(ctx, wgo, preferred_element_type=jnp.float32) + bgo

        s1 = jnp.sum(local, axis=1, keepdims=True) + jnp.sum(gf, axis=1, keepdims=True)
        mu = s1 * inv_d
        s2 = (jnp.sum(local * local, axis=1, keepdims=True)
              + jnp.sum(gf * gf, axis=1, keepdims=True))
        var = s2 * inv_d - mu * mu
        rstd = lax.rsqrt(var + 1e-5)
        xl = (local - mu) * rstd * lng_l + lnb_l
        xg = (gf - mu) * rstd * lng_g + lnb_g
        h1 = (jnp.dot(xl, wm1_l, preferred_element_type=jnp.float32)
              + jnp.dot(xg, wm1_g, preferred_element_type=jnp.float32) + bm1)
        h1 = 0.5 * h1 * (1.0 + lax.erf(h1 * inv_sqrt2))
        preds = jnp.dot(h1, wm2, preferred_element_type=jnp.float32) + bm2
        mb = msk_ref[:, b:b + 1]
        out_ref[b] = preds * (mb != 0.0).astype(jnp.float32)


def _main(g, ql, a2, qg, msk, kmat, vmat, wv8, wgo, bgo,
          lng_l, lnb_l, lng_g, lnb_g, wm1_l, wm1_g, bm1, wm2, bm2,
          off_blk=0):
    n_rows = g.shape[0]
    grid = (n_rows // S_BLK,)
    full = lambda shp: pl.BlockSpec(shp, lambda i: tuple(0 for _ in shp))
    gblk = pl.BlockSpec((S_BLK, K * LPROJ), lambda i: (i, 0))
    blk = lambda cols: pl.BlockSpec((S_BLK, cols), lambda i: (i + off_blk, 0))
    in_specs = [
        gblk, blk(HID), blk(2), blk(LPROJ), blk(8),
        full(kmat.shape), full(vmat.shape), full(wv8.shape), full(wgo.shape),
        full(bgo.shape), full(lng_l.shape), full(lnb_l.shape),
        full(lng_g.shape), full(lnb_g.shape), full(wm1_l.shape),
        full(wm1_g.shape), full(bm1.shape), full(wm2.shape), full(bm2.shape),
    ]
    out_spec = pl.BlockSpec((B, S_BLK, OUTC), lambda i: (0, i, 0))
    return pl.pallas_call(
        _main_body,
        grid=grid,
        in_specs=in_specs,
        out_specs=out_spec,
        out_shape=jax.ShapeDtypeStruct((B, n_rows, OUTC), jnp.float32),
    )(g, ql, a2, qg, msk, kmat, vmat, wv8, wgo, bgo,
      lng_l, lnb_l, lng_g, lnb_g, wm1_l, wm1_g, bm1, wm2, bm2)


def kernel(x_flat, latent_seq, mask, pos_embed, knn_indices, face_ids,
           token_face_ids_map, face_emb, W_nbr, b_nbr, W_ql, b_ql,
           W_lat, b_lat, W_lf, b_lf, W_qg, b_qg, W_k, b_k, W_v, b_v,
           W_go, b_go, ln_g, ln_b, W_m1, b_m1, W_m2, b_m2):
    n = x_flat.shape[1]
    f32 = jnp.float32

    wv01 = W_nbr[:2]
    wv8 = jnp.concatenate([wv01, jnp.zeros((6, HID), f32)], axis=0)
    wpf_p, wpf_f = W_nbr[2:2 + POSD], W_nbr[2 + POSD:]
    wql_p, wql_f = W_ql[:POSD], W_ql[POSD:]
    wqg_p, wqg_f = W_qg[:POSD], W_qg[POSD:]
    row = lambda v: v.reshape(1, -1).astype(f32)
    face_idx = face_ids.astype(jnp.int32).reshape(n, 1)
    tf_emb = face_emb[token_face_ids_map]
    tf_emb_tiled = jnp.tile(tf_emb, (B, 1))
    latent2d = latent_seq.reshape(B * NTOK, -1)
    x01t = x_flat.astype(f32).transpose(1, 2, 0).reshape(n, 16)
    mkt = mask.T.astype(f32)

    table, ql, a2, qg, msk2d, kg, vg = _precompute(
        pos_embed.astype(f32), face_idx, face_emb, tf_emb_tiled, latent2d,
        x01t, mkt,
        wpf_p, wpf_f, row(b_nbr), wv01,
        wql_p, wql_f, row(b_ql), wqg_p, wqg_f, row(b_qg),
        W_lat, row(b_lat), W_lf, row(b_lf), W_k, row(b_k), W_v, row(b_v))

    knn_pad = jnp.zeros((N_IDX_PAD, K), jnp.int32).at[:n].set(
        knn_indices.astype(jnp.int32))
    idx_flat = knn_pad.reshape(-1)
    g = _sc_gather(table, idx_flat).reshape(N_IDX_PAD, K * LPROJ)

    k3 = kg.reshape(B, NTOK, NH, HD)
    v3 = vg.reshape(B, NTOK, NH, HD)
    kmat = jnp.zeros((B, LPROJ, 32), f32)
    vmat = jnp.zeros((B, NH, 8, LPROJ), f32)
    for h in range(NH):
        kmat = kmat.at[:, HD * h:HD * (h + 1), 8 * h:8 * h + NTOK].set(
            k3[:, :, h, :].transpose(0, 2, 1))
        vmat = vmat.at[:, h, :NTOK, HD * h:HD * (h + 1)].set(v3[:, :, h, :])
    kmat = kmat.reshape(B * LPROJ, 32)
    vmat = vmat.reshape(B * NH * 8, LPROJ)

    out = _main(g, ql, a2, qg, msk2d,
                kmat, vmat, wv8, W_go, row(b_go),
                row(ln_g[:HID]), row(ln_b[:HID]),
                row(ln_g[HID:]), row(ln_b[HID:]),
                W_m1[:HID], W_m1[HID:], row(b_m1), W_m2, row(b_m2))
    return out[:, :n, :].astype(x_flat.dtype)

# --- scband reference (transcript-rebuilt; emitter-appended) ---
"""Pipeline reference for scband-xec-inpainter-85633057947837 (READ-ONLY COPY).

The authoritative reference and input builder live on the scoring server;
editing this copy changes nothing except your own understanding.
"""

import jax, jax.numpy as jnp
import numpy as np
import math

N_SENSORS = 4760
K = 16
HID = 64
LAT = 1024
LPROJ = 128
POSD = 96
FED = 32
OUTC = 2
NH = 4
NB = POSD // 6


def _pos_enc(positions, num_bands):
    freq = 2.0 ** jnp.arange(num_bands, dtype=positions.dtype)
    encs = []
    for d in range(3):
        coord = positions[:, d:d + 1]
        scaled = coord * freq[None, :] * (math.pi / 100.0)
        encs.append(jnp.sin(scaled))
        encs.append(jnp.cos(scaled))
    return jnp.concatenate(encs, axis=-1)


def _forward(x_flat, latent_seq, pos_embed, face_emb, W_nbr, b_nbr, W_ql, b_ql,
             W_lat, b_lat, W_lf, b_lf, W_qg, b_qg, W_k, b_k, W_v, b_v,
             W_go, b_go, ln_g, ln_b, W_m1, b_m1, W_m2, b_m2,
             mask, knn_indices, face_ids, token_face_ids_map):
    B, N, C = x_flat.shape
    batch_idx = jnp.repeat(jnp.arange(B), N)
    sensor_idx = jnp.tile(jnp.arange(N), B)
    T = batch_idx.shape[0]
    query_pos = pos_embed[sensor_idx]
    query_face = face_emb[face_ids[sensor_idx]]
    query = jnp.concatenate([query_pos, query_face], axis=-1)
    nbr_idx = knn_indices[sensor_idx]
    nbr_batch = jnp.broadcast_to(batch_idx[:, None], nbr_idx.shape)
    nbr_values = x_flat[nbr_batch, nbr_idx]
    nbr_pos = pos_embed[nbr_idx]
    nbr_face = face_emb[face_ids[nbr_idx]]
    nbr_feat = jnp.concatenate([nbr_values, nbr_pos, nbr_face], axis=-1)
    nbr_feat = nbr_feat @ W_nbr + b_nbr
    nbr_is_masked = mask[nbr_batch, nbr_idx].astype(bool)
    q_local = query @ W_ql + b_ql
    attn_logits = jnp.einsum('tkd,td->tk', nbr_feat, q_local) * (HID ** -0.5)
    attn_logits = jnp.where(nbr_is_masked, -10000.0, attn_logits)
    attn_w = jax.nn.softmax(attn_logits, axis=-1)
    local_feat = (attn_w[:, :, None] * nbr_feat).sum(axis=1)
    n_tok = latent_seq.shape[1]
    latent_proj = latent_seq @ W_lat + b_lat
    token_face_embed = face_emb[token_face_ids_map]
    latent_face_bias = token_face_embed @ W_lf + b_lf
    latent_kv = latent_proj + latent_face_bias[None]
    latent_for_masked = latent_kv[batch_idx]
    q_global = query @ W_qg + b_qg
    k_g = latent_for_masked @ W_k + b_k
    v_g = latent_for_masked @ W_v + b_v
    hd = LPROJ // NH
    q_mh = q_global.reshape(T, NH, hd)
    k_mh = k_g.reshape(T, n_tok, NH, hd).transpose(0, 2, 1, 3)
    v_mh = v_g.reshape(T, n_tok, NH, hd).transpose(0, 2, 1, 3)
    attn_g = jnp.einsum('thd,thnd->thn', q_mh, k_mh) * (hd ** -0.5)
    attn_g = jax.nn.softmax(attn_g, axis=-1)
    global_feat = jnp.einsum('thn,thnd->thd', attn_g, v_mh).reshape(T, LPROJ)
    global_feat = global_feat @ W_go + b_go
    combined = jnp.concatenate([local_feat, global_feat], axis=-1)
    mu = combined.mean(axis=-1, keepdims=True)
    var = combined.var(axis=-1, keepdims=True)
    xn = (combined - mu) / jnp.sqrt(var + 1e-5) * ln_g + ln_b
    h = jax.nn.gelu(xn @ W_m1 + b_m1, approximate=False)
    preds = h @ W_m2 + b_m2
    pred_all = jnp.where((mask != 0)[:, :, None],
                         preds.reshape(B, N, OUTC).astype(x_flat.dtype),
                         jnp.zeros((B, N, OUTC), dtype=x_flat.dtype))
    return pred_all


def setup_inputs(seed: int = 0):
    key = jax.random.key(seed)
    ks = jax.random.split(key, 20)
    B = 8
    pos = jax.random.uniform(ks[0], (N_SENSORS, 3), minval=-100.0, maxval=100.0)
    sq = (pos ** 2).sum(axis=1)
    d2 = sq[:, None] + sq[None, :] - 2.0 * (pos @ pos.T)
    knn_indices = jnp.argsort(d2, axis=1)[:, 1:K + 1]
    face_ids = jax.random.randint(ks[1], (N_SENSORS,), 0, 6)
    pos_embed = _pos_enc(pos, NB)
    token_face_ids_map = jnp.arange(6)

    def nrm(k, shape, s=0.05):
        return jax.random.normal(k, shape, dtype=jnp.float32) * s

    params = dict(
        face_emb=nrm(ks[2], (6, FED)),
        W_nbr=nrm(ks[3], (2 + POSD + FED, HID)), b_nbr=jnp.zeros((HID,)),
        W_ql=nrm(ks[4], (POSD + FED, HID)), b_ql=jnp.zeros((HID,)),
        W_lat=nrm(ks[5], (LAT, LPROJ)), b_lat=jnp.zeros((LPROJ,)),
        W_lf=nrm(ks[6], (FED, LPROJ)), b_lf=jnp.zeros((LPROJ,)),
        W_qg=nrm(ks[7], (POSD + FED, LPROJ)), b_qg=jnp.zeros((LPROJ,)),
        W_k=nrm(ks[8], (LPROJ, LPROJ)), b_k=jnp.zeros((LPROJ,)),
        W_v=nrm(ks[9], (LPROJ, LPROJ)), b_v=jnp.zeros((LPROJ,)),
        W_go=nrm(ks[10], (LPROJ, LPROJ)), b_go=jnp.zeros((LPROJ,)),
        ln_g=jnp.ones((HID + LPROJ,)), ln_b=jnp.zeros((HID + LPROJ,)),
        W_m1=nrm(ks[11], (HID + LPROJ, HID)), b_m1=jnp.zeros((HID,)),
        W_m2=nrm(ks[12], (HID, OUTC)), b_m2=jnp.zeros((OUTC,)),
    )
    x_flat = jax.random.normal(ks[13], (B, N_SENSORS, 2), dtype=jnp.float32)
    latent_seq = jax.random.normal(ks[14], (B, 6, LAT), dtype=jnp.float32)
    mask = jax.random.randint(ks[15], (B, N_SENSORS), 0, 2)
    out = dict(x_flat=x_flat, latent_seq=latent_seq, mask=mask,
               pos_embed=pos_embed, knn_indices=knn_indices, face_ids=face_ids,
               token_face_ids_map=token_face_ids_map)
    out.update(params)
    return out


def reference(x_flat, latent_seq, mask, pos_embed, knn_indices, face_ids,
              token_face_ids_map, face_emb, W_nbr, b_nbr, W_ql, b_ql,
              W_lat, b_lat, W_lf, b_lf, W_qg, b_qg, W_k, b_k, W_v, b_v,
              W_go, b_go, ln_g, ln_b, W_m1, b_m1, W_m2, b_m2):
    return _forward(x_flat, latent_seq, pos_embed, face_emb, W_nbr, b_nbr,
                    W_ql, b_ql, W_lat, b_lat, W_lf, b_lf, W_qg, b_qg,
                    W_k, b_k, W_v, b_v, W_go, b_go, ln_g, ln_b,
                    W_m1, b_m1, W_m2, b_m2,
                    mask, knn_indices, face_ids, token_face_ids_map)

if __name__ == "__main__":
    import jax
    _d = setup_inputs()
    print(jax.jit(kernel)(*tuple(_d.values())))

</pallas_src>

<mosaic_0001>
#map = affine_map<(d0, d1) -> (0, 0)>
module attributes {stable_mosaic.version = 14 : i64} {
  func.func @kern(%arg0: i32, %arg1: i32, %arg2: memref<4760x128xf32, #tpu.memory_space<hbm>>, %arg3: memref<1x77824xi32, #tpu.memory_space<hbm>>, %arg4: memref<77824x128xf32, #tpu.memory_space<hbm>>) attributes {dimension_semantics = [#tpu.dimension_semantics<core_parallel>, #tpu.dimension_semantics<subcore_parallel>], iteration_bounds = array<i64: 2, 16>, scalar_prefetch = 0 : i64, scratch_operands = 0 : i64, tpu.core_type = #tpu.core_type<sc_vector_subcore>, window_params = [{transform_indices = #map}, {transform_indices = #map}, {transform_indices = #map}]} {
    %mul3A = arith.constant 1 : i32
    %mul3A_0 = arith.muli %arg1, %mul3A : i32
    %add3A = arith.constant 0 : i32
    %add3A_1 = arith.addi %add3A, %mul3A_0 : i32
    %mul3A_2 = arith.constant 16 : i32
    %mul3A_3 = arith.muli %arg0, %mul3A_2 : i32
    %add3A_4 = arith.addi %add3A_1, %mul3A_3 : i32
    %mul3A_5 = arith.constant 19 : i32
    %mul3A_6 = arith.muli %add3A_4, %mul3A_5 : i32
    "tpu.region"() ({
      %run_scoped3A = memref.alloca() : memref<2x1x128xi32, #tpu.memory_space<vmem>>
      %run_scoped3A_7 = tpu.sem_alloc : memref<2x!tpu.dma_semaphore, #tpu.memory_space<semaphore_mem>>
      %run_scoped3A_8 = memref.alloca() : memref<2x128x128xf32, #tpu.memory_space<vmem>>
      %run_scoped3A_9 = tpu.sem_alloc : memref<2x!tpu.dma_semaphore, #tpu.memory_space<semaphore_mem>>
      %add3A_10 = arith.constant 0 : i32
      %add3A_11 = arith.addi %add3A_10, %mul3A_6 : i32
      %select_n3A = arith.constant true
      %select_n3A_12 = arith.constant 0 : i32
      %select_n3A_13 = arith.constant -1 : i32
      %select_n3A_14 = arith.select %select_n3A, %select_n3A_13, %select_n3A_12 : i32
      %eq3A = arith.constant -1 : i32
      %eq3A_15 = arith.cmpi eq, %select_n3A_14, %eq3A : i32
      %select_n3A_16 = arith.constant 18 : i32
      %select_n3A_17 = arith.select %eq3A_15, %select_n3A_16, %select_n3A_14 : i32
      %add3A_18 = arith.addi %select_n3A_17, %mul3A_6 : i32
      %select_n3A_19 = arith.constant true
      %select_n3A_20 = arith.constant 0 : i32
      %select_n3A_21 = arith.constant 1 : i32
      %select_n3A_22 = arith.select %select_n3A_19, %select_n3A_21, %select_n3A_20 : i32
      %eq3A_23 = arith.constant 19 : i32
      %eq3A_24 = arith.cmpi eq, %select_n3A_22, %eq3A_23 : i32
      %select_n3A_25 = arith.constant 0 : i32
      %select_n3A_26 = arith.select %eq3A_24, %select_n3A_25, %select_n3A_22 : i32
      %add3A_27 = arith.addi %select_n3A_26, %mul3A_6 : i32
      %add3A_28 = arith.constant 1 : i32
      %add3A_29 = arith.addi %select_n3A_26, %add3A_28 : i32
      %select_n3A_30 = arith.constant true
      %select_n3A_31 = arith.select %select_n3A_30, %add3A_29, %select_n3A_26 : i32
      %eq3A_32 = arith.constant 19 : i32
      %eq3A_33 = arith.cmpi eq, %select_n3A_31, %eq3A_32 : i32
      %select_n3A_34 = arith.constant 0 : i32
      %select_n3A_35 = arith.select %eq3A_33, %select_n3A_34, %select_n3A_31 : i32
      %add3A_36 = arith.addi %select_n3A_35, %mul3A_6 : i32
      "tpu.trace_start"() <{level = 10 : i32, message = "ep_initialize_0"}> : () -> ()
      %rem3A = arith.constant 0 : i32
      %rem3A_37 = arith.constant 2 : i32
      %rem3A_38 = arith.remui %rem3A, %rem3A_37 : i32
      %mul3A_39 = arith.constant 128 : i32
      %mul3A_40 = arith.muli %mul3A_39, %add3A_11 : i32
      %dma_start3A = arith.constant 0 : i32
      %dma_start3A_41 = arith.constant 0 : i32
      %dma_start3A_42 = tpu.memref_slice %run_scoped3A[%rem3A_38, %dma_start3A, %dma_start3A_41] : memref<2x1x128xi32, #tpu.memory_space<vmem>> -> memref<1x1x128xi32, #tpu.memory_space<vmem>>
      %dma_start3A_43 = tpu.memref_squeeze %dma_start3A_42 : memref<1x1x128xi32, #tpu.memory_space<vmem>> -> memref<1x128xi32, #tpu.memory_space<vmem>>
      %dma_start3A_44 = arith.constant 0 : i32
      %dma_start3A_45 = tpu.memref_slice %arg3[%dma_start3A_44, %mul3A_40] : memref<1x77824xi32, #tpu.memory_space<hbm>> -> memref<1x128xi32, #tpu.memory_space<hbm>>
      %dma_start3A_46 = tpu.memref_slice %run_scoped3A_7[%rem3A_38] : memref<2x!tpu.dma_semaphore, #tpu.memory_space<semaphore_mem>> -> memref<1x!tpu.dma_semaphore, #tpu.memory_space<semaphore_mem>>
      %dma_start3A_47 = tpu.memref_squeeze %dma_start3A_46 : memref<1x!tpu.dma_semaphore, #tpu.memory_space<semaphore_mem>> -> memref<!tpu.dma_semaphore, #tpu.memory_space<semaphore_mem>>
      %dma_start3A_48 = arith.constant 0 : i32
      %dma_start3A_49 = arith.constant 0 : i32
      %dma_start3A_50 = tpu.memref_slice %run_scoped3A[%rem3A_38, %dma_start3A_48, %dma_start3A_49] : memref<2x1x128xi32, #tpu.memory_space<vmem>> -> memref<1x1x128xi32, #tpu.memory_space<vmem>>
      %dma_start3A_51 = tpu.memref_squeeze %dma_start3A_50 : memref<1x1x128xi32, #tpu.memory_space<vmem>> -> memref<1x128xi32, #tpu.memory_space<vmem>>
      %dma_start3A_52 = arith.constant 0 : i32
      %dma_start3A_53 = tpu.memref_slice %arg3[%dma_start3A_52, %mul3A_40] : memref<1x77824xi32, #tpu.memory_space<hbm>> -> memref<1x128xi32, #tpu.memory_space<hbm>>
      tpu.enqueue_dma source(%dma_start3A_53 : memref<1x128xi32, #tpu.memory_space<hbm>>) target(%dma_start3A_51 : memref<1x128xi32, #tpu.memory_space<vmem>>) target_semaphore(%dma_start3A_47 : memref<!tpu.dma_semaphore, #tpu.memory_space<semaphore_mem>>)
      %add3A_54 = arith.constant 0 : i32
      %add3A_55 = arith.constant 1 : i32
      %add3A_56 = arith.addi %add3A_54, %add3A_55 : i32
      %select_n3A_57 = arith.constant true
      %select_n3A_58 = arith.constant 0 : i32
      %select_n3A_59 = arith.select %select_n3A_57, %add3A_56, %select_n3A_58 : i32
      "tpu.trace_stop"() : () -> ()
      %scan3A = arith.constant 0 : i32
      %scan3A_60 = arith.constant 0 : i32
      %scan3A_61 = arith.constant 0 : i32
      %scan3A_62 = arith.constant 0 : i32
      %scan3A_63 = arith.constant 0 : i32
      %scan3A_64 = arith.constant 19 : i32
      %scan3A_65 = arith.addi %scan3A_63, %scan3A_64 : i32
      %scan3A_66 = arith.constant 1 : i32
      %scan3A_67:5 = scf.for %scan3A_121 = %scan3A_63 to %scan3A_65 step %scan3A_66 iter_args(%scan3A_122 = %select_n3A_59, %scan3A_123 = %scan3A, %scan3A_124 = %scan3A_60, %scan3A_125 = %scan3A_61, %scan3A_126 = %scan3A_62) -> (i32, i32, i32, i32, i32)  : i32 {
        %eq3A_127 = arith.constant 0 : i32
        %eq3A_128 = arith.cmpi eq, %scan3A_121, %eq3A_127 : i32
        %eq3A_129 = arith.constant 18 : i32
        %eq3A_130 = arith.cmpi eq, %scan3A_121, %eq3A_129 : i32
        %add3A_131 = arith.addi %scan3A_126, %mul3A_6 : i32
        %sub3A_132 = arith.constant 1 : i32
        %sub3A_133 = arith.subi %scan3A_126, %sub3A_132 : i32
        %select_n3A_134 = arith.constant true
        %select_n3A_135 = arith.select %select_n3A_134, %sub3A_133, %scan3A_126 : i32
        %eq3A_136 = arith.constant -1 : i32
        %eq3A_137 = arith.cmpi eq, %select_n3A_135, %eq3A_136 : i32
        %select_n3A_138 = arith.constant 18 : i32
        %select_n3A_139 = arith.select %eq3A_137, %select_n3A_138, %select_n3A_135 : i32
        %add3A_140 = arith.addi %select_n3A_139, %mul3A_6 : i32
        %add3A_141 = arith.constant 1 : i32
        %add3A_142 = arith.addi %scan3A_126, %add3A_141 : i32
        %select_n3A_143 = arith.constant true
        %select_n3A_144 = arith.select %select_n3A_143, %add3A_142, %scan3A_126 : i32
        %eq3A_145 = arith.constant 19 : i32
        %eq3A_146 = arith.cmpi eq, %select_n3A_144, %eq3A_145 : i32
        %select_n3A_147 = arith.constant 0 : i32
        %select_n3A_148 = arith.select %eq3A_146, %select_n3A_147, %select_n3A_144 : i32
        %add3A_149 = arith.addi %select_n3A_148, %mul3A_6 : i32
        %add3A_150 = arith.constant 1 : i32
        %add3A_151 = arith.addi %select_n3A_148, %add3A_150 : i32
        %select_n3A_152 = arith.constant true
        %select_n3A_153 = arith.select %select_n3A_152, %add3A_151, %select_n3A_148 : i32
        %eq3A_154 = arith.constant 19 : i32
        %eq3A_155 = arith.cmpi eq, %select_n3A_153, %eq3A_154 : i32
        %select_n3A_156 = arith.constant 0 : i32
        %select_n3A_157 = arith.select %eq3A_155, %select_n3A_156, %select_n3A_153 : i32
        %add3A_158 = arith.addi %select_n3A_157, %mul3A_6 : i32
        %ne3A = arith.cmpi ne, %add3A_131, %add3A_149 : i32
        %or3A = arith.constant false
        %or3A_159 = arith.ori %or3A, %ne3A : i1
        %ge3A = arith.constant 18 : i32
        %ge3A_160 = arith.cmpi sge, %scan3A_121, %ge3A : i32
        %not3A = arith.constant true
        %not3A_161 = arith.xori %ge3A_160, %not3A : i1
        %and3A = arith.andi %or3A_159, %not3A_161 : i1
        %convert_element_type3A = arith.extui %and3A : i1 to i32
        %cond3A = arith.constant 0 : i32
        %cond3A_162 = arith.cmpi ne, %convert_element_type3A, %cond3A : i32
        scf.if %cond3A_162 {
          "tpu.trace_start"() <{level = 10 : i32, message = "ep_copy_in"}> : () -> ()
          %rem3A_264 = arith.constant 2 : i32
          %rem3A_265 = arith.remui %scan3A_122, %rem3A_264 : i32
          %mul3A_266 = arith.constant 128 : i32
          %mul3A_267 = arith.muli %mul3A_266, %add3A_149 : i32
          %dma_start3A_268 = arith.constant 0 : i32
          %dma_start3A_269 = arith.constant 0 : i32
          %dma_start3A_270 = tpu.memref_slice %run_scoped3A[%rem3A_265, %dma_start3A_268, %dma_start3A_269] : memref<2x1x128xi32, #tpu.memory_space<vmem>> -> memref<1x1x128xi32, #tpu.memory_space<vmem>>
          %dma_start3A_271 = tpu.memref_squeeze %dma_start3A_270 : memref<1x1x128xi32, #tpu.memory_space<vmem>> -> memref<1x128xi32, #tpu.memory_space<vmem>>
          %dma_start3A_272 = arith.constant 0 : i32
          %dma_start3A_273 = tpu.memref_slice %arg3[%dma_start3A_272, %mul3A_267] : memref<1x77824xi32, #tpu.memory_space<hbm>> -> memref<1x128xi32, #tpu.memory_space<hbm>>
          %dma_start3A_274 = tpu.memref_slice %run_scoped3A_7[%rem3A_265] : memref<2x!tpu.dma_semaphore, #tpu.memory_space<semaphore_mem>> -> memref<1x!tpu.dma_semaphore, #tpu.memory_space<semaphore_mem>>
          %dma_start3A_275 = tpu.memref_squeeze %dma_start3A_274 : memref<1x!tpu.dma_semaphore, #tpu.memory_space<semaphore_mem>> -> memref<!tpu.dma_semaphore, #tpu.memory_space<semaphore_mem>>
          %dma_start3A_276 = arith.constant 0 : i32
          %dma_start3A_277 = arith.constant 0 : i32
          %dma_start3A_278 = tpu.memref_slice %run_scoped3A[%rem3A_265, %dma_start3A_276, %dma_start3A_277] : memref<2x1x128xi32, #tpu.memory_space<vmem>> -> memref<1x1x128xi32, #tpu.memory_space<vmem>>
          %dma_start3A_279 = tpu.memref_squeeze %dma_start3A_278 : memref<1x1x128xi32, #tpu.memory_space<vmem>> -> memref<1x128xi32, #tpu.memory_space<vmem>>
          %dma_start3A_280 = arith.constant 0 : i32
          %dma_start3A_281 = tpu.memref_slice %arg3[%dma_start3A_280, %mul3A_267] : memref<1x77824xi32, #tpu.memory_space<hbm>> -> memref<1x128xi32, #tpu.memory_space<hbm>>
          tpu.enqueue_dma source(%dma_start3A_281 : memref<1x128xi32, #tpu.memory_space<hbm>>) target(%dma_start3A_279 : memref<1x128xi32, #tpu.memory_space<vmem>>) target_semaphore(%dma_start3A_275 : memref<!tpu.dma_semaphore, #tpu.memory_space<semaphore_mem>>)
          "tpu.trace_stop"() : () -> ()
        } else {
        }
        %and3A_163 = arith.constant true
        %and3A_164 = arith.andi %and3A, %and3A_163 : i1
        %add3A_165 = arith.constant 1 : i32
        %add3A_166 = arith.addi %scan3A_122, %add3A_165 : i32
        %select_n3A_167 = arith.select %and3A_164, %add3A_166, %scan3A_122 : i32
        %ne3A_168 = arith.cmpi ne, %add3A_131, %add3A_149 : i32
        %or3A_169 = arith.constant false
        %or3A_170 = arith.ori %or3A_169, %ne3A_168 : i1
        %or3A_171 = arith.constant false
        %or3A_172 = arith.ori %or3A_170, %or3A_171 : i1
        %ge3A_173 = arith.constant 18 : i32
        %ge3A_174 = arith.cmpi sge, %scan3A_121, %ge3A_173 : i32
        %not3A_175 = arith.constant true
        %not3A_176 = arith.xori %ge3A_174, %not3A_175 : i1
        %and3A_177 = arith.andi %or3A_172, %not3A_176 : i1
        %ne3A_178 = arith.cmpi ne, %add3A_131, %add3A_140 : i32
        %or3A_179 = arith.constant false
        %or3A_180 = arith.ori %or3A_179, %ne3A_178 : i1
        %or3A_181 = arith.ori %or3A_180, %eq3A_128 : i1
        %convert_element_type3A_182 = arith.extui %or3A_181 : i1 to i32
        %cond3A_183 = arith.constant 0 : i32
        %cond3A_184 = arith.cmpi ne, %convert_element_type3A_182, %cond3A_183 : i32
        scf.if %cond3A_184 {
          "tpu.trace_start"() <{level = 10 : i32, message = "ep_wait_in"}> : () -> ()
          %mul3A_264 = arith.constant 128 : i32
          %mul3A_265 = arith.muli %mul3A_264, %add3A_131 : i32
          %rem3A_266 = arith.constant 2 : i32
          %rem3A_267 = arith.remui %scan3A_123, %rem3A_266 : i32
          %dma_wait3A_268 = arith.constant 0 : i32
          %dma_wait3A_269 = arith.constant 0 : i32
          %dma_wait3A_270 = tpu.memref_slice %run_scoped3A[%rem3A_267, %dma_wait3A_268, %dma_wait3A_269] : memref<2x1x128xi32, #tpu.memory_space<vmem>> -> memref<1x1x128xi32, #tpu.memory_space<vmem>>
          %dma_wait3A_271 = tpu.memref_squeeze %dma_wait3A_270 : memref<1x1x128xi32, #tpu.memory_space<vmem>> -> memref<1x128xi32, #tpu.memory_space<vmem>>
          %dma_wait3A_272 = arith.constant 0 : i32
          %dma_wait3A_273 = tpu.memref_slice %arg3[%dma_wait3A_272, %mul3A_265] : memref<1x77824xi32, #tpu.memory_space<hbm>> -> memref<1x128xi32, #tpu.memory_space<hbm>>
          %dma_wait3A_274 = tpu.memref_slice %run_scoped3A_7[%rem3A_267] : memref<2x!tpu.dma_semaphore, #tpu.memory_space<semaphore_mem>> -> memref<1x!tpu.dma_semaphore, #tpu.memory_space<semaphore_mem>>
          %dma_wait3A_275 = tpu.memref_squeeze %dma_wait3A_274 : memref<1x!tpu.dma_semaphore, #tpu.memory_space<semaphore_mem>> -> memref<!tpu.dma_semaphore, #tpu.memory_space<semaphore_mem>>
          %dma_wait3A_276 = arith.constant 0 : i32
          %dma_wait3A_277 = arith.constant 0 : i32
          %dma_wait3A_278 = tpu.memref_slice %run_scoped3A[%rem3A_267, %dma_wait3A_276, %dma_wait3A_277] : memref<2x1x128xi32, #tpu.memory_space<vmem>> -> memref<1x1x128xi32, #tpu.memory_space<vmem>>
          %dma_wait3A_279 = tpu.memref_squeeze %dma_wait3A_278 : memref<1x1x128xi32, #tpu.memory_space<vmem>> -> memref<1x128xi32, #tpu.memory_space<vmem>>
          %dma_wait3A_280 = arith.constant 0 : i32
          %dma_wait3A_281 = tpu.memref_slice %arg3[%dma_wait3A_280, %mul3A_265] : memref<1x77824xi32, #tpu.memory_space<hbm>> -> memref<1x128xi32, #tpu.memory_space<hbm>>
          tpu.wait_dma2 semaphore(%dma_wait3A_275 : memref<!tpu.dma_semaphore, #tpu.memory_space<semaphore_mem>>) src(%dma_wait3A_281 : memref<1x128xi32, #tpu.memory_space<hbm>>) dst(%dma_wait3A_279 : memref<1x128xi32, #tpu.memory_space<vmem>>)
          "tpu.trace_stop"() : () -> ()
        } else {
        }
        %ne3A_185 = arith.cmpi ne, %add3A_131, %add3A_140 : i32
        %or3A_186 = arith.constant false
        %or3A_187 = arith.ori %or3A_186, %ne3A_185 : i1
        %or3A_188 = arith.constant false
        %or3A_189 = arith.ori %or3A_187, %or3A_188 : i1
        %or3A_190 = arith.ori %or3A_189, %eq3A_128 : i1
        %convert_element_type3A_191 = arith.extui %or3A_190 : i1 to i32
        %cond3A_192 = arith.constant 0 : i32
        %cond3A_193 = arith.cmpi ne, %convert_element_type3A_191, %cond3A_192 : i32
        scf.if %cond3A_193 {
        } else {
        }
        %rem3A_194 = arith.constant 2 : i32
        %rem3A_195 = arith.remui %scan3A_123, %rem3A_194 : i32
        %rem3A_196 = arith.constant 2 : i32
        %rem3A_197 = arith.remui %scan3A_124, %rem3A_196 : i32
        %run_scoped3A_198 = arith.constant 0 : i32
        "tpu.trace_start"() <{level = 10 : i32, message = "ep_run_kernel"}> : () -> ()
        "tpu.region"() ({
          %run_scoped3A_264 = tpu.sem_alloc : memref<!tpu.dma_semaphore, #tpu.memory_space<semaphore_mem>>
          %dma_start3A_265 = arith.constant 0 : i32
          %dma_start3A_266 = arith.constant 0 : i32
          %dma_start3A_267 = tpu.memref_slice %run_scoped3A_8[%rem3A_197, %dma_start3A_265, %dma_start3A_266] : memref<2x128x128xf32, #tpu.memory_space<vmem>> -> memref<1x128x128xf32, #tpu.memory_space<vmem>>
          %dma_start3A_268 = tpu.memref_squeeze %dma_start3A_267 : memref<1x128x128xf32, #tpu.memory_space<vmem>> -> memref<128x128xf32, #tpu.memory_space<vmem>>
          %dma_start3A_269 = arith.constant 0 : i32
          %dma_start3A_270 = arith.constant 0 : i32
          %dma_start3A_271 = tpu.memref_slice %run_scoped3A[%rem3A_195, %dma_start3A_269, %dma_start3A_270] : memref<2x1x128xi32, #tpu.memory_space<vmem>> -> memref<1x1x128xi32, #tpu.memory_space<vmem>>
          %dma_start3A_272 = tpu.memref_squeeze %dma_start3A_271 : memref<1x1x128xi32, #tpu.memory_space<vmem>> -> memref<1x128xi32, #tpu.memory_space<vmem>>
          %dma_start3A_273 = arith.constant 0 : i32
          %dma_start3A_274 = tpu.memref_slice %dma_start3A_272[%run_scoped3A_198, %dma_start3A_273] : memref<1x128xi32, #tpu.memory_space<vmem>> -> memref<1x128xi32, #tpu.memory_space<vmem>>
          %dma_start3A_275 = tpu.memref_squeeze %dma_start3A_274 : memref<1x128xi32, #tpu.memory_space<vmem>> -> memref<128xi32, #tpu.memory_space<vmem>>
          %dma_start3A_276 = arith.constant 0 : i32
          %dma_start3A_277 = arith.constant 0 : i32
          %dma_start3A_278 = tpu.memref_slice %arg2[%dma_start3A_276, %dma_start3A_277] : memref<4760x128xf32, #tpu.memory_space<hbm>> -> memref<4760x128xf32, #tpu.memory_space<hbm>>
          tpu.enqueue_indirect_dma source(%dma_start3A_278 : memref<4760x128xf32, #tpu.memory_space<hbm>>) target(%dma_start3A_268 : memref<128x128xf32, #tpu.memory_space<vmem>>) offsets(%dma_start3A_275 : memref<128xi32, #tpu.memory_space<vmem>>) semaphore(%run_scoped3A_264 : memref<!tpu.dma_semaphore, #tpu.memory_space<semaphore_mem>>)
          %dma_wait3A_279 = arith.constant 0 : i32
          %dma_wait3A_280 = arith.constant 0 : i32
          %dma_wait3A_281 = tpu.memref_slice %run_scoped3A_8[%rem3A_197, %dma_wait3A_279, %dma_wait3A_280] : memref<2x128x128xf32, #tpu.memory_space<vmem>> -> memref<1x128x128xf32, #tpu.memory_space<vmem>>
          %dma_wait3A_282 = tpu.memref_squeeze %dma_wait3A_281 : memref<1x128x128xf32, #tpu.memory_space<vmem>> -> memref<128x128xf32, #tpu.memory_space<vmem>>
          %dma_wait3A_283 = arith.constant 0 : i32
          %dma_wait3A_284 = arith.constant 0 : i32
          %dma_wait3A_285 = tpu.memref_slice %run_scoped3A[%rem3A_195, %dma_wait3A_283, %dma_wait3A_284] : memref<2x1x128xi32, #tpu.memory_space<vmem>> -> memref<1x1x128xi32, #tpu.memory_space<vmem>>
          %dma_wait3A_286 = tpu.memref_squeeze %dma_wait3A_285 : memref<1x1x128xi32, #tpu.memory_space<vmem>> -> memref<1x128xi32, #tpu.memory_space<vmem>>
          %dma_wait3A_287 = arith.constant 0 : i32
          %dma_wait3A_288 = tpu.memref_slice %dma_wait3A_286[%run_scoped3A_198, %dma_wait3A_287] : memref<1x128xi32, #tpu.memory_space<vmem>> -> memref<1x128xi32, #tpu.memory_space<vmem>>
          %dma_wait3A_289 = tpu.memref_squeeze %dma_wait3A_288 : memref<1x128xi32, #tpu.memory_space<vmem>> -> memref<128xi32, #tpu.memory_space<vmem>>
          %dma_wait3A_290 = arith.constant 0 : i32
          %dma_wait3A_291 = arith.constant 0 : i32
          %dma_wait3A_292 = tpu.memref_slice %arg2[%dma_wait3A_290, %dma_wait3A_291] : memref<4760x128xf32, #tpu.memory_space<hbm>> -> memref<4760x128xf32, #tpu.memory_space<hbm>>
          tpu.wait_indirect_dma semaphore(%run_scoped3A_264 : memref<!tpu.dma_semaphore, #tpu.memory_space<semaphore_mem>>) src(%dma_wait3A_292 : memref<4760x128xf32, #tpu.memory_space<hbm>>) dst(%dma_wait3A_282 : memref<128x128xf32, #tpu.memory_space<vmem>>)
          tpu.yield
        }) : () -> ()
        "tpu.trace_stop"() : () -> ()
        %ne3A_199 = arith.cmpi ne, %add3A_131, %add3A_149 : i32
        %or3A_200 = arith.constant false
        %or3A_201 = arith.ori %or3A_200, %ne3A_199 : i1
        %or3A_202 = arith.ori %or3A_201, %eq3A_130 : i1
        %convert_element_type3A_203 = arith.extui %or3A_202 : i1 to i32
        %cond3A_204 = arith.constant 0 : i32
        %cond3A_205 = arith.cmpi ne, %convert_element_type3A_203, %cond3A_204 : i32
        scf.if %cond3A_205 {
        } else {
        }
        %and3A_206 = arith.constant false
        %and3A_207 = arith.andi %or3A_202, %and3A_206 : i1
        %ne3A_208 = arith.cmpi ne, %add3A_131, %add3A_149 : i32
        %or3A_209 = arith.constant false
        %or3A_210 = arith.ori %or3A_209, %ne3A_208 : i1
        %or3A_211 = arith.constant false
        %or3A_212 = arith.ori %or3A_210, %or3A_211 : i1
        %or3A_213 = arith.ori %or3A_212, %eq3A_130 : i1
        %convert_element_type3A_214 = arith.extui %or3A_213 : i1 to i32
        %cond3A_215 = arith.constant 0 : i32
        %cond3A_216 = arith.cmpi ne, %convert_element_type3A_214, %cond3A_215 : i32
        scf.if %cond3A_216 {
          "tpu.trace_start"() <{level = 10 : i32, message = "ep_copy_out"}> : () -> ()
          %rem3A_264 = arith.constant 2 : i32
          %rem3A_265 = arith.remui %scan3A_124, %rem3A_264 : i32
          %mul3A_266 = arith.constant 128 : i32
          %mul3A_267 = arith.muli %mul3A_266, %add3A_131 : i32
          %dma_start3A_268 = arith.constant 0 : i32
          %dma_start3A_269 = arith.constant 0 : i32
          %dma_start3A_270 = tpu.memref_slice %run_scoped3A_8[%rem3A_265, %dma_start3A_268, %dma_start3A_269] : memref<2x128x128xf32, #tpu.memory_space<vmem>> -> memref<1x128x128xf32, #tpu.memory_space<vmem>>
          %dma_start3A_271 = tpu.memref_squeeze %dma_start3A_270 : memref<1x128x128xf32, #tpu.memory_space<vmem>> -> memref<128x128xf32, #tpu.memory_space<vmem>>
          %dma_start3A_272 = arith.constant 0 : i32
          %dma_start3A_273 = tpu.memref_slice %arg4[%mul3A_267, %dma_start3A_272] : memref<77824x128xf32, #tpu.memory_space<hbm>> -> memref<128x128xf32, #tpu.memory_space<hbm>>
          %dma_start3A_274 = tpu.memref_slice %run_scoped3A_9[%rem3A_265] : memref<2x!tpu.dma_semaphore, #tpu.memory_space<semaphore_mem>> -> memref<1x!tpu.dma_semaphore, #tpu.memory_space<semaphore_mem>>
          %dma_start3A_275 = tpu.memref_squeeze %dma_start3A_274 : memref<1x!tpu.dma_semaphore, #tpu.memory_space<semaphore_mem>> -> memref<!tpu.dma_semaphore, #tpu.memory_space<semaphore_mem>>
          %dma_start3A_276 = arith.constant 0 : i32
          %dma_start3A_277 = tpu.memref_slice %arg4[%mul3A_267, %dma_start3A_276] : memref<77824x128xf32, #tpu.memory_space<hbm>> -> memref<128x128xf32, #tpu.memory_space<hbm>>
          %dma_start3A_278 = arith.constant 0 : i32
          %dma_start3A_279 = arith.constant 0 : i32
          %dma_start3A_280 = tpu.memref_slice %run_scoped3A_8[%rem3A_265, %dma_start3A_278, %dma_start3A_279] : memref<2x128x128xf32, #tpu.memory_space<vmem>> -> memref<1x128x128xf32, #tpu.memory_space<vmem>>
          %dma_start3A_281 = tpu.memref_squeeze %dma_start3A_280 : memref<1x128x128xf32, #tpu.memory_space<vmem>> -> memref<128x128xf32, #tpu.memory_space<vmem>>
          tpu.enqueue_dma source(%dma_start3A_281 : memref<128x128xf32, #tpu.memory_space<vmem>>) target(%dma_start3A_277 : memref<128x128xf32, #tpu.memory_space<hbm>>) target_semaphore(%dma_start3A_275 : memref<!tpu.dma_semaphore, #tpu.memory_space<semaphore_mem>>)
          "tpu.trace_stop"() : () -> ()
        } else {
        }
        %and3A_217 = arith.constant true
        %and3A_218 = arith.andi %or3A_213, %and3A_217 : i1
        %add3A_219 = arith.constant 1 : i32
        %add3A_220 = arith.addi %scan3A_124, %add3A_219 : i32
        %select_n3A_221 = arith.select %and3A_218, %add3A_220, %scan3A_124 : i32
        %ne3A_222 = arith.cmpi ne, %add3A_131, %add3A_140 : i32
        %or3A_223 = arith.constant false
        %or3A_224 = arith.ori %or3A_223, %ne3A_222 : i1
        %not3A_225 = arith.constant true
        %not3A_226 = arith.xori %eq3A_128, %not3A_225 : i1
        %and3A_227 = arith.andi %or3A_224, %not3A_226 : i1
        %convert_element_type3A_228 = arith.extui %and3A_227 : i1 to i32
        %cond3A_229 = arith.constant 0 : i32
        %cond3A_230 = arith.cmpi ne, %convert_element_type3A_228, %cond3A_229 : i32
        scf.if %cond3A_230 {
        } else {
        }
        %and3A_231 = arith.constant false
        %and3A_232 = arith.andi %and3A_227, %and3A_231 : i1
        %ne3A_233 = arith.cmpi ne, %add3A_131, %add3A_140 : i32
        %or3A_234 = arith.constant false
        %or3A_235 = arith.ori %or3A_234, %ne3A_233 : i1
        %or3A_236 = arith.constant false
        %or3A_237 = arith.ori %or3A_235, %or3A_236 : i1
        %not3A_238 = arith.constant true
        %not3A_239 = arith.xori %eq3A_128, %not3A_238 : i1
        %and3A_240 = arith.andi %or3A_237, %not3A_239 : i1
        %convert_element_type3A_241 = arith.extui %and3A_240 : i1 to i32
        %cond3A_242 = arith.constant 0 : i32
        %cond3A_243 = arith.cmpi ne, %convert_element_type3A_241, %cond3A_242 : i32
        scf.if %cond3A_243 {
          "tpu.trace_start"() <{level = 10 : i32, message = "ep_wait_out"}> : () -> ()
          %rem3A_264 = arith.constant 2 : i32
          %rem3A_265 = arith.remui %scan3A_125, %rem3A_264 : i32
          %mul3A_266 = arith.constant 128 : i32
          %mul3A_267 = arith.muli %mul3A_266, %add3A_140 : i32
          %dma_wait3A_268 = arith.constant 0 : i32
          %dma_wait3A_269 = arith.constant 0 : i32
          %dma_wait3A_270 = tpu.memref_slice %run_scoped3A_8[%rem3A_265, %dma_wait3A_268, %dma_wait3A_269] : memref<2x128x128xf32, #tpu.memory_space<vmem>> -> memref<1x128x128xf32, #tpu.memory_space<vmem>>
          %dma_wait3A_271 = tpu.memref_squeeze %dma_wait3A_270 : memref<1x128x128xf32, #tpu.memory_space<vmem>> -> memref<128x128xf32, #tpu.memory_space<vmem>>
          %dma_wait3A_272 = arith.constant 0 : i32
          %dma_wait3A_273 = tpu.memref_slice %arg4[%mul3A_267, %dma_wait3A_272] : memref<77824x128xf32, #tpu.memory_space<hbm>> -> memref<128x128xf32, #tpu.memory_space<hbm>>
          %dma_wait3A_274 = tpu.memref_slice %run_scoped3A_9[%rem3A_265] : memref<2x!tpu.dma_semaphore, #tpu.memory_space<semaphore_mem>> -> memref<1x!tpu.dma_semaphore, #tpu.memory_space<semaphore_mem>>
          %dma_wait3A_275 = tpu.memref_squeeze %dma_wait3A_274 : memref<1x!tpu.dma_semaphore, #tpu.memory_space<semaphore_mem>> -> memref<!tpu.dma_semaphore, #tpu.memory_space<semaphore_mem>>
          %dma_wait3A_276 = arith.constant 0 : i32
          %dma_wait3A_277 = tpu.memref_slice %arg4[%mul3A_267, %dma_wait3A_276] : memref<77824x128xf32, #tpu.memory_space<hbm>> -> memref<128x128xf32, #tpu.memory_space<hbm>>
          %dma_wait3A_278 = arith.constant 0 : i32
          %dma_wait3A_279 = arith.constant 0 : i32
          %dma_wait3A_280 = tpu.memref_slice %run_scoped3A_8[%rem3A_265, %dma_wait3A_278, %dma_wait3A_279] : memref<2x128x128xf32, #tpu.memory_space<vmem>> -> memref<1x128x128xf32, #tpu.memory_space<vmem>>
          %dma_wait3A_281 = tpu.memref_squeeze %dma_wait3A_280 : memref<1x128x128xf32, #tpu.memory_space<vmem>> -> memref<128x128xf32, #tpu.memory_space<vmem>>
          tpu.wait_dma2 semaphore(%dma_wait3A_275 : memref<!tpu.dma_semaphore, #tpu.memory_space<semaphore_mem>>) src(%dma_wait3A_281 : memref<128x128xf32, #tpu.memory_space<vmem>>) dst(%dma_wait3A_277 : memref<128x128xf32, #tpu.memory_space<hbm>>)
          "tpu.trace_stop"() : () -> ()
        } else {
        }
        %and3A_244 = arith.constant true
        %and3A_245 = arith.andi %and3A_240, %and3A_244 : i1
        %add3A_246 = arith.constant 1 : i32
        %add3A_247 = arith.addi %scan3A_125, %add3A_246 : i32
        %select_n3A_248 = arith.select %and3A_245, %add3A_247, %scan3A_125 : i32
        %ne3A_249 = arith.cmpi ne, %add3A_131, %add3A_149 : i32
        %or3A_250 = arith.constant false
        %or3A_251 = arith.ori %or3A_250, %ne3A_249 : i1
        %or3A_252 = arith.ori %or3A_251, %eq3A_130 : i1
        %add3A_253 = arith.constant 1 : i32
        %add3A_254 = arith.addi %scan3A_123, %add3A_253 : i32
        %select_n3A_255 = arith.select %or3A_252, %add3A_254, %scan3A_123 : i32
        %add3A_256 = arith.constant 1 : i32
        %add3A_257 = arith.addi %scan3A_126, %add3A_256 : i32
        %select_n3A_258 = arith.constant true
        %select_n3A_259 = arith.select %select_n3A_258, %add3A_257, %scan3A_126 : i32
        %eq3A_260 = arith.constant 19 : i32
        %eq3A_261 = arith.cmpi eq, %select_n3A_259, %eq3A_260 : i32
        %select_n3A_262 = arith.constant 0 : i32
        %select_n3A_263 = arith.select %eq3A_261, %select_n3A_262, %select_n3A_259 : i32
        scf.yield %select_n3A_167, %select_n3A_255, %select_n3A_221, %select_n3A_248, %select_n3A_263 : i32, i32, i32, i32, i32
      }
      %scan3A_68 = arith.constant 19 : i32
      %sub3A = arith.constant 1 : i32
      %sub3A_69 = arith.subi %scan3A_67#4, %sub3A : i32
      %select_n3A_70 = arith.constant true
      %select_n3A_71 = arith.select %select_n3A_70, %sub3A_69, %scan3A_67#4 : i32
      %eq3A_72 = arith.constant -1 : i32
      %eq3A_73 = arith.cmpi eq, %select_n3A_71, %eq3A_72 : i32
      %select_n3A_74 = arith.constant 18 : i32
      %select_n3A_75 = arith.select %eq3A_73, %select_n3A_74, %select_n3A_71 : i32
      %add3A_76 = arith.addi %select_n3A_75, %mul3A_6 : i32
      %sub3A_77 = arith.constant 1 : i32
      %sub3A_78 = arith.subi %select_n3A_75, %sub3A_77 : i32
      %select_n3A_79 = arith.constant true
      %select_n3A_80 = arith.select %select_n3A_79, %sub3A_78, %select_n3A_75 : i32
      %eq3A_81 = arith.constant -1 : i32
      %eq3A_82 = arith.cmpi eq, %select_n3A_80, %eq3A_81 : i32
      %select_n3A_83 = arith.constant 18 : i32
      %select_n3A_84 = arith.select %eq3A_82, %select_n3A_83, %select_n3A_80 : i32
      %add3A_85 = arith.addi %select_n3A_84, %mul3A_6 : i32
      %add3A_86 = arith.constant 1 : i32
      %add3A_87 = arith.addi %select_n3A_75, %add3A_86 : i32
      %select_n3A_88 = arith.constant true
      %select_n3A_89 = arith.select %select_n3A_88, %add3A_87, %select_n3A_75 : i32
      %eq3A_90 = arith.constant 19 : i32
      %eq3A_91 = arith.cmpi eq, %select_n3A_89, %eq3A_90 : i32
      %select_n3A_92 = arith.constant 0 : i32
      %select_n3A_93 = arith.select %eq3A_91, %select_n3A_92, %select_n3A_89 : i32
      %add3A_94 = arith.addi %select_n3A_93, %mul3A_6 : i32
      %add3A_95 = arith.constant 1 : i32
      %add3A_96 = arith.addi %select_n3A_93, %add3A_95 : i32
      %select_n3A_97 = arith.constant true
      %select_n3A_98 = arith.select %select_n3A_97, %add3A_96, %select_n3A_93 : i32
      %eq3A_99 = arith.constant 19 : i32
      %eq3A_100 = arith.cmpi eq, %select_n3A_98, %eq3A_99 : i32
      %select_n3A_101 = arith.constant 0 : i32
      %select_n3A_102 = arith.select %eq3A_100, %select_n3A_101, %select_n3A_98 : i32
      %add3A_103 = arith.addi %select_n3A_102, %mul3A_6 : i32
      "tpu.trace_start"() <{level = 10 : i32, message = "ep_finalize"}> : () -> ()
      %rem3A_104 = arith.constant 2 : i32
      %rem3A_105 = arith.remui %scan3A_67#3, %rem3A_104 : i32
      %mul3A_106 = arith.constant 128 : i32
      %mul3A_107 = arith.muli %mul3A_106, %add3A_76 : i32
      %dma_wait3A = arith.constant 0 : i32
      %dma_wait3A_108 = arith.constant 0 : i32
      %dma_wait3A_109 = tpu.memref_slice %run_scoped3A_8[%rem3A_105, %dma_wait3A, %dma_wait3A_108] : memref<2x128x128xf32, #tpu.memory_space<vmem>> -> memref<1x128x128xf32, #tpu.memory_space<vmem>>
      %dma_wait3A_110 = tpu.memref_squeeze %dma_wait3A_109 : memref<1x128x128xf32, #tpu.memory_space<vmem>> -> memref<128x128xf32, #tpu.memory_space<vmem>>
      %dma_wait3A_111 = arith.constant 0 : i32
      %dma_wait3A_112 = tpu.memref_slice %arg4[%mul3A_107, %dma_wait3A_111] : memref<77824x128xf32, #tpu.memory_space<hbm>> -> memref<128x128xf32, #tpu.memory_space<hbm>>
      %dma_wait3A_113 = tpu.memref_slice %run_scoped3A_9[%rem3A_105] : memref<2x!tpu.dma_semaphore, #tpu.memory_space<semaphore_mem>> -> memref<1x!tpu.dma_semaphore, #tpu.memory_space<semaphore_mem>>
      %dma_wait3A_114 = tpu.memref_squeeze %dma_wait3A_113 : memref<1x!tpu.dma_semaphore, #tpu.memory_space<semaphore_mem>> -> memref<!tpu.dma_semaphore, #tpu.memory_space<semaphore_mem>>
      %dma_wait3A_115 = arith.constant 0 : i32
      %dma_wait3A_116 = tpu.memref_slice %arg4[%mul3A_107, %dma_wait3A_115] : memref<77824x128xf32, #tpu.memory_space<hbm>> -> memref<128x128xf32, #tpu.memory_space<hbm>>
      %dma_wait3A_117 = arith.constant 0 : i32
      %dma_wait3A_118 = arith.constant 0 : i32
      %dma_wait3A_119 = tpu.memref_slice %run_scoped3A_8[%rem3A_105, %dma_wait3A_117, %dma_wait3A_118] : memref<2x128x128xf32, #tpu.memory_space<vmem>> -> memref<1x128x128xf32, #tpu.memory_space<vmem>>
      %dma_wait3A_120 = tpu.memref_squeeze %dma_wait3A_119 : memref<1x128x128xf32, #tpu.memory_space<vmem>> -> memref<128x128xf32, #tpu.memory_space<vmem>>
      tpu.wait_dma2 semaphore(%dma_wait3A_114 : memref<!tpu.dma_semaphore, #tpu.memory_space<semaphore_mem>>) src(%dma_wait3A_120 : memref<128x128xf32, #tpu.memory_space<vmem>>) dst(%dma_wait3A_116 : memref<128x128xf32, #tpu.memory_space<hbm>>)
      "tpu.trace_stop"() : () -> ()
      tpu.yield
    }) : () -> ()
    return
  }
}

module attributes {stable_mosaic.version = 14 : i64} {
  func.func @_pre_body(%arg0: memref<4760x96xf32, #tpu.memory_space<vmem>>, %arg1: memref<4760x1xi32, #tpu.memory_space<vmem>>, %arg2: memref<6x32xf32, #tpu.memory_space<vmem>>, %arg3: memref<48x32xf32, #tpu.memory_space<vmem>>, %arg4: memref<48x1024xf32, #tpu.memory_space<vmem>>, %arg5: memref<4760x16xf32, #tpu.memory_space<vmem>>, %arg6: memref<4760x8xf32, #tpu.memory_space<vmem>>, %arg7: memref<96x64xf32, #tpu.memory_space<vmem>>, %arg8: memref<32x64xf32, #tpu.memory_space<vmem>>, %arg9: memref<1x64xf32, #tpu.memory_space<vmem>>, %arg10: memref<2x64xf32, #tpu.memory_space<vmem>>, %arg11: memref<96x64xf32, #tpu.memory_space<vmem>>, %arg12: memref<32x64xf32, #tpu.memory_space<vmem>>, %arg13: memref<1x64xf32, #tpu.memory_space<vmem>>, %arg14: memref<96x128xf32, #tpu.memory_space<vmem>>, %arg15: memref<32x128xf32, #tpu.memory_space<vmem>>, %arg16: memref<1x128xf32, #tpu.memory_space<vmem>>, %arg17: memref<1024x128xf32, #tpu.memory_space<vmem>>, %arg18: memref<1x128xf32, #tpu.memory_space<vmem>>, %arg19: memref<32x128xf32, #tpu.memory_space<vmem>>, %arg20: memref<1x128xf32, #tpu.memory_space<vmem>>, %arg21: memref<128x128xf32, #tpu.memory_space<vmem>>, %arg22: memref<1x128xf32, #tpu.memory_space<vmem>>, %arg23: memref<128x128xf32, #tpu.memory_space<vmem>>, %arg24: memref<1x128xf32, #tpu.memory_space<vmem>>, %arg25: memref<4760x128xf32, #tpu.memory_space<vmem>>, %arg26: memref<4864x64xf32, #tpu.memory_space<vmem>>, %arg27: memref<4864x2xf32, #tpu.memory_space<vmem>>, %arg28: memref<4864x128xf32, #tpu.memory_space<vmem>>, %arg29: memref<4864x8xf32, #tpu.memory_space<vmem>>, %arg30: memref<48x128xf32, #tpu.memory_space<vmem>>, %arg31: memref<48x128xf32, #tpu.memory_space<vmem>>) attributes {dimension_semantics = [], scalar_prefetch = 0 : i64, scratch_operands = 0 : i64, tpu.core_type = #tpu.core_type<tc>} {
    %get3A = arith.constant 0 : index
    %get3A_0 = arith.constant 0 : index
    %get3A_1 = vector.load %arg0[%get3A, %get3A_0] : memref<4760x96xf32, #tpu.memory_space<vmem>>, vector<4760x96xf32>
    %get3A_2 = arith.constant 0 : index
    %get3A_3 = arith.constant 0 : index
    %get3A_4 = vector.load %arg1[%get3A_2, %get3A_3] : memref<4760x1xi32, #tpu.memory_space<vmem>>, vector<4760x1xi32>
    %iota3A = tpu.iota {dimensions = array<i32: 1>} : vector<1x6xi32>
    %eq3A = vector.broadcast %get3A_4 : vector<4760x1xi32> to vector<4760x6xi32>
    %eq3A_5 = vector.broadcast %iota3A : vector<1x6xi32> to vector<4760x6xi32>
    %eq3A_6 = arith.cmpi eq, %eq3A, %eq3A_5 : vector<4760x6xi32>
    %convert_element_type3A = arith.extui %eq3A_6 : vector<4760x6xi1> to vector<4760x6xi32>
    %convert_element_type3A_7 = arith.sitofp %convert_element_type3A : vector<4760x6xi32> to vector<4760x6xf32>
    %get3A_8 = arith.constant 0 : index
    %get3A_9 = arith.constant 0 : index
    %get3A_10 = vector.load %arg2[%get3A_8, %get3A_9] : memref<6x32xf32, #tpu.memory_space<vmem>>, vector<6x32xf32>
    %dot_general3A = arith.constant dense<0.000000e+00> : vector<4760x32xf32>
    %dot_general3A_11 = tpu.matmul %convert_element_type3A_7, %get3A_10, %dot_general3A {dimension_numbers = #tpu.dot_dimension_numbers<[1], [0], [0], [1], [0, 0, 1, 1], [], []>, transpose_lhs_hint = false} : vector<4760x6xf32>, vector<6x32xf32>, vector<4760x32xf32> -> vector<4760x32xf32>
    %get3A_12 = arith.constant 0 : index
    %get3A_13 = arith.constant 0 : index
    %get3A_14 = vector.load %arg7[%get3A_12, %get3A_13] : memref<96x64xf32, #tpu.memory_space<vmem>>, vector<96x64xf32>
    %dot_general3A_15 = arith.constant dense<0.000000e+00> : vector<4760x64xf32>
    %dot_general3A_16 = tpu.matmul %get3A_1, %get3A_14, %dot_general3A_15 {dimension_numbers = #tpu.dot_dimension_numbers<[1], [0], [0], [1], [0, 0, 1, 1], [], []>, transpose_lhs_hint = false} : vector<4760x96xf32>, vector<96x64xf32>, vector<4760x64xf32> -> vector<4760x64xf32>
    %get3A_17 = arith.constant 0 : index
    %get3A_18 = arith.constant 0 : index
    %get3A_19 = vector.load %arg8[%get3A_17, %get3A_18] : memref<32x64xf32, #tpu.memory_space<vmem>>, vector<32x64xf32>
    %dot_general3A_20 = arith.constant dense<0.000000e+00> : vector<4760x64xf32>
    %dot_general3A_21 = tpu.matmul %dot_general3A_11, %get3A_19, %dot_general3A_20 {dimension_numbers = #tpu.dot_dimension_numbers<[1], [0], [0], [1], [0, 0, 1, 1], [], []>, transpose_lhs_hint = false} : vector<4760x32xf32>, vector<32x64xf32>, vector<4760x64xf32> -> vector<4760x64xf32>
    %add3A = arith.addf %dot_general3A_16, %dot_general3A_21 : vector<4760x64xf32>
    %get3A_22 = arith.constant 0 : index
    %get3A_23 = arith.constant 0 : index
    %get3A_24 = vector.load %arg9[%get3A_22, %get3A_23] : memref<1x64xf32, #tpu.memory_space<vmem>>, vector<1x64xf32>
    %add3A_25 = vector.broadcast %get3A_24 : vector<1x64xf32> to vector<4760x64xf32>
    %add3A_26 = arith.addf %add3A, %add3A_25 : vector<4760x64xf32>
    %swap3A = arith.constant 0 : index
    %swap3A_27 = arith.constant 0 : index
    %swap3A_28 = vector.load %arg25[%swap3A, %swap3A_27] : memref<4760x128xf32, #tpu.memory_space<vmem>>, vector<4760x64xf32>
    tpu.vector_store %arg25[%swap3A, %swap3A_27], %add3A_26 {strides = array<i32>} : memref<4760x128xf32, #tpu.memory_space<vmem>>, vector<4760x64xf32>,
    %get3A_29 = arith.constant 0 : index
    %get3A_30 = arith.constant 0 : index
    %get3A_31 = vector.load %arg5[%get3A_29, %get3A_30] : memref<4760x16xf32, #tpu.memory_space<vmem>>, vector<4760x16xf32>
    %swap3A_32 = arith.constant 0 : index
    %swap3A_33 = arith.constant 64 : index
    %swap3A_34 = vector.load %arg25[%swap3A_32, %swap3A_33] : memref<4760x128xf32, #tpu.memory_space<vmem>>, vector<4760x16xf32>
    tpu.vector_store %arg25[%swap3A_32, %swap3A_33], %get3A_31 {strides = array<i32>} : memref<4760x128xf32, #tpu.memory_space<vmem>>, vector<4760x16xf32>,
    %get3A_35 = arith.constant 0 : index
    %get3A_36 = arith.constant 0 : index
    %get3A_37 = vector.load %arg6[%get3A_35, %get3A_36] : memref<4760x8xf32, #tpu.memory_space<vmem>>, vector<4760x8xf32>
    %swap3A_38 = arith.constant 0 : index
    %swap3A_39 = arith.constant 80 : index
    %swap3A_40 = vector.load %arg25[%swap3A_38, %swap3A_39] : memref<4760x128xf32, #tpu.memory_space<vmem>>, vector<4760x8xf32>
    tpu.vector_store %arg25[%swap3A_38, %swap3A_39], %get3A_37 {strides = array<i32>} : memref<4760x128xf32, #tpu.memory_space<vmem>>, vector<4760x8xf32>,
    %broadcast_in_dim3A = arith.constant 0.000000e+00 : f32
    %broadcast_in_dim3A_41 = vector.broadcast %broadcast_in_dim3A : f32 to vector<4760x40xf32>
    %swap3A_42 = arith.constant 0 : index
    %swap3A_43 = arith.constant 88 : index
    %swap3A_44 = vector.load %arg25[%swap3A_42, %swap3A_43] : memref<4760x128xf32, #tpu.memory_space<vmem>>, vector<4760x40xf32>
    tpu.vector_store %arg25[%swap3A_42, %swap3A_43], %broadcast_in_dim3A_41 {strides = array<i32>} : memref<4760x128xf32, #tpu.memory_space<vmem>>, vector<4760x40xf32>,
    %get3A_45 = arith.constant 0 : index
    %get3A_46 = arith.constant 0 : index
    %get3A_47 = vector.load %arg11[%get3A_45, %get3A_46] : memref<96x64xf32, #tpu.memory_space<vmem>>, vector<96x64xf32>
    %dot_general3A_48 = arith.constant dense<0.000000e+00> : vector<4760x64xf32>
    %dot_general3A_49 = tpu.matmul %get3A_1, %get3A_47, %dot_general3A_48 {dimension_numbers = #tpu.dot_dimension_numbers<[1], [0], [0], [1], [0, 0, 1, 1], [], []>, transpose_lhs_hint = false} : vector<4760x96xf32>, vector<96x64xf32>, vector<4760x64xf32> -> vector<4760x64xf32>
    %get3A_50 = arith.constant 0 : index
    %get3A_51 = arith.constant 0 : index
    %get3A_52 = vector.load %arg12[%get3A_50, %get3A_51] : memref<32x64xf32, #tpu.memory_space<vmem>>, vector<32x64xf32>
    %dot_general3A_53 = arith.constant dense<0.000000e+00> : vector<4760x64xf32>
    %dot_general3A_54 = tpu.matmul %dot_general3A_11, %get3A_52, %dot_general3A_53 {dimension_numbers = #tpu.dot_dimension_numbers<[1], [0], [0], [1], [0, 0, 1, 1], [], []>, transpose_lhs_hint = false} : vector<4760x32xf32>, vector<32x64xf32>, vector<4760x64xf32> -> vector<4760x64xf32>
    %add3A_55 = arith.addf %dot_general3A_49, %dot_general3A_54 : vector<4760x64xf32>
    %get3A_56 = arith.constant 0 : index
    %get3A_57 = arith.constant 0 : index
    %get3A_58 = vector.load %arg13[%get3A_56, %get3A_57] : memref<1x64xf32, #tpu.memory_space<vmem>>, vector<1x64xf32>
    %add3A_59 = vector.broadcast %get3A_58 : vector<1x64xf32> to vector<4760x64xf32>
    %add3A_60 = arith.addf %add3A_55, %add3A_59 : vector<4760x64xf32>
    %mul3A = arith.constant 1.250000e-01 : f32
    %mul3A_61 = vector.broadcast %mul3A : f32 to vector<4760x64xf32>
    %mul3A_62 = arith.mulf %add3A_60, %mul3A_61 : vector<4760x64xf32>
    %swap3A_63 = arith.constant 0 : index
    %swap3A_64 = arith.constant 0 : index
    %swap3A_65 = vector.load %arg26[%swap3A_63, %swap3A_64] : memref<4864x64xf32, #tpu.memory_space<vmem>>, vector<4760x64xf32>
    tpu.vector_store %arg26[%swap3A_63, %swap3A_64], %mul3A_62 {strides = array<i32>} : memref<4864x64xf32, #tpu.memory_space<vmem>>, vector<4760x64xf32>,
    %broadcast_in_dim3A_66 = arith.constant 0.000000e+00 : f32
    %broadcast_in_dim3A_67 = vector.broadcast %broadcast_in_dim3A_66 : f32 to vector<104x64xf32>
    %swap3A_68 = arith.constant 4760 : index
    %swap3A_69 = arith.constant 0 : index
    %swap3A_70 = vector.load %arg26[%swap3A_68, %swap3A_69] : memref<4864x64xf32, #tpu.memory_space<vmem>>, vector<104x64xf32>
    tpu.vector_store %arg26[%swap3A_68, %swap3A_69], %broadcast_in_dim3A_67 {strides = array<i32>} : memref<4864x64xf32, #tpu.memory_space<vmem>>, vector<104x64xf32>,
    %get3A_71 = arith.constant 0 : index
    %get3A_72 = arith.constant 0 : index
    %get3A_73 = vector.load %arg10[%get3A_71, %get3A_72] : memref<2x64xf32, #tpu.memory_space<vmem>>, vector<2x64xf32>
    %dot_general3A_74 = arith.constant dense<0.000000e+00> : vector<4760x2xf32>
    %dot_general3A_75 = tpu.matmul %mul3A_62, %get3A_73, %dot_general3A_74 {dimension_numbers = #tpu.dot_dimension_numbers<[1], [1], [0], [0], [0, 0, 1, 0], [], []>, transpose_lhs_hint = false} : vector<4760x64xf32>, vector<2x64xf32>, vector<4760x2xf32> -> vector<4760x2xf32>
    %swap3A_76 = arith.constant 0 : index
    %swap3A_77 = arith.constant 0 : index
    %swap3A_78 = vector.load %arg27[%swap3A_76, %swap3A_77] : memref<4864x2xf32, #tpu.memory_space<vmem>>, vector<4760x2xf32>
    tpu.vector_store %arg27[%swap3A_76, %swap3A_77], %dot_general3A_75 {strides = array<i32>} : memref<4864x2xf32, #tpu.memory_space<vmem>>, vector<4760x2xf32>,
    %broadcast_in_dim3A_79 = arith.constant 0.000000e+00 : f32
    %broadcast_in_dim3A_80 = vector.broadcast %broadcast_in_dim3A_79 : f32 to vector<104x2xf32>
    %swap3A_81 = arith.constant 4760 : index
    %swap3A_82 = arith.constant 0 : index
    %swap3A_83 = vector.load %arg27[%swap3A_81, %swap3A_82] : memref<4864x2xf32, #tpu.memory_space<vmem>>, vector<104x2xf32>
    tpu.vector_store %arg27[%swap3A_81, %swap3A_82], %broadcast_in_dim3A_80 {strides = array<i32>} : memref<4864x2xf32, #tpu.memory_space<vmem>>, vector<104x2xf32>,
    %get3A_84 = arith.constant 0 : index
    %get3A_85 = arith.constant 0 : index
    %get3A_86 = vector.load %arg14[%get3A_84, %get3A_85] : memref<96x128xf32, #tpu.memory_space<vmem>>, vector<96x128xf32>
    %dot_general3A_87 = arith.constant dense<0.000000e+00> : vector<4760x128xf32>
    %dot_general3A_88 = tpu.matmul %get3A_1, %get3A_86, %dot_general3A_87 {dimension_numbers = #tpu.dot_dimension_numbers<[1], [0], [0], [1], [0, 0, 1, 1], [], []>, transpose_lhs_hint = false} : vector<4760x96xf32>, vector<96x128xf32>, vector<4760x128xf32> -> vector<4760x128xf32>
    %get3A_89 = arith.constant 0 : index
    %get3A_90 = arith.constant 0 : index
    %get3A_91 = vector.load %arg15[%get3A_89, %get3A_90] : memref<32x128xf32, #tpu.memory_space<vmem>>, vector<32x128xf32>
    %dot_general3A_92 = arith.constant dense<0.000000e+00> : vector<4760x128xf32>
    %dot_general3A_93 = tpu.matmul %dot_general3A_11, %get3A_91, %dot_general3A_92 {dimension_numbers = #tpu.dot_dimension_numbers<[1], [0], [0], [1], [0, 0, 1, 1], [], []>, transpose_lhs_hint = false} : vector<4760x32xf32>, vector<32x128xf32>, vector<4760x128xf32> -> vector<4760x128xf32>
    %add3A_94 = arith.addf %dot_general3A_88, %dot_general3A_93 : vector<4760x128xf32>
    %get3A_95 = arith.constant 0 : index
    %get3A_96 = arith.constant 0 : index
    %get3A_97 = vector.load %arg16[%get3A_95, %get3A_96] : memref<1x128xf32, #tpu.memory_space<vmem>>, vector<1x128xf32>
    %add3A_98 = vector.broadcast %get3A_97 : vector<1x128xf32> to vector<4760x128xf32>
    %add3A_99 = arith.addf %add3A_94, %add3A_98 : vector<4760x128xf32>
    %mul3A_100 = arith.constant 0.176776692 : f32
    %mul3A_101 = vector.broadcast %mul3A_100 : f32 to vector<4760x128xf32>
    %mul3A_102 = arith.mulf %add3A_99, %mul3A_101 : vector<4760x128xf32>
    %swap3A_103 = arith.constant 0 : index
    %swap3A_104 = arith.constant 0 : index
    %swap3A_105 = vector.load %arg28[%swap3A_103, %swap3A_104] : memref<4864x128xf32, #tpu.memory_space<vmem>>, vector<4760x128xf32>
    tpu.vector_store %arg28[%swap3A_103, %swap3A_104], %mul3A_102 {strides = array<i32>} : memref<4864x128xf32, #tpu.memory_space<vmem>>, vector<4760x128xf32>,
    %broadcast_in_dim3A_106 = arith.constant 0.000000e+00 : f32
    %broadcast_in_dim3A_107 = vector.broadcast %broadcast_in_dim3A_106 : f32 to vector<104x128xf32>
    %swap3A_108 = arith.constant 4760 : index
    %swap3A_109 = arith.constant 0 : index
    %swap3A_110 = vector.load %arg28[%swap3A_108, %swap3A_109] : memref<4864x128xf32, #tpu.memory_space<vmem>>, vector<104x128xf32>
    tpu.vector_store %arg28[%swap3A_108, %swap3A_109], %broadcast_in_dim3A_107 {strides = array<i32>} : memref<4864x128xf32, #tpu.memory_space<vmem>>, vector<104x128xf32>,
    %get3A_111 = arith.constant 0 : index
    %get3A_112 = arith.constant 0 : index
    %get3A_113 = vector.load %arg6[%get3A_111, %get3A_112] : memref<4760x8xf32, #tpu.memory_space<vmem>>, vector<4760x8xf32>
    %swap3A_114 = arith.constant 0 : index
    %swap3A_115 = arith.constant 0 : index
    %swap3A_116 = vector.load %arg29[%swap3A_114, %swap3A_115] : memref<4864x8xf32, #tpu.memory_space<vmem>>, vector<4760x8xf32>
    tpu.vector_store %arg29[%swap3A_114, %swap3A_115], %get3A_113 {strides = array<i32>} : memref<4864x8xf32, #tpu.memory_space<vmem>>, vector<4760x8xf32>,
    %broadcast_in_dim3A_117 = arith.constant 0.000000e+00 : f32
    %broadcast_in_dim3A_118 = vector.broadcast %broadcast_in_dim3A_117 : f32 to vector<104x8xf32>
    %swap3A_119 = arith.constant 4760 : index
    %swap3A_120 = arith.constant 0 : index
    %swap3A_121 = vector.load %arg29[%swap3A_119, %swap3A_120] : memref<4864x8xf32, #tpu.memory_space<vmem>>, vector<104x8xf32>
    tpu.vector_store %arg29[%swap3A_119, %swap3A_120], %broadcast_in_dim3A_118 {strides = array<i32>} : memref<4864x8xf32, #tpu.memory_space<vmem>>, vector<104x8xf32>,
    %get3A_122 = arith.constant 0 : index
    %get3A_123 = arith.constant 0 : index
    %get3A_124 = vector.load %arg3[%get3A_122, %get3A_123] : memref<48x32xf32, #tpu.memory_space<vmem>>, vector<48x32xf32>
    %get3A_125 = arith.constant 0 : index
    %get3A_126 = arith.constant 0 : index
    %get3A_127 = vector.load %arg19[%get3A_125, %get3A_126] : memref<32x128xf32, #tpu.memory_space<vmem>>, vector<32x128xf32>
    %dot_general3A_128 = arith.constant dense<0.000000e+00> : vector<48x128xf32>
    %dot_general3A_129 = tpu.matmul %get3A_124, %get3A_127, %dot_general3A_128 {dimension_numbers = #tpu.dot_dimension_numbers<[1], [0], [0], [1], [0, 0, 1, 1], [], []>, transpose_lhs_hint = false} : vector<48x32xf32>, vector<32x128xf32>, vector<48x128xf32> -> vector<48x128xf32>
    %get3A_130 = arith.constant 0 : index
    %get3A_131 = arith.constant 0 : index
    %get3A_132 = vector.load %arg20[%get3A_130, %get3A_131] : memref<1x128xf32, #tpu.memory_space<vmem>>, vector<1x128xf32>
    %add3A_133 = vector.broadcast %get3A_132 : vector<1x128xf32> to vector<48x128xf32>
    %add3A_134 = arith.addf %dot_general3A_129, %add3A_133 : vector<48x128xf32>
    %get3A_135 = arith.constant 0 : index
    %get3A_136 = arith.constant 0 : index
    %get3A_137 = vector.load %arg4[%get3A_135, %get3A_136] : memref<48x1024xf32, #tpu.memory_space<vmem>>, vector<48x1024xf32>
    %get3A_138 = arith.constant 0 : index
    %get3A_139 = arith.constant 0 : index
    %get3A_140 = vector.load %arg17[%get3A_138, %get3A_139] : memref<1024x128xf32, #tpu.memory_space<vmem>>, vector<1024x128xf32>
    %dot_general3A_141 = arith.constant dense<0.000000e+00> : vector<48x128xf32>
    %dot_general3A_142 = tpu.matmul %get3A_137, %get3A_140, %dot_general3A_141 {dimension_numbers = #tpu.dot_dimension_numbers<[1], [0], [0], [1], [0, 0, 1, 1], [], []>, transpose_lhs_hint = false} : vector<48x1024xf32>, vector<1024x128xf32>, vector<48x128xf32> -> vector<48x128xf32>
    %get3A_143 = arith.constant 0 : index
    %get3A_144 = arith.constant 0 : index
    %get3A_145 = vector.load %arg18[%get3A_143, %get3A_144] : memref<1x128xf32, #tpu.memory_space<vmem>>, vector<1x128xf32>
    %add3A_146 = vector.broadcast %get3A_145 : vector<1x128xf32> to vector<48x128xf32>
    %add3A_147 = arith.addf %dot_general3A_142, %add3A_146 : vector<48x128xf32>
    %add3A_148 = arith.addf %add3A_147, %add3A_134 : vector<48x128xf32>
    %get3A_149 = arith.constant 0 : index
    %get3A_150 = arith.constant 0 : index
    %get3A_151 = vector.load %arg21[%get3A_149, %get3A_150] : memref<128x128xf32, #tpu.memory_space<vmem>>, vector<128x128xf32>
    %dot_general3A_152 = arith.constant dense<0.000000e+00> : vector<48x128xf32>
    %dot_general3A_153 = tpu.matmul %add3A_148, %get3A_151, %dot_general3A_152 {dimension_numbers = #tpu.dot_dimension_numbers<[1], [0], [0], [1], [0, 0, 1, 1], [], []>, transpose_lhs_hint = false} : vector<48x128xf32>, vector<128x128xf32>, vector<48x128xf32> -> vector<48x128xf32>
    %get3A_154 = arith.constant 0 : index
    %get3A_155 = arith.constant 0 : index
    %get3A_156 = vector.load %arg22[%get3A_154, %get3A_155] : memref<1x128xf32, #tpu.memory_space<vmem>>, vector<1x128xf32>
    %add3A_157 = vector.broadcast %get3A_156 : vector<1x128xf32> to vector<48x128xf32>
    %add3A_158 = arith.addf %dot_general3A_153, %add3A_157 : vector<48x128xf32>
    %swap3A_159 = arith.constant 0 : index
    %swap3A_160 = arith.constant 0 : index
    %swap3A_161 = vector.load %arg30[%swap3A_159, %swap3A_160] : memref<48x128xf32, #tpu.memory_space<vmem>>, vector<48x128xf32>
    tpu.vector_store %arg30[%swap3A_159, %swap3A_160], %add3A_158 {strides = array<i32>} : memref<48x128xf32, #tpu.memory_space<vmem>>, vector<48x128xf32>,
    %get3A_162 = arith.constant 0 : index
    %get3A_163 = arith.constant 0 : index
    %get3A_164 = vector.load %arg23[%get3A_162, %get3A_163] : memref<128x128xf32, #tpu.memory_space<vmem>>, vector<128x128xf32>
    %dot_general3A_165 = arith.constant dense<0.000000e+00> : vector<48x128xf32>
    %dot_general3A_166 = tpu.matmul %add3A_148, %get3A_164, %dot_general3A_165 {dimension_numbers = #tpu.dot_dimension_numbers<[1], [0], [0], [1], [0, 0, 1, 1], [], []>, transpose_lhs_hint = false} : vector<48x128xf32>, vector<128x128xf32>, vector<48x128xf32> -> vector<48x128xf32>
    %get3A_167 = arith.constant 0 : index
    %get3A_168 = arith.constant 0 : index
    %get3A_169 = vector.load %arg24[%get3A_167, %get3A_168] : memref<1x128xf32, #tpu.memory_space<vmem>>, vector<1x128xf32>
    %add3A_170 = vector.broadcast %get3A_169 : vector<1x128xf32> to vector<48x128xf32>
    %add3A_171 = arith.addf %dot_general3A_166, %add3A_170 : vector<48x128xf32>
    %swap3A_172 = arith.constant 0 : index
    %swap3A_173 = arith.constant 0 : index
    %swap3A_174 = vector.load %arg31[%swap3A_172, %swap3A_173] : memref<48x128xf32, #tpu.memory_space<vmem>>, vector<48x128xf32>
    tpu.vector_store %arg31[%swap3A_172, %swap3A_173], %add3A_171 {strides = array<i32>} : memref<48x128xf32, #tpu.memory_space<vmem>>, vector<48x128xf32>,
    return
  }
}

module attributes {stable_mosaic.version = 14 : i64} {
  func.func @_main_body(%arg0: i32, %arg1: memref<256x2048xf32, #tpu.memory_space<vmem>>, %arg2: memref<256x64xf32, #tpu.memory_space<vmem>>, %arg3: memref<256x2xf32, #tpu.memory_space<vmem>>, %arg4: memref<256x128xf32, #tpu.memory_space<vmem>>, %arg5: memref<256x8xf32, #tpu.memory_space<vmem>>, %arg6: memref<1024x32xf32, #tpu.memory_space<vmem>>, %arg7: memref<256x128xf32, #tpu.memory_space<vmem>>, %arg8: memref<8x64xf32, #tpu.memory_space<vmem>>, %arg9: memref<128x128xf32, #tpu.memory_space<vmem>>, %arg10: memref<1x128xf32, #tpu.memory_space<vmem>>, %arg11: memref<1x64xf32, #tpu.memory_space<vmem>>, %arg12: memref<1x64xf32, #tpu.memory_space<vmem>>, %arg13: memref<1x128xf32, #tpu.memory_space<vmem>>, %arg14: memref<1x128xf32, #tpu.memory_space<vmem>>, %arg15: memref<64x64xf32, #tpu.memory_space<vmem>>, %arg16: memref<128x64xf32, #tpu.memory_space<vmem>>, %arg17: memref<1x64xf32, #tpu.memory_space<vmem>>, %arg18: memref<64x2xf32, #tpu.memory_space<vmem>>, %arg19: memref<1x2xf32, #tpu.memory_space<vmem>>, %arg20: memref<8x256x2xf32, #tpu.memory_space<vmem>>) attributes {dimension_semantics = [#tpu.dimension_semantics<arbitrary>], iteration_bounds = array<i64: 19>, scalar_prefetch = 0 : i64, scratch_operands = 0 : i64, tpu.core_type = #tpu.core_type<tc>, window_params = [{transform_indices = @transform_0, window_bounds = array<i64: 256, 2048>}, {transform_indices = @transform_1, window_bounds = array<i64: 256, 64>}, {transform_indices = @transform_2, window_bounds = array<i64: 256, 2>}, {transform_indices = @transform_3, window_bounds = array<i64: 256, 128>}, {transform_indices = @transform_4, window_bounds = array<i64: 256, 8>}, {pipeline_mode = #tpu.pipeline_mode<synchronous>, transform_indices = @transform_5, window_bounds = array<i64: 1024, 32>}, {pipeline_mode = #tpu.pipeline_mode<synchronous>, transform_indices = @transform_6, window_bounds = array<i64: 256, 128>}, {pipeline_mode = #tpu.pipeline_mode<synchronous>, transform_indices = @transform_7, window_bounds = array<i64: 8, 64>}, {pipeline_mode = #tpu.pipeline_mode<synchronous>, transform_indices = @transform_8, window_bounds = array<i64: 128, 128>}, {pipeline_mode = #tpu.pipeline_mode<synchronous>, transform_indices = @transform_9, window_bounds = array<i64: 1, 128>}, {pipeline_mode = #tpu.pipeline_mode<synchronous>, transform_indices = @transform_10, window_bounds = array<i64: 1, 64>}, {pipeline_mode = #tpu.pipeline_mode<synchronous>, transform_indices = @transform_11, window_bounds = array<i64: 1, 64>}, {pipeline_mode = #tpu.pipeline_mode<synchronous>, transform_indices = @transform_12, window_bounds = array<i64: 1, 128>}, {pipeline_mode = #tpu.pipeline_mode<synchronous>, transform_indices = @transform_13, window_bounds = array<i64: 1, 128>}, {pipeline_mode = #tpu.pipeline_mode<synchronous>, transform_indices = @transform_14, window_bounds = array<i64: 64, 64>}, {pipeline_mode = #tpu.pipeline_mode<synchronous>, transform_indices = @transform_15, window_bounds = array<i64: 128, 64>}, {pipeline_mode = #tpu.pipeline_mode<synchronous>, transform_indices = @transform_16, window_bounds = array<i64: 1, 64>}, {pipeline_mode = #tpu.pipeline_mode<synchronous>, transform_indices = @transform_17, window_bounds = array<i64: 64, 2>}, {pipeline_mode = #tpu.pipeline_mode<synchronous>, transform_indices = @transform_18, window_bounds = array<i64: 1, 2>}, {transform_indices = @transform_19, window_bounds = array<i64: 8, 256, 2>}]} {
    %get3A = arith.constant 0 : index
    %get3A_0 = arith.constant 0 : index
    %get3A_1 = vector.load %arg2[%get3A, %get3A_0] : memref<256x64xf32, #tpu.memory_space<vmem>>, vector<256x64xf32>
    %get3A_2 = arith.constant 0 : index
    %get3A_3 = arith.constant 0 : index
    %get3A_4 = vector.load %arg3[%get3A_2, %get3A_3] : memref<256x2xf32, #tpu.memory_space<vmem>>, vector<256x1xf32>
    %get3A_5 = arith.constant 0 : index
    %get3A_6 = arith.constant 1 : index
    %get3A_7 = vector.load %arg3[%get3A_5, %get3A_6] : memref<256x2xf32, #tpu.memory_space<vmem>>, vector<256x1xf32>
    %get3A_8 = arith.constant 0 : index
    %get3A_9 = arith.constant 0 : index
    %get3A_10 = vector.load %arg4[%get3A_8, %get3A_9] : memref<256x128xf32, #tpu.memory_space<vmem>>, vector<256x128xf32>
    %get3A_11 = arith.constant 0 : index
    %get3A_12 = arith.constant 0 : index
    %get3A_13 = vector.load %arg1[%get3A_11, %get3A_12] : memref<256x2048xf32, #tpu.memory_space<vmem>>, vector<256x2048xf32>
    %slice3A = vector.extract_strided_slice %get3A_13 {offsets = [0, 0], sizes = [256, 128], strides = [1, 1]} : vector<256x2048xf32> to vector<256x128xf32>
    %slice3A_14 = vector.extract_strided_slice %slice3A {offsets = [0, 0], sizes = [256, 64], strides = [1, 1]} : vector<256x128xf32> to vector<256x64xf32>
    %mul3A = arith.mulf %slice3A_14, %get3A_1 : vector<256x64xf32>
    %reduce_sum3A = arith.constant dense<0.000000e+00> : vector<256xf32>
    %reduce_sum3A_15 = vector.multi_reduction <add>, %mul3A, %reduce_sum3A [1] : vector<256x64xf32> to vector<256xf32>
    %broadcast_in_dim3A = vector.shape_cast %reduce_sum3A_15 : vector<256xf32> to vector<256x1xf32>
    %slice3A_16 = vector.extract_strided_slice %slice3A {offsets = [0, 64], sizes = [256, 16], strides = [1, 1]} : vector<256x128xf32> to vector<256x16xf32>
    %slice3A_17 = vector.extract_strided_slice %slice3A {offsets = [0, 80], sizes = [256, 8], strides = [1, 1]} : vector<256x128xf32> to vector<256x8xf32>
    %slice3A_18 = vector.extract_strided_slice %slice3A_16 {offsets = [0, 0], sizes = [256, 8], strides = [1, 1]} : vector<256x16xf32> to vector<256x8xf32>
    %mul3A_19 = vector.broadcast %get3A_4 : vector<256x1xf32> to vector<256x8xf32>
    %mul3A_20 = arith.mulf %slice3A_18, %mul3A_19 : vector<256x8xf32>
    %add3A = vector.broadcast %broadcast_in_dim3A : vector<256x1xf32> to vector<256x8xf32>
    %add3A_21 = arith.addf %add3A, %mul3A_20 : vector<256x8xf32>
    %slice3A_22 = vector.extract_strided_slice %slice3A_16 {offsets = [0, 8], sizes = [256, 8], strides = [1, 1]} : vector<256x16xf32> to vector<256x8xf32>
    %mul3A_23 = vector.broadcast %get3A_7 : vector<256x1xf32> to vector<256x8xf32>
    %mul3A_24 = arith.mulf %slice3A_22, %mul3A_23 : vector<256x8xf32>
    %add3A_25 = arith.addf %add3A_21, %mul3A_24 : vector<256x8xf32>
    %ne3A = arith.constant 0.000000e+00 : f32
    %ne3A_26 = vector.broadcast %ne3A : f32 to vector<256x8xf32>
    %ne3A_27 = arith.cmpf one, %slice3A_17, %ne3A_26 : vector<256x8xf32>
    %jit3A = arith.constant -1.000000e+04 : f32
    %broadcast_in_dim3A_28 = vector.broadcast %jit3A : f32 to vector<256x8xf32>
    %select_n3A = arith.select %ne3A_27, %broadcast_in_dim3A_28, %add3A_25 : vector<256x8xi1>, vector<256x8xf32>
    %slice3A_29 = vector.extract_strided_slice %get3A_13 {offsets = [0, 128], sizes = [256, 128], strides = [1, 1]} : vector<256x2048xf32> to vector<256x128xf32>
    %slice3A_30 = vector.extract_strided_slice %slice3A_29 {offsets = [0, 0], sizes = [256, 64], strides = [1, 1]} : vector<256x128xf32> to vector<256x64xf32>
    %mul3A_31 = arith.mulf %slice3A_30, %get3A_1 : vector<256x64xf32>
    %reduce_sum3A_32 = arith.constant dense<0.000000e+00> : vector<256xf32>
    %reduce_sum3A_33 = vector.multi_reduction <add>, %mul3A_31, %reduce_sum3A_32 [1] : vector<256x64xf32> to vector<256xf32>
    %broadcast_in_dim3A_34 = vector.shape_cast %reduce_sum3A_33 : vector<256xf32> to vector<256x1xf32>
    %slice3A_35 = vector.extract_strided_slice %slice3A_29 {offsets = [0, 64], sizes = [256, 16], strides = [1, 1]} : vector<256x128xf32> to vector<256x16xf32>
    %slice3A_36 = vector.extract_strided_slice %slice3A_29 {offsets = [0, 80], sizes = [256, 8], strides = [1, 1]} : vector<256x128xf32> to vector<256x8xf32>
    %slice3A_37 = vector.extract_strided_slice %slice3A_35 {offsets = [0, 0], sizes = [256, 8], strides = [1, 1]} : vector<256x16xf32> to vector<256x8xf32>
    %mul3A_38 = vector.broadcast %get3A_4 : vector<256x1xf32> to vector<256x8xf32>
    %mul3A_39 = arith.mulf %slice3A_37, %mul3A_38 : vector<256x8xf32>
    %add3A_40 = vector.broadcast %broadcast_in_dim3A_34 : vector<256x1xf32> to vector<256x8xf32>
    %add3A_41 = arith.addf %add3A_40, %mul3A_39 : vector<256x8xf32>
    %slice3A_42 = vector.extract_strided_slice %slice3A_35 {offsets = [0, 8], sizes = [256, 8], strides = [1, 1]} : vector<256x16xf32> to vector<256x8xf32>
    %mul3A_43 = vector.broadcast %get3A_7 : vector<256x1xf32> to vector<256x8xf32>
    %mul3A_44 = arith.mulf %slice3A_42, %mul3A_43 : vector<256x8xf32>
    %add3A_45 = arith.addf %add3A_41, %mul3A_44 : vector<256x8xf32>
    %ne3A_46 = arith.constant 0.000000e+00 : f32
    %ne3A_47 = vector.broadcast %ne3A_46 : f32 to vector<256x8xf32>
    %ne3A_48 = arith.cmpf one, %slice3A_36, %ne3A_47 : vector<256x8xf32>
    %jit3A_49 = arith.constant -1.000000e+04 : f32
    %broadcast_in_dim3A_50 = vector.broadcast %jit3A_49 : f32 to vector<256x8xf32>
    %select_n3A_51 = arith.select %ne3A_48, %broadcast_in_dim3A_50, %add3A_45 : vector<256x8xi1>, vector<256x8xf32>
    %slice3A_52 = vector.extract_strided_slice %get3A_13 {offsets = [0, 256], sizes = [256, 128], strides = [1, 1]} : vector<256x2048xf32> to vector<256x128xf32>
    %slice3A_53 = vector.extract_strided_slice %slice3A_52 {offsets = [0, 0], sizes = [256, 64], strides = [1, 1]} : vector<256x128xf32> to vector<256x64xf32>
    %mul3A_54 = arith.mulf %slice3A_53, %get3A_1 : vector<256x64xf32>
    %reduce_sum3A_55 = arith.constant dense<0.000000e+00> : vector<256xf32>
    %reduce_sum3A_56 = vector.multi_reduction <add>, %mul3A_54, %reduce_sum3A_55 [1] : vector<256x64xf32> to vector<256xf32>
    %broadcast_in_dim3A_57 = vector.shape_cast %reduce_sum3A_56 : vector<256xf32> to vector<256x1xf32>
    %slice3A_58 = vector.extract_strided_slice %slice3A_52 {offsets = [0, 64], sizes = [256, 16], strides = [1, 1]} : vector<256x128xf32> to vector<256x16xf32>
    %slice3A_59 = vector.extract_strided_slice %slice3A_52 {offsets = [0, 80], sizes = [256, 8], strides = [1, 1]} : vector<256x128xf32> to vector<256x8xf32>
    %slice3A_60 = vector.extract_strided_slice %slice3A_58 {offsets = [0, 0], sizes = [256, 8], strides = [1, 1]} : vector<256x16xf32> to vector<256x8xf32>
    %mul3A_61 = vector.broadcast %get3A_4 : vector<256x1xf32> to vector<256x8xf32>
    %mul3A_62 = arith.mulf %slice3A_60, %mul3A_61 : vector<256x8xf32>
    %add3A_63 = vector.broadcast %broadcast_in_dim3A_57 : vector<256x1xf32> to vector<256x8xf32>
    %add3A_64 = arith.addf %add3A_63, %mul3A_62 : vector<256x8xf32>
    %slice3A_65 = vector.extract_strided_slice %slice3A_58 {offsets = [0, 8], sizes = [256, 8], strides = [1, 1]} : vector<256x16xf32> to vector<256x8xf32>
    %mul3A_66 = vector.broadcast %get3A_7 : vector<256x1xf32> to vector<256x8xf32>
    %mul3A_67 = arith.mulf %slice3A_65, %mul3A_66 : vector<256x8xf32>
    %add3A_68 = arith.addf %add3A_64, %mul3A_67 : vector<256x8xf32>
    %ne3A_69 = arith.constant 0.000000e+00 : f32
    %ne3A_70 = vector.broadcast %ne3A_69 : f32 to vector<256x8xf32>
    %ne3A_71 = arith.cmpf one, %slice3A_59, %ne3A_70 : vector<256x8xf32>
    %jit3A_72 = arith.constant -1.000000e+04 : f32
    %broadcast_in_dim3A_73 = vector.broadcast %jit3A_72 : f32 to vector<256x8xf32>
    %select_n3A_74 = arith.select %ne3A_71, %broadcast_in_dim3A_73, %add3A_68 : vector<256x8xi1>, vector<256x8xf32>
    %slice3A_75 = vector.extract_strided_slice %get3A_13 {offsets = [0, 384], sizes = [256, 128], strides = [1, 1]} : vector<256x2048xf32> to vector<256x128xf32>
    %slice3A_76 = vector.extract_strided_slice %slice3A_75 {offsets = [0, 0], sizes = [256, 64], strides = [1, 1]} : vector<256x128xf32> to vector<256x64xf32>
    %mul3A_77 = arith.mulf %slice3A_76, %get3A_1 : vector<256x64xf32>
    %reduce_sum3A_78 = arith.constant dense<0.000000e+00> : vector<256xf32>
    %reduce_sum3A_79 = vector.multi_reduction <add>, %mul3A_77, %reduce_sum3A_78 [1] : vector<256x64xf32> to vector<256xf32>
    %broadcast_in_dim3A_80 = vector.shape_cast %reduce_sum3A_79 : vector<256xf32> to vector<256x1xf32>
    %slice3A_81 = vector.extract_strided_slice %slice3A_75 {offsets = [0, 64], sizes = [256, 16], strides = [1, 1]} : vector<256x128xf32> to vector<256x16xf32>
    %slice3A_82 = vector.extract_strided_slice %slice3A_75 {offsets = [0, 80], sizes = [256, 8], strides = [1, 1]} : vector<256x128xf32> to vector<256x8xf32>
    %slice3A_83 = vector.extract_strided_slice %slice3A_81 {offsets = [0, 0], sizes = [256, 8], strides = [1, 1]} : vector<256x16xf32> to vector<256x8xf32>
    %mul3A_84 = vector.broadcast %get3A_4 : vector<256x1xf32> to vector<256x8xf32>
    %mul3A_85 = arith.mulf %slice3A_83, %mul3A_84 : vector<256x8xf32>
    %add3A_86 = vector.broadcast %broadcast_in_dim3A_80 : vector<256x1xf32> to vector<256x8xf32>
    %add3A_87 = arith.addf %add3A_86, %mul3A_85 : vector<256x8xf32>
    %slice3A_88 = vector.extract_strided_slice %slice3A_81 {offsets = [0, 8], sizes = [256, 8], strides = [1, 1]} : vector<256x16xf32> to vector<256x8xf32>
    %mul3A_89 = vector.broadcast %get3A_7 : vector<256x1xf32> to vector<256x8xf32>
    %mul3A_90 = arith.mulf %slice3A_88, %mul3A_89 : vector<256x8xf32>
    %add3A_91 = arith.addf %add3A_87, %mul3A_90 : vector<256x8xf32>
    %ne3A_92 = arith.constant 0.000000e+00 : f32
    %ne3A_93 = vector.broadcast %ne3A_92 : f32 to vector<256x8xf32>
    %ne3A_94 = arith.cmpf one, %slice3A_82, %ne3A_93 : vector<256x8xf32>
    %jit3A_95 = arith.constant -1.000000e+04 : f32
    %broadcast_in_dim3A_96 = vector.broadcast %jit3A_95 : f32 to vector<256x8xf32>
    %select_n3A_97 = arith.select %ne3A_94, %broadcast_in_dim3A_96, %add3A_91 : vector<256x8xi1>, vector<256x8xf32>
    %slice3A_98 = vector.extract_strided_slice %get3A_13 {offsets = [0, 512], sizes = [256, 128], strides = [1, 1]} : vector<256x2048xf32> to vector<256x128xf32>
    %slice3A_99 = vector.extract_strided_slice %slice3A_98 {offsets = [0, 0], sizes = [256, 64], strides = [1, 1]} : vector<256x128xf32> to vector<256x64xf32>
    %mul3A_100 = arith.mulf %slice3A_99, %get3A_1 : vector<256x64xf32>
    %reduce_sum3A_101 = arith.constant dense<0.000000e+00> : vector<256xf32>
    %reduce_sum3A_102 = vector.multi_reduction <add>, %mul3A_100, %reduce_sum3A_101 [1] : vector<256x64xf32> to vector<256xf32>
    %broadcast_in_dim3A_103 = vector.shape_cast %reduce_sum3A_102 : vector<256xf32> to vector<256x1xf32>
    %slice3A_104 = vector.extract_strided_slice %slice3A_98 {offsets = [0, 64], sizes = [256, 16], strides = [1, 1]} : vector<256x128xf32> to vector<256x16xf32>
    %slice3A_105 = vector.extract_strided_slice %slice3A_98 {offsets = [0, 80], sizes = [256, 8], strides = [1, 1]} : vector<256x128xf32> to vector<256x8xf32>
    %slice3A_106 = vector.extract_strided_slice %slice3A_104 {offsets = [0, 0], sizes = [256, 8], strides = [1, 1]} : vector<256x16xf32> to vector<256x8xf32>
    %mul3A_107 = vector.broadcast %get3A_4 : vector<256x1xf32> to vector<256x8xf32>
    %mul3A_108 = arith.mulf %slice3A_106, %mul3A_107 : vector<256x8xf32>
    %add3A_109 = vector.broadcast %broadcast_in_dim3A_103 : vector<256x1xf32> to vector<256x8xf32>
    %add3A_110 = arith.addf %add3A_109, %mul3A_108 : vector<256x8xf32>
    %slice3A_111 = vector.extract_strided_slice %slice3A_104 {offsets = [0, 8], sizes = [256, 8], strides = [1, 1]} : vector<256x16xf32> to vector<256x8xf32>
    %mul3A_112 = vector.broadcast %get3A_7 : vector<256x1xf32> to vector<256x8xf32>
    %mul3A_113 = arith.mulf %slice3A_111, %mul3A_112 : vector<256x8xf32>
    %add3A_114 = arith.addf %add3A_110, %mul3A_113 : vector<256x8xf32>
    %ne3A_115 = arith.constant 0.000000e+00 : f32
    %ne3A_116 = vector.broadcast %ne3A_115 : f32 to vector<256x8xf32>
    %ne3A_117 = arith.cmpf one, %slice3A_105, %ne3A_116 : vector<256x8xf32>
    %jit3A_118 = arith.constant -1.000000e+04 : f32
    %broadcast_in_dim3A_119 = vector.broadcast %jit3A_118 : f32 to vector<256x8xf32>
    %select_n3A_120 = arith.select %ne3A_117, %broadcast_in_dim3A_119, %add3A_114 : vector<256x8xi1>, vector<256x8xf32>
    %slice3A_121 = vector.extract_strided_slice %get3A_13 {offsets = [0, 640], sizes = [256, 128], strides = [1, 1]} : vector<256x2048xf32> to vector<256x128xf32>
    %slice3A_122 = vector.extract_strided_slice %slice3A_121 {offsets = [0, 0], sizes = [256, 64], strides = [1, 1]} : vector<256x128xf32> to vector<256x64xf32>
    %mul3A_123 = arith.mulf %slice3A_122, %get3A_1 : vector<256x64xf32>
    %reduce_sum3A_124 = arith.constant dense<0.000000e+00> : vector<256xf32>
    %reduce_sum3A_125 = vector.multi_reduction <add>, %mul3A_123, %reduce_sum3A_124 [1] : vector<256x64xf32> to vector<256xf32>
    %broadcast_in_dim3A_126 = vector.shape_cast %reduce_sum3A_125 : vector<256xf32> to vector<256x1xf32>
    %slice3A_127 = vector.extract_strided_slice %slice3A_121 {offsets = [0, 64], sizes = [256, 16], strides = [1, 1]} : vector<256x128xf32> to vector<256x16xf32>
    %slice3A_128 = vector.extract_strided_slice %slice3A_121 {offsets = [0, 80], sizes = [256, 8], strides = [1, 1]} : vector<256x128xf32> to vector<256x8xf32>
    %slice3A_129 = vector.extract_strided_slice %slice3A_127 {offsets = [0, 0], sizes = [256, 8], strides = [1, 1]} : vector<256x16xf32> to vector<256x8xf32>
    %mul3A_130 = vector.broadcast %get3A_4 : vector<256x1xf32> to vector<256x8xf32>
    %mul3A_131 = arith.mulf %slice3A_129, %mul3A_130 : vector<256x8xf32>
    %add3A_132 = vector.broadcast %broadcast_in_dim3A_126 : vector<256x1xf32> to vector<256x8xf32>
    %add3A_133 = arith.addf %add3A_132, %mul3A_131 : vector<256x8xf32>
    %slice3A_134 = vector.extract_strided_slice %slice3A_127 {offsets = [0, 8], sizes = [256, 8], strides = [1, 1]} : vector<256x16xf32> to vector<256x8xf32>
    %mul3A_135 = vector.broadcast %get3A_7 : vector<256x1xf32> to vector<256x8xf32>
    %mul3A_136 = arith.mulf %slice3A_134, %mul3A_135 : vector<256x8xf32>
    %add3A_137 = arith.addf %add3A_133, %mul3A_136 : vector<256x8xf32>
    %ne3A_138 = arith.constant 0.000000e+00 : f32
    %ne3A_139 = vector.broadcast %ne3A_138 : f32 to vector<256x8xf32>
    %ne3A_140 = arith.cmpf one, %slice3A_128, %ne3A_139 : vector<256x8xf32>
    %jit3A_141 = arith.constant -1.000000e+04 : f32
    %broadcast_in_dim3A_142 = vector.broadcast %jit3A_141 : f32 to vector<256x8xf32>
    %select_n3A_143 = arith.select %ne3A_140, %broadcast_in_dim3A_142, %add3A_137 : vector<256x8xi1>, vector<256x8xf32>
    %slice3A_144 = vector.extract_strided_slice %get3A_13 {offsets = [0, 768], sizes = [256, 128], strides = [1, 1]} : vector<256x2048xf32> to vector<256x128xf32>
    %slice3A_145 = vector.extract_strided_slice %slice3A_144 {offsets = [0, 0], sizes = [256, 64], strides = [1, 1]} : vector<256x128xf32> to vector<256x64xf32>
    %mul3A_146 = arith.mulf %slice3A_145, %get3A_1 : vector<256x64xf32>
    %reduce_sum3A_147 = arith.constant dense<0.000000e+00> : vector<256xf32>
    %reduce_sum3A_148 = vector.multi_reduction <add>, %mul3A_146, %reduce_sum3A_147 [1] : vector<256x64xf32> to vector<256xf32>
    %broadcast_in_dim3A_149 = vector.shape_cast %reduce_sum3A_148 : vector<256xf32> to vector<256x1xf32>
    %slice3A_150 = vector.extract_strided_slice %slice3A_144 {offsets = [0, 64], sizes = [256, 16], strides = [1, 1]} : vector<256x128xf32> to vector<256x16xf32>
    %slice3A_151 = vector.extract_strided_slice %slice3A_144 {offsets = [0, 80], sizes = [256, 8], strides = [1, 1]} : vector<256x128xf32> to vector<256x8xf32>
    %slice3A_152 = vector.extract_strided_slice %slice3A_150 {offsets = [0, 0], sizes = [256, 8], strides = [1, 1]} : vector<256x16xf32> to vector<256x8xf32>
    %mul3A_153 = vector.broadcast %get3A_4 : vector<256x1xf32> to vector<256x8xf32>
    %mul3A_154 = arith.mulf %slice3A_152, %mul3A_153 : vector<256x8xf32>
    %add3A_155 = vector.broadcast %broadcast_in_dim3A_149 : vector<256x1xf32> to vector<256x8xf32>
    %add3A_156 = arith.addf %add3A_155, %mul3A_154 : vector<256x8xf32>
    %slice3A_157 = vector.extract_strided_slice %slice3A_150 {offsets = [0, 8], sizes = [256, 8], strides = [1, 1]} : vector<256x16xf32> to vector<256x8xf32>
    %mul3A_158 = vector.broadcast %get3A_7 : vector<256x1xf32> to vector<256x8xf32>
    %mul3A_159 = arith.mulf %slice3A_157, %mul3A_158 : vector<256x8xf32>
    %add3A_160 = arith.addf %add3A_156, %mul3A_159 : vector<256x8xf32>
    %ne3A_161 = arith.constant 0.000000e+00 : f32
    %ne3A_162 = vector.broadcast %ne3A_161 : f32 to vector<256x8xf32>
    %ne3A_163 = arith.cmpf one, %slice3A_151, %ne3A_162 : vector<256x8xf32>
    %jit3A_164 = arith.constant -1.000000e+04 : f32
    %broadcast_in_dim3A_165 = vector.broadcast %jit3A_164 : f32 to vector<256x8xf32>
    %select_n3A_166 = arith.select %ne3A_163, %broadcast_in_dim3A_165, %add3A_160 : vector<256x8xi1>, vector<256x8xf32>
    %slice3A_167 = vector.extract_strided_slice %get3A_13 {offsets = [0, 896], sizes = [256, 128], strides = [1, 1]} : vector<256x2048xf32> to vector<256x128xf32>
    %slice3A_168 = vector.extract_strided_slice %slice3A_167 {offsets = [0, 0], sizes = [256, 64], strides = [1, 1]} : vector<256x128xf32> to vector<256x64xf32>
    %mul3A_169 = arith.mulf %slice3A_168, %get3A_1 : vector<256x64xf32>
    %reduce_sum3A_170 = arith.constant dense<0.000000e+00> : vector<256xf32>
    %reduce_sum3A_171 = vector.multi_reduction <add>, %mul3A_169, %reduce_sum3A_170 [1] : vector<256x64xf32> to vector<256xf32>
    %broadcast_in_dim3A_172 = vector.shape_cast %reduce_sum3A_171 : vector<256xf32> to vector<256x1xf32>
    %slice3A_173 = vector.extract_strided_slice %slice3A_167 {offsets = [0, 64], sizes = [256, 16], strides = [1, 1]} : vector<256x128xf32> to vector<256x16xf32>
    %slice3A_174 = vector.extract_strided_slice %slice3A_167 {offsets = [0, 80], sizes = [256, 8], strides = [1, 1]} : vector<256x128xf32> to vector<256x8xf32>
    %slice3A_175 = vector.extract_strided_slice %slice3A_173 {offsets = [0, 0], sizes = [256, 8], strides = [1, 1]} : vector<256x16xf32> to vector<256x8xf32>
    %mul3A_176 = vector.broadcast %get3A_4 : vector<256x1xf32> to vector<256x8xf32>
    %mul3A_177 = arith.mulf %slice3A_175, %mul3A_176 : vector<256x8xf32>
    %add3A_178 = vector.broadcast %broadcast_in_dim3A_172 : vector<256x1xf32> to vector<256x8xf32>
    %add3A_179 = arith.addf %add3A_178, %mul3A_177 : vector<256x8xf32>
    %slice3A_180 = vector.extract_strided_slice %slice3A_173 {offsets = [0, 8], sizes = [256, 8], strides = [1, 1]} : vector<256x16xf32> to vector<256x8xf32>
    %mul3A_181 = vector.broadcast %get3A_7 : vector<256x1xf32> to vector<256x8xf32>
    %mul3A_182 = arith.mulf %slice3A_180, %mul3A_181 : vector<256x8xf32>
    %add3A_183 = arith.addf %add3A_179, %mul3A_182 : vector<256x8xf32>
    %ne3A_184 = arith.constant 0.000000e+00 : f32
    %ne3A_185 = vector.broadcast %ne3A_184 : f32 to vector<256x8xf32>
    %ne3A_186 = arith.cmpf one, %slice3A_174, %ne3A_185 : vector<256x8xf32>
    %jit3A_187 = arith.constant -1.000000e+04 : f32
    %broadcast_in_dim3A_188 = vector.broadcast %jit3A_187 : f32 to vector<256x8xf32>
    %select_n3A_189 = arith.select %ne3A_186, %broadcast_in_dim3A_188, %add3A_183 : vector<256x8xi1>, vector<256x8xf32>
    %slice3A_190 = vector.extract_strided_slice %get3A_13 {offsets = [0, 1024], sizes = [256, 128], strides = [1, 1]} : vector<256x2048xf32> to vector<256x128xf32>
    %slice3A_191 = vector.extract_strided_slice %slice3A_190 {offsets = [0, 0], sizes = [256, 64], strides = [1, 1]} : vector<256x128xf32> to vector<256x64xf32>
    %mul3A_192 = arith.mulf %slice3A_191, %get3A_1 : vector<256x64xf32>
    %reduce_sum3A_193 = arith.constant dense<0.000000e+00> : vector<256xf32>
    %reduce_sum3A_194 = vector.multi_reduction <add>, %mul3A_192, %reduce_sum3A_193 [1] : vector<256x64xf32> to vector<256xf32>
    %broadcast_in_dim3A_195 = vector.shape_cast %reduce_sum3A_194 : vector<256xf32> to vector<256x1xf32>
    %slice3A_196 = vector.extract_strided_slice %slice3A_190 {offsets = [0, 64], sizes = [256, 16], strides = [1, 1]} : vector<256x128xf32> to vector<256x16xf32>
    %slice3A_197 = vector.extract_strided_slice %slice3A_190 {offsets = [0, 80], sizes = [256, 8], strides = [1, 1]} : vector<256x128xf32> to vector<256x8xf32>
    %slice3A_198 = vector.extract_strided_slice %slice3A_196 {offsets = [0, 0], sizes = [256, 8], strides = [1, 1]} : vector<256x16xf32> to vector<256x8xf32>
    %mul3A_199 = vector.broadcast %get3A_4 : vector<256x1xf32> to vector<256x8xf32>
    %mul3A_200 = arith.mulf %slice3A_198, %mul3A_199 : vector<256x8xf32>
    %add3A_201 = vector.broadcast %broadcast_in_dim3A_195 : vector<256x1xf32> to vector<256x8xf32>
    %add3A_202 = arith.addf %add3A_201, %mul3A_200 : vector<256x8xf32>
    %slice3A_203 = vector.extract_strided_slice %slice3A_196 {offsets = [0, 8], sizes = [256, 8], strides = [1, 1]} : vector<256x16xf32> to vector<256x8xf32>
    %mul3A_204 = vector.broadcast %get3A_7 : vector<256x1xf32> to vector<256x8xf32>
    %mul3A_205 = arith.mulf %slice3A_203, %mul3A_204 : vector<256x8xf32>
    %add3A_206 = arith.addf %add3A_202, %mul3A_205 : vector<256x8xf32>
    %ne3A_207 = arith.constant 0.000000e+00 : f32
    %ne3A_208 = vector.broadcast %ne3A_207 : f32 to vector<256x8xf32>
    %ne3A_209 = arith.cmpf one, %slice3A_197, %ne3A_208 : vector<256x8xf32>
    %jit3A_210 = arith.constant -1.000000e+04 : f32
    %broadcast_in_dim3A_211 = vector.broadcast %jit3A_210 : f32 to vector<256x8xf32>
    %select_n3A_212 = arith.select %ne3A_209, %broadcast_in_dim3A_211, %add3A_206 : vector<256x8xi1>, vector<256x8xf32>
    %slice3A_213 = vector.extract_strided_slice %get3A_13 {offsets = [0, 1152], sizes = [256, 128], strides = [1, 1]} : vector<256x2048xf32> to vector<256x128xf32>
    %slice3A_214 = vector.extract_strided_slice %slice3A_213 {offsets = [0, 0], sizes = [256, 64], strides = [1, 1]} : vector<256x128xf32> to vector<256x64xf32>
    %mul3A_215 = arith.mulf %slice3A_214, %get3A_1 : vector<256x64xf32>
    %reduce_sum3A_216 = arith.constant dense<0.000000e+00> : vector<256xf32>
    %reduce_sum3A_217 = vector.multi_reduction <add>, %mul3A_215, %reduce_sum3A_216 [1] : vector<256x64xf32> to vector<256xf32>
    %broadcast_in_dim3A_218 = vector.shape_cast %reduce_sum3A_217 : vector<256xf32> to vector<256x1xf32>
    %slice3A_219 = vector.extract_strided_slice %slice3A_213 {offsets = [0, 64], sizes = [256, 16], strides = [1, 1]} : vector<256x128xf32> to vector<256x16xf32>
    %slice3A_220 = vector.extract_strided_slice %slice3A_213 {offsets = [0, 80], sizes = [256, 8], strides = [1, 1]} : vector<256x128xf32> to vector<256x8xf32>
    %slice3A_221 = vector.extract_strided_slice %slice3A_219 {offsets = [0, 0], sizes = [256, 8], strides = [1, 1]} : vector<256x16xf32> to vector<256x8xf32>
    %mul3A_222 = vector.broadcast %get3A_4 : vector<256x1xf32> to vector<256x8xf32>
    %mul3A_223 = arith.mulf %slice3A_221, %mul3A_222 : vector<256x8xf32>
    %add3A_224 = vector.broadcast %broadcast_in_dim3A_218 : vector<256x1xf32> to vector<256x8xf32>
    %add3A_225 = arith.addf %add3A_224, %mul3A_223 : vector<256x8xf32>
    %slice3A_226 = vector.extract_strided_slice %slice3A_219 {offsets = [0, 8], sizes = [256, 8], strides = [1, 1]} : vector<256x16xf32> to vector<256x8xf32>
    %mul3A_227 = vector.broadcast %get3A_7 : vector<256x1xf32> to vector<256x8xf32>
    %mul3A_228 = arith.mulf %slice3A_226, %mul3A_227 : vector<256x8xf32>
    %add3A_229 = arith.addf %add3A_225, %mul3A_228 : vector<256x8xf32>
    %ne3A_230 = arith.constant 0.000000e+00 : f32
    %ne3A_231 = vector.broadcast %ne3A_230 : f32 to vector<256x8xf32>
    %ne3A_232 = arith.cmpf one, %slice3A_220, %ne3A_231 : vector<256x8xf32>
    %jit3A_233 = arith.constant -1.000000e+04 : f32
    %broadcast_in_dim3A_234 = vector.broadcast %jit3A_233 : f32 to vector<256x8xf32>
    %select_n3A_235 = arith.select %ne3A_232, %broadcast_in_dim3A_234, %add3A_229 : vector<256x8xi1>, vector<256x8xf32>
    %slice3A_236 = vector.extract_strided_slice %get3A_13 {offsets = [0, 1280], sizes = [256, 128], strides = [1, 1]} : vector<256x2048xf32> to vector<256x128xf32>
    %slice3A_237 = vector.extract_strided_slice %slice3A_236 {offsets = [0, 0], sizes = [256, 64], strides = [1, 1]} : vector<256x128xf32> to vector<256x64xf32>
    %mul3A_238 = arith.mulf %slice3A_237, %get3A_1 : vector<256x64xf32>
    %reduce_sum3A_239 = arith.constant dense<0.000000e+00> : vector<256xf32>
    %reduce_sum3A_240 = vector.multi_reduction <add>, %mul3A_238, %reduce_sum3A_239 [1] : vector<256x64xf32> to vector<256xf32>
    %broadcast_in_dim3A_241 = vector.shape_cast %reduce_sum3A_240 : vector<256xf32> to vector<256x1xf32>
    %slice3A_242 = vector.extract_strided_slice %slice3A_236 {offsets = [0, 64], sizes = [256, 16], strides = [1, 1]} : vector<256x128xf32> to vector<256x16xf32>
    %slice3A_243 = vector.extract_strided_slice %slice3A_236 {offsets = [0, 80], sizes = [256, 8], strides = [1, 1]} : vector<256x128xf32> to vector<256x8xf32>
    %slice3A_244 = vector.extract_strided_slice %slice3A_242 {offsets = [0, 0], sizes = [256, 8], strides = [1, 1]} : vector<256x16xf32> to vector<256x8xf32>
    %mul3A_245 = vector.broadcast %get3A_4 : vector<256x1xf32> to vector<256x8xf32>
    %mul3A_246 = arith.mulf %slice3A_244, %mul3A_245 : vector<256x8xf32>
    %add3A_247 = vector.broadcast %broadcast_in_dim3A_241 : vector<256x1xf32> to vector<256x8xf32>
    %add3A_248 = arith.addf %add3A_247, %mul3A_246 : vector<256x8xf32>
    %slice3A_249 = vector.extract_strided_slice %slice3A_242 {offsets = [0, 8], sizes = [256, 8], strides = [1, 1]} : vector<256x16xf32> to vector<256x8xf32>
    %mul3A_250 = vector.broadcast %get3A_7 : vector<256x1xf32> to vector<256x8xf32>
    %mul3A_251 = arith.mulf %slice3A_249, %mul3A_250 : vector<256x8xf32>
    %add3A_252 = arith.addf %add3A_248, %mul3A_251 : vector<256x8xf32>
    %ne3A_253 = arith.constant 0.000000e+00 : f32
    %ne3A_254 = vector.broadcast %ne3A_253 : f32 to vector<256x8xf32>
    %ne3A_255 = arith.cmpf one, %slice3A_243, %ne3A_254 : vector<256x8xf32>
    %jit3A_256 = arith.constant -1.000000e+04 : f32
    %broadcast_in_dim3A_257 = vector.broadcast %jit3A_256 : f32 to vector<256x8xf32>
    %select_n3A_258 = arith.select %ne3A_255, %broadcast_in_dim3A_257, %add3A_252 : vector<256x8xi1>, vector<256x8xf32>
    %slice3A_259 = vector.extract_strided_slice %get3A_13 {offsets = [0, 1408], sizes = [256, 128], strides = [1, 1]} : vector<256x2048xf32> to vector<256x128xf32>
    %slice3A_260 = vector.extract_strided_slice %slice3A_259 {offsets = [0, 0], sizes = [256, 64], strides = [1, 1]} : vector<256x128xf32> to vector<256x64xf32>
    %mul3A_261 = arith.mulf %slice3A_260, %get3A_1 : vector<256x64xf32>
    %reduce_sum3A_262 = arith.constant dense<0.000000e+00> : vector<256xf32>
    %reduce_sum3A_263 = vector.multi_reduction <add>, %mul3A_261, %reduce_sum3A_262 [1] : vector<256x64xf32> to vector<256xf32>
    %broadcast_in_dim3A_264 = vector.shape_cast %reduce_sum3A_263 : vector<256xf32> to vector<256x1xf32>
    %slice3A_265 = vector.extract_strided_slice %slice3A_259 {offsets = [0, 64], sizes = [256, 16], strides = [1, 1]} : vector<256x128xf32> to vector<256x16xf32>
    %slice3A_266 = vector.extract_strided_slice %slice3A_259 {offsets = [0, 80], sizes = [256, 8], strides = [1, 1]} : vector<256x128xf32> to vector<256x8xf32>
    %slice3A_267 = vector.extract_strided_slice %slice3A_265 {offsets = [0, 0], sizes = [256, 8], strides = [1, 1]} : vector<256x16xf32> to vector<256x8xf32>
    %mul3A_268 = vector.broadcast %get3A_4 : vector<256x1xf32> to vector<256x8xf32>
    %mul3A_269 = arith.mulf %slice3A_267, %mul3A_268 : vector<256x8xf32>
    %add3A_270 = vector.broadcast %broadcast_in_dim3A_264 : vector<256x1xf32> to vector<256x8xf32>
    %add3A_271 = arith.addf %add3A_270, %mul3A_269 : vector<256x8xf32>
    %slice3A_272 = vector.extract_strided_slice %slice3A_265 {offsets = [0, 8], sizes = [256, 8], strides = [1, 1]} : vector<256x16xf32> to vector<256x8xf32>
    %mul3A_273 = vector.broadcast %get3A_7 : vector<256x1xf32> to vector<256x8xf32>
    %mul3A_274 = arith.mulf %slice3A_272, %mul3A_273 : vector<256x8xf32>
    %add3A_275 = arith.addf %add3A_271, %mul3A_274 : vector<256x8xf32>
    %ne3A_276 = arith.constant 0.000000e+00 : f32
    %ne3A_277 = vector.broadcast %ne3A_276 : f32 to vector<256x8xf32>
    %ne3A_278 = arith.cmpf one, %slice3A_266, %ne3A_277 : vector<256x8xf32>
    %jit3A_279 = arith.constant -1.000000e+04 : f32
    %broadcast_in_dim3A_280 = vector.broadcast %jit3A_279 : f32 to vector<256x8xf32>
    %select_n3A_281 = arith.select %ne3A_278, %broadcast_in_dim3A_280, %add3A_275 : vector<256x8xi1>, vector<256x8xf32>
    %slice3A_282 = vector.extract_strided_slice %get3A_13 {offsets = [0, 1536], sizes = [256, 128], strides = [1, 1]} : vector<256x2048xf32> to vector<256x128xf32>
    %slice3A_283 = vector.extract_strided_slice %slice3A_282 {offsets = [0, 0], sizes = [256, 64], strides = [1, 1]} : vector<256x128xf32> to vector<256x64xf32>
    %mul3A_284 = arith.mulf %slice3A_283, %get3A_1 : vector<256x64xf32>
    %reduce_sum3A_285 = arith.constant dense<0.000000e+00> : vector<256xf32>
    %reduce_sum3A_286 = vector.multi_reduction <add>, %mul3A_284, %reduce_sum3A_285 [1] : vector<256x64xf32> to vector<256xf32>
    %broadcast_in_dim3A_287 = vector.shape_cast %reduce_sum3A_286 : vector<256xf32> to vector<256x1xf32>
    %slice3A_288 = vector.extract_strided_slice %slice3A_282 {offsets = [0, 64], sizes = [256, 16], strides = [1, 1]} : vector<256x128xf32> to vector<256x16xf32>
    %slice3A_289 = vector.extract_strided_slice %slice3A_282 {offsets = [0, 80], sizes = [256, 8], strides = [1, 1]} : vector<256x128xf32> to vector<256x8xf32>
    %slice3A_290 = vector.extract_strided_slice %slice3A_288 {offsets = [0, 0], sizes = [256, 8], strides = [1, 1]} : vector<256x16xf32> to vector<256x8xf32>
    %mul3A_291 = vector.broadcast %get3A_4 : vector<256x1xf32> to vector<256x8xf32>
    %mul3A_292 = arith.mulf %slice3A_290, %mul3A_291 : vector<256x8xf32>
    %add3A_293 = vector.broadcast %broadcast_in_dim3A_287 : vector<256x1xf32> to vector<256x8xf32>
    %add3A_294 = arith.addf %add3A_293, %mul3A_292 : vector<256x8xf32>
    %slice3A_295 = vector.extract_strided_slice %slice3A_288 {offsets = [0, 8], sizes = [256, 8], strides = [1, 1]} : vector<256x16xf32> to vector<256x8xf32>
    %mul3A_296 = vector.broadcast %get3A_7 : vector<256x1xf32> to vector<256x8xf32>
    %mul3A_297 = arith.mulf %slice3A_295, %mul3A_296 : vector<256x8xf32>
    %add3A_298 = arith.addf %add3A_294, %mul3A_297 : vector<256x8xf32>
    %ne3A_299 = arith.constant 0.000000e+00 : f32
    %ne3A_300 = vector.broadcast %ne3A_299 : f32 to vector<256x8xf32>
    %ne3A_301 = arith.cmpf one, %slice3A_289, %ne3A_300 : vector<256x8xf32>
    %jit3A_302 = arith.constant -1.000000e+04 : f32
    %broadcast_in_dim3A_303 = vector.broadcast %jit3A_302 : f32 to vector<256x8xf32>
    %select_n3A_304 = arith.select %ne3A_301, %broadcast_in_dim3A_303, %add3A_298 : vector<256x8xi1>, vector<256x8xf32>
    %slice3A_305 = vector.extract_strided_slice %get3A_13 {offsets = [0, 1664], sizes = [256, 128], strides = [1, 1]} : vector<256x2048xf32> to vector<256x128xf32>
    %slice3A_306 = vector.extract_strided_slice %slice3A_305 {offsets = [0, 0], sizes = [256, 64], strides = [1, 1]} : vector<256x128xf32> to vector<256x64xf32>
    %mul3A_307 = arith.mulf %slice3A_306, %get3A_1 : vector<256x64xf32>
    %reduce_sum3A_308 = arith.constant dense<0.000000e+00> : vector<256xf32>
    %reduce_sum3A_309 = vector.multi_reduction <add>, %mul3A_307, %reduce_sum3A_308 [1] : vector<256x64xf32> to vector<256xf32>
    %broadcast_in_dim3A_310 = vector.shape_cast %reduce_sum3A_309 : vector<256xf32> to vector<256x1xf32>
    %slice3A_311 = vector.extract_strided_slice %slice3A_305 {offsets = [0, 64], sizes = [256, 16], strides = [1, 1]} : vector<256x128xf32> to vector<256x16xf32>
    %slice3A_312 = vector.extract_strided_slice %slice3A_305 {offsets = [0, 80], sizes = [256, 8], strides = [1, 1]} : vector<256x128xf32> to vector<256x8xf32>
    %slice3A_313 = vector.extract_strided_slice %slice3A_311 {offsets = [0, 0], sizes = [256, 8], strides = [1, 1]} : vector<256x16xf32> to vector<256x8xf32>
    %mul3A_314 = vector.broadcast %get3A_4 : vector<256x1xf32> to vector<256x8xf32>
    %mul3A_315 = arith.mulf %slice3A_313, %mul3A_314 : vector<256x8xf32>
    %add3A_316 = vector.broadcast %broadcast_in_dim3A_310 : vector<256x1xf32> to vector<256x8xf32>
    %add3A_317 = arith.addf %add3A_316, %mul3A_315 : vector<256x8xf32>
    %slice3A_318 = vector.extract_strided_slice %slice3A_311 {offsets = [0, 8], sizes = [256, 8], strides = [1, 1]} : vector<256x16xf32> to vector<256x8xf32>
    %mul3A_319 = vector.broadcast %get3A_7 : vector<256x1xf32> to vector<256x8xf32>
    %mul3A_320 = arith.mulf %slice3A_318, %mul3A_319 : vector<256x8xf32>
    %add3A_321 = arith.addf %add3A_317, %mul3A_320 : vector<256x8xf32>
    %ne3A_322 = arith.constant 0.000000e+00 : f32
    %ne3A_323 = vector.broadcast %ne3A_322 : f32 to vector<256x8xf32>
    %ne3A_324 = arith.cmpf one, %slice3A_312, %ne3A_323 : vector<256x8xf32>
    %jit3A_325 = arith.constant -1.000000e+04 : f32
    %broadcast_in_dim3A_326 = vector.broadcast %jit3A_325 : f32 to vector<256x8xf32>
    %select_n3A_327 = arith.select %ne3A_324, %broadcast_in_dim3A_326, %add3A_321 : vector<256x8xi1>, vector<256x8xf32>
    %slice3A_328 = vector.extract_strided_slice %get3A_13 {offsets = [0, 1792], sizes = [256, 128], strides = [1, 1]} : vector<256x2048xf32> to vector<256x128xf32>
    %slice3A_329 = vector.extract_strided_slice %slice3A_328 {offsets = [0, 0], sizes = [256, 64], strides = [1, 1]} : vector<256x128xf32> to vector<256x64xf32>
    %mul3A_330 = arith.mulf %slice3A_329, %get3A_1 : vector<256x64xf32>
    %reduce_sum3A_331 = arith.constant dense<0.000000e+00> : vector<256xf32>
    %reduce_sum3A_332 = vector.multi_reduction <add>, %mul3A_330, %reduce_sum3A_331 [1] : vector<256x64xf32> to vector<256xf32>
    %broadcast_in_dim3A_333 = vector.shape_cast %reduce_sum3A_332 : vector<256xf32> to vector<256x1xf32>
    %slice3A_334 = vector.extract_strided_slice %slice3A_328 {offsets = [0, 64], sizes = [256, 16], strides = [1, 1]} : vector<256x128xf32> to vector<256x16xf32>
    %slice3A_335 = vector.extract_strided_slice %slice3A_328 {offsets = [0, 80], sizes = [256, 8], strides = [1, 1]} : vector<256x128xf32> to vector<256x8xf32>
    %slice3A_336 = vector.extract_strided_slice %slice3A_334 {offsets = [0, 0], sizes = [256, 8], strides = [1, 1]} : vector<256x16xf32> to vector<256x8xf32>
    %mul3A_337 = vector.broadcast %get3A_4 : vector<256x1xf32> to vector<256x8xf32>
    %mul3A_338 = arith.mulf %slice3A_336, %mul3A_337 : vector<256x8xf32>
    %add3A_339 = vector.broadcast %broadcast_in_dim3A_333 : vector<256x1xf32> to vector<256x8xf32>
    %add3A_340 = arith.addf %add3A_339, %mul3A_338 : vector<256x8xf32>
    %slice3A_341 = vector.extract_strided_slice %slice3A_334 {offsets = [0, 8], sizes = [256, 8], strides = [1, 1]} : vector<256x16xf32> to vector<256x8xf32>
    %mul3A_342 = vector.broadcast %get3A_7 : vector<256x1xf32> to vector<256x8xf32>
    %mul3A_343 = arith.mulf %slice3A_341, %mul3A_342 : vector<256x8xf32>
    %add3A_344 = arith.addf %add3A_340, %mul3A_343 : vector<256x8xf32>
    %ne3A_345 = arith.constant 0.000000e+00 : f32
    %ne3A_346 = vector.broadcast %ne3A_345 : f32 to vector<256x8xf32>
    %ne3A_347 = arith.cmpf one, %slice3A_335, %ne3A_346 : vector<256x8xf32>
    %jit3A_348 = arith.constant -1.000000e+04 : f32
    %broadcast_in_dim3A_349 = vector.broadcast %jit3A_348 : f32 to vector<256x8xf32>
    %select_n3A_350 = arith.select %ne3A_347, %broadcast_in_dim3A_349, %add3A_344 : vector<256x8xi1>, vector<256x8xf32>
    %slice3A_351 = vector.extract_strided_slice %get3A_13 {offsets = [0, 1920], sizes = [256, 128], strides = [1, 1]} : vector<256x2048xf32> to vector<256x128xf32>
    %slice3A_352 = vector.extract_strided_slice %slice3A_351 {offsets = [0, 0], sizes = [256, 64], strides = [1, 1]} : vector<256x128xf32> to vector<256x64xf32>
    %mul3A_353 = arith.mulf %slice3A_352, %get3A_1 : vector<256x64xf32>
    %reduce_sum3A_354 = arith.constant dense<0.000000e+00> : vector<256xf32>
    %reduce_sum3A_355 = vector.multi_reduction <add>, %mul3A_353, %reduce_sum3A_354 [1] : vector<256x64xf32> to vector<256xf32>
    %broadcast_in_dim3A_356 = vector.shape_cast %reduce_sum3A_355 : vector<256xf32> to vector<256x1xf32>
    %slice3A_357 = vector.extract_strided_slice %slice3A_351 {offsets = [0, 64], sizes = [256, 16], strides = [1, 1]} : vector<256x128xf32> to vector<256x16xf32>
    %slice3A_358 = vector.extract_strided_slice %slice3A_351 {offsets = [0, 80], sizes = [256, 8], strides = [1, 1]} : vector<256x128xf32> to vector<256x8xf32>
    %slice3A_359 = vector.extract_strided_slice %slice3A_357 {offsets = [0, 0], sizes = [256, 8], strides = [1, 1]} : vector<256x16xf32> to vector<256x8xf32>
    %mul3A_360 = vector.broadcast %get3A_4 : vector<256x1xf32> to vector<256x8xf32>
    %mul3A_361 = arith.mulf %slice3A_359, %mul3A_360 : vector<256x8xf32>
    %add3A_362 = vector.broadcast %broadcast_in_dim3A_356 : vector<256x1xf32> to vector<256x8xf32>
    %add3A_363 = arith.addf %add3A_362, %mul3A_361 : vector<256x8xf32>
    %slice3A_364 = vector.extract_strided_slice %slice3A_357 {offsets = [0, 8], sizes = [256, 8], strides = [1, 1]} : vector<256x16xf32> to vector<256x8xf32>
    %mul3A_365 = vector.broadcast %get3A_7 : vector<256x1xf32> to vector<256x8xf32>
    %mul3A_366 = arith.mulf %slice3A_364, %mul3A_365 : vector<256x8xf32>
    %add3A_367 = arith.addf %add3A_363, %mul3A_366 : vector<256x8xf32>
    %ne3A_368 = arith.constant 0.000000e+00 : f32
    %ne3A_369 = vector.broadcast %ne3A_368 : f32 to vector<256x8xf32>
    %ne3A_370 = arith.cmpf one, %slice3A_358, %ne3A_369 : vector<256x8xf32>
    %jit3A_371 = arith.constant -1.000000e+04 : f32
    %broadcast_in_dim3A_372 = vector.broadcast %jit3A_371 : f32 to vector<256x8xf32>
    %select_n3A_373 = arith.select %ne3A_370, %broadcast_in_dim3A_372, %add3A_367 : vector<256x8xi1>, vector<256x8xf32>
    %max3A = arith.maximumf %select_n3A, %select_n3A_51 : vector<256x8xf32>
    %max3A_374 = arith.maximumf %max3A, %select_n3A_74 : vector<256x8xf32>
    %max3A_375 = arith.maximumf %max3A_374, %select_n3A_97 : vector<256x8xf32>
    %max3A_376 = arith.maximumf %max3A_375, %select_n3A_120 : vector<256x8xf32>
    %max3A_377 = arith.maximumf %max3A_376, %select_n3A_143 : vector<256x8xf32>
    %max3A_378 = arith.maximumf %max3A_377, %select_n3A_166 : vector<256x8xf32>
    %max3A_379 = arith.maximumf %max3A_378, %select_n3A_189 : vector<256x8xf32>
    %max3A_380 = arith.maximumf %max3A_379, %select_n3A_212 : vector<256x8xf32>
    %max3A_381 = arith.maximumf %max3A_380, %select_n3A_235 : vector<256x8xf32>
    %max3A_382 = arith.maximumf %max3A_381, %select_n3A_258 : vector<256x8xf32>
    %max3A_383 = arith.maximumf %max3A_382, %select_n3A_281 : vector<256x8xf32>
    %max3A_384 = arith.maximumf %max3A_383, %select_n3A_304 : vector<256x8xf32>
    %max3A_385 = arith.maximumf %max3A_384, %select_n3A_327 : vector<256x8xf32>
    %max3A_386 = arith.maximumf %max3A_385, %select_n3A_350 : vector<256x8xf32>
    %max3A_387 = arith.maximumf %max3A_386, %select_n3A_373 : vector<256x8xf32>
    %sub3A = arith.subf %select_n3A, %max3A_387 : vector<256x8xf32>
    %exp3A = math.exp %sub3A : vector<256x8xf32>
    %sub3A_388 = arith.subf %select_n3A_51, %max3A_387 : vector<256x8xf32>
    %exp3A_389 = math.exp %sub3A_388 : vector<256x8xf32>
    %sub3A_390 = arith.subf %select_n3A_74, %max3A_387 : vector<256x8xf32>
    %exp3A_391 = math.exp %sub3A_390 : vector<256x8xf32>
    %sub3A_392 = arith.subf %select_n3A_97, %max3A_387 : vector<256x8xf32>
    %exp3A_393 = math.exp %sub3A_392 : vector<256x8xf32>
    %sub3A_394 = arith.subf %select_n3A_120, %max3A_387 : vector<256x8xf32>
    %exp3A_395 = math.exp %sub3A_394 : vector<256x8xf32>
    %sub3A_396 = arith.subf %select_n3A_143, %max3A_387 : vector<256x8xf32>
    %exp3A_397 = math.exp %sub3A_396 : vector<256x8xf32>
    %sub3A_398 = arith.subf %select_n3A_166, %max3A_387 : vector<256x8xf32>
    %exp3A_399 = math.exp %sub3A_398 : vector<256x8xf32>
    %sub3A_400 = arith.subf %select_n3A_189, %max3A_387 : vector<256x8xf32>
    %exp3A_401 = math.exp %sub3A_400 : vector<256x8xf32>
    %sub3A_402 = arith.subf %select_n3A_212, %max3A_387 : vector<256x8xf32>
    %exp3A_403 = math.exp %sub3A_402 : vector<256x8xf32>
    %sub3A_404 = arith.subf %select_n3A_235, %max3A_387 : vector<256x8xf32>
    %exp3A_405 = math.exp %sub3A_404 : vector<256x8xf32>
    %sub3A_406 = arith.subf %select_n3A_258, %max3A_387 : vector<256x8xf32>
    %exp3A_407 = math.exp %sub3A_406 : vector<256x8xf32>
    %sub3A_408 = arith.subf %select_n3A_281, %max3A_387 : vector<256x8xf32>
    %exp3A_409 = math.exp %sub3A_408 : vector<256x8xf32>
    %sub3A_410 = arith.subf %select_n3A_304, %max3A_387 : vector<256x8xf32>
    %exp3A_411 = math.exp %sub3A_410 : vector<256x8xf32>
    %sub3A_412 = arith.subf %select_n3A_327, %max3A_387 : vector<256x8xf32>
    %exp3A_413 = math.exp %sub3A_412 : vector<256x8xf32>
    %sub3A_414 = arith.subf %select_n3A_350, %max3A_387 : vector<256x8xf32>
    %exp3A_415 = math.exp %sub3A_414 : vector<256x8xf32>
    %sub3A_416 = arith.subf %select_n3A_373, %max3A_387 : vector<256x8xf32>
    %exp3A_417 = math.exp %sub3A_416 : vector<256x8xf32>
    %add3A_418 = arith.addf %exp3A, %exp3A_389 : vector<256x8xf32>
    %add3A_419 = arith.addf %add3A_418, %exp3A_391 : vector<256x8xf32>
    %add3A_420 = arith.addf %add3A_419, %exp3A_393 : vector<256x8xf32>
    %add3A_421 = arith.addf %add3A_420, %exp3A_395 : vector<256x8xf32>
    %add3A_422 = arith.addf %add3A_421, %exp3A_397 : vector<256x8xf32>
    %add3A_423 = arith.addf %add3A_422, %exp3A_399 : vector<256x8xf32>
    %add3A_424 = arith.addf %add3A_423, %exp3A_401 : vector<256x8xf32>
    %add3A_425 = arith.addf %add3A_424, %exp3A_403 : vector<256x8xf32>
    %add3A_426 = arith.addf %add3A_425, %exp3A_405 : vector<256x8xf32>
    %add3A_427 = arith.addf %add3A_426, %exp3A_407 : vector<256x8xf32>
    %add3A_428 = arith.addf %add3A_427, %exp3A_409 : vector<256x8xf32>
    %add3A_429 = arith.addf %add3A_428, %exp3A_411 : vector<256x8xf32>
    %add3A_430 = arith.addf %add3A_429, %exp3A_413 : vector<256x8xf32>
    %add3A_431 = arith.addf %add3A_430, %exp3A_415 : vector<256x8xf32>
    %add3A_432 = arith.addf %add3A_431, %exp3A_417 : vector<256x8xf32>
    %div3A = arith.constant 1.000000e+00 : f32
    %div3A_433 = vector.broadcast %div3A : f32 to vector<256x8xf32>
    %div3A_434 = arith.divf %div3A_433, %add3A_432 : vector<256x8xf32>
    %slice3A_435 = vector.extract_strided_slice %slice3A_16 {offsets = [0, 0], sizes = [256, 8], strides = [1, 1]} : vector<256x16xf32> to vector<256x8xf32>
    %mul3A_436 = arith.mulf %exp3A, %slice3A_435 : vector<256x8xf32>
    %slice3A_437 = vector.extract_strided_slice %slice3A_16 {offsets = [0, 8], sizes = [256, 8], strides = [1, 1]} : vector<256x16xf32> to vector<256x8xf32>
    %mul3A_438 = arith.mulf %exp3A, %slice3A_437 : vector<256x8xf32>
    %slice3A_439 = vector.extract_strided_slice %slice3A_35 {offsets = [0, 0], sizes = [256, 8], strides = [1, 1]} : vector<256x16xf32> to vector<256x8xf32>
    %mul3A_440 = arith.mulf %exp3A_389, %slice3A_439 : vector<256x8xf32>
    %add3A_441 = arith.addf %mul3A_436, %mul3A_440 : vector<256x8xf32>
    %slice3A_442 = vector.extract_strided_slice %slice3A_35 {offsets = [0, 8], sizes = [256, 8], strides = [1, 1]} : vector<256x16xf32> to vector<256x8xf32>
    %mul3A_443 = arith.mulf %exp3A_389, %slice3A_442 : vector<256x8xf32>
    %add3A_444 = arith.addf %mul3A_438, %mul3A_443 : vector<256x8xf32>
    %slice3A_445 = vector.extract_strided_slice %slice3A_58 {offsets = [0, 0], sizes = [256, 8], strides = [1, 1]} : vector<256x16xf32> to vector<256x8xf32>
    %mul3A_446 = arith.mulf %exp3A_391, %slice3A_445 : vector<256x8xf32>
    %add3A_447 = arith.addf %add3A_441, %mul3A_446 : vector<256x8xf32>
    %slice3A_448 = vector.extract_strided_slice %slice3A_58 {offsets = [0, 8], sizes = [256, 8], strides = [1, 1]} : vector<256x16xf32> to vector<256x8xf32>
    %mul3A_449 = arith.mulf %exp3A_391, %slice3A_448 : vector<256x8xf32>
    %add3A_450 = arith.addf %add3A_444, %mul3A_449 : vector<256x8xf32>
    %slice3A_451 = vector.extract_strided_slice %slice3A_81 {offsets = [0, 0], sizes = [256, 8], strides = [1, 1]} : vector<256x16xf32> to vector<256x8xf32>
    %mul3A_452 = arith.mulf %exp3A_393, %slice3A_451 : vector<256x8xf32>
    %add3A_453 = arith.addf %add3A_447, %mul3A_452 : vector<256x8xf32>
    %slice3A_454 = vector.extract_strided_slice %slice3A_81 {offsets = [0, 8], sizes = [256, 8], strides = [1, 1]} : vector<256x16xf32> to vector<256x8xf32>
    %mul3A_455 = arith.mulf %exp3A_393, %slice3A_454 : vector<256x8xf32>
    %add3A_456 = arith.addf %add3A_450, %mul3A_455 : vector<256x8xf32>
    %slice3A_457 = vector.extract_strided_slice %slice3A_104 {offsets = [0, 0], sizes = [256, 8], strides = [1, 1]} : vector<256x16xf32> to vector<256x8xf32>
    %mul3A_458 = arith.mulf %exp3A_395, %slice3A_457 : vector<256x8xf32>
    %add3A_459 = arith.addf %add3A_453, %mul3A_458 : vector<256x8xf32>
    %slice3A_460 = vector.extract_strided_slice %slice3A_104 {offsets = [0, 8], sizes = [256, 8], strides = [1, 1]} : vector<256x16xf32> to vector<256x8xf32>
    %mul3A_461 = arith.mulf %exp3A_395, %slice3A_460 : vector<256x8xf32>
    %add3A_462 = arith.addf %add3A_456, %mul3A_461 : vector<256x8xf32>
    %slice3A_463 = vector.extract_strided_slice %slice3A_127 {offsets = [0, 0], sizes = [256, 8], strides = [1, 1]} : vector<256x16xf32> to vector<256x8xf32>
    %mul3A_464 = arith.mulf %exp3A_397, %slice3A_463 : vector<256x8xf32>
    %add3A_465 = arith.addf %add3A_459, %mul3A_464 : vector<256x8xf32>
    %slice3A_466 = vector.extract_strided_slice %slice3A_127 {offsets = [0, 8], sizes = [256, 8], strides = [1, 1]} : vector<256x16xf32> to vector<256x8xf32>
    %mul3A_467 = arith.mulf %exp3A_397, %slice3A_466 : vector<256x8xf32>
    %add3A_468 = arith.addf %add3A_462, %mul3A_467 : vector<256x8xf32>
    %slice3A_469 = vector.extract_strided_slice %slice3A_150 {offsets = [0, 0], sizes = [256, 8], strides = [1, 1]} : vector<256x16xf32> to vector<256x8xf32>
    %mul3A_470 = arith.mulf %exp3A_399, %slice3A_469 : vector<256x8xf32>
    %add3A_471 = arith.addf %add3A_465, %mul3A_470 : vector<256x8xf32>
    %slice3A_472 = vector.extract_strided_slice %slice3A_150 {offsets = [0, 8], sizes = [256, 8], strides = [1, 1]} : vector<256x16xf32> to vector<256x8xf32>
    %mul3A_473 = arith.mulf %exp3A_399, %slice3A_472 : vector<256x8xf32>
    %add3A_474 = arith.addf %add3A_468, %mul3A_473 : vector<256x8xf32>
    %slice3A_475 = vector.extract_strided_slice %slice3A_173 {offsets = [0, 0], sizes = [256, 8], strides = [1, 1]} : vector<256x16xf32> to vector<256x8xf32>
    %mul3A_476 = arith.mulf %exp3A_401, %slice3A_475 : vector<256x8xf32>
    %add3A_477 = arith.addf %add3A_471, %mul3A_476 : vector<256x8xf32>
    %slice3A_478 = vector.extract_strided_slice %slice3A_173 {offsets = [0, 8], sizes = [256, 8], strides = [1, 1]} : vector<256x16xf32> to vector<256x8xf32>
    %mul3A_479 = arith.mulf %exp3A_401, %slice3A_478 : vector<256x8xf32>
    %add3A_480 = arith.addf %add3A_474, %mul3A_479 : vector<256x8xf32>
    %slice3A_481 = vector.extract_strided_slice %slice3A_196 {offsets = [0, 0], sizes = [256, 8], strides = [1, 1]} : vector<256x16xf32> to vector<256x8xf32>
    %mul3A_482 = arith.mulf %exp3A_403, %slice3A_481 : vector<256x8xf32>
    %add3A_483 = arith.addf %add3A_477, %mul3A_482 : vector<256x8xf32>
    %slice3A_484 = vector.extract_strided_slice %slice3A_196 {offsets = [0, 8], sizes = [256, 8], strides = [1, 1]} : vector<256x16xf32> to vector<256x8xf32>
    %mul3A_485 = arith.mulf %exp3A_403, %slice3A_484 : vector<256x8xf32>
    %add3A_486 = arith.addf %add3A_480, %mul3A_485 : vector<256x8xf32>
    %slice3A_487 = vector.extract_strided_slice %slice3A_219 {offsets = [0, 0], sizes = [256, 8], strides = [1, 1]} : vector<256x16xf32> to vector<256x8xf32>
    %mul3A_488 = arith.mulf %exp3A_405, %slice3A_487 : vector<256x8xf32>
    %add3A_489 = arith.addf %add3A_483, %mul3A_488 : vector<256x8xf32>
    %slice3A_490 = vector.extract_strided_slice %slice3A_219 {offsets = [0, 8], sizes = [256, 8], strides = [1, 1]} : vector<256x16xf32> to vector<256x8xf32>
    %mul3A_491 = arith.mulf %exp3A_405, %slice3A_490 : vector<256x8xf32>
    %add3A_492 = arith.addf %add3A_486, %mul3A_491 : vector<256x8xf32>
    %slice3A_493 = vector.extract_strided_slice %slice3A_242 {offsets = [0, 0], sizes = [256, 8], strides = [1, 1]} : vector<256x16xf32> to vector<256x8xf32>
    %mul3A_494 = arith.mulf %exp3A_407, %slice3A_493 : vector<256x8xf32>
    %add3A_495 = arith.addf %add3A_489, %mul3A_494 : vector<256x8xf32>
    %slice3A_496 = vector.extract_strided_slice %slice3A_242 {offsets = [0, 8], sizes = [256, 8], strides = [1, 1]} : vector<256x16xf32> to vector<256x8xf32>
    %mul3A_497 = arith.mulf %exp3A_407, %slice3A_496 : vector<256x8xf32>
    %add3A_498 = arith.addf %add3A_492, %mul3A_497 : vector<256x8xf32>
    %slice3A_499 = vector.extract_strided_slice %slice3A_265 {offsets = [0, 0], sizes = [256, 8], strides = [1, 1]} : vector<256x16xf32> to vector<256x8xf32>
    %mul3A_500 = arith.mulf %exp3A_409, %slice3A_499 : vector<256x8xf32>
    %add3A_501 = arith.addf %add3A_495, %mul3A_500 : vector<256x8xf32>
    %slice3A_502 = vector.extract_strided_slice %slice3A_265 {offsets = [0, 8], sizes = [256, 8], strides = [1, 1]} : vector<256x16xf32> to vector<256x8xf32>
    %mul3A_503 = arith.mulf %exp3A_409, %slice3A_502 : vector<256x8xf32>
    %add3A_504 = arith.addf %add3A_498, %mul3A_503 : vector<256x8xf32>
    %slice3A_505 = vector.extract_strided_slice %slice3A_288 {offsets = [0, 0], sizes = [256, 8], strides = [1, 1]} : vector<256x16xf32> to vector<256x8xf32>
    %mul3A_506 = arith.mulf %exp3A_411, %slice3A_505 : vector<256x8xf32>
    %add3A_507 = arith.addf %add3A_501, %mul3A_506 : vector<256x8xf32>
    %slice3A_508 = vector.extract_strided_slice %slice3A_288 {offsets = [0, 8], sizes = [256, 8], strides = [1, 1]} : vector<256x16xf32> to vector<256x8xf32>
    %mul3A_509 = arith.mulf %exp3A_411, %slice3A_508 : vector<256x8xf32>
    %add3A_510 = arith.addf %add3A_504, %mul3A_509 : vector<256x8xf32>
    %slice3A_511 = vector.extract_strided_slice %slice3A_311 {offsets = [0, 0], sizes = [256, 8], strides = [1, 1]} : vector<256x16xf32> to vector<256x8xf32>
    %mul3A_512 = arith.mulf %exp3A_413, %slice3A_511 : vector<256x8xf32>
    %add3A_513 = arith.addf %add3A_507, %mul3A_512 : vector<256x8xf32>
    %slice3A_514 = vector.extract_strided_slice %slice3A_311 {offsets = [0, 8], sizes = [256, 8], strides = [1, 1]} : vector<256x16xf32> to vector<256x8xf32>
    %mul3A_515 = arith.mulf %exp3A_413, %slice3A_514 : vector<256x8xf32>
    %add3A_516 = arith.addf %add3A_510, %mul3A_515 : vector<256x8xf32>
    %slice3A_517 = vector.extract_strided_slice %slice3A_334 {offsets = [0, 0], sizes = [256, 8], strides = [1, 1]} : vector<256x16xf32> to vector<256x8xf32>
    %mul3A_518 = arith.mulf %exp3A_415, %slice3A_517 : vector<256x8xf32>
    %add3A_519 = arith.addf %add3A_513, %mul3A_518 : vector<256x8xf32>
    %slice3A_520 = vector.extract_strided_slice %slice3A_334 {offsets = [0, 8], sizes = [256, 8], strides = [1, 1]} : vector<256x16xf32> to vector<256x8xf32>
    %mul3A_521 = arith.mulf %exp3A_415, %slice3A_520 : vector<256x8xf32>
    %add3A_522 = arith.addf %add3A_516, %mul3A_521 : vector<256x8xf32>
    %slice3A_523 = vector.extract_strided_slice %slice3A_357 {offsets = [0, 0], sizes = [256, 8], strides = [1, 1]} : vector<256x16xf32> to vector<256x8xf32>
    %mul3A_524 = arith.mulf %exp3A_417, %slice3A_523 : vector<256x8xf32>
    %add3A_525 = arith.addf %add3A_519, %mul3A_524 : vector<256x8xf32>
    %slice3A_526 = vector.extract_strided_slice %slice3A_357 {offsets = [0, 8], sizes = [256, 8], strides = [1, 1]} : vector<256x16xf32> to vector<256x8xf32>
    %mul3A_527 = arith.mulf %exp3A_417, %slice3A_526 : vector<256x8xf32>
    %add3A_528 = arith.addf %add3A_522, %mul3A_527 : vector<256x8xf32>
    %mul3A_529 = arith.mulf %add3A_525, %div3A_434 : vector<256x8xf32>
    %mul3A_530 = arith.mulf %add3A_528, %div3A_434 : vector<256x8xf32>
    %get3A_531 = arith.constant 0 : index
    %get3A_532 = arith.constant 0 : index
    %get3A_533 = vector.load %arg8[%get3A_531, %get3A_532] : memref<8x64xf32, #tpu.memory_space<vmem>>, vector<8x64xf32>
    %get3A_534 = arith.constant 0 : index
    %get3A_535 = arith.constant 0 : index
    %get3A_536 = vector.load %arg9[%get3A_534, %get3A_535] : memref<128x128xf32, #tpu.memory_space<vmem>>, vector<128x128xf32>
    %get3A_537 = arith.constant 0 : index
    %get3A_538 = arith.constant 0 : index
    %get3A_539 = vector.load %arg10[%get3A_537, %get3A_538] : memref<1x128xf32, #tpu.memory_space<vmem>>, vector<1x128xf32>
    %get3A_540 = arith.constant 0 : index
    %get3A_541 = arith.constant 0 : index
    %get3A_542 = vector.load %arg11[%get3A_540, %get3A_541] : memref<1x64xf32, #tpu.memory_space<vmem>>, vector<1x64xf32>
    %get3A_543 = arith.constant 0 : index
    %get3A_544 = arith.constant 0 : index
    %get3A_545 = vector.load %arg12[%get3A_543, %get3A_544] : memref<1x64xf32, #tpu.memory_space<vmem>>, vector<1x64xf32>
    %get3A_546 = arith.constant 0 : index
    %get3A_547 = arith.constant 0 : index
    %get3A_548 = vector.load %arg13[%get3A_546, %get3A_547] : memref<1x128xf32, #tpu.memory_space<vmem>>, vector<1x128xf32>
    %get3A_549 = arith.constant 0 : index
    %get3A_550 = arith.constant 0 : index
    %get3A_551 = vector.load %arg14[%get3A_549, %get3A_550] : memref<1x128xf32, #tpu.memory_space<vmem>>, vector<1x128xf32>
    %get3A_552 = arith.constant 0 : index
    %get3A_553 = arith.constant 0 : index
    %get3A_554 = vector.load %arg15[%get3A_552, %get3A_553] : memref<64x64xf32, #tpu.memory_space<vmem>>, vector<64x64xf32>
    %get3A_555 = arith.constant 0 : index
    %get3A_556 = arith.constant 0 : index
    %get3A_557 = vector.load %arg16[%get3A_555, %get3A_556] : memref<128x64xf32, #tpu.memory_space<vmem>>, vector<128x64xf32>
    %get3A_558 = arith.constant 0 : index
    %get3A_559 = arith.constant 0 : index
    %get3A_560 = vector.load %arg17[%get3A_558, %get3A_559] : memref<1x64xf32, #tpu.memory_space<vmem>>, vector<1x64xf32>
    %get3A_561 = arith.constant 0 : index
    %get3A_562 = arith.constant 0 : index
    %get3A_563 = vector.load %arg18[%get3A_561, %get3A_562] : memref<64x2xf32, #tpu.memory_space<vmem>>, vector<64x2xf32>
    %get3A_564 = arith.constant 0 : index
    %get3A_565 = arith.constant 0 : index
    %get3A_566 = vector.load %arg19[%get3A_564, %get3A_565] : memref<1x2xf32, #tpu.memory_space<vmem>>, vector<1x2xf32>
    %iota3A = tpu.iota {dimensions = array<i32: 1>} : vector<1x8xi32>
    %slice3A_567 = vector.extract_strided_slice %exp3A {offsets = [0, 0], sizes = [256, 1], strides = [1, 1]} : vector<256x8xf32> to vector<256x1xf32>
    %mul3A_568 = vector.broadcast %slice3A_567 : vector<256x1xf32> to vector<256x64xf32>
    %mul3A_569 = arith.mulf %mul3A_568, %slice3A_14 : vector<256x64xf32>
    %slice3A_570 = vector.extract_strided_slice %exp3A_389 {offsets = [0, 0], sizes = [256, 1], strides = [1, 1]} : vector<256x8xf32> to vector<256x1xf32>
    %mul3A_571 = vector.broadcast %slice3A_570 : vector<256x1xf32> to vector<256x64xf32>
    %mul3A_572 = arith.mulf %mul3A_571, %slice3A_30 : vector<256x64xf32>
    %add3A_573 = arith.addf %mul3A_569, %mul3A_572 : vector<256x64xf32>
    %slice3A_574 = vector.extract_strided_slice %exp3A_391 {offsets = [0, 0], sizes = [256, 1], strides = [1, 1]} : vector<256x8xf32> to vector<256x1xf32>
    %mul3A_575 = vector.broadcast %slice3A_574 : vector<256x1xf32> to vector<256x64xf32>
    %mul3A_576 = arith.mulf %mul3A_575, %slice3A_53 : vector<256x64xf32>
    %add3A_577 = arith.addf %add3A_573, %mul3A_576 : vector<256x64xf32>
    %slice3A_578 = vector.extract_strided_slice %exp3A_393 {offsets = [0, 0], sizes = [256, 1], strides = [1, 1]} : vector<256x8xf32> to vector<256x1xf32>
    %mul3A_579 = vector.broadcast %slice3A_578 : vector<256x1xf32> to vector<256x64xf32>
    %mul3A_580 = arith.mulf %mul3A_579, %slice3A_76 : vector<256x64xf32>
    %add3A_581 = arith.addf %add3A_577, %mul3A_580 : vector<256x64xf32>
    %slice3A_582 = vector.extract_strided_slice %exp3A_395 {offsets = [0, 0], sizes = [256, 1], strides = [1, 1]} : vector<256x8xf32> to vector<256x1xf32>
    %mul3A_583 = vector.broadcast %slice3A_582 : vector<256x1xf32> to vector<256x64xf32>
    %mul3A_584 = arith.mulf %mul3A_583, %slice3A_99 : vector<256x64xf32>
    %add3A_585 = arith.addf %add3A_581, %mul3A_584 : vector<256x64xf32>
    %slice3A_586 = vector.extract_strided_slice %exp3A_397 {offsets = [0, 0], sizes = [256, 1], strides = [1, 1]} : vector<256x8xf32> to vector<256x1xf32>
    %mul3A_587 = vector.broadcast %slice3A_586 : vector<256x1xf32> to vector<256x64xf32>
    %mul3A_588 = arith.mulf %mul3A_587, %slice3A_122 : vector<256x64xf32>
    %add3A_589 = arith.addf %add3A_585, %mul3A_588 : vector<256x64xf32>
    %slice3A_590 = vector.extract_strided_slice %exp3A_399 {offsets = [0, 0], sizes = [256, 1], strides = [1, 1]} : vector<256x8xf32> to vector<256x1xf32>
    %mul3A_591 = vector.broadcast %slice3A_590 : vector<256x1xf32> to vector<256x64xf32>
    %mul3A_592 = arith.mulf %mul3A_591, %slice3A_145 : vector<256x64xf32>
    %add3A_593 = arith.addf %add3A_589, %mul3A_592 : vector<256x64xf32>
    %slice3A_594 = vector.extract_strided_slice %exp3A_401 {offsets = [0, 0], sizes = [256, 1], strides = [1, 1]} : vector<256x8xf32> to vector<256x1xf32>
    %mul3A_595 = vector.broadcast %slice3A_594 : vector<256x1xf32> to vector<256x64xf32>
    %mul3A_596 = arith.mulf %mul3A_595, %slice3A_168 : vector<256x64xf32>
    %add3A_597 = arith.addf %add3A_593, %mul3A_596 : vector<256x64xf32>
    %slice3A_598 = vector.extract_strided_slice %exp3A_403 {offsets = [0, 0], sizes = [256, 1], strides = [1, 1]} : vector<256x8xf32> to vector<256x1xf32>
    %mul3A_599 = vector.broadcast %slice3A_598 : vector<256x1xf32> to vector<256x64xf32>
    %mul3A_600 = arith.mulf %mul3A_599, %slice3A_191 : vector<256x64xf32>
    %add3A_601 = arith.addf %add3A_597, %mul3A_600 : vector<256x64xf32>
    %slice3A_602 = vector.extract_strided_slice %exp3A_405 {offsets = [0, 0], sizes = [256, 1], strides = [1, 1]} : vector<256x8xf32> to vector<256x1xf32>
    %mul3A_603 = vector.broadcast %slice3A_602 : vector<256x1xf32> to vector<256x64xf32>
    %mul3A_604 = arith.mulf %mul3A_603, %slice3A_214 : vector<256x64xf32>
    %add3A_605 = arith.addf %add3A_601, %mul3A_604 : vector<256x64xf32>
    %slice3A_606 = vector.extract_strided_slice %exp3A_407 {offsets = [0, 0], sizes = [256, 1], strides = [1, 1]} : vector<256x8xf32> to vector<256x1xf32>
    %mul3A_607 = vector.broadcast %slice3A_606 : vector<256x1xf32> to vector<256x64xf32>
    %mul3A_608 = arith.mulf %mul3A_607, %slice3A_237 : vector<256x64xf32>
    %add3A_609 = arith.addf %add3A_605, %mul3A_608 : vector<256x64xf32>
    %slice3A_610 = vector.extract_strided_slice %exp3A_409 {offsets = [0, 0], sizes = [256, 1], strides = [1, 1]} : vector<256x8xf32> to vector<256x1xf32>
    %mul3A_611 = vector.broadcast %slice3A_610 : vector<256x1xf32> to vector<256x64xf32>
    %mul3A_612 = arith.mulf %mul3A_611, %slice3A_260 : vector<256x64xf32>
    %add3A_613 = arith.addf %add3A_609, %mul3A_612 : vector<256x64xf32>
    %slice3A_614 = vector.extract_strided_slice %exp3A_411 {offsets = [0, 0], sizes = [256, 1], strides = [1, 1]} : vector<256x8xf32> to vector<256x1xf32>
    %mul3A_615 = vector.broadcast %slice3A_614 : vector<256x1xf32> to vector<256x64xf32>
    %mul3A_616 = arith.mulf %mul3A_615, %slice3A_283 : vector<256x64xf32>
    %add3A_617 = arith.addf %add3A_613, %mul3A_616 : vector<256x64xf32>
    %slice3A_618 = vector.extract_strided_slice %exp3A_413 {offsets = [0, 0], sizes = [256, 1], strides = [1, 1]} : vector<256x8xf32> to vector<256x1xf32>
    %mul3A_619 = vector.broadcast %slice3A_618 : vector<256x1xf32> to vector<256x64xf32>
    %mul3A_620 = arith.mulf %mul3A_619, %slice3A_306 : vector<256x64xf32>
    %add3A_621 = arith.addf %add3A_617, %mul3A_620 : vector<256x64xf32>
    %slice3A_622 = vector.extract_strided_slice %exp3A_415 {offsets = [0, 0], sizes = [256, 1], strides = [1, 1]} : vector<256x8xf32> to vector<256x1xf32>
    %mul3A_623 = vector.broadcast %slice3A_622 : vector<256x1xf32> to vector<256x64xf32>
    %mul3A_624 = arith.mulf %mul3A_623, %slice3A_329 : vector<256x64xf32>
    %add3A_625 = arith.addf %add3A_621, %mul3A_624 : vector<256x64xf32>
    %slice3A_626 = vector.extract_strided_slice %exp3A_417 {offsets = [0, 0], sizes = [256, 1], strides = [1, 1]} : vector<256x8xf32> to vector<256x1xf32>
    %mul3A_627 = vector.broadcast %slice3A_626 : vector<256x1xf32> to vector<256x64xf32>
    %mul3A_628 = arith.mulf %mul3A_627, %slice3A_352 : vector<256x64xf32>
    %add3A_629 = arith.addf %add3A_625, %mul3A_628 : vector<256x64xf32>
    %slice3A_630 = vector.extract_strided_slice %div3A_434 {offsets = [0, 0], sizes = [256, 1], strides = [1, 1]} : vector<256x8xf32> to vector<256x1xf32>
    %mul3A_631 = vector.broadcast %slice3A_630 : vector<256x1xf32> to vector<256x64xf32>
    %mul3A_632 = arith.mulf %add3A_629, %mul3A_631 : vector<256x64xf32>
    %slice3A_633 = vector.extract_strided_slice %mul3A_529 {offsets = [0, 0], sizes = [256, 1], strides = [1, 1]} : vector<256x8xf32> to vector<256x1xf32>
    %slice3A_634 = vector.extract_strided_slice %get3A_533 {offsets = [0, 0], sizes = [1, 64], strides = [1, 1]} : vector<8x64xf32> to vector<1x64xf32>
    %mul3A_635 = vector.broadcast %slice3A_633 : vector<256x1xf32> to vector<256x64xf32>
    %mul3A_636 = vector.broadcast %slice3A_634 : vector<1x64xf32> to vector<256x64xf32>
    %mul3A_637 = arith.mulf %mul3A_635, %mul3A_636 : vector<256x64xf32>
    %add3A_638 = arith.addf %mul3A_632, %mul3A_637 : vector<256x64xf32>
    %slice3A_639 = vector.extract_strided_slice %mul3A_530 {offsets = [0, 0], sizes = [256, 1], strides = [1, 1]} : vector<256x8xf32> to vector<256x1xf32>
    %slice3A_640 = vector.extract_strided_slice %get3A_533 {offsets = [1, 0], sizes = [1, 64], strides = [1, 1]} : vector<8x64xf32> to vector<1x64xf32>
    %mul3A_641 = vector.broadcast %slice3A_639 : vector<256x1xf32> to vector<256x64xf32>
    %mul3A_642 = vector.broadcast %slice3A_640 : vector<1x64xf32> to vector<256x64xf32>
    %mul3A_643 = arith.mulf %mul3A_641, %mul3A_642 : vector<256x64xf32>
    %add3A_644 = arith.addf %add3A_638, %mul3A_643 : vector<256x64xf32>
    %get3A_645 = arith.constant 0 : index
    %get3A_646 = arith.constant 0 : index
    %get3A_647 = vector.load %arg6[%get3A_645, %get3A_646] : memref<1024x32xf32, #tpu.memory_space<vmem>>, vector<128x32xf32>
    %dot_general3A = arith.constant dense<0.000000e+00> : vector<256x32xf32>
    %dot_general3A_648 = tpu.matmul %get3A_10, %get3A_647, %dot_general3A {dimension_numbers = #tpu.dot_dimension_numbers<[1], [0], [0], [1], [0, 0, 1, 1], [], []>, transpose_lhs_hint = false} : vector<256x128xf32>, vector<128x32xf32>, vector<256x32xf32> -> vector<256x32xf32>
    %broadcast_in_dim3A_649 = arith.constant 0.000000e+00 : f32
    %broadcast_in_dim3A_650 = vector.broadcast %broadcast_in_dim3A_649 : f32 to vector<256x128xf32>
    %slice3A_651 = vector.extract_strided_slice %dot_general3A_648 {offsets = [0, 0], sizes = [256, 8], strides = [1, 1]} : vector<256x32xf32> to vector<256x8xf32>
    %lt3A = arith.constant 6 : i32
    %lt3A_652 = vector.broadcast %lt3A : i32 to vector<1x8xi32>
    %lt3A_653 = arith.cmpi slt, %iota3A, %lt3A_652 : vector<1x8xi32>
    %jit3A_654 = arith.constant -1.000000e+30 : f32
    %broadcast_in_dim3A_655 = vector.shape_cast %lt3A_653 : vector<1x8xi1> to vector<1x8xi1>
    %broadcast_in_dim3A_656 = vector.broadcast %broadcast_in_dim3A_655 : vector<1x8xi1> to vector<256x8xi1>
    %broadcast_in_dim3A_657 = vector.broadcast %jit3A_654 : f32 to vector<256x8xf32>
    %select_n3A_658 = arith.select %broadcast_in_dim3A_656, %slice3A_651, %broadcast_in_dim3A_657 : vector<256x8xi1>, vector<256x8xf32>
    %reduce_max3A = arith.constant dense<0xFF800000> : vector<256xf32>
    %reduce_max3A_659 = vector.multi_reduction <maximumf>, %select_n3A_658, %reduce_max3A [1] : vector<256x8xf32> to vector<256xf32>
    %broadcast_in_dim3A_660 = vector.shape_cast %reduce_max3A_659 : vector<256xf32> to vector<256x1xf32>
    %sub3A_661 = vector.broadcast %broadcast_in_dim3A_660 : vector<256x1xf32> to vector<256x8xf32>
    %sub3A_662 = arith.subf %select_n3A_658, %sub3A_661 : vector<256x8xf32>
    %exp3A_663 = math.exp %sub3A_662 : vector<256x8xf32>
    %reduce_sum3A_664 = arith.constant dense<0.000000e+00> : vector<256xf32>
    %reduce_sum3A_665 = vector.multi_reduction <add>, %exp3A_663, %reduce_sum3A_664 [1] : vector<256x8xf32> to vector<256xf32>
    %broadcast_in_dim3A_666 = vector.shape_cast %reduce_sum3A_665 : vector<256xf32> to vector<256x1xf32>
    %div3A_667 = vector.broadcast %broadcast_in_dim3A_666 : vector<256x1xf32> to vector<256x8xf32>
    %div3A_668 = arith.divf %exp3A_663, %div3A_667 : vector<256x8xf32>
    %get3A_669 = arith.constant 0 : index
    %get3A_670 = arith.constant 0 : index
    %get3A_671 = vector.load %arg7[%get3A_669, %get3A_670] : memref<256x128xf32, #tpu.memory_space<vmem>>, vector<8x128xf32>
    %dot_general3A_672 = arith.constant dense<0.000000e+00> : vector<256x128xf32>
    %dot_general3A_673 = tpu.matmul %div3A_668, %get3A_671, %dot_general3A_672 {dimension_numbers = #tpu.dot_dimension_numbers<[1], [0], [0], [1], [0, 0, 1, 1], [], []>, transpose_lhs_hint = false} : vector<256x8xf32>, vector<8x128xf32>, vector<256x128xf32> -> vector<256x128xf32>
    %add3A_674 = arith.addf %broadcast_in_dim3A_650, %dot_general3A_673 : vector<256x128xf32>
    %slice3A_675 = vector.extract_strided_slice %dot_general3A_648 {offsets = [0, 8], sizes = [256, 8], strides = [1, 1]} : vector<256x32xf32> to vector<256x8xf32>
    %lt3A_676 = arith.constant 6 : i32
    %lt3A_677 = vector.broadcast %lt3A_676 : i32 to vector<1x8xi32>
    %lt3A_678 = arith.cmpi slt, %iota3A, %lt3A_677 : vector<1x8xi32>
    %jit3A_679 = arith.constant -1.000000e+30 : f32
    %broadcast_in_dim3A_680 = vector.shape_cast %lt3A_678 : vector<1x8xi1> to vector<1x8xi1>
    %broadcast_in_dim3A_681 = vector.broadcast %broadcast_in_dim3A_680 : vector<1x8xi1> to vector<256x8xi1>
    %broadcast_in_dim3A_682 = vector.broadcast %jit3A_679 : f32 to vector<256x8xf32>
    %select_n3A_683 = arith.select %broadcast_in_dim3A_681, %slice3A_675, %broadcast_in_dim3A_682 : vector<256x8xi1>, vector<256x8xf32>
    %reduce_max3A_684 = arith.constant dense<0xFF800000> : vector<256xf32>
    %reduce_max3A_685 = vector.multi_reduction <maximumf>, %select_n3A_683, %reduce_max3A_684 [1] : vector<256x8xf32> to vector<256xf32>
    %broadcast_in_dim3A_686 = vector.shape_cast %reduce_max3A_685 : vector<256xf32> to vector<256x1xf32>
    %sub3A_687 = vector.broadcast %broadcast_in_dim3A_686 : vector<256x1xf32> to vector<256x8xf32>
    %sub3A_688 = arith.subf %select_n3A_683, %sub3A_687 : vector<256x8xf32>
    %exp3A_689 = math.exp %sub3A_688 : vector<256x8xf32>
    %reduce_sum3A_690 = arith.constant dense<0.000000e+00> : vector<256xf32>
    %reduce_sum3A_691 = vector.multi_reduction <add>, %exp3A_689, %reduce_sum3A_690 [1] : vector<256x8xf32> to vector<256xf32>
    %broadcast_in_dim3A_692 = vector.shape_cast %reduce_sum3A_691 : vector<256xf32> to vector<256x1xf32>
    %div3A_693 = vector.broadcast %broadcast_in_dim3A_692 : vector<256x1xf32> to vector<256x8xf32>
    %div3A_694 = arith.divf %exp3A_689, %div3A_693 : vector<256x8xf32>
    %get3A_695 = arith.constant 8 : index
    %get3A_696 = arith.constant 0 : index
    %get3A_697 = vector.load %arg7[%get3A_695, %get3A_696] : memref<256x128xf32, #tpu.memory_space<vmem>>, vector<8x128xf32>
    %dot_general3A_698 = arith.constant dense<0.000000e+00> : vector<256x128xf32>
    %dot_general3A_699 = tpu.matmul %div3A_694, %get3A_697, %dot_general3A_698 {dimension_numbers = #tpu.dot_dimension_numbers<[1], [0], [0], [1], [0, 0, 1, 1], [], []>, transpose_lhs_hint = false} : vector<256x8xf32>, vector<8x128xf32>, vector<256x128xf32> -> vector<256x128xf32>
    %add3A_700 = arith.addf %add3A_674, %dot_general3A_699 : vector<256x128xf32>
    %slice3A_701 = vector.extract_strided_slice %dot_general3A_648 {offsets = [0, 16], sizes = [256, 8], strides = [1, 1]} : vector<256x32xf32> to vector<256x8xf32>
    %lt3A_702 = arith.constant 6 : i32
    %lt3A_703 = vector.broadcast %lt3A_702 : i32 to vector<1x8xi32>
    %lt3A_704 = arith.cmpi slt, %iota3A, %lt3A_703 : vector<1x8xi32>
    %jit3A_705 = arith.constant -1.000000e+30 : f32
    %broadcast_in_dim3A_706 = vector.shape_cast %lt3A_704 : vector<1x8xi1> to vector<1x8xi1>
    %broadcast_in_dim3A_707 = vector.broadcast %broadcast_in_dim3A_706 : vector<1x8xi1> to vector<256x8xi1>
    %broadcast_in_dim3A_708 = vector.broadcast %jit3A_705 : f32 to vector<256x8xf32>
    %select_n3A_709 = arith.select %broadcast_in_dim3A_707, %slice3A_701, %broadcast_in_dim3A_708 : vector<256x8xi1>, vector<256x8xf32>
    %reduce_max3A_710 = arith.constant dense<0xFF800000> : vector<256xf32>
    %reduce_max3A_711 = vector.multi_reduction <maximumf>, %select_n3A_709, %reduce_max3A_710 [1] : vector<256x8xf32> to vector<256xf32>
    %broadcast_in_dim3A_712 = vector.shape_cast %reduce_max3A_711 : vector<256xf32> to vector<256x1xf32>
    %sub3A_713 = vector.broadcast %broadcast_in_dim3A_712 : vector<256x1xf32> to vector<256x8xf32>
    %sub3A_714 = arith.subf %select_n3A_709, %sub3A_713 : vector<256x8xf32>
    %exp3A_715 = math.exp %sub3A_714 : vector<256x8xf32>
    %reduce_sum3A_716 = arith.constant dense<0.000000e+00> : vector<256xf32>
    %reduce_sum3A_717 = vector.multi_reduction <add>, %exp3A_715, %reduce_sum3A_716 [1] : vector<256x8xf32> to vector<256xf32>
    %broadcast_in_dim3A_718 = vector.shape_cast %reduce_sum3A_717 : vector<256xf32> to vector<256x1xf32>
    %div3A_719 = vector.broadcast %broadcast_in_dim3A_718 : vector<256x1xf32> to vector<256x8xf32>
    %div3A_720 = arith.divf %exp3A_715, %div3A_719 : vector<256x8xf32>
    %get3A_721 = arith.constant 16 : index
    %get3A_722 = arith.constant 0 : index
    %get3A_723 = vector.load %arg7[%get3A_721, %get3A_722] : memref<256x128xf32, #tpu.memory_space<vmem>>, vector<8x128xf32>
    %dot_general3A_724 = arith.constant dense<0.000000e+00> : vector<256x128xf32>
    %dot_general3A_725 = tpu.matmul %div3A_720, %get3A_723, %dot_general3A_724 {dimension_numbers = #tpu.dot_dimension_numbers<[1], [0], [0], [1], [0, 0, 1, 1], [], []>, transpose_lhs_hint = false} : vector<256x8xf32>, vector<8x128xf32>, vector<256x128xf32> -> vector<256x128xf32>
    %add3A_726 = arith.addf %add3A_700, %dot_general3A_725 : vector<256x128xf32>
    %slice3A_727 = vector.extract_strided_slice %dot_general3A_648 {offsets = [0, 24], sizes = [256, 8], strides = [1, 1]} : vector<256x32xf32> to vector<256x8xf32>
    %lt3A_728 = arith.constant 6 : i32
    %lt3A_729 = vector.broadcast %lt3A_728 : i32 to vector<1x8xi32>
    %lt3A_730 = arith.cmpi slt, %iota3A, %lt3A_729 : vector<1x8xi32>
    %jit3A_731 = arith.constant -1.000000e+30 : f32
    %broadcast_in_dim3A_732 = vector.shape_cast %lt3A_730 : vector<1x8xi1> to vector<1x8xi1>
    %broadcast_in_dim3A_733 = vector.broadcast %broadcast_in_dim3A_732 : vector<1x8xi1> to vector<256x8xi1>
    %broadcast_in_dim3A_734 = vector.broadcast %jit3A_731 : f32 to vector<256x8xf32>
    %select_n3A_735 = arith.select %broadcast_in_dim3A_733, %slice3A_727, %broadcast_in_dim3A_734 : vector<256x8xi1>, vector<256x8xf32>
    %reduce_max3A_736 = arith.constant dense<0xFF800000> : vector<256xf32>
    %reduce_max3A_737 = vector.multi_reduction <maximumf>, %select_n3A_735, %reduce_max3A_736 [1] : vector<256x8xf32> to vector<256xf32>
    %broadcast_in_dim3A_738 = vector.shape_cast %reduce_max3A_737 : vector<256xf32> to vector<256x1xf32>
    %sub3A_739 = vector.broadcast %broadcast_in_dim3A_738 : vector<256x1xf32> to vector<256x8xf32>
    %sub3A_740 = arith.subf %select_n3A_735, %sub3A_739 : vector<256x8xf32>
    %exp3A_741 = math.exp %sub3A_740 : vector<256x8xf32>
    %reduce_sum3A_742 = arith.constant dense<0.000000e+00> : vector<256xf32>
    %reduce_sum3A_743 = vector.multi_reduction <add>, %exp3A_741, %reduce_sum3A_742 [1] : vector<256x8xf32> to vector<256xf32>
    %broadcast_in_dim3A_744 = vector.shape_cast %reduce_sum3A_743 : vector<256xf32> to vector<256x1xf32>
    %div3A_745 = vector.broadcast %broadcast_in_dim3A_744 : vector<256x1xf32> to vector<256x8xf32>
    %div3A_746 = arith.divf %exp3A_741, %div3A_745 : vector<256x8xf32>
    %get3A_747 = arith.constant 24 : index
    %get3A_748 = arith.constant 0 : index
    %get3A_749 = vector.load %arg7[%get3A_747, %get3A_748] : memref<256x128xf32, #tpu.memory_space<vmem>>, vector<8x128xf32>
    %dot_general3A_750 = arith.constant dense<0.000000e+00> : vector<256x128xf32>
    %dot_general3A_751 = tpu.matmul %div3A_746, %get3A_749, %dot_general3A_750 {dimension_numbers = #tpu.dot_dimension_numbers<[1], [0], [0], [1], [0, 0, 1, 1], [], []>, transpose_lhs_hint = false} : vector<256x8xf32>, vector<8x128xf32>, vector<256x128xf32> -> vector<256x128xf32>
    %add3A_752 = arith.addf %add3A_726, %dot_general3A_751 : vector<256x128xf32>
    %dot_general3A_753 = arith.constant dense<0.000000e+00> : vector<256x128xf32>
    %dot_general3A_754 = tpu.matmul %add3A_752, %get3A_536, %dot_general3A_753 {dimension_numbers = #tpu.dot_dimension_numbers<[1], [0], [0], [1], [0, 0, 1, 1], [], []>, transpose_lhs_hint = false} : vector<256x128xf32>, vector<128x128xf32>, vector<256x128xf32> -> vector<256x128xf32>
    %add3A_755 = vector.broadcast %get3A_539 : vector<1x128xf32> to vector<256x128xf32>
    %add3A_756 = arith.addf %dot_general3A_754, %add3A_755 : vector<256x128xf32>
    %reduce_sum3A_757 = arith.constant dense<0.000000e+00> : vector<256xf32>
    %reduce_sum3A_758 = vector.multi_reduction <add>, %add3A_644, %reduce_sum3A_757 [1] : vector<256x64xf32> to vector<256xf32>
    %broadcast_in_dim3A_759 = vector.shape_cast %reduce_sum3A_758 : vector<256xf32> to vector<256x1xf32>
    %reduce_sum3A_760 = arith.constant dense<0.000000e+00> : vector<256xf32>
    %reduce_sum3A_761 = vector.multi_reduction <add>, %add3A_756, %reduce_sum3A_760 [1] : vector<256x128xf32> to vector<256xf32>
    %broadcast_in_dim3A_762 = vector.shape_cast %reduce_sum3A_761 : vector<256xf32> to vector<256x1xf32>
    %add3A_763 = arith.addf %broadcast_in_dim3A_759, %broadcast_in_dim3A_762 : vector<256x1xf32>
    %mul3A_764 = arith.constant 0.00520833349 : f32
    %mul3A_765 = vector.broadcast %mul3A_764 : f32 to vector<256x1xf32>
    %mul3A_766 = arith.mulf %add3A_763, %mul3A_765 : vector<256x1xf32>
    %mul3A_767 = arith.mulf %add3A_644, %add3A_644 : vector<256x64xf32>
    %reduce_sum3A_768 = arith.constant dense<0.000000e+00> : vector<256xf32>
    %reduce_sum3A_769 = vector.multi_reduction <add>, %mul3A_767, %reduce_sum3A_768 [1] : vector<256x64xf32> to vector<256xf32>
    %broadcast_in_dim3A_770 = vector.shape_cast %reduce_sum3A_769 : vector<256xf32> to vector<256x1xf32>
    %mul3A_771 = arith.mulf %add3A_756, %add3A_756 : vector<256x128xf32>
    %reduce_sum3A_772 = arith.constant dense<0.000000e+00> : vector<256xf32>
    %reduce_sum3A_773 = vector.multi_reduction <add>, %mul3A_771, %reduce_sum3A_772 [1] : vector<256x128xf32> to vector<256xf32>
    %broadcast_in_dim3A_774 = vector.shape_cast %reduce_sum3A_773 : vector<256xf32> to vector<256x1xf32>
    %add3A_775 = arith.addf %broadcast_in_dim3A_770, %broadcast_in_dim3A_774 : vector<256x1xf32>
    %mul3A_776 = arith.constant 0.00520833349 : f32
    %mul3A_777 = vector.broadcast %mul3A_776 : f32 to vector<256x1xf32>
    %mul3A_778 = arith.mulf %add3A_775, %mul3A_777 : vector<256x1xf32>
    %mul3A_779 = arith.mulf %mul3A_766, %mul3A_766 : vector<256x1xf32>
    %sub3A_780 = arith.subf %mul3A_778, %mul3A_779 : vector<256x1xf32>
    %add3A_781 = arith.constant 9.99999974E-6 : f32
    %add3A_782 = vector.broadcast %add3A_781 : f32 to vector<256x1xf32>
    %add3A_783 = arith.addf %sub3A_780, %add3A_782 : vector<256x1xf32>
    %rsqrt3A = math.rsqrt %add3A_783 : vector<256x1xf32>
    %sub3A_784 = vector.broadcast %mul3A_766 : vector<256x1xf32> to vector<256x64xf32>
    %sub3A_785 = arith.subf %add3A_644, %sub3A_784 : vector<256x64xf32>
    %mul3A_786 = vector.broadcast %rsqrt3A : vector<256x1xf32> to vector<256x64xf32>
    %mul3A_787 = arith.mulf %sub3A_785, %mul3A_786 : vector<256x64xf32>
    %mul3A_788 = vector.broadcast %get3A_542 : vector<1x64xf32> to vector<256x64xf32>
    %mul3A_789 = arith.mulf %mul3A_787, %mul3A_788 : vector<256x64xf32>
    %add3A_790 = vector.broadcast %get3A_545 : vector<1x64xf32> to vector<256x64xf32>
    %add3A_791 = arith.addf %mul3A_789, %add3A_790 : vector<256x64xf32>
    %sub3A_792 = vector.broadcast %mul3A_766 : vector<256x1xf32> to vector<256x128xf32>
    %sub3A_793 = arith.subf %add3A_756, %sub3A_792 : vector<256x128xf32>
    %mul3A_794 = vector.broadcast %rsqrt3A : vector<256x1xf32> to vector<256x128xf32>
    %mul3A_795 = arith.mulf %sub3A_793, %mul3A_794 : vector<256x128xf32>
    %mul3A_796 = vector.broadcast %get3A_548 : vector<1x128xf32> to vector<256x128xf32>
    %mul3A_797 = arith.mulf %mul3A_795, %mul3A_796 : vector<256x128xf32>
    %add3A_798 = vector.broadcast %get3A_551 : vector<1x128xf32> to vector<256x128xf32>
    %add3A_799 = arith.addf %mul3A_797, %add3A_798 : vector<256x128xf32>
    %dot_general3A_800 = arith.constant dense<0.000000e+00> : vector<256x64xf32>
    %dot_general3A_801 = tpu.matmul %add3A_791, %get3A_554, %dot_general3A_800 {dimension_numbers = #tpu.dot_dimension_numbers<[1], [0], [0], [1], [0, 0, 1, 1], [], []>, transpose_lhs_hint = false} : vector<256x64xf32>, vector<64x64xf32>, vector<256x64xf32> -> vector<256x64xf32>
    %dot_general3A_802 = arith.constant dense<0.000000e+00> : vector<256x64xf32>
    %dot_general3A_803 = tpu.matmul %add3A_799, %get3A_557, %dot_general3A_802 {dimension_numbers = #tpu.dot_dimension_numbers<[1], [0], [0], [1], [0, 0, 1, 1], [], []>, transpose_lhs_hint = false} : vector<256x128xf32>, vector<128x64xf32>, vector<256x64xf32> -> vector<256x64xf32>
    %add3A_804 = arith.addf %dot_general3A_801, %dot_general3A_803 : vector<256x64xf32>
    %add3A_805 = vector.broadcast %get3A_560 : vector<1x64xf32> to vector<256x64xf32>
    %add3A_806 = arith.addf %add3A_804, %add3A_805 : vector<256x64xf32>
    %mul3A_807 = arith.constant 5.000000e-01 : f32
    %mul3A_808 = vector.broadcast %mul3A_807 : f32 to vector<256x64xf32>
    %mul3A_809 = arith.mulf %mul3A_808, %add3A_806 : vector<256x64xf32>
    %mul3A_810 = arith.constant 0.707106769 : f32
    %mul3A_811 = vector.broadcast %mul3A_810 : f32 to vector<256x64xf32>
    %mul3A_812 = arith.mulf %add3A_806, %mul3A_811 : vector<256x64xf32>
    %erf3A = math.erf %mul3A_812 : vector<256x64xf32>
    %add3A_813 = arith.constant 1.000000e+00 : f32
    %add3A_814 = vector.broadcast %add3A_813 : f32 to vector<256x64xf32>
    %add3A_815 = arith.addf %add3A_814, %erf3A : vector<256x64xf32>
    %mul3A_816 = arith.mulf %mul3A_809, %add3A_815 : vector<256x64xf32>
    %dot_general3A_817 = arith.constant dense<0.000000e+00> : vector<256x2xf32>
    %dot_general3A_818 = tpu.matmul %mul3A_816, %get3A_563, %dot_general3A_817 {dimension_numbers = #tpu.dot_dimension_numbers<[1], [0], [0], [1], [0, 0, 1, 1], [], []>, transpose_lhs_hint = false} : vector<256x64xf32>, vector<64x2xf32>, vector<256x2xf32> -> vector<256x2xf32>
    %add3A_819 = vector.broadcast %get3A_566 : vector<1x2xf32> to vector<256x2xf32>
    %add3A_820 = arith.addf %dot_general3A_818, %add3A_819 : vector<256x2xf32>
    %get3A_821 = arith.constant 0 : index
    %get3A_822 = arith.constant 0 : index
    %get3A_823 = vector.load %arg5[%get3A_821, %get3A_822] : memref<256x8xf32, #tpu.memory_space<vmem>>, vector<256x1xf32>
    %ne3A_824 = arith.constant 0.000000e+00 : f32
    %ne3A_825 = vector.broadcast %ne3A_824 : f32 to vector<256x1xf32>
    %ne3A_826 = arith.cmpf one, %get3A_823, %ne3A_825 : vector<256x1xf32>
    %convert_element_type3A = arith.extui %ne3A_826 : vector<256x1xi1> to vector<256x1xi32>
    %convert_element_type3A_827 = arith.sitofp %convert_element_type3A : vector<256x1xi32> to vector<256x1xf32>
    %mul3A_828 = vector.broadcast %convert_element_type3A_827 : vector<256x1xf32> to vector<256x2xf32>
    %mul3A_829 = arith.mulf %add3A_820, %mul3A_828 : vector<256x2xf32>
    %swap3A = arith.constant 0 : index
    %swap3A_830 = arith.constant 0 : index
    %swap3A_831 = arith.constant 0 : index
    %swap3A_832 = vector.load %arg20[%swap3A, %swap3A_830, %swap3A_831] : memref<8x256x2xf32, #tpu.memory_space<vmem>>, vector<1x256x2xf32>
    %swap3A_833 = vector.shape_cast %swap3A_832 : vector<1x256x2xf32> to vector<256x2xf32>
    %swap3A_834 = vector.shape_cast %mul3A_829 : vector<256x2xf32> to vector<1x256x2xf32>
    tpu.vector_store %arg20[%swap3A, %swap3A_830, %swap3A_831], %swap3A_834 {strides = array<i32>} : memref<8x256x2xf32, #tpu.memory_space<vmem>>, vector<1x256x2xf32>,
    %slice3A_835 = vector.extract_strided_slice %exp3A {offsets = [0, 1], sizes = [256, 1], strides = [1, 1]} : vector<256x8xf32> to vector<256x1xf32>
    %mul3A_836 = vector.broadcast %slice3A_835 : vector<256x1xf32> to vector<256x64xf32>
    %mul3A_837 = arith.mulf %mul3A_836, %slice3A_14 : vector<256x64xf32>
    %slice3A_838 = vector.extract_strided_slice %exp3A_389 {offsets = [0, 1], sizes = [256, 1], strides = [1, 1]} : vector<256x8xf32> to vector<256x1xf32>
    %mul3A_839 = vector.broadcast %slice3A_838 : vector<256x1xf32> to vector<256x64xf32>
    %mul3A_840 = arith.mulf %mul3A_839, %slice3A_30 : vector<256x64xf32>
    %add3A_841 = arith.addf %mul3A_837, %mul3A_840 : vector<256x64xf32>
    %slice3A_842 = vector.extract_strided_slice %exp3A_391 {offsets = [0, 1], sizes = [256, 1], strides = [1, 1]} : vector<256x8xf32> to vector<256x1xf32>
    %mul3A_843 = vector.broadcast %slice3A_842 : vector<256x1xf32> to vector<256x64xf32>
    %mul3A_844 = arith.mulf %mul3A_843, %slice3A_53 : vector<256x64xf32>
    %add3A_845 = arith.addf %add3A_841, %mul3A_844 : vector<256x64xf32>
    %slice3A_846 = vector.extract_strided_slice %exp3A_393 {offsets = [0, 1], sizes = [256, 1], strides = [1, 1]} : vector<256x8xf32> to vector<256x1xf32>
    %mul3A_847 = vector.broadcast %slice3A_846 : vector<256x1xf32> to vector<256x64xf32>
    %mul3A_848 = arith.mulf %mul3A_847, %slice3A_76 : vector<256x64xf32>
    %add3A_849 = arith.addf %add3A_845, %mul3A_848 : vector<256x64xf32>
    %slice3A_850 = vector.extract_strided_slice %exp3A_395 {offsets = [0, 1], sizes = [256, 1], strides = [1, 1]} : vector<256x8xf32> to vector<256x1xf32>
    %mul3A_851 = vector.broadcast %slice3A_850 : vector<256x1xf32> to vector<256x64xf32>
    %mul3A_852 = arith.mulf %mul3A_851, %slice3A_99 : vector<256x64xf32>
    %add3A_853 = arith.addf %add3A_849, %mul3A_852 : vector<256x64xf32>
    %slice3A_854 = vector.extract_strided_slice %exp3A_397 {offsets = [0, 1], sizes = [256, 1], strides = [1, 1]} : vector<256x8xf32> to vector<256x1xf32>
    %mul3A_855 = vector.broadcast %slice3A_854 : vector<256x1xf32> to vector<256x64xf32>
    %mul3A_856 = arith.mulf %mul3A_855, %slice3A_122 : vector<256x64xf32>
    %add3A_857 = arith.addf %add3A_853, %mul3A_856 : vector<256x64xf32>
    %slice3A_858 = vector.extract_strided_slice %exp3A_399 {offsets = [0, 1], sizes = [256, 1], strides = [1, 1]} : vector<256x8xf32> to vector<256x1xf32>
    %mul3A_859 = vector.broadcast %slice3A_858 : vector<256x1xf32> to vector<256x64xf32>
    %mul3A_860 = arith.mulf %mul3A_859, %slice3A_145 : vector<256x64xf32>
    %add3A_861 = arith.addf %add3A_857, %mul3A_860 : vector<256x64xf32>
    %slice3A_862 = vector.extract_strided_slice %exp3A_401 {offsets = [0, 1], sizes = [256, 1], strides = [1, 1]} : vector<256x8xf32> to vector<256x1xf32>
    %mul3A_863 = vector.broadcast %slice3A_862 : vector<256x1xf32> to vector<256x64xf32>
    %mul3A_864 = arith.mulf %mul3A_863, %slice3A_168 : vector<256x64xf32>
    %add3A_865 = arith.addf %add3A_861, %mul3A_864 : vector<256x64xf32>
    %slice3A_866 = vector.extract_strided_slice %exp3A_403 {offsets = [0, 1], sizes = [256, 1], strides = [1, 1]} : vector<256x8xf32> to vector<256x1xf32>
    %mul3A_867 = vector.broadcast %slice3A_866 : vector<256x1xf32> to vector<256x64xf32>
    %mul3A_868 = arith.mulf %mul3A_867, %slice3A_191 : vector<256x64xf32>
    %add3A_869 = arith.addf %add3A_865, %mul3A_868 : vector<256x64xf32>
    %slice3A_870 = vector.extract_strided_slice %exp3A_405 {offsets = [0, 1], sizes = [256, 1], strides = [1, 1]} : vector<256x8xf32> to vector<256x1xf32>
    %mul3A_871 = vector.broadcast %slice3A_870 : vector<256x1xf32> to vector<256x64xf32>
    %mul3A_872 = arith.mulf %mul3A_871, %slice3A_214 : vector<256x64xf32>
    %add3A_873 = arith.addf %add3A_869, %mul3A_872 : vector<256x64xf32>
    %slice3A_874 = vector.extract_strided_slice %exp3A_407 {offsets = [0, 1], sizes = [256, 1], strides = [1, 1]} : vector<256x8xf32> to vector<256x1xf32>
    %mul3A_875 = vector.broadcast %slice3A_874 : vector<256x1xf32> to vector<256x64xf32>
    %mul3A_876 = arith.mulf %mul3A_875, %slice3A_237 : vector<256x64xf32>
    %add3A_877 = arith.addf %add3A_873, %mul3A_876 : vector<256x64xf32>
    %slice3A_878 = vector.extract_strided_slice %exp3A_409 {offsets = [0, 1], sizes = [256, 1], strides = [1, 1]} : vector<256x8xf32> to vector<256x1xf32>
    %mul3A_879 = vector.broadcast %slice3A_878 : vector<256x1xf32> to vector<256x64xf32>
    %mul3A_880 = arith.mulf %mul3A_879, %slice3A_260 : vector<256x64xf32>
    %add3A_881 = arith.addf %add3A_877, %mul3A_880 : vector<256x64xf32>
    %slice3A_882 = vector.extract_strided_slice %exp3A_411 {offsets = [0, 1], sizes = [256, 1], strides = [1, 1]} : vector<256x8xf32> to vector<256x1xf32>
    %mul3A_883 = vector.broadcast %slice3A_882 : vector<256x1xf32> to vector<256x64xf32>
    %mul3A_884 = arith.mulf %mul3A_883, %slice3A_283 : vector<256x64xf32>
    %add3A_885 = arith.addf %add3A_881, %mul3A_884 : vector<256x64xf32>
    %slice3A_886 = vector.extract_strided_slice %exp3A_413 {offsets = [0, 1], sizes = [256, 1], strides = [1, 1]} : vector<256x8xf32> to vector<256x1xf32>
    %mul3A_887 = vector.broadcast %slice3A_886 : vector<256x1xf32> to vector<256x64xf32>
    %mul3A_888 = arith.mulf %mul3A_887, %slice3A_306 : vector<256x64xf32>
    %add3A_889 = arith.addf %add3A_885, %mul3A_888 : vector<256x64xf32>
    %slice3A_890 = vector.extract_strided_slice %exp3A_415 {offsets = [0, 1], sizes = [256, 1], strides = [1, 1]} : vector<256x8xf32> to vector<256x1xf32>
    %mul3A_891 = vector.broadcast %slice3A_890 : vector<256x1xf32> to vector<256x64xf32>
    %mul3A_892 = arith.mulf %mul3A_891, %slice3A_329 : vector<256x64xf32>
    %add3A_893 = arith.addf %add3A_889, %mul3A_892 : vector<256x64xf32>
    %slice3A_894 = vector.extract_strided_slice %exp3A_417 {offsets = [0, 1], sizes = [256, 1], strides = [1, 1]} : vector<256x8xf32> to vector<256x1xf32>
    %mul3A_895 = vector.broadcast %slice3A_894 : vector<256x1xf32> to vector<256x64xf32>
    %mul3A_896 = arith.mulf %mul3A_895, %slice3A_352 : vector<256x64xf32>
    %add3A_897 = arith.addf %add3A_893, %mul3A_896 : vector<256x64xf32>
    %slice3A_898 = vector.extract_strided_slice %div3A_434 {offsets = [0, 1], sizes = [256, 1], strides = [1, 1]} : vector<256x8xf32> to vector<256x1xf32>
    %mul3A_899 = vector.broadcast %slice3A_898 : vector<256x1xf32> to vector<256x64xf32>
    %mul3A_900 = arith.mulf %add3A_897, %mul3A_899 : vector<256x64xf32>
    %slice3A_901 = vector.extract_strided_slice %mul3A_529 {offsets = [0, 1], sizes = [256, 1], strides = [1, 1]} : vector<256x8xf32> to vector<256x1xf32>
    %slice3A_902 = vector.extract_strided_slice %get3A_533 {offsets = [0, 0], sizes = [1, 64], strides = [1, 1]} : vector<8x64xf32> to vector<1x64xf32>
    %mul3A_903 = vector.broadcast %slice3A_901 : vector<256x1xf32> to vector<256x64xf32>
    %mul3A_904 = vector.broadcast %slice3A_902 : vector<1x64xf32> to vector<256x64xf32>
    %mul3A_905 = arith.mulf %mul3A_903, %mul3A_904 : vector<256x64xf32>
    %add3A_906 = arith.addf %mul3A_900, %mul3A_905 : vector<256x64xf32>
    %slice3A_907 = vector.extract_strided_slice %mul3A_530 {offsets = [0, 1], sizes = [256, 1], strides = [1, 1]} : vector<256x8xf32> to vector<256x1xf32>
    %slice3A_908 = vector.extract_strided_slice %get3A_533 {offsets = [1, 0], sizes = [1, 64], strides = [1, 1]} : vector<8x64xf32> to vector<1x64xf32>
    %mul3A_909 = vector.broadcast %slice3A_907 : vector<256x1xf32> to vector<256x64xf32>
    %mul3A_910 = vector.broadcast %slice3A_908 : vector<1x64xf32> to vector<256x64xf32>
    %mul3A_911 = arith.mulf %mul3A_909, %mul3A_910 : vector<256x64xf32>
    %add3A_912 = arith.addf %add3A_906, %mul3A_911 : vector<256x64xf32>
    %get3A_913 = arith.constant 128 : index
    %get3A_914 = arith.constant 0 : index
    %get3A_915 = vector.load %arg6[%get3A_913, %get3A_914] : memref<1024x32xf32, #tpu.memory_space<vmem>>, vector<128x32xf32>
    %dot_general3A_916 = arith.constant dense<0.000000e+00> : vector<256x32xf32>
    %dot_general3A_917 = tpu.matmul %get3A_10, %get3A_915, %dot_general3A_916 {dimension_numbers = #tpu.dot_dimension_numbers<[1], [0], [0], [1], [0, 0, 1, 1], [], []>, transpose_lhs_hint = false} : vector<256x128xf32>, vector<128x32xf32>, vector<256x32xf32> -> vector<256x32xf32>
    %broadcast_in_dim3A_918 = arith.constant 0.000000e+00 : f32
    %broadcast_in_dim3A_919 = vector.broadcast %broadcast_in_dim3A_918 : f32 to vector<256x128xf32>
    %slice3A_920 = vector.extract_strided_slice %dot_general3A_917 {offsets = [0, 0], sizes = [256, 8], strides = [1, 1]} : vector<256x32xf32> to vector<256x8xf32>
    %lt3A_921 = arith.constant 6 : i32
    %lt3A_922 = vector.broadcast %lt3A_921 : i32 to vector<1x8xi32>
    %lt3A_923 = arith.cmpi slt, %iota3A, %lt3A_922 : vector<1x8xi32>
    %jit3A_924 = arith.constant -1.000000e+30 : f32
    %broadcast_in_dim3A_925 = vector.shape_cast %lt3A_923 : vector<1x8xi1> to vector<1x8xi1>
    %broadcast_in_dim3A_926 = vector.broadcast %broadcast_in_dim3A_925 : vector<1x8xi1> to vector<256x8xi1>
    %broadcast_in_dim3A_927 = vector.broadcast %jit3A_924 : f32 to vector<256x8xf32>
    %select_n3A_928 = arith.select %broadcast_in_dim3A_926, %slice3A_920, %broadcast_in_dim3A_927 : vector<256x8xi1>, vector<256x8xf32>
    %reduce_max3A_929 = arith.constant dense<0xFF800000> : vector<256xf32>
    %reduce_max3A_930 = vector.multi_reduction <maximumf>, %select_n3A_928, %reduce_max3A_929 [1] : vector<256x8xf32> to vector<256xf32>
    %broadcast_in_dim3A_931 = vector.shape_cast %reduce_max3A_930 : vector<256xf32> to vector<256x1xf32>
    %sub3A_932 = vector.broadcast %broadcast_in_dim3A_931 : vector<256x1xf32> to vector<256x8xf32>
    %sub3A_933 = arith.subf %select_n3A_928, %sub3A_932 : vector<256x8xf32>
    %exp3A_934 = math.exp %sub3A_933 : vector<256x8xf32>
    %reduce_sum3A_935 = arith.constant dense<0.000000e+00> : vector<256xf32>
    %reduce_sum3A_936 = vector.multi_reduction <add>, %exp3A_934, %reduce_sum3A_935 [1] : vector<256x8xf32> to vector<256xf32>
    %broadcast_in_dim3A_937 = vector.shape_cast %reduce_sum3A_936 : vector<256xf32> to vector<256x1xf32>
    %div3A_938 = vector.broadcast %broadcast_in_dim3A_937 : vector<256x1xf32> to vector<256x8xf32>
    %div3A_939 = arith.divf %exp3A_934, %div3A_938 : vector<256x8xf32>
    %get3A_940 = arith.constant 32 : index
    %get3A_941 = arith.constant 0 : index
    %get3A_942 = vector.load %arg7[%get3A_940, %get3A_941] : memref<256x128xf32, #tpu.memory_space<vmem>>, vector<8x128xf32>
    %dot_general3A_943 = arith.constant dense<0.000000e+00> : vector<256x128xf32>
    %dot_general3A_944 = tpu.matmul %div3A_939, %get3A_942, %dot_general3A_943 {dimension_numbers = #tpu.dot_dimension_numbers<[1], [0], [0], [1], [0, 0, 1, 1], [], []>, transpose_lhs_hint = false} : vector<256x8xf32>, vector<8x128xf32>, vector<256x128xf32> -> vector<256x128xf32>
    %add3A_945 = arith.addf %broadcast_in_dim3A_919, %dot_general3A_944 : vector<256x128xf32>
    %slice3A_946 = vector.extract_strided_slice %dot_general3A_917 {offsets = [0, 8], sizes = [256, 8], strides = [1, 1]} : vector<256x32xf32> to vector<256x8xf32>
    %lt3A_947 = arith.constant 6 : i32
    %lt3A_948 = vector.broadcast %lt3A_947 : i32 to vector<1x8xi32>
    %lt3A_949 = arith.cmpi slt, %iota3A, %lt3A_948 : vector<1x8xi32>
    %jit3A_950 = arith.constant -1.000000e+30 : f32
    %broadcast_in_dim3A_951 = vector.shape_cast %lt3A_949 : vector<1x8xi1> to vector<1x8xi1>
    %broadcast_in_dim3A_952 = vector.broadcast %broadcast_in_dim3A_951 : vector<1x8xi1> to vector<256x8xi1>
    %broadcast_in_dim3A_953 = vector.broadcast %jit3A_950 : f32 to vector<256x8xf32>
    %select_n3A_954 = arith.select %broadcast_in_dim3A_952, %slice3A_946, %broadcast_in_dim3A_953 : vector<256x8xi1>, vector<256x8xf32>
    %reduce_max3A_955 = arith.constant dense<0xFF800000> : vector<256xf32>
    %reduce_max3A_956 = vector.multi_reduction <maximumf>, %select_n3A_954, %reduce_max3A_955 [1] : vector<256x8xf32> to vector<256xf32>
    %broadcast_in_dim3A_957 = vector.shape_cast %reduce_max3A_956 : vector<256xf32> to vector<256x1xf32>
    %sub3A_958 = vector.broadcast %broadcast_in_dim3A_957 : vector<256x1xf32> to vector<256x8xf32>
    %sub3A_959 = arith.subf %select_n3A_954, %sub3A_958 : vector<256x8xf32>
    %exp3A_960 = math.exp %sub3A_959 : vector<256x8xf32>
    %reduce_sum3A_961 = arith.constant dense<0.000000e+00> : vector<256xf32>
    %reduce_sum3A_962 = vector.multi_reduction <add>, %exp3A_960, %reduce_sum3A_961 [1] : vector<256x8xf32> to vector<256xf32>
    %broadcast_in_dim3A_963 = vector.shape_cast %reduce_sum3A_962 : vector<256xf32> to vector<256x1xf32>
    %div3A_964 = vector.broadcast %broadcast_in_dim3A_963 : vector<256x1xf32> to vector<256x8xf32>
    %div3A_965 = arith.divf %exp3A_960, %div3A_964 : vector<256x8xf32>
    %get3A_966 = arith.constant 40 : index
    %get3A_967 = arith.constant 0 : index
    %get3A_968 = vector.load %arg7[%get3A_966, %get3A_967] : memref<256x128xf32, #tpu.memory_space<vmem>>, vector<8x128xf32>
    %dot_general3A_969 = arith.constant dense<0.000000e+00> : vector<256x128xf32>
    %dot_general3A_970 = tpu.matmul %div3A_965, %get3A_968, %dot_general3A_969 {dimension_numbers = #tpu.dot_dimension_numbers<[1], [0], [0], [1], [0, 0, 1, 1], [], []>, transpose_lhs_hint = false} : vector<256x8xf32>, vector<8x128xf32>, vector<256x128xf32> -> vector<256x128xf32>
    %add3A_971 = arith.addf %add3A_945, %dot_general3A_970 : vector<256x128xf32>
    %slice3A_972 = vector.extract_strided_slice %dot_general3A_917 {offsets = [0, 16], sizes = [256, 8], strides = [1, 1]} : vector<256x32xf32> to vector<256x8xf32>
    %lt3A_973 = arith.constant 6 : i32
    %lt3A_974 = vector.broadcast %lt3A_973 : i32 to vector<1x8xi32>
    %lt3A_975 = arith.cmpi slt, %iota3A, %lt3A_974 : vector<1x8xi32>
    %jit3A_976 = arith.constant -1.000000e+30 : f32
    %broadcast_in_dim3A_977 = vector.shape_cast %lt3A_975 : vector<1x8xi1> to vector<1x8xi1>
    %broadcast_in_dim3A_978 = vector.broadcast %broadcast_in_dim3A_977 : vector<1x8xi1> to vector<256x8xi1>
    %broadcast_in_dim3A_979 = vector.broadcast %jit3A_976 : f32 to vector<256x8xf32>
    %select_n3A_980 = arith.select %broadcast_in_dim3A_978, %slice3A_972, %broadcast_in_dim3A_979 : vector<256x8xi1>, vector<256x8xf32>
    %reduce_max3A_981 = arith.constant dense<0xFF800000> : vector<256xf32>
    %reduce_max3A_982 = vector.multi_reduction <maximumf>, %select_n3A_980, %reduce_max3A_981 [1] : vector<256x8xf32> to vector<256xf32>
    %broadcast_in_dim3A_983 = vector.shape_cast %reduce_max3A_982 : vector<256xf32> to vector<256x1xf32>
    %sub3A_984 = vector.broadcast %broadcast_in_dim3A_983 : vector<256x1xf32> to vector<256x8xf32>
    %sub3A_985 = arith.subf %select_n3A_980, %sub3A_984 : vector<256x8xf32>
    %exp3A_986 = math.exp %sub3A_985 : vector<256x8xf32>
    %reduce_sum3A_987 = arith.constant dense<0.000000e+00> : vector<256xf32>
    %reduce_sum3A_988 = vector.multi_reduction <add>, %exp3A_986, %reduce_sum3A_987 [1] : vector<256x8xf32> to vector<256xf32>
    %broadcast_in_dim3A_989 = vector.shape_cast %reduce_sum3A_988 : vector<256xf32> to vector<256x1xf32>
    %div3A_990 = vector.broadcast %broadcast_in_dim3A_989 : vector<256x1xf32> to vector<256x8xf32>
    %div3A_991 = arith.divf %exp3A_986, %div3A_990 : vector<256x8xf32>
    %get3A_992 = arith.constant 48 : index
    %get3A_993 = arith.constant 0 : index
    %get3A_994 = vector.load %arg7[%get3A_992, %get3A_993] : memref<256x128xf32, #tpu.memory_space<vmem>>, vector<8x128xf32>
    %dot_general3A_995 = arith.constant dense<0.000000e+00> : vector<256x128xf32>
    %dot_general3A_996 = tpu.matmul %div3A_991, %get3A_994, %dot_general3A_995 {dimension_numbers = #tpu.dot_dimension_numbers<[1], [0], [0], [1], [0, 0, 1, 1], [], []>, transpose_lhs_hint = false} : vector<256x8xf32>, vector<8x128xf32>, vector<256x128xf32> -> vector<256x128xf32>
    %add3A_997 = arith.addf %add3A_971, %dot_general3A_996 : vector<256x128xf32>
    %slice3A_998 = vector.extract_strided_slice %dot_general3A_917 {offsets = [0, 24], sizes = [256, 8], strides = [1, 1]} : vector<256x32xf32> to vector<256x8xf32>
    %lt3A_999 = arith.constant 6 : i32
    %lt3A_1000 = vector.broadcast %lt3A_999 : i32 to vector<1x8xi32>
    %lt3A_1001 = arith.cmpi slt, %iota3A, %lt3A_1000 : vector<1x8xi32>
    %jit3A_1002 = arith.constant -1.000000e+30 : f32
    %broadcast_in_dim3A_1003 = vector.shape_cast %lt3A_1001 : vector<1x8xi1> to vector<1x8xi1>
    %broadcast_in_dim3A_1004 = vector.broadcast %broadcast_in_dim3A_1003 : vector<1x8xi1> to vector<256x8xi1>
    %broadcast_in_dim3A_1005 = vector.broadcast %jit3A_1002 : f32 to vector<256x8xf32>
    %select_n3A_1006 = arith.select %broadcast_in_dim3A_1004, %slice3A_998, %broadcast_in_dim3A_1005 : vector<256x8xi1>, vector<256x8xf32>
    %reduce_max3A_1007 = arith.constant dense<0xFF800000> : vector<256xf32>
    %reduce_max3A_1008 = vector.multi_reduction <maximumf>, %select_n3A_1006, %reduce_max3A_1007 [1] : vector<256x8xf32> to vector<256xf32>
    %broadcast_in_dim3A_1009 = vector.shape_cast %reduce_max3A_1008 : vector<256xf32> to vector<256x1xf32>
    %sub3A_1010 = vector.broadcast %broadcast_in_dim3A_1009 : vector<256x1xf32> to vector<256x8xf32>
    %sub3A_1011 = arith.subf %select_n3A_1006, %sub3A_1010 : vector<256x8xf32>
    %exp3A_1012 = math.exp %sub3A_1011 : vector<256x8xf32>
    %reduce_sum3A_1013 = arith.constant dense<0.000000e+00> : vector<256xf32>
    %reduce_sum3A_1014 = vector.multi_reduction <add>, %exp3A_1012, %reduce_sum3A_1013 [1] : vector<256x8xf32> to vector<256xf32>
    %broadcast_in_dim3A_1015 = vector.shape_cast %reduce_sum3A_1014 : vector<256xf32> to vector<256x1xf32>
    %div3A_1016 = vector.broadcast %broadcast_in_dim3A_1015 : vector<256x1xf32> to vector<256x8xf32>
    %div3A_1017 = arith.divf %exp3A_1012, %div3A_1016 : vector<256x8xf32>
    %get3A_1018 = arith.constant 56 : index
    %get3A_1019 = arith.constant 0 : index
    %get3A_1020 = vector.load %arg7[%get3A_1018, %get3A_1019] : memref<256x128xf32, #tpu.memory_space<vmem>>, vector<8x128xf32>
    %dot_general3A_1021 = arith.constant dense<0.000000e+00> : vector<256x128xf32>
    %dot_general3A_1022 = tpu.matmul %div3A_1017, %get3A_1020, %dot_general3A_1021 {dimension_numbers = #tpu.dot_dimension_numbers<[1], [0], [0], [1], [0, 0, 1, 1], [], []>, transpose_lhs_hint = false} : vector<256x8xf32>, vector<8x128xf32>, vector<256x128xf32> -> vector<256x128xf32>
    %add3A_1023 = arith.addf %add3A_997, %dot_general3A_1022 : vector<256x128xf32>
    %dot_general3A_1024 = arith.constant dense<0.000000e+00> : vector<256x128xf32>
    %dot_general3A_1025 = tpu.matmul %add3A_1023, %get3A_536, %dot_general3A_1024 {dimension_numbers = #tpu.dot_dimension_numbers<[1], [0], [0], [1], [0, 0, 1, 1], [], []>, transpose_lhs_hint = false} : vector<256x128xf32>, vector<128x128xf32>, vector<256x128xf32> -> vector<256x128xf32>
    %add3A_1026 = vector.broadcast %get3A_539 : vector<1x128xf32> to vector<256x128xf32>
    %add3A_1027 = arith.addf %dot_general3A_1025, %add3A_1026 : vector<256x128xf32>
    %reduce_sum3A_1028 = arith.constant dense<0.000000e+00> : vector<256xf32>
    %reduce_sum3A_1029 = vector.multi_reduction <add>, %add3A_912, %reduce_sum3A_1028 [1] : vector<256x64xf32> to vector<256xf32>
    %broadcast_in_dim3A_1030 = vector.shape_cast %reduce_sum3A_1029 : vector<256xf32> to vector<256x1xf32>
    %reduce_sum3A_1031 = arith.constant dense<0.000000e+00> : vector<256xf32>
    %reduce_sum3A_1032 = vector.multi_reduction <add>, %add3A_1027, %reduce_sum3A_1031 [1] : vector<256x128xf32> to vector<256xf32>
    %broadcast_in_dim3A_1033 = vector.shape_cast %reduce_sum3A_1032 : vector<256xf32> to vector<256x1xf32>
    %add3A_1034 = arith.addf %broadcast_in_dim3A_1030, %broadcast_in_dim3A_1033 : vector<256x1xf32>
    %mul3A_1035 = arith.constant 0.00520833349 : f32
    %mul3A_1036 = vector.broadcast %mul3A_1035 : f32 to vector<256x1xf32>
    %mul3A_1037 = arith.mulf %add3A_1034, %mul3A_1036 : vector<256x1xf32>
    %mul3A_1038 = arith.mulf %add3A_912, %add3A_912 : vector<256x64xf32>
    %reduce_sum3A_1039 = arith.constant dense<0.000000e+00> : vector<256xf32>
    %reduce_sum3A_1040 = vector.multi_reduction <add>, %mul3A_1038, %reduce_sum3A_1039 [1] : vector<256x64xf32> to vector<256xf32>
    %broadcast_in_dim3A_1041 = vector.shape_cast %reduce_sum3A_1040 : vector<256xf32> to vector<256x1xf32>
    %mul3A_1042 = arith.mulf %add3A_1027, %add3A_1027 : vector<256x128xf32>
    %reduce_sum3A_1043 = arith.constant dense<0.000000e+00> : vector<256xf32>
    %reduce_sum3A_1044 = vector.multi_reduction <add>, %mul3A_1042, %reduce_sum3A_1043 [1] : vector<256x128xf32> to vector<256xf32>
    %broadcast_in_dim3A_1045 = vector.shape_cast %reduce_sum3A_1044 : vector<256xf32> to vector<256x1xf32>
    %add3A_1046 = arith.addf %broadcast_in_dim3A_1041, %broadcast_in_dim3A_1045 : vector<256x1xf32>
    %mul3A_1047 = arith.constant 0.00520833349 : f32
    %mul3A_1048 = vector.broadcast %mul3A_1047 : f32 to vector<256x1xf32>
    %mul3A_1049 = arith.mulf %add3A_1046, %mul3A_1048 : vector<256x1xf32>
    %mul3A_1050 = arith.mulf %mul3A_1037, %mul3A_1037 : vector<256x1xf32>
    %sub3A_1051 = arith.subf %mul3A_1049, %mul3A_1050 : vector<256x1xf32>
    %add3A_1052 = arith.constant 9.99999974E-6 : f32
    %add3A_1053 = vector.broadcast %add3A_1052 : f32 to vector<256x1xf32>
    %add3A_1054 = arith.addf %sub3A_1051, %add3A_1053 : vector<256x1xf32>
    %rsqrt3A_1055 = math.rsqrt %add3A_1054 : vector<256x1xf32>
    %sub3A_1056 = vector.broadcast %mul3A_1037 : vector<256x1xf32> to vector<256x64xf32>
    %sub3A_1057 = arith.subf %add3A_912, %sub3A_1056 : vector<256x64xf32>
    %mul3A_1058 = vector.broadcast %rsqrt3A_1055 : vector<256x1xf32> to vector<256x64xf32>
    %mul3A_1059 = arith.mulf %sub3A_1057, %mul3A_1058 : vector<256x64xf32>
    %mul3A_1060 = vector.broadcast %get3A_542 : vector<1x64xf32> to vector<256x64xf32>
    %mul3A_1061 = arith.mulf %mul3A_1059, %mul3A_1060 : vector<256x64xf32>
    %add3A_1062 = vector.broadcast %get3A_545 : vector<1x64xf32> to vector<256x64xf32>
    %add3A_1063 = arith.addf %mul3A_1061, %add3A_1062 : vector<256x64xf32>
    %sub3A_1064 = vector.broadcast %mul3A_1037 : vector<256x1xf32> to vector<256x128xf32>
    %sub3A_1065 = arith.subf %add3A_1027, %sub3A_1064 : vector<256x128xf32>
    %mul3A_1066 = vector.broadcast %rsqrt3A_1055 : vector<256x1xf32> to vector<256x128xf32>
    %mul3A_1067 = arith.mulf %sub3A_1065, %mul3A_1066 : vector<256x128xf32>
    %mul3A_1068 = vector.broadcast %get3A_548 : vector<1x128xf32> to vector<256x128xf32>
    %mul3A_1069 = arith.mulf %mul3A_1067, %mul3A_1068 : vector<256x128xf32>
    %add3A_1070 = vector.broadcast %get3A_551 : vector<1x128xf32> to vector<256x128xf32>
    %add3A_1071 = arith.addf %mul3A_1069, %add3A_1070 : vector<256x128xf32>
    %dot_general3A_1072 = arith.constant dense<0.000000e+00> : vector<256x64xf32>
    %dot_general3A_1073 = tpu.matmul %add3A_1063, %get3A_554, %dot_general3A_1072 {dimension_numbers = #tpu.dot_dimension_numbers<[1], [0], [0], [1], [0, 0, 1, 1], [], []>, transpose_lhs_hint = false} : vector<256x64xf32>, vector<64x64xf32>, vector<256x64xf32> -> vector<256x64xf32>
    %dot_general3A_1074 = arith.constant dense<0.000000e+00> : vector<256x64xf32>
    %dot_general3A_1075 = tpu.matmul %add3A_1071, %get3A_557, %dot_general3A_1074 {dimension_numbers = #tpu.dot_dimension_numbers<[1], [0], [0], [1], [0, 0, 1, 1], [], []>, transpose_lhs_hint = false} : vector<256x128xf32>, vector<128x64xf32>, vector<256x64xf32> -> vector<256x64xf32>
    %add3A_1076 = arith.addf %dot_general3A_1073, %dot_general3A_1075 : vector<256x64xf32>
    %add3A_1077 = vector.broadcast %get3A_560 : vector<1x64xf32> to vector<256x64xf32>
    %add3A_1078 = arith.addf %add3A_1076, %add3A_1077 : vector<256x64xf32>
    %mul3A_1079 = arith.constant 5.000000e-01 : f32
    %mul3A_1080 = vector.broadcast %mul3A_1079 : f32 to vector<256x64xf32>
    %mul3A_1081 = arith.mulf %mul3A_1080, %add3A_1078 : vector<256x64xf32>
    %mul3A_1082 = arith.constant 0.707106769 : f32
    %mul3A_1083 = vector.broadcast %mul3A_1082 : f32 to vector<256x64xf32>
    %mul3A_1084 = arith.mulf %add3A_1078, %mul3A_1083 : vector<256x64xf32>
    %erf3A_1085 = math.erf %mul3A_1084 : vector<256x64xf32>
    %add3A_1086 = arith.constant 1.000000e+00 : f32
    %add3A_1087 = vector.broadcast %add3A_1086 : f32 to vector<256x64xf32>
    %add3A_1088 = arith.addf %add3A_1087, %erf3A_1085 : vector<256x64xf32>
    %mul3A_1089 = arith.mulf %mul3A_1081, %add3A_1088 : vector<256x64xf32>
    %dot_general3A_1090 = arith.constant dense<0.000000e+00> : vector<256x2xf32>
    %dot_general3A_1091 = tpu.matmul %mul3A_1089, %get3A_563, %dot_general3A_1090 {dimension_numbers = #tpu.dot_dimension_numbers<[1], [0], [0], [1], [0, 0, 1, 1], [], []>, transpose_lhs_hint = false} : vector<256x64xf32>, vector<64x2xf32>, vector<256x2xf32> -> vector<256x2xf32>
    %add3A_1092 = vector.broadcast %get3A_566 : vector<1x2xf32> to vector<256x2xf32>
    %add3A_1093 = arith.addf %dot_general3A_1091, %add3A_1092 : vector<256x2xf32>
    %get3A_1094 = arith.constant 0 : index
    %get3A_1095 = arith.constant 1 : index
    %get3A_1096 = vector.load %arg5[%get3A_1094, %get3A_1095] : memref<256x8xf32, #tpu.memory_space<vmem>>, vector<256x1xf32>
    %ne3A_1097 = arith.constant 0.000000e+00 : f32
    %ne3A_1098 = vector.broadcast %ne3A_1097 : f32 to vector<256x1xf32>
    %ne3A_1099 = arith.cmpf one, %get3A_1096, %ne3A_1098 : vector<256x1xf32>
    %convert_element_type3A_1100 = arith.extui %ne3A_1099 : vector<256x1xi1> to vector<256x1xi32>
    %convert_element_type3A_1101 = arith.sitofp %convert_element_type3A_1100 : vector<256x1xi32> to vector<256x1xf32>
    %mul3A_1102 = vector.broadcast %convert_element_type3A_1101 : vector<256x1xf32> to vector<256x2xf32>
    %mul3A_1103 = arith.mulf %add3A_1093, %mul3A_1102 : vector<256x2xf32>
    %swap3A_1104 = arith.constant 1 : index
    %swap3A_1105 = arith.constant 0 : index
    %swap3A_1106 = arith.constant 0 : index
    %swap3A_1107 = vector.load %arg20[%swap3A_1104, %swap3A_1105, %swap3A_1106] : memref<8x256x2xf32, #tpu.memory_space<vmem>>, vector<1x256x2xf32>
    %swap3A_1108 = vector.shape_cast %swap3A_1107 : vector<1x256x2xf32> to vector<256x2xf32>
    %swap3A_1109 = vector.shape_cast %mul3A_1103 : vector<256x2xf32> to vector<1x256x2xf32>
    tpu.vector_store %arg20[%swap3A_1104, %swap3A_1105, %swap3A_1106], %swap3A_1109 {strides = array<i32>} : memref<8x256x2xf32, #tpu.memory_space<vmem>>, vector<1x256x2xf32>,
    %slice3A_1110 = vector.extract_strided_slice %exp3A {offsets = [0, 2], sizes = [256, 1], strides = [1, 1]} : vector<256x8xf32> to vector<256x1xf32>
    %mul3A_1111 = vector.broadcast %slice3A_1110 : vector<256x1xf32> to vector<256x64xf32>
    %mul3A_1112 = arith.mulf %mul3A_1111, %slice3A_14 : vector<256x64xf32>
    %slice3A_1113 = vector.extract_strided_slice %exp3A_389 {offsets = [0, 2], sizes = [256, 1], strides = [1, 1]} : vector<256x8xf32> to vector<256x1xf32>
    %mul3A_1114 = vector.broadcast %slice3A_1113 : vector<256x1xf32> to vector<256x64xf32>
    %mul3A_1115 = arith.mulf %mul3A_1114, %slice3A_30 : vector<256x64xf32>
    %add3A_1116 = arith.addf %mul3A_1112, %mul3A_1115 : vector<256x64xf32>
    %slice3A_1117 = vector.extract_strided_slice %exp3A_391 {offsets = [0, 2], sizes = [256, 1], strides = [1, 1]} : vector<256x8xf32> to vector<256x1xf32>
    %mul3A_1118 = vector.broadcast %slice3A_1117 : vector<256x1xf32> to vector<256x64xf32>
    %mul3A_1119 = arith.mulf %mul3A_1118, %slice3A_53 : vector<256x64xf32>
    %add3A_1120 = arith.addf %add3A_1116, %mul3A_1119 : vector<256x64xf32>
    %slice3A_1121 = vector.extract_strided_slice %exp3A_393 {offsets = [0, 2], sizes = [256, 1], strides = [1, 1]} : vector<256x8xf32> to vector<256x1xf32>
    %mul3A_1122 = vector.broadcast %slice3A_1121 : vector<256x1xf32> to vector<256x64xf32>
    %mul3A_1123 = arith.mulf %mul3A_1122, %slice3A_76 : vector<256x64xf32>
    %add3A_1124 = arith.addf %add3A_1120, %mul3A_1123 : vector<256x64xf32>
    %slice3A_1125 = vector.extract_strided_slice %exp3A_395 {offsets = [0, 2], sizes = [256, 1], strides = [1, 1]} : vector<256x8xf32> to vector<256x1xf32>
    %mul3A_1126 = vector.broadcast %slice3A_1125 : vector<256x1xf32> to vector<256x64xf32>
    %mul3A_1127 = arith.mulf %mul3A_1126, %slice3A_99 : vector<256x64xf32>
    %add3A_1128 = arith.addf %add3A_1124, %mul3A_1127 : vector<256x64xf32>
    %slice3A_1129 = vector.extract_strided_slice %exp3A_397 {offsets = [0, 2], sizes = [256, 1], strides = [1, 1]} : vector<256x8xf32> to vector<256x1xf32>
    %mul3A_1130 = vector.broadcast %slice3A_1129 : vector<256x1xf32> to vector<256x64xf32>
    %mul3A_1131 = arith.mulf %mul3A_1130, %slice3A_122 : vector<256x64xf32>
    %add3A_1132 = arith.addf %add3A_1128, %mul3A_1131 : vector<256x64xf32>
    %slice3A_1133 = vector.extract_strided_slice %exp3A_399 {offsets = [0, 2], sizes = [256, 1], strides = [1, 1]} : vector<256x8xf32> to vector<256x1xf32>
    %mul3A_1134 = vector.broadcast %slice3A_1133 : vector<256x1xf32> to vector<256x64xf32>
    %mul3A_1135 = arith.mulf %mul3A_1134, %slice3A_145 : vector<256x64xf32>
    %add3A_1136 = arith.addf %add3A_1132, %mul3A_1135 : vector<256x64xf32>
    %slice3A_1137 = vector.extract_strided_slice %exp3A_401 {offsets = [0, 2], sizes = [256, 1], strides = [1, 1]} : vector<256x8xf32> to vector<256x1xf32>
    %mul3A_1138 = vector.broadcast %slice3A_1137 : vector<256x1xf32> to vector<256x64xf32>
    %mul3A_1139 = arith.mulf %mul3A_1138, %slice3A_168 : vector<256x64xf32>
    %add3A_1140 = arith.addf %add3A_1136, %mul3A_1139 : vector<256x64xf32>
    %slice3A_1141 = vector.extract_strided_slice %exp3A_403 {offsets = [0, 2], sizes = [256, 1], strides = [1, 1]} : vector<256x8xf32> to vector<256x1xf32>
    %mul3A_1142 = vector.broadcast %slice3A_1141 : vector<256x1xf32> to vector<256x64xf32>
    %mul3A_1143 = arith.mulf %mul3A_1142, %slice3A_191 : vector<256x64xf32>
    %add3A_1144 = arith.addf %add3A_1140, %mul3A_1143 : vector<256x64xf32>
    %slice3A_1145 = vector.extract_strided_slice %exp3A_405 {offsets = [0, 2], sizes = [256, 1], strides = [1, 1]} : vector<256x8xf32> to vector<256x1xf32>
    %mul3A_1146 = vector.broadcast %slice3A_1145 : vector<256x1xf32> to vector<256x64xf32>
    %mul3A_1147 = arith.mulf %mul3A_1146, %slice3A_214 : vector<256x64xf32>
    %add3A_1148 = arith.addf %add3A_1144, %mul3A_1147 : vector<256x64xf32>
    %slice3A_1149 = vector.extract_strided_slice %exp3A_407 {offsets = [0, 2], sizes = [256, 1], strides = [1, 1]} : vector<256x8xf32> to vector<256x1xf32>
    %mul3A_1150 = vector.broadcast %slice3A_1149 : vector<256x1xf32> to vector<256x64xf32>
    %mul3A_1151 = arith.mulf %mul3A_1150, %slice3A_237 : vector<256x64xf32>
    %add3A_1152 = arith.addf %add3A_1148, %mul3A_1151 : vector<256x64xf32>
    %slice3A_1153 = vector.extract_strided_slice %exp3A_409 {offsets = [0, 2], sizes = [256, 1], strides = [1, 1]} : vector<256x8xf32> to vector<256x1xf32>
    %mul3A_1154 = vector.broadcast %slice3A_1153 : vector<256x1xf32> to vector<256x64xf32>
    %mul3A_1155 = arith.mulf %mul3A_1154, %slice3A_260 : vector<256x64xf32>
    %add3A_1156 = arith.addf %add3A_1152, %mul3A_1155 : vector<256x64xf32>
    %slice3A_1157 = vector.extract_strided_slice %exp3A_411 {offsets = [0, 2], sizes = [256, 1], strides = [1, 1]} : vector<256x8xf32> to vector<256x1xf32>
    %mul3A_1158 = vector.broadcast %slice3A_1157 : vector<256x1xf32> to vector<256x64xf32>
    %mul3A_1159 = arith.mulf %mul3A_1158, %slice3A_283 : vector<256x64xf32>
    %add3A_1160 = arith.addf %add3A_1156, %mul3A_1159 : vector<256x64xf32>
    %slice3A_1161 = vector.extract_strided_slice %exp3A_413 {offsets = [0, 2], sizes = [256, 1], strides = [1, 1]} : vector<256x8xf32> to vector<256x1xf32>
    %mul3A_1162 = vector.broadcast %slice3A_1161 : vector<256x1xf32> to vector<256x64xf32>
    %mul3A_1163 = arith.mulf %mul3A_1162, %slice3A_306 : vector<256x64xf32>
    %add3A_1164 = arith.addf %add3A_1160, %mul3A_1163 : vector<256x64xf32>
    %slice3A_1165 = vector.extract_strided_slice %exp3A_415 {offsets = [0, 2], sizes = [256, 1], strides = [1, 1]} : vector<256x8xf32> to vector<256x1xf32>
    %mul3A_1166 = vector.broadcast %slice3A_1165 : vector<256x1xf32> to vector<256x64xf32>
    %mul3A_1167 = arith.mulf %mul3A_1166, %slice3A_329 : vector<256x64xf32>
    %add3A_1168 = arith.addf %add3A_1164, %mul3A_1167 : vector<256x64xf32>
    %slice3A_1169 = vector.extract_strided_slice %exp3A_417 {offsets = [0, 2], sizes = [256, 1], strides = [1, 1]} : vector<256x8xf32> to vector<256x1xf32>
    %mul3A_1170 = vector.broadcast %slice3A_1169 : vector<256x1xf32> to vector<256x64xf32>
    %mul3A_1171 = arith.mulf %mul3A_1170, %slice3A_352 : vector<256x64xf32>
    %add3A_1172 = arith.addf %add3A_1168, %mul3A_1171 : vector<256x64xf32>
    %slice3A_1173 = vector.extract_strided_slice %div3A_434 {offsets = [0, 2], sizes = [256, 1], strides = [1, 1]} : vector<256x8xf32> to vector<256x1xf32>
    %mul3A_1174 = vector.broadcast %slice3A_1173 : vector<256x1xf32> to vector<256x64xf32>
    %mul3A_1175 = arith.mulf %add3A_1172, %mul3A_1174 : vector<256x64xf32>
    %slice3A_1176 = vector.extract_strided_slice %mul3A_529 {offsets = [0, 2], sizes = [256, 1], strides = [1, 1]} : vector<256x8xf32> to vector<256x1xf32>
    %slice3A_1177 = vector.extract_strided_slice %get3A_533 {offsets = [0, 0], sizes = [1, 64], strides = [1, 1]} : vector<8x64xf32> to vector<1x64xf32>
    %mul3A_1178 = vector.broadcast %slice3A_1176 : vector<256x1xf32> to vector<256x64xf32>
    %mul3A_1179 = vector.broadcast %slice3A_1177 : vector<1x64xf32> to vector<256x64xf32>
    %mul3A_1180 = arith.mulf %mul3A_1178, %mul3A_1179 : vector<256x64xf32>
    %add3A_1181 = arith.addf %mul3A_1175, %mul3A_1180 : vector<256x64xf32>
    %slice3A_1182 = vector.extract_strided_slice %mul3A_530 {offsets = [0, 2], sizes = [256, 1], strides = [1, 1]} : vector<256x8xf32> to vector<256x1xf32>
    %slice3A_1183 = vector.extract_strided_slice %get3A_533 {offsets = [1, 0], sizes = [1, 64], strides = [1, 1]} : vector<8x64xf32> to vector<1x64xf32>
    %mul3A_1184 = vector.broadcast %slice3A_1182 : vector<256x1xf32> to vector<256x64xf32>
    %mul3A_1185 = vector.broadcast %slice3A_1183 : vector<1x64xf32> to vector<256x64xf32>
    %mul3A_1186 = arith.mulf %mul3A_1184, %mul3A_1185 : vector<256x64xf32>
    %add3A_1187 = arith.addf %add3A_1181, %mul3A_1186 : vector<256x64xf32>
    %get3A_1188 = arith.constant 256 : index
    %get3A_1189 = arith.constant 0 : index
    %get3A_1190 = vector.load %arg6[%get3A_1188, %get3A_1189] : memref<1024x32xf32, #tpu.memory_space<vmem>>, vector<128x32xf32>
    %dot_general3A_1191 = arith.constant dense<0.000000e+00> : vector<256x32xf32>
    %dot_general3A_1192 = tpu.matmul %get3A_10, %get3A_1190, %dot_general3A_1191 {dimension_numbers = #tpu.dot_dimension_numbers<[1], [0], [0], [1], [0, 0, 1, 1], [], []>, transpose_lhs_hint = false} : vector<256x128xf32>, vector<128x32xf32>, vector<256x32xf32> -> vector<256x32xf32>
    %broadcast_in_dim3A_1193 = arith.constant 0.000000e+00 : f32
    %broadcast_in_dim3A_1194 = vector.broadcast %broadcast_in_dim3A_1193 : f32 to vector<256x128xf32>
    %slice3A_1195 = vector.extract_strided_slice %dot_general3A_1192 {offsets = [0, 0], sizes = [256, 8], strides = [1, 1]} : vector<256x32xf32> to vector<256x8xf32>
    %lt3A_1196 = arith.constant 6 : i32
    %lt3A_1197 = vector.broadcast %lt3A_1196 : i32 to vector<1x8xi32>
    %lt3A_1198 = arith.cmpi slt, %iota3A, %lt3A_1197 : vector<1x8xi32>
    %jit3A_1199 = arith.constant -1.000000e+30 : f32
    %broadcast_in_dim3A_1200 = vector.shape_cast %lt3A_1198 : vector<1x8xi1> to vector<1x8xi1>
    %broadcast_in_dim3A_1201 = vector.broadcast %broadcast_in_dim3A_1200 : vector<1x8xi1> to vector<256x8xi1>
    %broadcast_in_dim3A_1202 = vector.broadcast %jit3A_1199 : f32 to vector<256x8xf32>
    %select_n3A_1203 = arith.select %broadcast_in_dim3A_1201, %slice3A_1195, %broadcast_in_dim3A_1202 : vector<256x8xi1>, vector<256x8xf32>
    %reduce_max3A_1204 = arith.constant dense<0xFF800000> : vector<256xf32>
    %reduce_max3A_1205 = vector.multi_reduction <maximumf>, %select_n3A_1203, %reduce_max3A_1204 [1] : vector<256x8xf32> to vector<256xf32>
    %broadcast_in_dim3A_1206 = vector.shape_cast %reduce_max3A_1205 : vector<256xf32> to vector<256x1xf32>
    %sub3A_1207 = vector.broadcast %broadcast_in_dim3A_1206 : vector<256x1xf32> to vector<256x8xf32>
    %sub3A_1208 = arith.subf %select_n3A_1203, %sub3A_1207 : vector<256x8xf32>
    %exp3A_1209 = math.exp %sub3A_1208 : vector<256x8xf32>
    %reduce_sum3A_1210 = arith.constant dense<0.000000e+00> : vector<256xf32>
    %reduce_sum3A_1211 = vector.multi_reduction <add>, %exp3A_1209, %reduce_sum3A_1210 [1] : vector<256x8xf32> to vector<256xf32>
    %broadcast_in_dim3A_1212 = vector.shape_cast %reduce_sum3A_1211 : vector<256xf32> to vector<256x1xf32>
    %div3A_1213 = vector.broadcast %broadcast_in_dim3A_1212 : vector<256x1xf32> to vector<256x8xf32>
    %div3A_1214 = arith.divf %exp3A_1209, %div3A_1213 : vector<256x8xf32>
    %get3A_1215 = arith.constant 64 : index
    %get3A_1216 = arith.constant 0 : index
    %get3A_1217 = vector.load %arg7[%get3A_1215, %get3A_1216] : memref<256x128xf32, #tpu.memory_space<vmem>>, vector<8x128xf32>
    %dot_general3A_1218 = arith.constant dense<0.000000e+00> : vector<256x128xf32>
    %dot_general3A_1219 = tpu.matmul %div3A_1214, %get3A_1217, %dot_general3A_1218 {dimension_numbers = #tpu.dot_dimension_numbers<[1], [0], [0], [1], [0, 0, 1, 1], [], []>, transpose_lhs_hint = false} : vector<256x8xf32>, vector<8x128xf32>, vector<256x128xf32> -> vector<256x128xf32>
    %add3A_1220 = arith.addf %broadcast_in_dim3A_1194, %dot_general3A_1219 : vector<256x128xf32>
    %slice3A_1221 = vector.extract_strided_slice %dot_general3A_1192 {offsets = [0, 8], sizes = [256, 8], strides = [1, 1]} : vector<256x32xf32> to vector<256x8xf32>
    %lt3A_1222 = arith.constant 6 : i32
    %lt3A_1223 = vector.broadcast %lt3A_1222 : i32 to vector<1x8xi32>
    %lt3A_1224 = arith.cmpi slt, %iota3A, %lt3A_1223 : vector<1x8xi32>
    %jit3A_1225 = arith.constant -1.000000e+30 : f32
    %broadcast_in_dim3A_1226 = vector.shape_cast %lt3A_1224 : vector<1x8xi1> to vector<1x8xi1>
    %broadcast_in_dim3A_1227 = vector.broadcast %broadcast_in_dim3A_1226 : vector<1x8xi1> to vector<256x8xi1>
    %broadcast_in_dim3A_1228 = vector.broadcast %jit3A_1225 : f32 to vector<256x8xf32>
    %select_n3A_1229 = arith.select %broadcast_in_dim3A_1227, %slice3A_1221, %broadcast_in_dim3A_1228 : vector<256x8xi1>, vector<256x8xf32>
    %reduce_max3A_1230 = arith.constant dense<0xFF800000> : vector<256xf32>
    %reduce_max3A_1231 = vector.multi_reduction <maximumf>, %select_n3A_1229, %reduce_max3A_1230 [1] : vector<256x8xf32> to vector<256xf32>
    %broadcast_in_dim3A_1232 = vector.shape_cast %reduce_max3A_1231 : vector<256xf32> to vector<256x1xf32>
    %sub3A_1233 = vector.broadcast %broadcast_in_dim3A_1232 : vector<256x1xf32> to vector<256x8xf32>
    %sub3A_1234 = arith.subf %select_n3A_1229, %sub3A_1233 : vector<256x8xf32>
    %exp3A_1235 = math.exp %sub3A_1234 : vector<256x8xf32>
    %reduce_sum3A_1236 = arith.constant dense<0.000000e+00> : vector<256xf32>
    %reduce_sum3A_1237 = vector.multi_reduction <add>, %exp3A_1235, %reduce_sum3A_1236 [1] : vector<256x8xf32> to vector<256xf32>
    %broadcast_in_dim3A_1238 = vector.shape_cast %reduce_sum3A_1237 : vector<256xf32> to vector<256x1xf32>
    %div3A_1239 = vector.broadcast %broadcast_in_dim3A_1238 : vector<256x1xf32> to vector<256x8xf32>
    %div3A_1240 = arith.divf %exp3A_1235, %div3A_1239 : vector<256x8xf32>
    %get3A_1241 = arith.constant 72 : index
    %get3A_1242 = arith.constant 0 : index
    %get3A_1243 = vector.load %arg7[%get3A_1241, %get3A_1242] : memref<256x128xf32, #tpu.memory_space<vmem>>, vector<8x128xf32>
    %dot_general3A_1244 = arith.constant dense<0.000000e+00> : vector<256x128xf32>
    %dot_general3A_1245 = tpu.matmul %div3A_1240, %get3A_1243, %dot_general3A_1244 {dimension_numbers = #tpu.dot_dimension_numbers<[1], [0], [0], [1], [0, 0, 1, 1], [], []>, transpose_lhs_hint = false} : vector<256x8xf32>, vector<8x128xf32>, vector<256x128xf32> -> vector<256x128xf32>
    %add3A_1246 = arith.addf %add3A_1220, %dot_general3A_1245 : vector<256x128xf32>
    %slice3A_1247 = vector.extract_strided_slice %dot_general3A_1192 {offsets = [0, 16], sizes = [256, 8], strides = [1, 1]} : vector<256x32xf32> to vector<256x8xf32>
    %lt3A_1248 = arith.constant 6 : i32
    %lt3A_1249 = vector.broadcast %lt3A_1248 : i32 to vector<1x8xi32>
    %lt3A_1250 = arith.cmpi slt, %iota3A, %lt3A_1249 : vector<1x8xi32>
    %jit3A_1251 = arith.constant -1.000000e+30 : f32
    %broadcast_in_dim3A_1252 = vector.shape_cast %lt3A_1250 : vector<1x8xi1> to vector<1x8xi1>
    %broadcast_in_dim3A_1253 = vector.broadcast %broadcast_in_dim3A_1252 : vector<1x8xi1> to vector<256x8xi1>
    %broadcast_in_dim3A_1254 = vector.broadcast %jit3A_1251 : f32 to vector<256x8xf32>
    %select_n3A_1255 = arith.select %broadcast_in_dim3A_1253, %slice3A_1247, %broadcast_in_dim3A_1254 : vector<256x8xi1>, vector<256x8xf32>
    %reduce_max3A_1256 = arith.constant dense<0xFF800000> : vector<256xf32>
    %reduce_max3A_1257 = vector.multi_reduction <maximumf>, %select_n3A_1255, %reduce_max3A_1256 [1] : vector<256x8xf32> to vector<256xf32>
    %broadcast_in_dim3A_1258 = vector.shape_cast %reduce_max3A_1257 : vector<256xf32> to vector<256x1xf32>
    %sub3A_1259 = vector.broadcast %broadcast_in_dim3A_1258 : vector<256x1xf32> to vector<256x8xf32>
    %sub3A_1260 = arith.subf %select_n3A_1255, %sub3A_1259 : vector<256x8xf32>
    %exp3A_1261 = math.exp %sub3A_1260 : vector<256x8xf32>
    %reduce_sum3A_1262 = arith.constant dense<0.000000e+00> : vector<256xf32>
    %reduce_sum3A_1263 = vector.multi_reduction <add>, %exp3A_1261, %reduce_sum3A_1262 [1] : vector<256x8xf32> to vector<256xf32>
    %broadcast_in_dim3A_1264 = vector.shape_cast %reduce_sum3A_1263 : vector<256xf32> to vector<256x1xf32>
    %div3A_1265 = vector.broadcast %broadcast_in_dim3A_1264 : vector<256x1xf32> to vector<256x8xf32>
    %div3A_1266 = arith.divf %exp3A_1261, %div3A_1265 : vector<256x8xf32>
    %get3A_1267 = arith.constant 80 : index
    %get3A_1268 = arith.constant 0 : index
    %get3A_1269 = vector.load %arg7[%get3A_1267, %get3A_1268] : memref<256x128xf32, #tpu.memory_space<vmem>>, vector<8x128xf32>
    %dot_general3A_1270 = arith.constant dense<0.000000e+00> : vector<256x128xf32>
    %dot_general3A_1271 = tpu.matmul %div3A_1266, %get3A_1269, %dot_general3A_1270 {dimension_numbers = #tpu.dot_dimension_numbers<[1], [0], [0], [1], [0, 0, 1, 1], [], []>, transpose_lhs_hint = false} : vector<256x8xf32>, vector<8x128xf32>, vector<256x128xf32> -> vector<256x128xf32>
    %add3A_1272 = arith.addf %add3A_1246, %dot_general3A_1271 : vector<256x128xf32>
    %slice3A_1273 = vector.extract_strided_slice %dot_general3A_1192 {offsets = [0, 24], sizes = [256, 8], strides = [1, 1]} : vector<256x32xf32> to vector<256x8xf32>
    %lt3A_1274 = arith.constant 6 : i32
    %lt3A_1275 = vector.broadcast %lt3A_1274 : i32 to vector<1x8xi32>
    %lt3A_1276 = arith.cmpi slt, %iota3A, %lt3A_1275 : vector<1x8xi32>
    %jit3A_1277 = arith.constant -1.000000e+30 : f32
    %broadcast_in_dim3A_1278 = vector.shape_cast %lt3A_1276 : vector<1x8xi1> to vector<1x8xi1>
    %broadcast_in_dim3A_1279 = vector.broadcast %broadcast_in_dim3A_1278 : vector<1x8xi1> to vector<256x8xi1>
    %broadcast_in_dim3A_1280 = vector.broadcast %jit3A_1277 : f32 to vector<256x8xf32>
    %select_n3A_1281 = arith.select %broadcast_in_dim3A_1279, %slice3A_1273, %broadcast_in_dim3A_1280 : vector<256x8xi1>, vector<256x8xf32>
    %reduce_max3A_1282 = arith.constant dense<0xFF800000> : vector<256xf32>
    %reduce_max3A_1283 = vector.multi_reduction <maximumf>, %select_n3A_1281, %reduce_max3A_1282 [1] : vector<256x8xf32> to vector<256xf32>
    %broadcast_in_dim3A_1284 = vector.shape_cast %reduce_max3A_1283 : vector<256xf32> to vector<256x1xf32>
    %sub3A_1285 = vector.broadcast %broadcast_in_dim3A_1284 : vector<256x1xf32> to vector<256x8xf32>
    %sub3A_1286 = arith.subf %select_n3A_1281, %sub3A_1285 : vector<256x8xf32>
    %exp3A_1287 = math.exp %sub3A_1286 : vector<256x8xf32>
    %reduce_sum3A_1288 = arith.constant dense<0.000000e+00> : vector<256xf32>
    %reduce_sum3A_1289 = vector.multi_reduction <add>, %exp3A_1287, %reduce_sum3A_1288 [1] : vector<256x8xf32> to vector<256xf32>
    %broadcast_in_dim3A_1290 = vector.shape_cast %reduce_sum3A_1289 : vector<256xf32> to vector<256x1xf32>
    %div3A_1291 = vector.broadcast %broadcast_in_dim3A_1290 : vector<256x1xf32> to vector<256x8xf32>
    %div3A_1292 = arith.divf %exp3A_1287, %div3A_1291 : vector<256x8xf32>
    %get3A_1293 = arith.constant 88 : index
    %get3A_1294 = arith.constant 0 : index
    %get3A_1295 = vector.load %arg7[%get3A_1293, %get3A_1294] : memref<256x128xf32, #tpu.memory_space<vmem>>, vector<8x128xf32>
    %dot_general3A_1296 = arith.constant dense<0.000000e+00> : vector<256x128xf32>
    %dot_general3A_1297 = tpu.matmul %div3A_1292, %get3A_1295, %dot_general3A_1296 {dimension_numbers = #tpu.dot_dimension_numbers<[1], [0], [0], [1], [0, 0, 1, 1], [], []>, transpose_lhs_hint = false} : vector<256x8xf32>, vector<8x128xf32>, vector<256x128xf32> -> vector<256x128xf32>
    %add3A_1298 = arith.addf %add3A_1272, %dot_general3A_1297 : vector<256x128xf32>
    %dot_general3A_1299 = arith.constant dense<0.000000e+00> : vector<256x128xf32>
    %dot_general3A_1300 = tpu.matmul %add3A_1298, %get3A_536, %dot_general3A_1299 {dimension_numbers = #tpu.dot_dimension_numbers<[1], [0], [0], [1], [0, 0, 1, 1], [], []>, transpose_lhs_hint = false} : vector<256x128xf32>, vector<128x128xf32>, vector<256x128xf32> -> vector<256x128xf32>
    %add3A_1301 = vector.broadcast %get3A_539 : vector<1x128xf32> to vector<256x128xf32>
    %add3A_1302 = arith.addf %dot_general3A_1300, %add3A_1301 : vector<256x128xf32>
    %reduce_sum3A_1303 = arith.constant dense<0.000000e+00> : vector<256xf32>
    %reduce_sum3A_1304 = vector.multi_reduction <add>, %add3A_1187, %reduce_sum3A_1303 [1] : vector<256x64xf32> to vector<256xf32>
    %broadcast_in_dim3A_1305 = vector.shape_cast %reduce_sum3A_1304 : vector<256xf32> to vector<256x1xf32>
    %reduce_sum3A_1306 = arith.constant dense<0.000000e+00> : vector<256xf32>
    %reduce_sum3A_1307 = vector.multi_reduction <add>, %add3A_1302, %reduce_sum3A_1306 [1] : vector<256x128xf32> to vector<256xf32>
    %broadcast_in_dim3A_1308 = vector.shape_cast %reduce_sum3A_1307 : vector<256xf32> to vector<256x1xf32>
    %add3A_1309 = arith.addf %broadcast_in_dim3A_1305, %broadcast_in_dim3A_1308 : vector<256x1xf32>
    %mul3A_1310 = arith.constant 0.00520833349 : f32
    %mul3A_1311 = vector.broadcast %mul3A_1310 : f32 to vector<256x1xf32>
    %mul3A_1312 = arith.mulf %add3A_1309, %mul3A_1311 : vector<256x1xf32>
    %mul3A_1313 = arith.mulf %add3A_1187, %add3A_1187 : vector<256x64xf32>
    %reduce_sum3A_1314 = arith.constant dense<0.000000e+00> : vector<256xf32>
    %reduce_sum3A_1315 = vector.multi_reduction <add>, %mul3A_1313, %reduce_sum3A_1314 [1] : vector<256x64xf32> to vector<256xf32>
    %broadcast_in_dim3A_1316 = vector.shape_cast %reduce_sum3A_1315 : vector<256xf32> to vector<256x1xf32>
    %mul3A_1317 = arith.mulf %add3A_1302, %add3A_1302 : vector<256x128xf32>
    %reduce_sum3A_1318 = arith.constant dense<0.000000e+00> : vector<256xf32>
    %reduce_sum3A_1319 = vector.multi_reduction <add>, %mul3A_1317, %reduce_sum3A_1318 [1] : vector<256x128xf32> to vector<256xf32>
    %broadcast_in_dim3A_1320 = vector.shape_cast %reduce_sum3A_1319 : vector<256xf32> to vector<256x1xf32>
    %add3A_1321 = arith.addf %broadcast_in_dim3A_1316, %broadcast_in_dim3A_1320 : vector<256x1xf32>
    %mul3A_1322 = arith.constant 0.00520833349 : f32
    %mul3A_1323 = vector.broadcast %mul3A_1322 : f32 to vector<256x1xf32>
    %mul3A_1324 = arith.mulf %add3A_1321, %mul3A_1323 : vector<256x1xf32>
    %mul3A_1325 = arith.mulf %mul3A_1312, %mul3A_1312 : vector<256x1xf32>
    %sub3A_1326 = arith.subf %mul3A_1324, %mul3A_1325 : vector<256x1xf32>
    %add3A_1327 = arith.constant 9.99999974E-6 : f32
    %add3A_1328 = vector.broadcast %add3A_1327 : f32 to vector<256x1xf32>
    %add3A_1329 = arith.addf %sub3A_1326, %add3A_1328 : vector<256x1xf32>
    %rsqrt3A_1330 = math.rsqrt %add3A_1329 : vector<256x1xf32>
    %sub3A_1331 = vector.broadcast %mul3A_1312 : vector<256x1xf32> to vector<256x64xf32>
    %sub3A_1332 = arith.subf %add3A_1187, %sub3A_1331 : vector<256x64xf32>
    %mul3A_1333 = vector.broadcast %rsqrt3A_1330 : vector<256x1xf32> to vector<256x64xf32>
    %mul3A_1334 = arith.mulf %sub3A_1332, %mul3A_1333 : vector<256x64xf32>
    %mul3A_1335 = vector.broadcast %get3A_542 : vector<1x64xf32> to vector<256x64xf32>
    %mul3A_1336 = arith.mulf %mul3A_1334, %mul3A_1335 : vector<256x64xf32>
    %add3A_1337 = vector.broadcast %get3A_545 : vector<1x64xf32> to vector<256x64xf32>
    %add3A_1338 = arith.addf %mul3A_1336, %add3A_1337 : vector<256x64xf32>
    %sub3A_1339 = vector.broadcast %mul3A_1312 : vector<256x1xf32> to vector<256x128xf32>
    %sub3A_1340 = arith.subf %add3A_1302, %sub3A_1339 : vector<256x128xf32>
    %mul3A_1341 = vector.broadcast %rsqrt3A_1330 : vector<256x1xf32> to vector<256x128xf32>
    %mul3A_1342 = arith.mulf %sub3A_1340, %mul3A_1341 : vector<256x128xf32>
    %mul3A_1343 = vector.broadcast %get3A_548 : vector<1x128xf32> to vector<256x128xf32>
    %mul3A_1344 = arith.mulf %mul3A_1342, %mul3A_1343 : vector<256x128xf32>
    %add3A_1345 = vector.broadcast %get3A_551 : vector<1x128xf32> to vector<256x128xf32>
    %add3A_1346 = arith.addf %mul3A_1344, %add3A_1345 : vector<256x128xf32>
    %dot_general3A_1347 = arith.constant dense<0.000000e+00> : vector<256x64xf32>
    %dot_general3A_1348 = tpu.matmul %add3A_1338, %get3A_554, %dot_general3A_1347 {dimension_numbers = #tpu.dot_dimension_numbers<[1], [0], [0], [1], [0, 0, 1, 1], [], []>, transpose_lhs_hint = false} : vector<256x64xf32>, vector<64x64xf32>, vector<256x64xf32> -> vector<256x64xf32>
    %dot_general3A_1349 = arith.constant dense<0.000000e+00> : vector<256x64xf32>
    %dot_general3A_1350 = tpu.matmul %add3A_1346, %get3A_557, %dot_general3A_1349 {dimension_numbers = #tpu.dot_dimension_numbers<[1], [0], [0], [1], [0, 0, 1, 1], [], []>, transpose_lhs_hint = false} : vector<256x128xf32>, vector<128x64xf32>, vector<256x64xf32> -> vector<256x64xf32>
    %add3A_1351 = arith.addf %dot_general3A_1348, %dot_general3A_1350 : vector<256x64xf32>
    %add3A_1352 = vector.broadcast %get3A_560 : vector<1x64xf32> to vector<256x64xf32>
    %add3A_1353 = arith.addf %add3A_1351, %add3A_1352 : vector<256x64xf32>
    %mul3A_1354 = arith.constant 5.000000e-01 : f32
    %mul3A_1355 = vector.broadcast %mul3A_1354 : f32 to vector<256x64xf32>
    %mul3A_1356 = arith.mulf %mul3A_1355, %add3A_1353 : vector<256x64xf32>
    %mul3A_1357 = arith.constant 0.707106769 : f32
    %mul3A_1358 = vector.broadcast %mul3A_1357 : f32 to vector<256x64xf32>
    %mul3A_1359 = arith.mulf %add3A_1353, %mul3A_1358 : vector<256x64xf32>
    %erf3A_1360 = math.erf %mul3A_1359 : vector<256x64xf32>
    %add3A_1361 = arith.constant 1.000000e+00 : f32
    %add3A_1362 = vector.broadcast %add3A_1361 : f32 to vector<256x64xf32>
    %add3A_1363 = arith.addf %add3A_1362, %erf3A_1360 : vector<256x64xf32>
    %mul3A_1364 = arith.mulf %mul3A_1356, %add3A_1363 : vector<256x64xf32>
    %dot_general3A_1365 = arith.constant dense<0.000000e+00> : vector<256x2xf32>
    %dot_general3A_1366 = tpu.matmul %mul3A_1364, %get3A_563, %dot_general3A_1365 {dimension_numbers = #tpu.dot_dimension_numbers<[1], [0], [0], [1], [0, 0, 1, 1], [], []>, transpose_lhs_hint = false} : vector<256x64xf32>, vector<64x2xf32>, vector<256x2xf32> -> vector<256x2xf32>
    %add3A_1367 = vector.broadcast %get3A_566 : vector<1x2xf32> to vector<256x2xf32>
    %add3A_1368 = arith.addf %dot_general3A_1366, %add3A_1367 : vector<256x2xf32>
    %get3A_1369 = arith.constant 0 : index
    %get3A_1370 = arith.constant 2 : index
    %get3A_1371 = vector.load %arg5[%get3A_1369, %get3A_1370] : memref<256x8xf32, #tpu.memory_space<vmem>>, vector<256x1xf32>
    %ne3A_1372 = arith.constant 0.000000e+00 : f32
    %ne3A_1373 = vector.broadcast %ne3A_1372 : f32 to vector<256x1xf32>
    %ne3A_1374 = arith.cmpf one, %get3A_1371, %ne3A_1373 : vector<256x1xf32>
    %convert_element_type3A_1375 = arith.extui %ne3A_1374 : vector<256x1xi1> to vector<256x1xi32>
    %convert_element_type3A_1376 = arith.sitofp %convert_element_type3A_1375 : vector<256x1xi32> to vector<256x1xf32>
    %mul3A_1377 = vector.broadcast %convert_element_type3A_1376 : vector<256x1xf32> to vector<256x2xf32>
    %mul3A_1378 = arith.mulf %add3A_1368, %mul3A_1377 : vector<256x2xf32>
    %swap3A_1379 = arith.constant 2 : index
    %swap3A_1380 = arith.constant 0 : index
    %swap3A_1381 = arith.constant 0 : index
    %swap3A_1382 = vector.load %arg20[%swap3A_1379, %swap3A_1380, %swap3A_1381] : memref<8x256x2xf32, #tpu.memory_space<vmem>>, vector<1x256x2xf32>
    %swap3A_1383 = vector.shape_cast %swap3A_1382 : vector<1x256x2xf32> to vector<256x2xf32>
    %swap3A_1384 = vector.shape_cast %mul3A_1378 : vector<256x2xf32> to vector<1x256x2xf32>
    tpu.vector_store %arg20[%swap3A_1379, %swap3A_1380, %swap3A_1381], %swap3A_1384 {strides = array<i32>} : memref<8x256x2xf32, #tpu.memory_space<vmem>>, vector<1x256x2xf32>,
    %slice3A_1385 = vector.extract_strided_slice %exp3A {offsets = [0, 3], sizes = [256, 1], strides = [1, 1]} : vector<256x8xf32> to vector<256x1xf32>
    %mul3A_1386 = vector.broadcast %slice3A_1385 : vector<256x1xf32> to vector<256x64xf32>
    %mul3A_1387 = arith.mulf %mul3A_1386, %slice3A_14 : vector<256x64xf32>
    %slice3A_1388 = vector.extract_strided_slice %exp3A_389 {offsets = [0, 3], sizes = [256, 1], strides = [1, 1]} : vector<256x8xf32> to vector<256x1xf32>
    %mul3A_1389 = vector.broadcast %slice3A_1388 : vector<256x1xf32> to vector<256x64xf32>
    %mul3A_1390 = arith.mulf %mul3A_1389, %slice3A_30 : vector<256x64xf32>
    %add3A_1391 = arith.addf %mul3A_1387, %mul3A_1390 : vector<256x64xf32>
    %slice3A_1392 = vector.extract_strided_slice %exp3A_391 {offsets = [0, 3], sizes = [256, 1], strides = [1, 1]} : vector<256x8xf32> to vector<256x1xf32>
    %mul3A_1393 = vector.broadcast %slice3A_1392 : vector<256x1xf32> to vector<256x64xf32>
    %mul3A_1394 = arith.mulf %mul3A_1393, %slice3A_53 : vector<256x64xf32>
    %add3A_1395 = arith.addf %add3A_1391, %mul3A_1394 : vector<256x64xf32>
    %slice3A_1396 = vector.extract_strided_slice %exp3A_393 {offsets = [0, 3], sizes = [256, 1], strides = [1, 1]} : vector<256x8xf32> to vector<256x1xf32>
    %mul3A_1397 = vector.broadcast %slice3A_1396 : vector<256x1xf32> to vector<256x64xf32>
    %mul3A_1398 = arith.mulf %mul3A_1397, %slice3A_76 : vector<256x64xf32>
    %add3A_1399 = arith.addf %add3A_1395, %mul3A_1398 : vector<256x64xf32>
    %slice3A_1400 = vector.extract_strided_slice %exp3A_395 {offsets = [0, 3], sizes = [256, 1], strides = [1, 1]} : vector<256x8xf32> to vector<256x1xf32>
    %mul3A_1401 = vector.broadcast %slice3A_1400 : vector<256x1xf32> to vector<256x64xf32>
    %mul3A_1402 = arith.mulf %mul3A_1401, %slice3A_99 : vector<256x64xf32>
    %add3A_1403 = arith.addf %add3A_1399, %mul3A_1402 : vector<256x64xf32>
    %slice3A_1404 = vector.extract_strided_slice %exp3A_397 {offsets = [0, 3], sizes = [256, 1], strides = [1, 1]} : vector<256x8xf32> to vector<256x1xf32>
    %mul3A_1405 = vector.broadcast %slice3A_1404 : vector<256x1xf32> to vector<256x64xf32>
    %mul3A_1406 = arith.mulf %mul3A_1405, %slice3A_122 : vector<256x64xf32>
    %add3A_1407 = arith.addf %add3A_1403, %mul3A_1406 : vector<256x64xf32>
    %slice3A_1408 = vector.extract_strided_slice %exp3A_399 {offsets = [0, 3], sizes = [256, 1], strides = [1, 1]} : vector<256x8xf32> to vector<256x1xf32>
    %mul3A_1409 = vector.broadcast %slice3A_1408 : vector<256x1xf32> to vector<256x64xf32>
    %mul3A_1410 = arith.mulf %mul3A_1409, %slice3A_145 : vector<256x64xf32>
    %add3A_1411 = arith.addf %add3A_1407, %mul3A_1410 : vector<256x64xf32>
    %slice3A_1412 = vector.extract_strided_slice %exp3A_401 {offsets = [0, 3], sizes = [256, 1], strides = [1, 1]} : vector<256x8xf32> to vector<256x1xf32>
    %mul3A_1413 = vector.broadcast %slice3A_1412 : vector<256x1xf32> to vector<256x64xf32>
    %mul3A_1414 = arith.mulf %mul3A_1413, %slice3A_168 : vector<256x64xf32>
    %add3A_1415 = arith.addf %add3A_1411, %mul3A_1414 : vector<256x64xf32>
    %slice3A_1416 = vector.extract_strided_slice %exp3A_403 {offsets = [0, 3], sizes = [256, 1], strides = [1, 1]} : vector<256x8xf32> to vector<256x1xf32>
    %mul3A_1417 = vector.broadcast %slice3A_1416 : vector<256x1xf32> to vector<256x64xf32>
    %mul3A_1418 = arith.mulf %mul3A_1417, %slice3A_191 : vector<256x64xf32>
    %add3A_1419 = arith.addf %add3A_1415, %mul3A_1418 : vector<256x64xf32>
    %slice3A_1420 = vector.extract_strided_slice %exp3A_405 {offsets = [0, 3], sizes = [256, 1], strides = [1, 1]} : vector<256x8xf32> to vector<256x1xf32>
    %mul3A_1421 = vector.broadcast %slice3A_1420 : vector<256x1xf32> to vector<256x64xf32>
    %mul3A_1422 = arith.mulf %mul3A_1421, %slice3A_214 : vector<256x64xf32>
    %add3A_1423 = arith.addf %add3A_1419, %mul3A_1422 : vector<256x64xf32>
    %slice3A_1424 = vector.extract_strided_slice %exp3A_407 {offsets = [0, 3], sizes = [256, 1], strides = [1, 1]} : vector<256x8xf32> to vector<256x1xf32>
    %mul3A_1425 = vector.broadcast %slice3A_1424 : vector<256x1xf32> to vector<256x64xf32>
    %mul3A_1426 = arith.mulf %mul3A_1425, %slice3A_237 : vector<256x64xf32>
    %add3A_1427 = arith.addf %add3A_1423, %mul3A_1426 : vector<256x64xf32>
    %slice3A_1428 = vector.extract_strided_slice %exp3A_409 {offsets = [0, 3], sizes = [256, 1], strides = [1, 1]} : vector<256x8xf32> to vector<256x1xf32>
    %mul3A_1429 = vector.broadcast %slice3A_1428 : vector<256x1xf32> to vector<256x64xf32>
    %mul3A_1430 = arith.mulf %mul3A_1429, %slice3A_260 : vector<256x64xf32>
    %add3A_1431 = arith.addf %add3A_1427, %mul3A_1430 : vector<256x64xf32>
    %slice3A_1432 = vector.extract_strided_slice %exp3A_411 {offsets = [0, 3], sizes = [256, 1], strides = [1, 1]} : vector<256x8xf32> to vector<256x1xf32>
    %mul3A_1433 = vector.broadcast %slice3A_1432 : vector<256x1xf32> to vector<256x64xf32>
    %mul3A_1434 = arith.mulf %mul3A_1433, %slice3A_283 : vector<256x64xf32>
    %add3A_1435 = arith.addf %add3A_1431, %mul3A_1434 : vector<256x64xf32>
    %slice3A_1436 = vector.extract_strided_slice %exp3A_413 {offsets = [0, 3], sizes = [256, 1], strides = [1, 1]} : vector<256x8xf32> to vector<256x1xf32>
    %mul3A_1437 = vector.broadcast %slice3A_1436 : vector<256x1xf32> to vector<256x64xf32>
    %mul3A_1438 = arith.mulf %mul3A_1437, %slice3A_306 : vector<256x64xf32>
    %add3A_1439 = arith.addf %add3A_1435, %mul3A_1438 : vector<256x64xf32>
    %slice3A_1440 = vector.extract_strided_slice %exp3A_415 {offsets = [0, 3], sizes = [256, 1], strides = [1, 1]} : vector<256x8xf32> to vector<256x1xf32>
    %mul3A_1441 = vector.broadcast %slice3A_1440 : vector<256x1xf32> to vector<256x64xf32>
    %mul3A_1442 = arith.mulf %mul3A_1441, %slice3A_329 : vector<256x64xf32>
    %add3A_1443 = arith.addf %add3A_1439, %mul3A_1442 : vector<256x64xf32>
    %slice3A_1444 = vector.extract_strided_slice %exp3A_417 {offsets = [0, 3], sizes = [256, 1], strides = [1, 1]} : vector<256x8xf32> to vector<256x1xf32>
    %mul3A_1445 = vector.broadcast %slice3A_1444 : vector<256x1xf32> to vector<256x64xf32>
    %mul3A_1446 = arith.mulf %mul3A_1445, %slice3A_352 : vector<256x64xf32>
    %add3A_1447 = arith.addf %add3A_1443, %mul3A_1446 : vector<256x64xf32>
    %slice3A_1448 = vector.extract_strided_slice %div3A_434 {offsets = [0, 3], sizes = [256, 1], strides = [1, 1]} : vector<256x8xf32> to vector<256x1xf32>
    %mul3A_1449 = vector.broadcast %slice3A_1448 : vector<256x1xf32> to vector<256x64xf32>
    %mul3A_1450 = arith.mulf %add3A_1447, %mul3A_1449 : vector<256x64xf32>
    %slice3A_1451 = vector.extract_strided_slice %mul3A_529 {offsets = [0, 3], sizes = [256, 1], strides = [1, 1]} : vector<256x8xf32> to vector<256x1xf32>
    %slice3A_1452 = vector.extract_strided_slice %get3A_533 {offsets = [0, 0], sizes = [1, 64], strides = [1, 1]} : vector<8x64xf32> to vector<1x64xf32>
    %mul3A_1453 = vector.broadcast %slice3A_1451 : vector<256x1xf32> to vector<256x64xf32>
    %mul3A_1454 = vector.broadcast %slice3A_1452 : vector<1x64xf32> to vector<256x64xf32>
    %mul3A_1455 = arith.mulf %mul3A_1453, %mul3A_1454 : vector<256x64xf32>
    %add3A_1456 = arith.addf %mul3A_1450, %mul3A_1455 : vector<256x64xf32>
    %slice3A_1457 = vector.extract_strided_slice %mul3A_530 {offsets = [0, 3], sizes = [256, 1], strides = [1, 1]} : vector<256x8xf32> to vector<256x1xf32>
    %slice3A_1458 = vector.extract_strided_slice %get3A_533 {offsets = [1, 0], sizes = [1, 64], strides = [1, 1]} : vector<8x64xf32> to vector<1x64xf32>
    %mul3A_1459 = vector.broadcast %slice3A_1457 : vector<256x1xf32> to vector<256x64xf32>
    %mul3A_1460 = vector.broadcast %slice3A_1458 : vector<1x64xf32> to vector<256x64xf32>
    %mul3A_1461 = arith.mulf %mul3A_1459, %mul3A_1460 : vector<256x64xf32>
    %add3A_1462 = arith.addf %add3A_1456, %mul3A_1461 : vector<256x64xf32>
    %get3A_1463 = arith.constant 384 : index
    %get3A_1464 = arith.constant 0 : index
    %get3A_1465 = vector.load %arg6[%get3A_1463, %get3A_1464] : memref<1024x32xf32, #tpu.memory_space<vmem>>, vector<128x32xf32>
    %dot_general3A_1466 = arith.constant dense<0.000000e+00> : vector<256x32xf32>
    %dot_general3A_1467 = tpu.matmul %get3A_10, %get3A_1465, %dot_general3A_1466 {dimension_numbers = #tpu.dot_dimension_numbers<[1], [0], [0], [1], [0, 0, 1, 1], [], []>, transpose_lhs_hint = false} : vector<256x128xf32>, vector<128x32xf32>, vector<256x32xf32> -> vector<256x32xf32>
    %broadcast_in_dim3A_1468 = arith.constant 0.000000e+00 : f32
    %broadcast_in_dim3A_1469 = vector.broadcast %broadcast_in_dim3A_1468 : f32 to vector<256x128xf32>
    %slice3A_1470 = vector.extract_strided_slice %dot_general3A_1467 {offsets = [0, 0], sizes = [256, 8], strides = [1, 1]} : vector<256x32xf32> to vector<256x8xf32>
    %lt3A_1471 = arith.constant 6 : i32
    %lt3A_1472 = vector.broadcast %lt3A_1471 : i32 to vector<1x8xi32>
    %lt3A_1473 = arith.cmpi slt, %iota3A, %lt3A_1472 : vector<1x8xi32>
    %jit3A_1474 = arith.constant -1.000000e+30 : f32
    %broadcast_in_dim3A_1475 = vector.shape_cast %lt3A_1473 : vector<1x8xi1> to vector<1x8xi1>
    %broadcast_in_dim3A_1476 = vector.broadcast %broadcast_in_dim3A_1475 : vector<1x8xi1> to vector<256x8xi1>
    %broadcast_in_dim3A_1477 = vector.broadcast %jit3A_1474 : f32 to vector<256x8xf32>
    %select_n3A_1478 = arith.select %broadcast_in_dim3A_1476, %slice3A_1470, %broadcast_in_dim3A_1477 : vector<256x8xi1>, vector<256x8xf32>
    %reduce_max3A_1479 = arith.constant dense<0xFF800000> : vector<256xf32>
    %reduce_max3A_1480 = vector.multi_reduction <maximumf>, %select_n3A_1478, %reduce_max3A_1479 [1] : vector<256x8xf32> to vector<256xf32>
    %broadcast_in_dim3A_1481 = vector.shape_cast %reduce_max3A_1480 : vector<256xf32> to vector<256x1xf32>
    %sub3A_1482 = vector.broadcast %broadcast_in_dim3A_1481 : vector<256x1xf32> to vector<256x8xf32>
    %sub3A_1483 = arith.subf %select_n3A_1478, %sub3A_1482 : vector<256x8xf32>
    %exp3A_1484 = math.exp %sub3A_1483 : vector<256x8xf32>
    %reduce_sum3A_1485 = arith.constant dense<0.000000e+00> : vector<256xf32>
    %reduce_sum3A_1486 = vector.multi_reduction <add>, %exp3A_1484, %reduce_sum3A_1485 [1] : vector<256x8xf32> to vector<256xf32>
    %broadcast_in_dim3A_1487 = vector.shape_cast %reduce_sum3A_1486 : vector<256xf32> to vector<256x1xf32>
    %div3A_1488 = vector.broadcast %broadcast_in_dim3A_1487 : vector<256x1xf32> to vector<256x8xf32>
    %div3A_1489 = arith.divf %exp3A_1484, %div3A_1488 : vector<256x8xf32>
    %get3A_1490 = arith.constant 96 : index
    %get3A_1491 = arith.constant 0 : index
    %get3A_1492 = vector.load %arg7[%get3A_1490, %get3A_1491] : memref<256x128xf32, #tpu.memory_space<vmem>>, vector<8x128xf32>
    %dot_general3A_1493 = arith.constant dense<0.000000e+00> : vector<256x128xf32>
    %dot_general3A_1494 = tpu.matmul %div3A_1489, %get3A_1492, %dot_general3A_1493 {dimension_numbers = #tpu.dot_dimension_numbers<[1], [0], [0], [1], [0, 0, 1, 1], [], []>, transpose_lhs_hint = false} : vector<256x8xf32>, vector<8x128xf32>, vector<256x128xf32> -> vector<256x128xf32>
    %add3A_1495 = arith.addf %broadcast_in_dim3A_1469, %dot_general3A_1494 : vector<256x128xf32>
    %slice3A_1496 = vector.extract_strided_slice %dot_general3A_1467 {offsets = [0, 8], sizes = [256, 8], strides = [1, 1]} : vector<256x32xf32> to vector<256x8xf32>
    %lt3A_1497 = arith.constant 6 : i32
    %lt3A_1498 = vector.broadcast %lt3A_1497 : i32 to vector<1x8xi32>
    %lt3A_1499 = arith.cmpi slt, %iota3A, %lt3A_1498 : vector<1x8xi32>
    %jit3A_1500 = arith.constant -1.000000e+30 : f32
    %broadcast_in_dim3A_1501 = vector.shape_cast %lt3A_1499 : vector<1x8xi1> to vector<1x8xi1>
    %broadcast_in_dim3A_1502 = vector.broadcast %broadcast_in_dim3A_1501 : vector<1x8xi1> to vector<256x8xi1>
    %broadcast_in_dim3A_1503 = vector.broadcast %jit3A_1500 : f32 to vector<256x8xf32>
    %select_n3A_1504 = arith.select %broadcast_in_dim3A_1502, %slice3A_1496, %broadcast_in_dim3A_1503 : vector<256x8xi1>, vector<256x8xf32>
    %reduce_max3A_1505 = arith.constant dense<0xFF800000> : vector<256xf32>
    %reduce_max3A_1506 = vector.multi_reduction <maximumf>, %select_n3A_1504, %reduce_max3A_1505 [1] : vector<256x8xf32> to vector<256xf32>
    %broadcast_in_dim3A_1507 = vector.shape_cast %reduce_max3A_1506 : vector<256xf32> to vector<256x1xf32>
    %sub3A_1508 = vector.broadcast %broadcast_in_dim3A_1507 : vector<256x1xf32> to vector<256x8xf32>
    %sub3A_1509 = arith.subf %select_n3A_1504, %sub3A_1508 : vector<256x8xf32>
    %exp3A_1510 = math.exp %sub3A_1509 : vector<256x8xf32>
    %reduce_sum3A_1511 = arith.constant dense<0.000000e+00> : vector<256xf32>
    %reduce_sum3A_1512 = vector.multi_reduction <add>, %exp3A_1510, %reduce_sum3A_1511 [1] : vector<256x8xf32> to vector<256xf32>
    %broadcast_in_dim3A_1513 = vector.shape_cast %reduce_sum3A_1512 : vector<256xf32> to vector<256x1xf32>
    %div3A_1514 = vector.broadcast %broadcast_in_dim3A_1513 : vector<256x1xf32> to vector<256x8xf32>
    %div3A_1515 = arith.divf %exp3A_1510, %div3A_1514 : vector<256x8xf32>
    %get3A_1516 = arith.constant 104 : index
    %get3A_1517 = arith.constant 0 : index
    %get3A_1518 = vector.load %arg7[%get3A_1516, %get3A_1517] : memref<256x128xf32, #tpu.memory_space<vmem>>, vector<8x128xf32>
    %dot_general3A_1519 = arith.constant dense<0.000000e+00> : vector<256x128xf32>
    %dot_general3A_1520 = tpu.matmul %div3A_1515, %get3A_1518, %dot_general3A_1519 {dimension_numbers = #tpu.dot_dimension_numbers<[1], [0], [0], [1], [0, 0, 1, 1], [], []>, transpose_lhs_hint = false} : vector<256x8xf32>, vector<8x128xf32>, vector<256x128xf32> -> vector<256x128xf32>
    %add3A_1521 = arith.addf %add3A_1495, %dot_general3A_1520 : vector<256x128xf32>
    %slice3A_1522 = vector.extract_strided_slice %dot_general3A_1467 {offsets = [0, 16], sizes = [256, 8], strides = [1, 1]} : vector<256x32xf32> to vector<256x8xf32>
    %lt3A_1523 = arith.constant 6 : i32
    %lt3A_1524 = vector.broadcast %lt3A_1523 : i32 to vector<1x8xi32>
    %lt3A_1525 = arith.cmpi slt, %iota3A, %lt3A_1524 : vector<1x8xi32>
    %jit3A_1526 = arith.constant -1.000000e+30 : f32
    %broadcast_in_dim3A_1527 = vector.shape_cast %lt3A_1525 : vector<1x8xi1> to vector<1x8xi1>
    %broadcast_in_dim3A_1528 = vector.broadcast %broadcast_in_dim3A_1527 : vector<1x8xi1> to vector<256x8xi1>
    %broadcast_in_dim3A_1529 = vector.broadcast %jit3A_1526 : f32 to vector<256x8xf32>
    %select_n3A_1530 = arith.select %broadcast_in_dim3A_1528, %slice3A_1522, %broadcast_in_dim3A_1529 : vector<256x8xi1>, vector<256x8xf32>
    %reduce_max3A_1531 = arith.constant dense<0xFF800000> : vector<256xf32>
    %reduce_max3A_1532 = vector.multi_reduction <maximumf>, %select_n3A_1530, %reduce_max3A_1531 [1] : vector<256x8xf32> to vector<256xf32>
    %broadcast_in_dim3A_1533 = vector.shape_cast %reduce_max3A_1532 : vector<256xf32> to vector<256x1xf32>
    %sub3A_1534 = vector.broadcast %broadcast_in_dim3A_1533 : vector<256x1xf32> to vector<256x8xf32>
    %sub3A_1535 = arith.subf %select_n3A_1530, %sub3A_1534 : vector<256x8xf32>
    %exp3A_1536 = math.exp %sub3A_1535 : vector<256x8xf32>
    %reduce_sum3A_1537 = arith.constant dense<0.000000e+00> : vector<256xf32>
    %reduce_sum3A_1538 = vector.multi_reduction <add>, %exp3A_1536, %reduce_sum3A_1537 [1] : vector<256x8xf32> to vector<256xf32>
    %broadcast_in_dim3A_1539 = vector.shape_cast %reduce_sum3A_1538 : vector<256xf32> to vector<256x1xf32>
    %div3A_1540 = vector.broadcast %broadcast_in_dim3A_1539 : vector<256x1xf32> to vector<256x8xf32>
    %div3A_1541 = arith.divf %exp3A_1536, %div3A_1540 : vector<256x8xf32>
    %get3A_1542 = arith.constant 112 : index
    %get3A_1543 = arith.constant 0 : index
    %get3A_1544 = vector.load %arg7[%get3A_1542, %get3A_1543] : memref<256x128xf32, #tpu.memory_space<vmem>>, vector<8x128xf32>
    %dot_general3A_1545 = arith.constant dense<0.000000e+00> : vector<256x128xf32>
    %dot_general3A_1546 = tpu.matmul %div3A_1541, %get3A_1544, %dot_general3A_1545 {dimension_numbers = #tpu.dot_dimension_numbers<[1], [0], [0], [1], [0, 0, 1, 1], [], []>, transpose_lhs_hint = false} : vector<256x8xf32>, vector<8x128xf32>, vector<256x128xf32> -> vector<256x128xf32>
    %add3A_1547 = arith.addf %add3A_1521, %dot_general3A_1546 : vector<256x128xf32>
    %slice3A_1548 = vector.extract_strided_slice %dot_general3A_1467 {offsets = [0, 24], sizes = [256, 8], strides = [1, 1]} : vector<256x32xf32> to vector<256x8xf32>
    %lt3A_1549 = arith.constant 6 : i32
    %lt3A_1550 = vector.broadcast %lt3A_1549 : i32 to vector<1x8xi32>
    %lt3A_1551 = arith.cmpi slt, %iota3A, %lt3A_1550 : vector<1x8xi32>
    %jit3A_1552 = arith.constant -1.000000e+30 : f32
    %broadcast_in_dim3A_1553 = vector.shape_cast %lt3A_1551 : vector<1x8xi1> to vector<1x8xi1>
    %broadcast_in_dim3A_1554 = vector.broadcast %broadcast_in_dim3A_1553 : vector<1x8xi1> to vector<256x8xi1>
    %broadcast_in_dim3A_1555 = vector.broadcast %jit3A_1552 : f32 to vector<256x8xf32>
    %select_n3A_1556 = arith.select %broadcast_in_dim3A_1554, %slice3A_1548, %broadcast_in_dim3A_1555 : vector<256x8xi1>, vector<256x8xf32>
    %reduce_max3A_1557 = arith.constant dense<0xFF800000> : vector<256xf32>
    %reduce_max3A_1558 = vector.multi_reduction <maximumf>, %select_n3A_1556, %reduce_max3A_1557 [1] : vector<256x8xf32> to vector<256xf32>
    %broadcast_in_dim3A_1559 = vector.shape_cast %reduce_max3A_1558 : vector<256xf32> to vector<256x1xf32>
    %sub3A_1560 = vector.broadcast %broadcast_in_dim3A_1559 : vector<256x1xf32> to vector<256x8xf32>
    %sub3A_1561 = arith.subf %select_n3A_1556, %sub3A_1560 : vector<256x8xf32>
    %exp3A_1562 = math.exp %sub3A_1561 : vector<256x8xf32>
    %reduce_sum3A_1563 = arith.constant dense<0.000000e+00> : vector<256xf32>
    %reduce_sum3A_1564 = vector.multi_reduction <add>, %exp3A_1562, %reduce_sum3A_1563 [1] : vector<256x8xf32> to vector<256xf32>
    %broadcast_in_dim3A_1565 = vector.shape_cast %reduce_sum3A_1564 : vector<256xf32> to vector<256x1xf32>
    %div3A_1566 = vector.broadcast %broadcast_in_dim3A_1565 : vector<256x1xf32> to vector<256x8xf32>
    %div3A_1567 = arith.divf %exp3A_1562, %div3A_1566 : vector<256x8xf32>
    %get3A_1568 = arith.constant 120 : index
    %get3A_1569 = arith.constant 0 : index
    %get3A_1570 = vector.load %arg7[%get3A_1568, %get3A_1569] : memref<256x128xf32, #tpu.memory_space<vmem>>, vector<8x128xf32>
    %dot_general3A_1571 = arith.constant dense<0.000000e+00> : vector<256x128xf32>
    %dot_general3A_1572 = tpu.matmul %div3A_1567, %get3A_1570, %dot_general3A_1571 {dimension_numbers = #tpu.dot_dimension_numbers<[1], [0], [0], [1], [0, 0, 1, 1], [], []>, transpose_lhs_hint = false} : vector<256x8xf32>, vector<8x128xf32>, vector<256x128xf32> -> vector<256x128xf32>
    %add3A_1573 = arith.addf %add3A_1547, %dot_general3A_1572 : vector<256x128xf32>
    %dot_general3A_1574 = arith.constant dense<0.000000e+00> : vector<256x128xf32>
    %dot_general3A_1575 = tpu.matmul %add3A_1573, %get3A_536, %dot_general3A_1574 {dimension_numbers = #tpu.dot_dimension_numbers<[1], [0], [0], [1], [0, 0, 1, 1], [], []>, transpose_lhs_hint = false} : vector<256x128xf32>, vector<128x128xf32>, vector<256x128xf32> -> vector<256x128xf32>
    %add3A_1576 = vector.broadcast %get3A_539 : vector<1x128xf32> to vector<256x128xf32>
    %add3A_1577 = arith.addf %dot_general3A_1575, %add3A_1576 : vector<256x128xf32>
    %reduce_sum3A_1578 = arith.constant dense<0.000000e+00> : vector<256xf32>
    %reduce_sum3A_1579 = vector.multi_reduction <add>, %add3A_1462, %reduce_sum3A_1578 [1] : vector<256x64xf32> to vector<256xf32>
    %broadcast_in_dim3A_1580 = vector.shape_cast %reduce_sum3A_1579 : vector<256xf32> to vector<256x1xf32>
    %reduce_sum3A_1581 = arith.constant dense<0.000000e+00> : vector<256xf32>
    %reduce_sum3A_1582 = vector.multi_reduction <add>, %add3A_1577, %reduce_sum3A_1581 [1] : vector<256x128xf32> to vector<256xf32>
    %broadcast_in_dim3A_1583 = vector.shape_cast %reduce_sum3A_1582 : vector<256xf32> to vector<256x1xf32>
    %add3A_1584 = arith.addf %broadcast_in_dim3A_1580, %broadcast_in_dim3A_1583 : vector<256x1xf32>
    %mul3A_1585 = arith.constant 0.00520833349 : f32
    %mul3A_1586 = vector.broadcast %mul3A_1585 : f32 to vector<256x1xf32>
    %mul3A_1587 = arith.mulf %add3A_1584, %mul3A_1586 : vector<256x1xf32>
    %mul3A_1588 = arith.mulf %add3A_1462, %add3A_1462 : vector<256x64xf32>
    %reduce_sum3A_1589 = arith.constant dense<0.000000e+00> : vector<256xf32>
    %reduce_sum3A_1590 = vector.multi_reduction <add>, %mul3A_1588, %reduce_sum3A_1589 [1] : vector<256x64xf32> to vector<256xf32>
    %broadcast_in_dim3A_1591 = vector.shape_cast %reduce_sum3A_1590 : vector<256xf32> to vector<256x1xf32>
    %mul3A_1592 = arith.mulf %add3A_1577, %add3A_1577 : vector<256x128xf32>
    %reduce_sum3A_1593 = arith.constant dense<0.000000e+00> : vector<256xf32>
    %reduce_sum3A_1594 = vector.multi_reduction <add>, %mul3A_1592, %reduce_sum3A_1593 [1] : vector<256x128xf32> to vector<256xf32>
    %broadcast_in_dim3A_1595 = vector.shape_cast %reduce_sum3A_1594 : vector<256xf32> to vector<256x1xf32>
    %add3A_1596 = arith.addf %broadcast_in_dim3A_1591, %broadcast_in_dim3A_1595 : vector<256x1xf32>
    %mul3A_1597 = arith.constant 0.00520833349 : f32
    %mul3A_1598 = vector.broadcast %mul3A_1597 : f32 to vector<256x1xf32>
    %mul3A_1599 = arith.mulf %add3A_1596, %mul3A_1598 : vector<256x1xf32>
    %mul3A_1600 = arith.mulf %mul3A_1587, %mul3A_1587 : vector<256x1xf32>
    %sub3A_1601 = arith.subf %mul3A_1599, %mul3A_1600 : vector<256x1xf32>
    %add3A_1602 = arith.constant 9.99999974E-6 : f32
    %add3A_1603 = vector.broadcast %add3A_1602 : f32 to vector<256x1xf32>
    %add3A_1604 = arith.addf %sub3A_1601, %add3A_1603 : vector<256x1xf32>
    %rsqrt3A_1605 = math.rsqrt %add3A_1604 : vector<256x1xf32>
    %sub3A_1606 = vector.broadcast %mul3A_1587 : vector<256x1xf32> to vector<256x64xf32>
    %sub3A_1607 = arith.subf %add3A_1462, %sub3A_1606 : vector<256x64xf32>
    %mul3A_1608 = vector.broadcast %rsqrt3A_1605 : vector<256x1xf32> to vector<256x64xf32>
    %mul3A_1609 = arith.mulf %sub3A_1607, %mul3A_1608 : vector<256x64xf32>
    %mul3A_1610 = vector.broadcast %get3A_542 : vector<1x64xf32> to vector<256x64xf32>
    %mul3A_1611 = arith.mulf %mul3A_1609, %mul3A_1610 : vector<256x64xf32>
    %add3A_1612 = vector.broadcast %get3A_545 : vector<1x64xf32> to vector<256x64xf32>
    %add3A_1613 = arith.addf %mul3A_1611, %add3A_1612 : vector<256x64xf32>
    %sub3A_1614 = vector.broadcast %mul3A_1587 : vector<256x1xf32> to vector<256x128xf32>
    %sub3A_1615 = arith.subf %add3A_1577, %sub3A_1614 : vector<256x128xf32>
    %mul3A_1616 = vector.broadcast %rsqrt3A_1605 : vector<256x1xf32> to vector<256x128xf32>
    %mul3A_1617 = arith.mulf %sub3A_1615, %mul3A_1616 : vector<256x128xf32>
    %mul3A_1618 = vector.broadcast %get3A_548 : vector<1x128xf32> to vector<256x128xf32>
    %mul3A_1619 = arith.mulf %mul3A_1617, %mul3A_1618 : vector<256x128xf32>
    %add3A_1620 = vector.broadcast %get3A_551 : vector<1x128xf32> to vector<256x128xf32>
    %add3A_1621 = arith.addf %mul3A_1619, %add3A_1620 : vector<256x128xf32>
    %dot_general3A_1622 = arith.constant dense<0.000000e+00> : vector<256x64xf32>
    %dot_general3A_1623 = tpu.matmul %add3A_1613, %get3A_554, %dot_general3A_1622 {dimension_numbers = #tpu.dot_dimension_numbers<[1], [0], [0], [1], [0, 0, 1, 1], [], []>, transpose_lhs_hint = false} : vector<256x64xf32>, vector<64x64xf32>, vector<256x64xf32> -> vector<256x64xf32>
    %dot_general3A_1624 = arith.constant dense<0.000000e+00> : vector<256x64xf32>
    %dot_general3A_1625 = tpu.matmul %add3A_1621, %get3A_557, %dot_general3A_1624 {dimension_numbers = #tpu.dot_dimension_numbers<[1], [0], [0], [1], [0, 0, 1, 1], [], []>, transpose_lhs_hint = false} : vector<256x128xf32>, vector<128x64xf32>, vector<256x64xf32> -> vector<256x64xf32>
    %add3A_1626 = arith.addf %dot_general3A_1623, %dot_general3A_1625 : vector<256x64xf32>
    %add3A_1627 = vector.broadcast %get3A_560 : vector<1x64xf32> to vector<256x64xf32>
    %add3A_1628 = arith.addf %add3A_1626, %add3A_1627 : vector<256x64xf32>
    %mul3A_1629 = arith.constant 5.000000e-01 : f32
    %mul3A_1630 = vector.broadcast %mul3A_1629 : f32 to vector<256x64xf32>
    %mul3A_1631 = arith.mulf %mul3A_1630, %add3A_1628 : vector<256x64xf32>
    %mul3A_1632 = arith.constant 0.707106769 : f32
    %mul3A_1633 = vector.broadcast %mul3A_1632 : f32 to vector<256x64xf32>
    %mul3A_1634 = arith.mulf %add3A_1628, %mul3A_1633 : vector<256x64xf32>
    %erf3A_1635 = math.erf %mul3A_1634 : vector<256x64xf32>
    %add3A_1636 = arith.constant 1.000000e+00 : f32
    %add3A_1637 = vector.broadcast %add3A_1636 : f32 to vector<256x64xf32>
    %add3A_1638 = arith.addf %add3A_1637, %erf3A_1635 : vector<256x64xf32>
    %mul3A_1639 = arith.mulf %mul3A_1631, %add3A_1638 : vector<256x64xf32>
    %dot_general3A_1640 = arith.constant dense<0.000000e+00> : vector<256x2xf32>
    %dot_general3A_1641 = tpu.matmul %mul3A_1639, %get3A_563, %dot_general3A_1640 {dimension_numbers = #tpu.dot_dimension_numbers<[1], [0], [0], [1], [0, 0, 1, 1], [], []>, transpose_lhs_hint = false} : vector<256x64xf32>, vector<64x2xf32>, vector<256x2xf32> -> vector<256x2xf32>
    %add3A_1642 = vector.broadcast %get3A_566 : vector<1x2xf32> to vector<256x2xf32>
    %add3A_1643 = arith.addf %dot_general3A_1641, %add3A_1642 : vector<256x2xf32>
    %get3A_1644 = arith.constant 0 : index
    %get3A_1645 = arith.constant 3 : index
    %get3A_1646 = vector.load %arg5[%get3A_1644, %get3A_1645] : memref<256x8xf32, #tpu.memory_space<vmem>>, vector<256x1xf32>
    %ne3A_1647 = arith.constant 0.000000e+00 : f32
    %ne3A_1648 = vector.broadcast %ne3A_1647 : f32 to vector<256x1xf32>
    %ne3A_1649 = arith.cmpf one, %get3A_1646, %ne3A_1648 : vector<256x1xf32>
    %convert_element_type3A_1650 = arith.extui %ne3A_1649 : vector<256x1xi1> to vector<256x1xi32>
    %convert_element_type3A_1651 = arith.sitofp %convert_element_type3A_1650 : vector<256x1xi32> to vector<256x1xf32>
    %mul3A_1652 = vector.broadcast %convert_element_type3A_1651 : vector<256x1xf32> to vector<256x2xf32>
    %mul3A_1653 = arith.mulf %add3A_1643, %mul3A_1652 : vector<256x2xf32>
    %swap3A_1654 = arith.constant 3 : index
    %swap3A_1655 = arith.constant 0 : index
    %swap3A_1656 = arith.constant 0 : index
    %swap3A_1657 = vector.load %arg20[%swap3A_1654, %swap3A_1655, %swap3A_1656] : memref<8x256x2xf32, #tpu.memory_space<vmem>>, vector<1x256x2xf32>
    %swap3A_1658 = vector.shape_cast %swap3A_1657 : vector<1x256x2xf32> to vector<256x2xf32>
    %swap3A_1659 = vector.shape_cast %mul3A_1653 : vector<256x2xf32> to vector<1x256x2xf32>
    tpu.vector_store %arg20[%swap3A_1654, %swap3A_1655, %swap3A_1656], %swap3A_1659 {strides = array<i32>} : memref<8x256x2xf32, #tpu.memory_space<vmem>>, vector<1x256x2xf32>,
    %slice3A_1660 = vector.extract_strided_slice %exp3A {offsets = [0, 4], sizes = [256, 1], strides = [1, 1]} : vector<256x8xf32> to vector<256x1xf32>
    %mul3A_1661 = vector.broadcast %slice3A_1660 : vector<256x1xf32> to vector<256x64xf32>
    %mul3A_1662 = arith.mulf %mul3A_1661, %slice3A_14 : vector<256x64xf32>
    %slice3A_1663 = vector.extract_strided_slice %exp3A_389 {offsets = [0, 4], sizes = [256, 1], strides = [1, 1]} : vector<256x8xf32> to vector<256x1xf32>
    %mul3A_1664 = vector.broadcast %slice3A_1663 : vector<256x1xf32> to vector<256x64xf32>
    %mul3A_1665 = arith.mulf %mul3A_1664, %slice3A_30 : vector<256x64xf32>
    %add3A_1666 = arith.addf %mul3A_1662, %mul3A_1665 : vector<256x64xf32>
    %slice3A_1667 = vector.extract_strided_slice %exp3A_391 {offsets = [0, 4], sizes = [256, 1], strides = [1, 1]} : vector<256x8xf32> to vector<256x1xf32>
    %mul3A_1668 = vector.broadcast %slice3A_1667 : vector<256x1xf32> to vector<256x64xf32>
    %mul3A_1669 = arith.mulf %mul3A_1668, %slice3A_53 : vector<256x64xf32>
    %add3A_1670 = arith.addf %add3A_1666, %mul3A_1669 : vector<256x64xf32>
    %slice3A_1671 = vector.extract_strided_slice %exp3A_393 {offsets = [0, 4], sizes = [256, 1], strides = [1, 1]} : vector<256x8xf32> to vector<256x1xf32>
    %mul3A_1672 = vector.broadcast %slice3A_1671 : vector<256x1xf32> to vector<256x64xf32>
    %mul3A_1673 = arith.mulf %mul3A_1672, %slice3A_76 : vector<256x64xf32>
    %add3A_1674 = arith.addf %add3A_1670, %mul3A_1673 : vector<256x64xf32>
    %slice3A_1675 = vector.extract_strided_slice %exp3A_395 {offsets = [0, 4], sizes = [256, 1], strides = [1, 1]} : vector<256x8xf32> to vector<256x1xf32>
    %mul3A_1676 = vector.broadcast %slice3A_1675 : vector<256x1xf32> to vector<256x64xf32>
    %mul3A_1677 = arith.mulf %mul3A_1676, %slice3A_99 : vector<256x64xf32>
    %add3A_1678 = arith.addf %add3A_1674, %mul3A_1677 : vector<256x64xf32>
    %slice3A_1679 = vector.extract_strided_slice %exp3A_397 {offsets = [0, 4], sizes = [256, 1], strides = [1, 1]} : vector<256x8xf32> to vector<256x1xf32>
    %mul3A_1680 = vector.broadcast %slice3A_1679 : vector<256x1xf32> to vector<256x64xf32>
    %mul3A_1681 = arith.mulf %mul3A_1680, %slice3A_122 : vector<256x64xf32>
    %add3A_1682 = arith.addf %add3A_1678, %mul3A_1681 : vector<256x64xf32>
    %slice3A_1683 = vector.extract_strided_slice %exp3A_399 {offsets = [0, 4], sizes = [256, 1], strides = [1, 1]} : vector<256x8xf32> to vector<256x1xf32>
    %mul3A_1684 = vector.broadcast %slice3A_1683 : vector<256x1xf32> to vector<256x64xf32>
    %mul3A_1685 = arith.mulf %mul3A_1684, %slice3A_145 : vector<256x64xf32>
    %add3A_1686 = arith.addf %add3A_1682, %mul3A_1685 : vector<256x64xf32>
    %slice3A_1687 = vector.extract_strided_slice %exp3A_401 {offsets = [0, 4], sizes = [256, 1], strides = [1, 1]} : vector<256x8xf32> to vector<256x1xf32>
    %mul3A_1688 = vector.broadcast %slice3A_1687 : vector<256x1xf32> to vector<256x64xf32>
    %mul3A_1689 = arith.mulf %mul3A_1688, %slice3A_168 : vector<256x64xf32>
    %add3A_1690 = arith.addf %add3A_1686, %mul3A_1689 : vector<256x64xf32>
    %slice3A_1691 = vector.extract_strided_slice %exp3A_403 {offsets = [0, 4], sizes = [256, 1], strides = [1, 1]} : vector<256x8xf32> to vector<256x1xf32>
    %mul3A_1692 = vector.broadcast %slice3A_1691 : vector<256x1xf32> to vector<256x64xf32>
    %mul3A_1693 = arith.mulf %mul3A_1692, %slice3A_191 : vector<256x64xf32>
    %add3A_1694 = arith.addf %add3A_1690, %mul3A_1693 : vector<256x64xf32>
    %slice3A_1695 = vector.extract_strided_slice %exp3A_405 {offsets = [0, 4], sizes = [256, 1], strides = [1, 1]} : vector<256x8xf32> to vector<256x1xf32>
    %mul3A_1696 = vector.broadcast %slice3A_1695 : vector<256x1xf32> to vector<256x64xf32>
    %mul3A_1697 = arith.mulf %mul3A_1696, %slice3A_214 : vector<256x64xf32>
    %add3A_1698 = arith.addf %add3A_1694, %mul3A_1697 : vector<256x64xf32>
    %slice3A_1699 = vector.extract_strided_slice %exp3A_407 {offsets = [0, 4], sizes = [256, 1], strides = [1, 1]} : vector<256x8xf32> to vector<256x1xf32>
    %mul3A_1700 = vector.broadcast %slice3A_1699 : vector<256x1xf32> to vector<256x64xf32>
    %mul3A_1701 = arith.mulf %mul3A_1700, %slice3A_237 : vector<256x64xf32>
    %add3A_1702 = arith.addf %add3A_1698, %mul3A_1701 : vector<256x64xf32>
    %slice3A_1703 = vector.extract_strided_slice %exp3A_409 {offsets = [0, 4], sizes = [256, 1], strides = [1, 1]} : vector<256x8xf32> to vector<256x1xf32>
    %mul3A_1704 = vector.broadcast %slice3A_1703 : vector<256x1xf32> to vector<256x64xf32>
    %mul3A_1705 = arith.mulf %mul3A_1704, %slice3A_260 : vector<256x64xf32>
    %add3A_1706 = arith.addf %add3A_1702, %mul3A_1705 : vector<256x64xf32>
    %slice3A_1707 = vector.extract_strided_slice %exp3A_411 {offsets = [0, 4], sizes = [256, 1], strides = [1, 1]} : vector<256x8xf32> to vector<256x1xf32>
    %mul3A_1708 = vector.broadcast %slice3A_1707 : vector<256x1xf32> to vector<256x64xf32>
    %mul3A_1709 = arith.mulf %mul3A_1708, %slice3A_283 : vector<256x64xf32>
    %add3A_1710 = arith.addf %add3A_1706, %mul3A_1709 : vector<256x64xf32>
    %slice3A_1711 = vector.extract_strided_slice %exp3A_413 {offsets = [0, 4], sizes = [256, 1], strides = [1, 1]} : vector<256x8xf32> to vector<256x1xf32>
    %mul3A_1712 = vector.broadcast %slice3A_1711 : vector<256x1xf32> to vector<256x64xf32>
    %mul3A_1713 = arith.mulf %mul3A_1712, %slice3A_306 : vector<256x64xf32>
    %add3A_1714 = arith.addf %add3A_1710, %mul3A_1713 : vector<256x64xf32>
    %slice3A_1715 = vector.extract_strided_slice %exp3A_415 {offsets = [0, 4], sizes = [256, 1], strides = [1, 1]} : vector<256x8xf32> to vector<256x1xf32>
    %mul3A_1716 = vector.broadcast %slice3A_1715 : vector<256x1xf32> to vector<256x64xf32>
    %mul3A_1717 = arith.mulf %mul3A_1716, %slice3A_329 : vector<256x64xf32>
    %add3A_1718 = arith.addf %add3A_1714, %mul3A_1717 : vector<256x64xf32>
    %slice3A_1719 = vector.extract_strided_slice %exp3A_417 {offsets = [0, 4], sizes = [256, 1], strides = [1, 1]} : vector<256x8xf32> to vector<256x1xf32>
    %mul3A_1720 = vector.broadcast %slice3A_1719 : vector<256x1xf32> to vector<256x64xf32>
    %mul3A_1721 = arith.mulf %mul3A_1720, %slice3A_352 : vector<256x64xf32>
    %add3A_1722 = arith.addf %add3A_1718, %mul3A_1721 : vector<256x64xf32>
    %slice3A_1723 = vector.extract_strided_slice %div3A_434 {offsets = [0, 4], sizes = [256, 1], strides = [1, 1]} : vector<256x8xf32> to vector<256x1xf32>
    %mul3A_1724 = vector.broadcast %slice3A_1723 : vector<256x1xf32> to vector<256x64xf32>
    %mul3A_1725 = arith.mulf %add3A_1722, %mul3A_1724 : vector<256x64xf32>
    %slice3A_1726 = vector.extract_strided_slice %mul3A_529 {offsets = [0, 4], sizes = [256, 1], strides = [1, 1]} : vector<256x8xf32> to vector<256x1xf32>
    %slice3A_1727 = vector.extract_strided_slice %get3A_533 {offsets = [0, 0], sizes = [1, 64], strides = [1, 1]} : vector<8x64xf32> to vector<1x64xf32>
    %mul3A_1728 = vector.broadcast %slice3A_1726 : vector<256x1xf32> to vector<256x64xf32>
    %mul3A_1729 = vector.broadcast %slice3A_1727 : vector<1x64xf32> to vector<256x64xf32>
    %mul3A_1730 = arith.mulf %mul3A_1728, %mul3A_1729 : vector<256x64xf32>
    %add3A_1731 = arith.addf %mul3A_1725, %mul3A_1730 : vector<256x64xf32>
    %slice3A_1732 = vector.extract_strided_slice %mul3A_530 {offsets = [0, 4], sizes = [256, 1], strides = [1, 1]} : vector<256x8xf32> to vector<256x1xf32>
    %slice3A_1733 = vector.extract_strided_slice %get3A_533 {offsets = [1, 0], sizes = [1, 64], strides = [1, 1]} : vector<8x64xf32> to vector<1x64xf32>
    %mul3A_1734 = vector.broadcast %slice3A_1732 : vector<256x1xf32> to vector<256x64xf32>
    %mul3A_1735 = vector.broadcast %slice3A_1733 : vector<1x64xf32> to vector<256x64xf32>
    %mul3A_1736 = arith.mulf %mul3A_1734, %mul3A_1735 : vector<256x64xf32>
    %add3A_1737 = arith.addf %add3A_1731, %mul3A_1736 : vector<256x64xf32>
    %get3A_1738 = arith.constant 512 : index
    %get3A_1739 = arith.constant 0 : index
    %get3A_1740 = vector.load %arg6[%get3A_1738, %get3A_1739] : memref<1024x32xf32, #tpu.memory_space<vmem>>, vector<128x32xf32>
    %dot_general3A_1741 = arith.constant dense<0.000000e+00> : vector<256x32xf32>
    %dot_general3A_1742 = tpu.matmul %get3A_10, %get3A_1740, %dot_general3A_1741 {dimension_numbers = #tpu.dot_dimension_numbers<[1], [0], [0], [1], [0, 0, 1, 1], [], []>, transpose_lhs_hint = false} : vector<256x128xf32>, vector<128x32xf32>, vector<256x32xf32> -> vector<256x32xf32>
    %broadcast_in_dim3A_1743 = arith.constant 0.000000e+00 : f32
    %broadcast_in_dim3A_1744 = vector.broadcast %broadcast_in_dim3A_1743 : f32 to vector<256x128xf32>
    %slice3A_1745 = vector.extract_strided_slice %dot_general3A_1742 {offsets = [0, 0], sizes = [256, 8], strides = [1, 1]} : vector<256x32xf32> to vector<256x8xf32>
    %lt3A_1746 = arith.constant 6 : i32
    %lt3A_1747 = vector.broadcast %lt3A_1746 : i32 to vector<1x8xi32>
    %lt3A_1748 = arith.cmpi slt, %iota3A, %lt3A_1747 : vector<1x8xi32>
    %jit3A_1749 = arith.constant -1.000000e+30 : f32
    %broadcast_in_dim3A_1750 = vector.shape_cast %lt3A_1748 : vector<1x8xi1> to vector<1x8xi1>
    %broadcast_in_dim3A_1751 = vector.broadcast %broadcast_in_dim3A_1750 : vector<1x8xi1> to vector<256x8xi1>
    %broadcast_in_dim3A_1752 = vector.broadcast %jit3A_1749 : f32 to vector<256x8xf32>
    %select_n3A_1753 = arith.select %broadcast_in_dim3A_1751, %slice3A_1745, %broadcast_in_dim3A_1752 : vector<256x8xi1>, vector<256x8xf32>
    %reduce_max3A_1754 = arith.constant dense<0xFF800000> : vector<256xf32>
    %reduce_max3A_1755 = vector.multi_reduction <maximumf>, %select_n3A_1753, %reduce_max3A_1754 [1] : vector<256x8xf32> to vector<256xf32>
    %broadcast_in_dim3A_1756 = vector.shape_cast %reduce_max3A_1755 : vector<256xf32> to vector<256x1xf32>
    %sub3A_1757 = vector.broadcast %broadcast_in_dim3A_1756 : vector<256x1xf32> to vector<256x8xf32>
    %sub3A_1758 = arith.subf %select_n3A_1753, %sub3A_1757 : vector<256x8xf32>
    %exp3A_1759 = math.exp %sub3A_1758 : vector<256x8xf32>
    %reduce_sum3A_1760 = arith.constant dense<0.000000e+00> : vector<256xf32>
    %reduce_sum3A_1761 = vector.multi_reduction <add>, %exp3A_1759, %reduce_sum3A_1760 [1] : vector<256x8xf32> to vector<256xf32>
    %broadcast_in_dim3A_1762 = vector.shape_cast %reduce_sum3A_1761 : vector<256xf32> to vector<256x1xf32>
    %div3A_1763 = vector.broadcast %broadcast_in_dim3A_1762 : vector<256x1xf32> to vector<256x8xf32>
    %div3A_1764 = arith.divf %exp3A_1759, %div3A_1763 : vector<256x8xf32>
    %get3A_1765 = arith.constant 128 : index
    %get3A_1766 = arith.constant 0 : index
    %get3A_1767 = vector.load %arg7[%get3A_1765, %get3A_1766] : memref<256x128xf32, #tpu.memory_space<vmem>>, vector<8x128xf32>
    %dot_general3A_1768 = arith.constant dense<0.000000e+00> : vector<256x128xf32>
    %dot_general3A_1769 = tpu.matmul %div3A_1764, %get3A_1767, %dot_general3A_1768 {dimension_numbers = #tpu.dot_dimension_numbers<[1], [0], [0], [1], [0, 0, 1, 1], [], []>, transpose_lhs_hint = false} : vector<256x8xf32>, vector<8x128xf32>, vector<256x128xf32> -> vector<256x128xf32>
    %add3A_1770 = arith.addf %broadcast_in_dim3A_1744, %dot_general3A_1769 : vector<256x128xf32>
    %slice3A_1771 = vector.extract_strided_slice %dot_general3A_1742 {offsets = [0, 8], sizes = [256, 8], strides = [1, 1]} : vector<256x32xf32> to vector<256x8xf32>
    %lt3A_1772 = arith.constant 6 : i32
    %lt3A_1773 = vector.broadcast %lt3A_1772 : i32 to vector<1x8xi32>
    %lt3A_1774 = arith.cmpi slt, %iota3A, %lt3A_1773 : vector<1x8xi32>
    %jit3A_1775 = arith.constant -1.000000e+30 : f32
    %broadcast_in_dim3A_1776 = vector.shape_cast %lt3A_1774 : vector<1x8xi1> to vector<1x8xi1>
    %broadcast_in_dim3A_1777 = vector.broadcast %broadcast_in_dim3A_1776 : vector<1x8xi1> to vector<256x8xi1>
    %broadcast_in_dim3A_1778 = vector.broadcast %jit3A_1775 : f32 to vector<256x8xf32>
    %select_n3A_1779 = arith.select %broadcast_in_dim3A_1777, %slice3A_1771, %broadcast_in_dim3A_1778 : vector<256x8xi1>, vector<256x8xf32>
    %reduce_max3A_1780 = arith.constant dense<0xFF800000> : vector<256xf32>
    %reduce_max3A_1781 = vector.multi_reduction <maximumf>, %select_n3A_1779, %reduce_max3A_1780 [1] : vector<256x8xf32> to vector<256xf32>
    %broadcast_in_dim3A_1782 = vector.shape_cast %reduce_max3A_1781 : vector<256xf32> to vector<256x1xf32>
    %sub3A_1783 = vector.broadcast %broadcast_in_dim3A_1782 : vector<256x1xf32> to vector<256x8xf32>
    %sub3A_1784 = arith.subf %select_n3A_1779, %sub3A_1783 : vector<256x8xf32>
    %exp3A_1785 = math.exp %sub3A_1784 : vector<256x8xf32>
    %reduce_sum3A_1786 = arith.constant dense<0.000000e+00> : vector<256xf32>
    %reduce_sum3A_1787 = vector.multi_reduction <add>, %exp3A_1785, %reduce_sum3A_1786 [1] : vector<256x8xf32> to vector<256xf32>
    %broadcast_in_dim3A_1788 = vector.shape_cast %reduce_sum3A_1787 : vector<256xf32> to vector<256x1xf32>
    %div3A_1789 = vector.broadcast %broadcast_in_dim3A_1788 : vector<256x1xf32> to vector<256x8xf32>
    %div3A_1790 = arith.divf %exp3A_1785, %div3A_1789 : vector<256x8xf32>
    %get3A_1791 = arith.constant 136 : index
    %get3A_1792 = arith.constant 0 : index
    %get3A_1793 = vector.load %arg7[%get3A_1791, %get3A_1792] : memref<256x128xf32, #tpu.memory_space<vmem>>, vector<8x128xf32>
    %dot_general3A_1794 = arith.constant dense<0.000000e+00> : vector<256x128xf32>
    %dot_general3A_1795 = tpu.matmul %div3A_1790, %get3A_1793, %dot_general3A_1794 {dimension_numbers = #tpu.dot_dimension_numbers<[1], [0], [0], [1], [0, 0, 1, 1], [], []>, transpose_lhs_hint = false} : vector<256x8xf32>, vector<8x128xf32>, vector<256x128xf32> -> vector<256x128xf32>
    %add3A_1796 = arith.addf %add3A_1770, %dot_general3A_1795 : vector<256x128xf32>
    %slice3A_1797 = vector.extract_strided_slice %dot_general3A_1742 {offsets = [0, 16], sizes = [256, 8], strides = [1, 1]} : vector<256x32xf32> to vector<256x8xf32>
    %lt3A_1798 = arith.constant 6 : i32
    %lt3A_1799 = vector.broadcast %lt3A_1798 : i32 to vector<1x8xi32>
    %lt3A_1800 = arith.cmpi slt, %iota3A, %lt3A_1799 : vector<1x8xi32>
    %jit3A_1801 = arith.constant -1.000000e+30 : f32
    %broadcast_in_dim3A_1802 = vector.shape_cast %lt3A_1800 : vector<1x8xi1> to vector<1x8xi1>
    %broadcast_in_dim3A_1803 = vector.broadcast %broadcast_in_dim3A_1802 : vector<1x8xi1> to vector<256x8xi1>
    %broadcast_in_dim3A_1804 = vector.broadcast %jit3A_1801 : f32 to vector<256x8xf32>
    %select_n3A_1805 = arith.select %broadcast_in_dim3A_1803, %slice3A_1797, %broadcast_in_dim3A_1804 : vector<256x8xi1>, vector<256x8xf32>
    %reduce_max3A_1806 = arith.constant dense<0xFF800000> : vector<256xf32>
    %reduce_max3A_1807 = vector.multi_reduction <maximumf>, %select_n3A_1805, %reduce_max3A_1806 [1] : vector<256x8xf32> to vector<256xf32>
    %broadcast_in_dim3A_1808 = vector.shape_cast %reduce_max3A_1807 : vector<256xf32> to vector<256x1xf32>
    %sub3A_1809 = vector.broadcast %broadcast_in_dim3A_1808 : vector<256x1xf32> to vector<256x8xf32>
    %sub3A_1810 = arith.subf %select_n3A_1805, %sub3A_1809 : vector<256x8xf32>
    %exp3A_1811 = math.exp %sub3A_1810 : vector<256x8xf32>
    %reduce_sum3A_1812 = arith.constant dense<0.000000e+00> : vector<256xf32>
    %reduce_sum3A_1813 = vector.multi_reduction <add>, %exp3A_1811, %reduce_sum3A_1812 [1] : vector<256x8xf32> to vector<256xf32>
    %broadcast_in_dim3A_1814 = vector.shape_cast %reduce_sum3A_1813 : vector<256xf32> to vector<256x1xf32>
    %div3A_1815 = vector.broadcast %broadcast_in_dim3A_1814 : vector<256x1xf32> to vector<256x8xf32>
    %div3A_1816 = arith.divf %exp3A_1811, %div3A_1815 : vector<256x8xf32>
    %get3A_1817 = arith.constant 144 : index
    %get3A_1818 = arith.constant 0 : index
    %get3A_1819 = vector.load %arg7[%get3A_1817, %get3A_1818] : memref<256x128xf32, #tpu.memory_space<vmem>>, vector<8x128xf32>
    %dot_general3A_1820 = arith.constant dense<0.000000e+00> : vector<256x128xf32>
    %dot_general3A_1821 = tpu.matmul %div3A_1816, %get3A_1819, %dot_general3A_1820 {dimension_numbers = #tpu.dot_dimension_numbers<[1], [0], [0], [1], [0, 0, 1, 1], [], []>, transpose_lhs_hint = false} : vector<256x8xf32>, vector<8x128xf32>, vector<256x128xf32> -> vector<256x128xf32>
    %add3A_1822 = arith.addf %add3A_1796, %dot_general3A_1821 : vector<256x128xf32>
    %slice3A_1823 = vector.extract_strided_slice %dot_general3A_1742 {offsets = [0, 24], sizes = [256, 8], strides = [1, 1]} : vector<256x32xf32> to vector<256x8xf32>
    %lt3A_1824 = arith.constant 6 : i32
    %lt3A_1825 = vector.broadcast %lt3A_1824 : i32 to vector<1x8xi32>
    %lt3A_1826 = arith.cmpi slt, %iota3A, %lt3A_1825 : vector<1x8xi32>
    %jit3A_1827 = arith.constant -1.000000e+30 : f32
    %broadcast_in_dim3A_1828 = vector.shape_cast %lt3A_1826 : vector<1x8xi1> to vector<1x8xi1>
    %broadcast_in_dim3A_1829 = vector.broadcast %broadcast_in_dim3A_1828 : vector<1x8xi1> to vector<256x8xi1>
    %broadcast_in_dim3A_1830 = vector.broadcast %jit3A_1827 : f32 to vector<256x8xf32>
    %select_n3A_1831 = arith.select %broadcast_in_dim3A_1829, %slice3A_1823, %broadcast_in_dim3A_1830 : vector<256x8xi1>, vector<256x8xf32>
    %reduce_max3A_1832 = arith.constant dense<0xFF800000> : vector<256xf32>
    %reduce_max3A_1833 = vector.multi_reduction <maximumf>, %select_n3A_1831, %reduce_max3A_1832 [1] : vector<256x8xf32> to vector<256xf32>
    %broadcast_in_dim3A_1834 = vector.shape_cast %reduce_max3A_1833 : vector<256xf32> to vector<256x1xf32>
    %sub3A_1835 = vector.broadcast %broadcast_in_dim3A_1834 : vector<256x1xf32> to vector<256x8xf32>
    %sub3A_1836 = arith.subf %select_n3A_1831, %sub3A_1835 : vector<256x8xf32>
    %exp3A_1837 = math.exp %sub3A_1836 : vector<256x8xf32>
    %reduce_sum3A_1838 = arith.constant dense<0.000000e+00> : vector<256xf32>
    %reduce_sum3A_1839 = vector.multi_reduction <add>, %exp3A_1837, %reduce_sum3A_1838 [1] : vector<256x8xf32> to vector<256xf32>
    %broadcast_in_dim3A_1840 = vector.shape_cast %reduce_sum3A_1839 : vector<256xf32> to vector<256x1xf32>
    %div3A_1841 = vector.broadcast %broadcast_in_dim3A_1840 : vector<256x1xf32> to vector<256x8xf32>
    %div3A_1842 = arith.divf %exp3A_1837, %div3A_1841 : vector<256x8xf32>
    %get3A_1843 = arith.constant 152 : index
    %get3A_1844 = arith.constant 0 : index
    %get3A_1845 = vector.load %arg7[%get3A_1843, %get3A_1844] : memref<256x128xf32, #tpu.memory_space<vmem>>, vector<8x128xf32>
    %dot_general3A_1846 = arith.constant dense<0.000000e+00> : vector<256x128xf32>
    %dot_general3A_1847 = tpu.matmul %div3A_1842, %get3A_1845, %dot_general3A_1846 {dimension_numbers = #tpu.dot_dimension_numbers<[1], [0], [0], [1], [0, 0, 1, 1], [], []>, transpose_lhs_hint = false} : vector<256x8xf32>, vector<8x128xf32>, vector<256x128xf32> -> vector<256x128xf32>
    %add3A_1848 = arith.addf %add3A_1822, %dot_general3A_1847 : vector<256x128xf32>
    %dot_general3A_1849 = arith.constant dense<0.000000e+00> : vector<256x128xf32>
    %dot_general3A_1850 = tpu.matmul %add3A_1848, %get3A_536, %dot_general3A_1849 {dimension_numbers = #tpu.dot_dimension_numbers<[1], [0], [0], [1], [0, 0, 1, 1], [], []>, transpose_lhs_hint = false} : vector<256x128xf32>, vector<128x128xf32>, vector<256x128xf32> -> vector<256x128xf32>
    %add3A_1851 = vector.broadcast %get3A_539 : vector<1x128xf32> to vector<256x128xf32>
    %add3A_1852 = arith.addf %dot_general3A_1850, %add3A_1851 : vector<256x128xf32>
    %reduce_sum3A_1853 = arith.constant dense<0.000000e+00> : vector<256xf32>
    %reduce_sum3A_1854 = vector.multi_reduction <add>, %add3A_1737, %reduce_sum3A_1853 [1] : vector<256x64xf32> to vector<256xf32>
    %broadcast_in_dim3A_1855 = vector.shape_cast %reduce_sum3A_1854 : vector<256xf32> to vector<256x1xf32>
    %reduce_sum3A_1856 = arith.constant dense<0.000000e+00> : vector<256xf32>
    %reduce_sum3A_1857 = vector.multi_reduction <add>, %add3A_1852, %reduce_sum3A_1856 [1] : vector<256x128xf32> to vector<256xf32>
    %broadcast_in_dim3A_1858 = vector.shape_cast %reduce_sum3A_1857 : vector<256xf32> to vector<256x1xf32>
    %add3A_1859 = arith.addf %broadcast_in_dim3A_1855, %broadcast_in_dim3A_1858 : vector<256x1xf32>
    %mul3A_1860 = arith.constant 0.00520833349 : f32
    %mul3A_1861 = vector.broadcast %mul3A_1860 : f32 to vector<256x1xf32>
    %mul3A_1862 = arith.mulf %add3A_1859, %mul3A_1861 : vector<256x1xf32>
    %mul3A_1863 = arith.mulf %add3A_1737, %add3A_1737 : vector<256x64xf32>
    %reduce_sum3A_1864 = arith.constant dense<0.000000e+00> : vector<256xf32>
    %reduce_sum3A_1865 = vector.multi_reduction <add>, %mul3A_1863, %reduce_sum3A_1864 [1] : vector<256x64xf32> to vector<256xf32>
    %broadcast_in_dim3A_1866 = vector.shape_cast %reduce_sum3A_1865 : vector<256xf32> to vector<256x1xf32>
    %mul3A_1867 = arith.mulf %add3A_1852, %add3A_1852 : vector<256x128xf32>
    %reduce_sum3A_1868 = arith.constant dense<0.000000e+00> : vector<256xf32>
    %reduce_sum3A_1869 = vector.multi_reduction <add>, %mul3A_1867, %reduce_sum3A_1868 [1] : vector<256x128xf32> to vector<256xf32>
    %broadcast_in_dim3A_1870 = vector.shape_cast %reduce_sum3A_1869 : vector<256xf32> to vector<256x1xf32>
    %add3A_1871 = arith.addf %broadcast_in_dim3A_1866, %broadcast_in_dim3A_1870 : vector<256x1xf32>
    %mul3A_1872 = arith.constant 0.00520833349 : f32
    %mul3A_1873 = vector.broadcast %mul3A_1872 : f32 to vector<256x1xf32>
    %mul3A_1874 = arith.mulf %add3A_1871, %mul3A_1873 : vector<256x1xf32>
    %mul3A_1875 = arith.mulf %mul3A_1862, %mul3A_1862 : vector<256x1xf32>
    %sub3A_1876 = arith.subf %mul3A_1874, %mul3A_1875 : vector<256x1xf32>
    %add3A_1877 = arith.constant 9.99999974E-6 : f32
    %add3A_1878 = vector.broadcast %add3A_1877 : f32 to vector<256x1xf32>
    %add3A_1879 = arith.addf %sub3A_1876, %add3A_1878 : vector<256x1xf32>
    %rsqrt3A_1880 = math.rsqrt %add3A_1879 : vector<256x1xf32>
    %sub3A_1881 = vector.broadcast %mul3A_1862 : vector<256x1xf32> to vector<256x64xf32>
    %sub3A_1882 = arith.subf %add3A_1737, %sub3A_1881 : vector<256x64xf32>
    %mul3A_1883 = vector.broadcast %rsqrt3A_1880 : vector<256x1xf32> to vector<256x64xf32>
    %mul3A_1884 = arith.mulf %sub3A_1882, %mul3A_1883 : vector<256x64xf32>
    %mul3A_1885 = vector.broadcast %get3A_542 : vector<1x64xf32> to vector<256x64xf32>
    %mul3A_1886 = arith.mulf %mul3A_1884, %mul3A_1885 : vector<256x64xf32>
    %add3A_1887 = vector.broadcast %get3A_545 : vector<1x64xf32> to vector<256x64xf32>
    %add3A_1888 = arith.addf %mul3A_1886, %add3A_1887 : vector<256x64xf32>
    %sub3A_1889 = vector.broadcast %mul3A_1862 : vector<256x1xf32> to vector<256x128xf32>
    %sub3A_1890 = arith.subf %add3A_1852, %sub3A_1889 : vector<256x128xf32>
    %mul3A_1891 = vector.broadcast %rsqrt3A_1880 : vector<256x1xf32> to vector<256x128xf32>
    %mul3A_1892 = arith.mulf %sub3A_1890, %mul3A_1891 : vector<256x128xf32>
    %mul3A_1893 = vector.broadcast %get3A_548 : vector<1x128xf32> to vector<256x128xf32>
    %mul3A_1894 = arith.mulf %mul3A_1892, %mul3A_1893 : vector<256x128xf32>
    %add3A_1895 = vector.broadcast %get3A_551 : vector<1x128xf32> to vector<256x128xf32>
    %add3A_1896 = arith.addf %mul3A_1894, %add3A_1895 : vector<256x128xf32>
    %dot_general3A_1897 = arith.constant dense<0.000000e+00> : vector<256x64xf32>
    %dot_general3A_1898 = tpu.matmul %add3A_1888, %get3A_554, %dot_general3A_1897 {dimension_numbers = #tpu.dot_dimension_numbers<[1], [0], [0], [1], [0, 0, 1, 1], [], []>, transpose_lhs_hint = false} : vector<256x64xf32>, vector<64x64xf32>, vector<256x64xf32> -> vector<256x64xf32>
    %dot_general3A_1899 = arith.constant dense<0.000000e+00> : vector<256x64xf32>
    %dot_general3A_1900 = tpu.matmul %add3A_1896, %get3A_557, %dot_general3A_1899 {dimension_numbers = #tpu.dot_dimension_numbers<[1], [0], [0], [1], [0, 0, 1, 1], [], []>, transpose_lhs_hint = false} : vector<256x128xf32>, vector<128x64xf32>, vector<256x64xf32> -> vector<256x64xf32>
    %add3A_1901 = arith.addf %dot_general3A_1898, %dot_general3A_1900 : vector<256x64xf32>
    %add3A_1902 = vector.broadcast %get3A_560 : vector<1x64xf32> to vector<256x64xf32>
    %add3A_1903 = arith.addf %add3A_1901, %add3A_1902 : vector<256x64xf32>
    %mul3A_1904 = arith.constant 5.000000e-01 : f32
    %mul3A_1905 = vector.broadcast %mul3A_1904 : f32 to vector<256x64xf32>
    %mul3A_1906 = arith.mulf %mul3A_1905, %add3A_1903 : vector<256x64xf32>
    %mul3A_1907 = arith.constant 0.707106769 : f32
    %mul3A_1908 = vector.broadcast %mul3A_1907 : f32 to vector<256x64xf32>
    %mul3A_1909 = arith.mulf %add3A_1903, %mul3A_1908 : vector<256x64xf32>
    %erf3A_1910 = math.erf %mul3A_1909 : vector<256x64xf32>
    %add3A_1911 = arith.constant 1.000000e+00 : f32
    %add3A_1912 = vector.broadcast %add3A_1911 : f32 to vector<256x64xf32>
    %add3A_1913 = arith.addf %add3A_1912, %erf3A_1910 : vector<256x64xf32>
    %mul3A_1914 = arith.mulf %mul3A_1906, %add3A_1913 : vector<256x64xf32>
    %dot_general3A_1915 = arith.constant dense<0.000000e+00> : vector<256x2xf32>
    %dot_general3A_1916 = tpu.matmul %mul3A_1914, %get3A_563, %dot_general3A_1915 {dimension_numbers = #tpu.dot_dimension_numbers<[1], [0], [0], [1], [0, 0, 1, 1], [], []>, transpose_lhs_hint = false} : vector<256x64xf32>, vector<64x2xf32>, vector<256x2xf32> -> vector<256x2xf32>
    %add3A_1917 = vector.broadcast %get3A_566 : vector<1x2xf32> to vector<256x2xf32>
    %add3A_1918 = arith.addf %dot_general3A_1916, %add3A_1917 : vector<256x2xf32>
    %get3A_1919 = arith.constant 0 : index
    %get3A_1920 = arith.constant 4 : index
    %get3A_1921 = vector.load %arg5[%get3A_1919, %get3A_1920] : memref<256x8xf32, #tpu.memory_space<vmem>>, vector<256x1xf32>
    %ne3A_1922 = arith.constant 0.000000e+00 : f32
    %ne3A_1923 = vector.broadcast %ne3A_1922 : f32 to vector<256x1xf32>
    %ne3A_1924 = arith.cmpf one, %get3A_1921, %ne3A_1923 : vector<256x1xf32>
    %convert_element_type3A_1925 = arith.extui %ne3A_1924 : vector<256x1xi1> to vector<256x1xi32>
    %convert_element_type3A_1926 = arith.sitofp %convert_element_type3A_1925 : vector<256x1xi32> to vector<256x1xf32>
    %mul3A_1927 = vector.broadcast %convert_element_type3A_1926 : vector<256x1xf32> to vector<256x2xf32>
    %mul3A_1928 = arith.mulf %add3A_1918, %mul3A_1927 : vector<256x2xf32>
    %swap3A_1929 = arith.constant 4 : index
    %swap3A_1930 = arith.constant 0 : index
    %swap3A_1931 = arith.constant 0 : index
    %swap3A_1932 = vector.load %arg20[%swap3A_1929, %swap3A_1930, %swap3A_1931] : memref<8x256x2xf32, #tpu.memory_space<vmem>>, vector<1x256x2xf32>
    %swap3A_1933 = vector.shape_cast %swap3A_1932 : vector<1x256x2xf32> to vector<256x2xf32>
    %swap3A_1934 = vector.shape_cast %mul3A_1928 : vector<256x2xf32> to vector<1x256x2xf32>
    tpu.vector_store %arg20[%swap3A_1929, %swap3A_1930, %swap3A_1931], %swap3A_1934 {strides = array<i32>} : memref<8x256x2xf32, #tpu.memory_space<vmem>>, vector<1x256x2xf32>,
    %slice3A_1935 = vector.extract_strided_slice %exp3A {offsets = [0, 5], sizes = [256, 1], strides = [1, 1]} : vector<256x8xf32> to vector<256x1xf32>
    %mul3A_1936 = vector.broadcast %slice3A_1935 : vector<256x1xf32> to vector<256x64xf32>
    %mul3A_1937 = arith.mulf %mul3A_1936, %slice3A_14 : vector<256x64xf32>
    %slice3A_1938 = vector.extract_strided_slice %exp3A_389 {offsets = [0, 5], sizes = [256, 1], strides = [1, 1]} : vector<256x8xf32> to vector<256x1xf32>
    %mul3A_1939 = vector.broadcast %slice3A_1938 : vector<256x1xf32> to vector<256x64xf32>
    %mul3A_1940 = arith.mulf %mul3A_1939, %slice3A_30 : vector<256x64xf32>
    %add3A_1941 = arith.addf %mul3A_1937, %mul3A_1940 : vector<256x64xf32>
    %slice3A_1942 = vector.extract_strided_slice %exp3A_391 {offsets = [0, 5], sizes = [256, 1], strides = [1, 1]} : vector<256x8xf32> to vector<256x1xf32>
    %mul3A_1943 = vector.broadcast %slice3A_1942 : vector<256x1xf32> to vector<256x64xf32>
    %mul3A_1944 = arith.mulf %mul3A_1943, %slice3A_53 : vector<256x64xf32>
    %add3A_1945 = arith.addf %add3A_1941, %mul3A_1944 : vector<256x64xf32>
    %slice3A_1946 = vector.extract_strided_slice %exp3A_393 {offsets = [0, 5], sizes = [256, 1], strides = [1, 1]} : vector<256x8xf32> to vector<256x1xf32>
    %mul3A_1947 = vector.broadcast %slice3A_1946 : vector<256x1xf32> to vector<256x64xf32>
    %mul3A_1948 = arith.mulf %mul3A_1947, %slice3A_76 : vector<256x64xf32>
    %add3A_1949 = arith.addf %add3A_1945, %mul3A_1948 : vector<256x64xf32>
    %slice3A_1950 = vector.extract_strided_slice %exp3A_395 {offsets = [0, 5], sizes = [256, 1], strides = [1, 1]} : vector<256x8xf32> to vector<256x1xf32>
    %mul3A_1951 = vector.broadcast %slice3A_1950 : vector<256x1xf32> to vector<256x64xf32>
    %mul3A_1952 = arith.mulf %mul3A_1951, %slice3A_99 : vector<256x64xf32>
    %add3A_1953 = arith.addf %add3A_1949, %mul3A_1952 : vector<256x64xf32>
    %slice3A_1954 = vector.extract_strided_slice %exp3A_397 {offsets = [0, 5], sizes = [256, 1], strides = [1, 1]} : vector<256x8xf32> to vector<256x1xf32>
    %mul3A_1955 = vector.broadcast %slice3A_1954 : vector<256x1xf32> to vector<256x64xf32>
    %mul3A_1956 = arith.mulf %mul3A_1955, %slice3A_122 : vector<256x64xf32>
    %add3A_1957 = arith.addf %add3A_1953, %mul3A_1956 : vector<256x64xf32>
    %slice3A_1958 = vector.extract_strided_slice %exp3A_399 {offsets = [0, 5], sizes = [256, 1], strides = [1, 1]} : vector<256x8xf32> to vector<256x1xf32>
    %mul3A_1959 = vector.broadcast %slice3A_1958 : vector<256x1xf32> to vector<256x64xf32>
    %mul3A_1960 = arith.mulf %mul3A_1959, %slice3A_145 : vector<256x64xf32>
    %add3A_1961 = arith.addf %add3A_1957, %mul3A_1960 : vector<256x64xf32>
    %slice3A_1962 = vector.extract_strided_slice %exp3A_401 {offsets = [0, 5], sizes = [256, 1], strides = [1, 1]} : vector<256x8xf32> to vector<256x1xf32>
    %mul3A_1963 = vector.broadcast %slice3A_1962 : vector<256x1xf32> to vector<256x64xf32>
    %mul3A_1964 = arith.mulf %mul3A_1963, %slice3A_168 : vector<256x64xf32>
    %add3A_1965 = arith.addf %add3A_1961, %mul3A_1964 : vector<256x64xf32>
    %slice3A_1966 = vector.extract_strided_slice %exp3A_403 {offsets = [0, 5], sizes = [256, 1], strides = [1, 1]} : vector<256x8xf32> to vector<256x1xf32>
    %mul3A_1967 = vector.broadcast %slice3A_1966 : vector<256x1xf32> to vector<256x64xf32>
    %mul3A_1968 = arith.mulf %mul3A_1967, %slice3A_191 : vector<256x64xf32>
    %add3A_1969 = arith.addf %add3A_1965, %mul3A_1968 : vector<256x64xf32>
    %slice3A_1970 = vector.extract_strided_slice %exp3A_405 {offsets = [0, 5], sizes = [256, 1], strides = [1, 1]} : vector<256x8xf32> to vector<256x1xf32>
    %mul3A_1971 = vector.broadcast %slice3A_1970 : vector<256x1xf32> to vector<256x64xf32>
    %mul3A_1972 = arith.mulf %mul3A_1971, %slice3A_214 : vector<256x64xf32>
    %add3A_1973 = arith.addf %add3A_1969, %mul3A_1972 : vector<256x64xf32>
    %slice3A_1974 = vector.extract_strided_slice %exp3A_407 {offsets = [0, 5], sizes = [256, 1], strides = [1, 1]} : vector<256x8xf32> to vector<256x1xf32>
    %mul3A_1975 = vector.broadcast %slice3A_1974 : vector<256x1xf32> to vector<256x64xf32>
    %mul3A_1976 = arith.mulf %mul3A_1975, %slice3A_237 : vector<256x64xf32>
    %add3A_1977 = arith.addf %add3A_1973, %mul3A_1976 : vector<256x64xf32>
    %slice3A_1978 = vector.extract_strided_slice %exp3A_409 {offsets = [0, 5], sizes = [256, 1], strides = [1, 1]} : vector<256x8xf32> to vector<256x1xf32>
    %mul3A_1979 = vector.broadcast %slice3A_1978 : vector<256x1xf32> to vector<256x64xf32>
    %mul3A_1980 = arith.mulf %mul3A_1979, %slice3A_260 : vector<256x64xf32>
    %add3A_1981 = arith.addf %add3A_1977, %mul3A_1980 : vector<256x64xf32>
    %slice3A_1982 = vector.extract_strided_slice %exp3A_411 {offsets = [0, 5], sizes = [256, 1], strides = [1, 1]} : vector<256x8xf32> to vector<256x1xf32>
    %mul3A_1983 = vector.broadcast %slice3A_1982 : vector<256x1xf32> to vector<256x64xf32>
    %mul3A_1984 = arith.mulf %mul3A_1983, %slice3A_283 : vector<256x64xf32>
    %add3A_1985 = arith.addf %add3A_1981, %mul3A_1984 : vector<256x64xf32>
    %slice3A_1986 = vector.extract_strided_slice %exp3A_413 {offsets = [0, 5], sizes = [256, 1], strides = [1, 1]} : vector<256x8xf32> to vector<256x1xf32>
    %mul3A_1987 = vector.broadcast %slice3A_1986 : vector<256x1xf32> to vector<256x64xf32>
    %mul3A_1988 = arith.mulf %mul3A_1987, %slice3A_306 : vector<256x64xf32>
    %add3A_1989 = arith.addf %add3A_1985, %mul3A_1988 : vector<256x64xf32>
    %slice3A_1990 = vector.extract_strided_slice %exp3A_415 {offsets = [0, 5], sizes = [256, 1], strides = [1, 1]} : vector<256x8xf32> to vector<256x1xf32>
    %mul3A_1991 = vector.broadcast %slice3A_1990 : vector<256x1xf32> to vector<256x64xf32>
    %mul3A_1992 = arith.mulf %mul3A_1991, %slice3A_329 : vector<256x64xf32>
    %add3A_1993 = arith.addf %add3A_1989, %mul3A_1992 : vector<256x64xf32>
    %slice3A_1994 = vector.extract_strided_slice %exp3A_417 {offsets = [0, 5], sizes = [256, 1], strides = [1, 1]} : vector<256x8xf32> to vector<256x1xf32>
    %mul3A_1995 = vector.broadcast %slice3A_1994 : vector<256x1xf32> to vector<256x64xf32>
    %mul3A_1996 = arith.mulf %mul3A_1995, %slice3A_352 : vector<256x64xf32>
    %add3A_1997 = arith.addf %add3A_1993, %mul3A_1996 : vector<256x64xf32>
    %slice3A_1998 = vector.extract_strided_slice %div3A_434 {offsets = [0, 5], sizes = [256, 1], strides = [1, 1]} : vector<256x8xf32> to vector<256x1xf32>
    %mul3A_1999 = vector.broadcast %slice3A_1998 : vector<256x1xf32> to vector<256x64xf32>
    %mul3A_2000 = arith.mulf %add3A_1997, %mul3A_1999 : vector<256x64xf32>
    %slice3A_2001 = vector.extract_strided_slice %mul3A_529 {offsets = [0, 5], sizes = [256, 1], strides = [1, 1]} : vector<256x8xf32> to vector<256x1xf32>
    %slice3A_2002 = vector.extract_strided_slice %get3A_533 {offsets = [0, 0], sizes = [1, 64], strides = [1, 1]} : vector<8x64xf32> to vector<1x64xf32>
    %mul3A_2003 = vector.broadcast %slice3A_2001 : vector<256x1xf32> to vector<256x64xf32>
    %mul3A_2004 = vector.broadcast %slice3A_2002 : vector<1x64xf32> to vector<256x64xf32>
    %mul3A_2005 = arith.mulf %mul3A_2003, %mul3A_2004 : vector<256x64xf32>
    %add3A_2006 = arith.addf %mul3A_2000, %mul3A_2005 : vector<256x64xf32>
    %slice3A_2007 = vector.extract_strided_slice %mul3A_530 {offsets = [0, 5], sizes = [256, 1], strides = [1, 1]} : vector<256x8xf32> to vector<256x1xf32>
    %slice3A_2008 = vector.extract_strided_slice %get3A_533 {offsets = [1, 0], sizes = [1, 64], strides = [1, 1]} : vector<8x64xf32> to vector<1x64xf32>
    %mul3A_2009 = vector.broadcast %slice3A_2007 : vector<256x1xf32> to vector<256x64xf32>
    %mul3A_2010 = vector.broadcast %slice3A_2008 : vector<1x64xf32> to vector<256x64xf32>
    %mul3A_2011 = arith.mulf %mul3A_2009, %mul3A_2010 : vector<256x64xf32>
    %add3A_2012 = arith.addf %add3A_2006, %mul3A_2011 : vector<256x64xf32>
    %get3A_2013 = arith.constant 640 : index
    %get3A_2014 = arith.constant 0 : index
    %get3A_2015 = vector.load %arg6[%get3A_2013, %get3A_2014] : memref<1024x32xf32, #tpu.memory_space<vmem>>, vector<128x32xf32>
    %dot_general3A_2016 = arith.constant dense<0.000000e+00> : vector<256x32xf32>
    %dot_general3A_2017 = tpu.matmul %get3A_10, %get3A_2015, %dot_general3A_2016 {dimension_numbers = #tpu.dot_dimension_numbers<[1], [0], [0], [1], [0, 0, 1, 1], [], []>, transpose_lhs_hint = false} : vector<256x128xf32>, vector<128x32xf32>, vector<256x32xf32> -> vector<256x32xf32>
    %broadcast_in_dim3A_2018 = arith.constant 0.000000e+00 : f32
    %broadcast_in_dim3A_2019 = vector.broadcast %broadcast_in_dim3A_2018 : f32 to vector<256x128xf32>
    %slice3A_2020 = vector.extract_strided_slice %dot_general3A_2017 {offsets = [0, 0], sizes = [256, 8], strides = [1, 1]} : vector<256x32xf32> to vector<256x8xf32>
    %lt3A_2021 = arith.constant 6 : i32
    %lt3A_2022 = vector.broadcast %lt3A_2021 : i32 to vector<1x8xi32>
    %lt3A_2023 = arith.cmpi slt, %iota3A, %lt3A_2022 : vector<1x8xi32>
    %jit3A_2024 = arith.constant -1.000000e+30 : f32
    %broadcast_in_dim3A_2025 = vector.shape_cast %lt3A_2023 : vector<1x8xi1> to vector<1x8xi1>
    %broadcast_in_dim3A_2026 = vector.broadcast %broadcast_in_dim3A_2025 : vector<1x8xi1> to vector<256x8xi1>
    %broadcast_in_dim3A_2027 = vector.broadcast %jit3A_2024 : f32 to vector<256x8xf32>
    %select_n3A_2028 = arith.select %broadcast_in_dim3A_2026, %slice3A_2020, %broadcast_in_dim3A_2027 : vector<256x8xi1>, vector<256x8xf32>
    %reduce_max3A_2029 = arith.constant dense<0xFF800000> : vector<256xf32>
    %reduce_max3A_2030 = vector.multi_reduction <maximumf>, %select_n3A_2028, %reduce_max3A_2029 [1] : vector<256x8xf32> to vector<256xf32>
    %broadcast_in_dim3A_2031 = vector.shape_cast %reduce_max3A_2030 : vector<256xf32> to vector<256x1xf32>
    %sub3A_2032 = vector.broadcast %broadcast_in_dim3A_2031 : vector<256x1xf32> to vector<256x8xf32>
    %sub3A_2033 = arith.subf %select_n3A_2028, %sub3A_2032 : vector<256x8xf32>
    %exp3A_2034 = math.exp %sub3A_2033 : vector<256x8xf32>
    %reduce_sum3A_2035 = arith.constant dense<0.000000e+00> : vector<256xf32>
    %reduce_sum3A_2036 = vector.multi_reduction <add>, %exp3A_2034, %reduce_sum3A_2035 [1] : vector<256x8xf32> to vector<256xf32>
    %broadcast_in_dim3A_2037 = vector.shape_cast %reduce_sum3A_2036 : vector<256xf32> to vector<256x1xf32>
    %div3A_2038 = vector.broadcast %broadcast_in_dim3A_2037 : vector<256x1xf32> to vector<256x8xf32>
    %div3A_2039 = arith.divf %exp3A_2034, %div3A_2038 : vector<256x8xf32>
    %get3A_2040 = arith.constant 160 : index
    %get3A_2041 = arith.constant 0 : index
    %get3A_2042 = vector.load %arg7[%get3A_2040, %get3A_2041] : memref<256x128xf32, #tpu.memory_space<vmem>>, vector<8x128xf32>
    %dot_general3A_2043 = arith.constant dense<0.000000e+00> : vector<256x128xf32>
    %dot_general3A_2044 = tpu.matmul %div3A_2039, %get3A_2042, %dot_general3A_2043 {dimension_numbers = #tpu.dot_dimension_numbers<[1], [0], [0], [1], [0, 0, 1, 1], [], []>, transpose_lhs_hint = false} : vector<256x8xf32>, vector<8x128xf32>, vector<256x128xf32> -> vector<256x128xf32>
    %add3A_2045 = arith.addf %broadcast_in_dim3A_2019, %dot_general3A_2044 : vector<256x128xf32>
    %slice3A_2046 = vector.extract_strided_slice %dot_general3A_2017 {offsets = [0, 8], sizes = [256, 8], strides = [1, 1]} : vector<256x32xf32> to vector<256x8xf32>
    %lt3A_2047 = arith.constant 6 : i32
    %lt3A_2048 = vector.broadcast %lt3A_2047 : i32 to vector<1x8xi32>
    %lt3A_2049 = arith.cmpi slt, %iota3A, %lt3A_2048 : vector<1x8xi32>
    %jit3A_2050 = arith.constant -1.000000e+30 : f32
    %broadcast_in_dim3A_2051 = vector.shape_cast %lt3A_2049 : vector<1x8xi1> to vector<1x8xi1>
    %broadcast_in_dim3A_2052 = vector.broadcast %broadcast_in_dim3A_2051 : vector<1x8xi1> to vector<256x8xi1>
    %broadcast_in_dim3A_2053 = vector.broadcast %jit3A_2050 : f32 to vector<256x8xf32>
    %select_n3A_2054 = arith.select %broadcast_in_dim3A_2052, %slice3A_2046, %broadcast_in_dim3A_2053 : vector<256x8xi1>, vector<256x8xf32>
    %reduce_max3A_2055 = arith.constant dense<0xFF800000> : vector<256xf32>
    %reduce_max3A_2056 = vector.multi_reduction <maximumf>, %select_n3A_2054, %reduce_max3A_2055 [1] : vector<256x8xf32> to vector<256xf32>
    %broadcast_in_dim3A_2057 = vector.shape_cast %reduce_max3A_2056 : vector<256xf32> to vector<256x1xf32>
    %sub3A_2058 = vector.broadcast %broadcast_in_dim3A_2057 : vector<256x1xf32> to vector<256x8xf32>
    %sub3A_2059 = arith.subf %select_n3A_2054, %sub3A_2058 : vector<256x8xf32>
    %exp3A_2060 = math.exp %sub3A_2059 : vector<256x8xf32>
    %reduce_sum3A_2061 = arith.constant dense<0.000000e+00> : vector<256xf32>
    %reduce_sum3A_2062 = vector.multi_reduction <add>, %exp3A_2060, %reduce_sum3A_2061 [1] : vector<256x8xf32> to vector<256xf32>
    %broadcast_in_dim3A_2063 = vector.shape_cast %reduce_sum3A_2062 : vector<256xf32> to vector<256x1xf32>
    %div3A_2064 = vector.broadcast %broadcast_in_dim3A_2063 : vector<256x1xf32> to vector<256x8xf32>
    %div3A_2065 = arith.divf %exp3A_2060, %div3A_2064 : vector<256x8xf32>
    %get3A_2066 = arith.constant 168 : index
    %get3A_2067 = arith.constant 0 : index
    %get3A_2068 = vector.load %arg7[%get3A_2066, %get3A_2067] : memref<256x128xf32, #tpu.memory_space<vmem>>, vector<8x128xf32>
    %dot_general3A_2069 = arith.constant dense<0.000000e+00> : vector<256x128xf32>
    %dot_general3A_2070 = tpu.matmul %div3A_2065, %get3A_2068, %dot_general3A_2069 {dimension_numbers = #tpu.dot_dimension_numbers<[1], [0], [0], [1], [0, 0, 1, 1], [], []>, transpose_lhs_hint = false} : vector<256x8xf32>, vector<8x128xf32>, vector<256x128xf32> -> vector<256x128xf32>
    %add3A_2071 = arith.addf %add3A_2045, %dot_general3A_2070 : vector<256x128xf32>
    %slice3A_2072 = vector.extract_strided_slice %dot_general3A_2017 {offsets = [0, 16], sizes = [256, 8], strides = [1, 1]} : vector<256x32xf32> to vector<256x8xf32>
    %lt3A_2073 = arith.constant 6 : i32
    %lt3A_2074 = vector.broadcast %lt3A_2073 : i32 to vector<1x8xi32>
    %lt3A_2075 = arith.cmpi slt, %iota3A, %lt3A_2074 : vector<1x8xi32>
    %jit3A_2076 = arith.constant -1.000000e+30 : f32
    %broadcast_in_dim3A_2077 = vector.shape_cast %lt3A_2075 : vector<1x8xi1> to vector<1x8xi1>
    %broadcast_in_dim3A_2078 = vector.broadcast %broadcast_in_dim3A_2077 : vector<1x8xi1> to vector<256x8xi1>
    %broadcast_in_dim3A_2079 = vector.broadcast %jit3A_2076 : f32 to vector<256x8xf32>
    %select_n3A_2080 = arith.select %broadcast_in_dim3A_2078, %slice3A_2072, %broadcast_in_dim3A_2079 : vector<256x8xi1>, vector<256x8xf32>
    %reduce_max3A_2081 = arith.constant dense<0xFF800000> : vector<256xf32>
    %reduce_max3A_2082 = vector.multi_reduction <maximumf>, %select_n3A_2080, %reduce_max3A_2081 [1] : vector<256x8xf32> to vector<256xf32>
    %broadcast_in_dim3A_2083 = vector.shape_cast %reduce_max3A_2082 : vector<256xf32> to vector<256x1xf32>
    %sub3A_2084 = vector.broadcast %broadcast_in_dim3A_2083 : vector<256x1xf32> to vector<256x8xf32>
    %sub3A_2085 = arith.subf %select_n3A_2080, %sub3A_2084 : vector<256x8xf32>
    %exp3A_2086 = math.exp %sub3A_2085 : vector<256x8xf32>
    %reduce_sum3A_2087 = arith.constant dense<0.000000e+00> : vector<256xf32>
    %reduce_sum3A_2088 = vector.multi_reduction <add>, %exp3A_2086, %reduce_sum3A_2087 [1] : vector<256x8xf32> to vector<256xf32>
    %broadcast_in_dim3A_2089 = vector.shape_cast %reduce_sum3A_2088 : vector<256xf32> to vector<256x1xf32>
    %div3A_2090 = vector.broadcast %broadcast_in_dim3A_2089 : vector<256x1xf32> to vector<256x8xf32>
    %div3A_2091 = arith.divf %exp3A_2086, %div3A_2090 : vector<256x8xf32>
    %get3A_2092 = arith.constant 176 : index
    %get3A_2093 = arith.constant 0 : index
    %get3A_2094 = vector.load %arg7[%get3A_2092, %get3A_2093] : memref<256x128xf32, #tpu.memory_space<vmem>>, vector<8x128xf32>
    %dot_general3A_2095 = arith.constant dense<0.000000e+00> : vector<256x128xf32>
    %dot_general3A_2096 = tpu.matmul %div3A_2091, %get3A_2094, %dot_general3A_2095 {dimension_numbers = #tpu.dot_dimension_numbers<[1], [0], [0], [1], [0, 0, 1, 1], [], []>, transpose_lhs_hint = false} : vector<256x8xf32>, vector<8x128xf32>, vector<256x128xf32> -> vector<256x128xf32>
    %add3A_2097 = arith.addf %add3A_2071, %dot_general3A_2096 : vector<256x128xf32>
    %slice3A_2098 = vector.extract_strided_slice %dot_general3A_2017 {offsets = [0, 24], sizes = [256, 8], strides = [1, 1]} : vector<256x32xf32> to vector<256x8xf32>
    %lt3A_2099 = arith.constant 6 : i32
    %lt3A_2100 = vector.broadcast %lt3A_2099 : i32 to vector<1x8xi32>
    %lt3A_2101 = arith.cmpi slt, %iota3A, %lt3A_2100 : vector<1x8xi32>
    %jit3A_2102 = arith.constant -1.000000e+30 : f32
    %broadcast_in_dim3A_2103 = vector.shape_cast %lt3A_2101 : vector<1x8xi1> to vector<1x8xi1>
    %broadcast_in_dim3A_2104 = vector.broadcast %broadcast_in_dim3A_2103 : vector<1x8xi1> to vector<256x8xi1>
    %broadcast_in_dim3A_2105 = vector.broadcast %jit3A_2102 : f32 to vector<256x8xf32>
    %select_n3A_2106 = arith.select %broadcast_in_dim3A_2104, %slice3A_2098, %broadcast_in_dim3A_2105 : vector<256x8xi1>, vector<256x8xf32>
    %reduce_max3A_2107 = arith.constant dense<0xFF800000> : vector<256xf32>
    %reduce_max3A_2108 = vector.multi_reduction <maximumf>, %select_n3A_2106, %reduce_max3A_2107 [1] : vector<256x8xf32> to vector<256xf32>
    %broadcast_in_dim3A_2109 = vector.shape_cast %reduce_max3A_2108 : vector<256xf32> to vector<256x1xf32>
    %sub3A_2110 = vector.broadcast %broadcast_in_dim3A_2109 : vector<256x1xf32> to vector<256x8xf32>
    %sub3A_2111 = arith.subf %select_n3A_2106, %sub3A_2110 : vector<256x8xf32>
    %exp3A_2112 = math.exp %sub3A_2111 : vector<256x8xf32>
    %reduce_sum3A_2113 = arith.constant dense<0.000000e+00> : vector<256xf32>
    %reduce_sum3A_2114 = vector.multi_reduction <add>, %exp3A_2112, %reduce_sum3A_2113 [1] : vector<256x8xf32> to vector<256xf32>
    %broadcast_in_dim3A_2115 = vector.shape_cast %reduce_sum3A_2114 : vector<256xf32> to vector<256x1xf32>
    %div3A_2116 = vector.broadcast %broadcast_in_dim3A_2115 : vector<256x1xf32> to vector<256x8xf32>
    %div3A_2117 = arith.divf %exp3A_2112, %div3A_2116 : vector<256x8xf32>
    %get3A_2118 = arith.constant 184 : index
    %get3A_2119 = arith.constant 0 : index
    %get3A_2120 = vector.load %arg7[%get3A_2118, %get3A_2119] : memref<256x128xf32, #tpu.memory_space<vmem>>, vector<8x128xf32>
    %dot_general3A_2121 = arith.constant dense<0.000000e+00> : vector<256x128xf32>
    %dot_general3A_2122 = tpu.matmul %div3A_2117, %get3A_2120, %dot_general3A_2121 {dimension_numbers = #tpu.dot_dimension_numbers<[1], [0], [0], [1], [0, 0, 1, 1], [], []>, transpose_lhs_hint = false} : vector<256x8xf32>, vector<8x128xf32>, vector<256x128xf32> -> vector<256x128xf32>
    %add3A_2123 = arith.addf %add3A_2097, %dot_general3A_2122 : vector<256x128xf32>
    %dot_general3A_2124 = arith.constant dense<0.000000e+00> : vector<256x128xf32>
    %dot_general3A_2125 = tpu.matmul %add3A_2123, %get3A_536, %dot_general3A_2124 {dimension_numbers = #tpu.dot_dimension_numbers<[1], [0], [0], [1], [0, 0, 1, 1], [], []>, transpose_lhs_hint = false} : vector<256x128xf32>, vector<128x128xf32>, vector<256x128xf32> -> vector<256x128xf32>
    %add3A_2126 = vector.broadcast %get3A_539 : vector<1x128xf32> to vector<256x128xf32>
    %add3A_2127 = arith.addf %dot_general3A_2125, %add3A_2126 : vector<256x128xf32>
    %reduce_sum3A_2128 = arith.constant dense<0.000000e+00> : vector<256xf32>
    %reduce_sum3A_2129 = vector.multi_reduction <add>, %add3A_2012, %reduce_sum3A_2128 [1] : vector<256x64xf32> to vector<256xf32>
    %broadcast_in_dim3A_2130 = vector.shape_cast %reduce_sum3A_2129 : vector<256xf32> to vector<256x1xf32>
    %reduce_sum3A_2131 = arith.constant dense<0.000000e+00> : vector<256xf32>
    %reduce_sum3A_2132 = vector.multi_reduction <add>, %add3A_2127, %reduce_sum3A_2131 [1] : vector<256x128xf32> to vector<256xf32>
    %broadcast_in_dim3A_2133 = vector.shape_cast %reduce_sum3A_2132 : vector<256xf32> to vector<256x1xf32>
    %add3A_2134 = arith.addf %broadcast_in_dim3A_2130, %broadcast_in_dim3A_2133 : vector<256x1xf32>
    %mul3A_2135 = arith.constant 0.00520833349 : f32
    %mul3A_2136 = vector.broadcast %mul3A_2135 : f32 to vector<256x1xf32>
    %mul3A_2137 = arith.mulf %add3A_2134, %mul3A_2136 : vector<256x1xf32>
    %mul3A_2138 = arith.mulf %add3A_2012, %add3A_2012 : vector<256x64xf32>
    %reduce_sum3A_2139 = arith.constant dense<0.000000e+00> : vector<256xf32>
    %reduce_sum3A_2140 = vector.multi_reduction <add>, %mul3A_2138, %reduce_sum3A_2139 [1] : vector<256x64xf32> to vector<256xf32>
    %broadcast_in_dim3A_2141 = vector.shape_cast %reduce_sum3A_2140 : vector<256xf32> to vector<256x1xf32>
    %mul3A_2142 = arith.mulf %add3A_2127, %add3A_2127 : vector<256x128xf32>
    %reduce_sum3A_2143 = arith.constant dense<0.000000e+00> : vector<256xf32>
    %reduce_sum3A_2144 = vector.multi_reduction <add>, %mul3A_2142, %reduce_sum3A_2143 [1] : vector<256x128xf32> to vector<256xf32>
    %broadcast_in_dim3A_2145 = vector.shape_cast %reduce_sum3A_2144 : vector<256xf32> to vector<256x1xf32>
    %add3A_2146 = arith.addf %broadcast_in_dim3A_2141, %broadcast_in_dim3A_2145 : vector<256x1xf32>
    %mul3A_2147 = arith.constant 0.00520833349 : f32
    %mul3A_2148 = vector.broadcast %mul3A_2147 : f32 to vector<256x1xf32>
    %mul3A_2149 = arith.mulf %add3A_2146, %mul3A_2148 : vector<256x1xf32>
    %mul3A_2150 = arith.mulf %mul3A_2137, %mul3A_2137 : vector<256x1xf32>
    %sub3A_2151 = arith.subf %mul3A_2149, %mul3A_2150 : vector<256x1xf32>
    %add3A_2152 = arith.constant 9.99999974E-6 : f32
    %add3A_2153 = vector.broadcast %add3A_2152 : f32 to vector<256x1xf32>
    %add3A_2154 = arith.addf %sub3A_2151, %add3A_2153 : vector<256x1xf32>
    %rsqrt3A_2155 = math.rsqrt %add3A_2154 : vector<256x1xf32>
    %sub3A_2156 = vector.broadcast %mul3A_2137 : vector<256x1xf32> to vector<256x64xf32>
    %sub3A_2157 = arith.subf %add3A_2012, %sub3A_2156 : vector<256x64xf32>
    %mul3A_2158 = vector.broadcast %rsqrt3A_2155 : vector<256x1xf32> to vector<256x64xf32>
    %mul3A_2159 = arith.mulf %sub3A_2157, %mul3A_2158 : vector<256x64xf32>
    %mul3A_2160 = vector.broadcast %get3A_542 : vector<1x64xf32> to vector<256x64xf32>
    %mul3A_2161 = arith.mulf %mul3A_2159, %mul3A_2160 : vector<256x64xf32>
    %add3A_2162 = vector.broadcast %get3A_545 : vector<1x64xf32> to vector<256x64xf32>
    %add3A_2163 = arith.addf %mul3A_2161, %add3A_2162 : vector<256x64xf32>
    %sub3A_2164 = vector.broadcast %mul3A_2137 : vector<256x1xf32> to vector<256x128xf32>
    %sub3A_2165 = arith.subf %add3A_2127, %sub3A_2164 : vector<256x128xf32>
    %mul3A_2166 = vector.broadcast %rsqrt3A_2155 : vector<256x1xf32> to vector<256x128xf32>
    %mul3A_2167 = arith.mulf %sub3A_2165, %mul3A_2166 : vector<256x128xf32>
    %mul3A_2168 = vector.broadcast %get3A_548 : vector<1x128xf32> to vector<256x128xf32>
    %mul3A_2169 = arith.mulf %mul3A_2167, %mul3A_2168 : vector<256x128xf32>
    %add3A_2170 = vector.broadcast %get3A_551 : vector<1x128xf32> to vector<256x128xf32>
    %add3A_2171 = arith.addf %mul3A_2169, %add3A_2170 : vector<256x128xf32>
    %dot_general3A_2172 = arith.constant dense<0.000000e+00> : vector<256x64xf32>
    %dot_general3A_2173 = tpu.matmul %add3A_2163, %get3A_554, %dot_general3A_2172 {dimension_numbers = #tpu.dot_dimension_numbers<[1], [0], [0], [1], [0, 0, 1, 1], [], []>, transpose_lhs_hint = false} : vector<256x64xf32>, vector<64x64xf32>, vector<256x64xf32> -> vector<256x64xf32>
    %dot_general3A_2174 = arith.constant dense<0.000000e+00> : vector<256x64xf32>
    %dot_general3A_2175 = tpu.matmul %add3A_2171, %get3A_557, %dot_general3A_2174 {dimension_numbers = #tpu.dot_dimension_numbers<[1], [0], [0], [1], [0, 0, 1, 1], [], []>, transpose_lhs_hint = false} : vector<256x128xf32>, vector<128x64xf32>, vector<256x64xf32> -> vector<256x64xf32>
    %add3A_2176 = arith.addf %dot_general3A_2173, %dot_general3A_2175 : vector<256x64xf32>
    %add3A_2177 = vector.broadcast %get3A_560 : vector<1x64xf32> to vector<256x64xf32>
    %add3A_2178 = arith.addf %add3A_2176, %add3A_2177 : vector<256x64xf32>
    %mul3A_2179 = arith.constant 5.000000e-01 : f32
    %mul3A_2180 = vector.broadcast %mul3A_2179 : f32 to vector<256x64xf32>
    %mul3A_2181 = arith.mulf %mul3A_2180, %add3A_2178 : vector<256x64xf32>
    %mul3A_2182 = arith.constant 0.707106769 : f32
    %mul3A_2183 = vector.broadcast %mul3A_2182 : f32 to vector<256x64xf32>
    %mul3A_2184 = arith.mulf %add3A_2178, %mul3A_2183 : vector<256x64xf32>
    %erf3A_2185 = math.erf %mul3A_2184 : vector<256x64xf32>
    %add3A_2186 = arith.constant 1.000000e+00 : f32
    %add3A_2187 = vector.broadcast %add3A_2186 : f32 to vector<256x64xf32>
    %add3A_2188 = arith.addf %add3A_2187, %erf3A_2185 : vector<256x64xf32>
    %mul3A_2189 = arith.mulf %mul3A_2181, %add3A_2188 : vector<256x64xf32>
    %dot_general3A_2190 = arith.constant dense<0.000000e+00> : vector<256x2xf32>
    %dot_general3A_2191 = tpu.matmul %mul3A_2189, %get3A_563, %dot_general3A_2190 {dimension_numbers = #tpu.dot_dimension_numbers<[1], [0], [0], [1], [0, 0, 1, 1], [], []>, transpose_lhs_hint = false} : vector<256x64xf32>, vector<64x2xf32>, vector<256x2xf32> -> vector<256x2xf32>
    %add3A_2192 = vector.broadcast %get3A_566 : vector<1x2xf32> to vector<256x2xf32>
    %add3A_2193 = arith.addf %dot_general3A_2191, %add3A_2192 : vector<256x2xf32>
    %get3A_2194 = arith.constant 0 : index
    %get3A_2195 = arith.constant 5 : index
    %get3A_2196 = vector.load %arg5[%get3A_2194, %get3A_2195] : memref<256x8xf32, #tpu.memory_space<vmem>>, vector<256x1xf32>
    %ne3A_2197 = arith.constant 0.000000e+00 : f32
    %ne3A_2198 = vector.broadcast %ne3A_2197 : f32 to vector<256x1xf32>
    %ne3A_2199 = arith.cmpf one, %get3A_2196, %ne3A_2198 : vector<256x1xf32>
    %convert_element_type3A_2200 = arith.extui %ne3A_2199 : vector<256x1xi1> to vector<256x1xi32>
    %convert_element_type3A_2201 = arith.sitofp %convert_element_type3A_2200 : vector<256x1xi32> to vector<256x1xf32>
    %mul3A_2202 = vector.broadcast %convert_element_type3A_2201 : vector<256x1xf32> to vector<256x2xf32>
    %mul3A_2203 = arith.mulf %add3A_2193, %mul3A_2202 : vector<256x2xf32>
    %swap3A_2204 = arith.constant 5 : index
    %swap3A_2205 = arith.constant 0 : index
    %swap3A_2206 = arith.constant 0 : index
    %swap3A_2207 = vector.load %arg20[%swap3A_2204, %swap3A_2205, %swap3A_2206] : memref<8x256x2xf32, #tpu.memory_space<vmem>>, vector<1x256x2xf32>
    %swap3A_2208 = vector.shape_cast %swap3A_2207 : vector<1x256x2xf32> to vector<256x2xf32>
    %swap3A_2209 = vector.shape_cast %mul3A_2203 : vector<256x2xf32> to vector<1x256x2xf32>
    tpu.vector_store %arg20[%swap3A_2204, %swap3A_2205, %swap3A_2206], %swap3A_2209 {strides = array<i32>} : memref<8x256x2xf32, #tpu.memory_space<vmem>>, vector<1x256x2xf32>,
    %slice3A_2210 = vector.extract_strided_slice %exp3A {offsets = [0, 6], sizes = [256, 1], strides = [1, 1]} : vector<256x8xf32> to vector<256x1xf32>
    %mul3A_2211 = vector.broadcast %slice3A_2210 : vector<256x1xf32> to vector<256x64xf32>
    %mul3A_2212 = arith.mulf %mul3A_2211, %slice3A_14 : vector<256x64xf32>
    %slice3A_2213 = vector.extract_strided_slice %exp3A_389 {offsets = [0, 6], sizes = [256, 1], strides = [1, 1]} : vector<256x8xf32> to vector<256x1xf32>
    %mul3A_2214 = vector.broadcast %slice3A_2213 : vector<256x1xf32> to vector<256x64xf32>
    %mul3A_2215 = arith.mulf %mul3A_2214, %slice3A_30 : vector<256x64xf32>
    %add3A_2216 = arith.addf %mul3A_2212, %mul3A_2215 : vector<256x64xf32>
    %slice3A_2217 = vector.extract_strided_slice %exp3A_391 {offsets = [0, 6], sizes = [256, 1], strides = [1, 1]} : vector<256x8xf32> to vector<256x1xf32>
    %mul3A_2218 = vector.broadcast %slice3A_2217 : vector<256x1xf32> to vector<256x64xf32>
    %mul3A_2219 = arith.mulf %mul3A_2218, %slice3A_53 : vector<256x64xf32>
    %add3A_2220 = arith.addf %add3A_2216, %mul3A_2219 : vector<256x64xf32>
    %slice3A_2221 = vector.extract_strided_slice %exp3A_393 {offsets = [0, 6], sizes = [256, 1], strides = [1, 1]} : vector<256x8xf32> to vector<256x1xf32>
    %mul3A_2222 = vector.broadcast %slice3A_2221 : vector<256x1xf32> to vector<256x64xf32>
    %mul3A_2223 = arith.mulf %mul3A_2222, %slice3A_76 : vector<256x64xf32>
    %add3A_2224 = arith.addf %add3A_2220, %mul3A_2223 : vector<256x64xf32>
    %slice3A_2225 = vector.extract_strided_slice %exp3A_395 {offsets = [0, 6], sizes = [256, 1], strides = [1, 1]} : vector<256x8xf32> to vector<256x1xf32>
    %mul3A_2226 = vector.broadcast %slice3A_2225 : vector<256x1xf32> to vector<256x64xf32>
    %mul3A_2227 = arith.mulf %mul3A_2226, %slice3A_99 : vector<256x64xf32>
    %add3A_2228 = arith.addf %add3A_2224, %mul3A_2227 : vector<256x64xf32>
    %slice3A_2229 = vector.extract_strided_slice %exp3A_397 {offsets = [0, 6], sizes = [256, 1], strides = [1, 1]} : vector<256x8xf32> to vector<256x1xf32>
    %mul3A_2230 = vector.broadcast %slice3A_2229 : vector<256x1xf32> to vector<256x64xf32>
    %mul3A_2231 = arith.mulf %mul3A_2230, %slice3A_122 : vector<256x64xf32>
    %add3A_2232 = arith.addf %add3A_2228, %mul3A_2231 : vector<256x64xf32>
    %slice3A_2233 = vector.extract_strided_slice %exp3A_399 {offsets = [0, 6], sizes = [256, 1], strides = [1, 1]} : vector<256x8xf32> to vector<256x1xf32>
    %mul3A_2234 = vector.broadcast %slice3A_2233 : vector<256x1xf32> to vector<256x64xf32>
    %mul3A_2235 = arith.mulf %mul3A_2234, %slice3A_145 : vector<256x64xf32>
    %add3A_2236 = arith.addf %add3A_2232, %mul3A_2235 : vector<256x64xf32>
    %slice3A_2237 = vector.extract_strided_slice %exp3A_401 {offsets = [0, 6], sizes = [256, 1], strides = [1, 1]} : vector<256x8xf32> to vector<256x1xf32>
    %mul3A_2238 = vector.broadcast %slice3A_2237 : vector<256x1xf32> to vector<256x64xf32>
    %mul3A_2239 = arith.mulf %mul3A_2238, %slice3A_168 : vector<256x64xf32>
    %add3A_2240 = arith.addf %add3A_2236, %mul3A_2239 : vector<256x64xf32>
    %slice3A_2241 = vector.extract_strided_slice %exp3A_403 {offsets = [0, 6], sizes = [256, 1], strides = [1, 1]} : vector<256x8xf32> to vector<256x1xf32>
    %mul3A_2242 = vector.broadcast %slice3A_2241 : vector<256x1xf32> to vector<256x64xf32>
    %mul3A_2243 = arith.mulf %mul3A_2242, %slice3A_191 : vector<256x64xf32>
    %add3A_2244 = arith.addf %add3A_2240, %mul3A_2243 : vector<256x64xf32>
    %slice3A_2245 = vector.extract_strided_slice %exp3A_405 {offsets = [0, 6], sizes = [256, 1], strides = [1, 1]} : vector<256x8xf32> to vector<256x1xf32>
    %mul3A_2246 = vector.broadcast %slice3A_2245 : vector<256x1xf32> to vector<256x64xf32>
    %mul3A_2247 = arith.mulf %mul3A_2246, %slice3A_214 : vector<256x64xf32>
    %add3A_2248 = arith.addf %add3A_2244, %mul3A_2247 : vector<256x64xf32>
    %slice3A_2249 = vector.extract_strided_slice %exp3A_407 {offsets = [0, 6], sizes = [256, 1], strides = [1, 1]} : vector<256x8xf32> to vector<256x1xf32>
    %mul3A_2250 = vector.broadcast %slice3A_2249 : vector<256x1xf32> to vector<256x64xf32>
    %mul3A_2251 = arith.mulf %mul3A_2250, %slice3A_237 : vector<256x64xf32>
    %add3A_2252 = arith.addf %add3A_2248, %mul3A_2251 : vector<256x64xf32>
    %slice3A_2253 = vector.extract_strided_slice %exp3A_409 {offsets = [0, 6], sizes = [256, 1], strides = [1, 1]} : vector<256x8xf32> to vector<256x1xf32>
    %mul3A_2254 = vector.broadcast %slice3A_2253 : vector<256x1xf32> to vector<256x64xf32>
    %mul3A_2255 = arith.mulf %mul3A_2254, %slice3A_260 : vector<256x64xf32>
    %add3A_2256 = arith.addf %add3A_2252, %mul3A_2255 : vector<256x64xf32>
    %slice3A_2257 = vector.extract_strided_slice %exp3A_411 {offsets = [0, 6], sizes = [256, 1], strides = [1, 1]} : vector<256x8xf32> to vector<256x1xf32>
    %mul3A_2258 = vector.broadcast %slice3A_2257 : vector<256x1xf32> to vector<256x64xf32>
    %mul3A_2259 = arith.mulf %mul3A_2258, %slice3A_283 : vector<256x64xf32>
    %add3A_2260 = arith.addf %add3A_2256, %mul3A_2259 : vector<256x64xf32>
    %slice3A_2261 = vector.extract_strided_slice %exp3A_413 {offsets = [0, 6], sizes = [256, 1], strides = [1, 1]} : vector<256x8xf32> to vector<256x1xf32>
    %mul3A_2262 = vector.broadcast %slice3A_2261 : vector<256x1xf32> to vector<256x64xf32>
    %mul3A_2263 = arith.mulf %mul3A_2262, %slice3A_306 : vector<256x64xf32>
    %add3A_2264 = arith.addf %add3A_2260, %mul3A_2263 : vector<256x64xf32>
    %slice3A_2265 = vector.extract_strided_slice %exp3A_415 {offsets = [0, 6], sizes = [256, 1], strides = [1, 1]} : vector<256x8xf32> to vector<256x1xf32>
    %mul3A_2266 = vector.broadcast %slice3A_2265 : vector<256x1xf32> to vector<256x64xf32>
    %mul3A_2267 = arith.mulf %mul3A_2266, %slice3A_329 : vector<256x64xf32>
    %add3A_2268 = arith.addf %add3A_2264, %mul3A_2267 : vector<256x64xf32>
    %slice3A_2269 = vector.extract_strided_slice %exp3A_417 {offsets = [0, 6], sizes = [256, 1], strides = [1, 1]} : vector<256x8xf32> to vector<256x1xf32>
    %mul3A_2270 = vector.broadcast %slice3A_2269 : vector<256x1xf32> to vector<256x64xf32>
    %mul3A_2271 = arith.mulf %mul3A_2270, %slice3A_352 : vector<256x64xf32>
    %add3A_2272 = arith.addf %add3A_2268, %mul3A_2271 : vector<256x64xf32>
    %slice3A_2273 = vector.extract_strided_slice %div3A_434 {offsets = [0, 6], sizes = [256, 1], strides = [1, 1]} : vector<256x8xf32> to vector<256x1xf32>
    %mul3A_2274 = vector.broadcast %slice3A_2273 : vector<256x1xf32> to vector<256x64xf32>
    %mul3A_2275 = arith.mulf %add3A_2272, %mul3A_2274 : vector<256x64xf32>
    %slice3A_2276 = vector.extract_strided_slice %mul3A_529 {offsets = [0, 6], sizes = [256, 1], strides = [1, 1]} : vector<256x8xf32> to vector<256x1xf32>
    %slice3A_2277 = vector.extract_strided_slice %get3A_533 {offsets = [0, 0], sizes = [1, 64], strides = [1, 1]} : vector<8x64xf32> to vector<1x64xf32>
    %mul3A_2278 = vector.broadcast %slice3A_2276 : vector<256x1xf32> to vector<256x64xf32>
    %mul3A_2279 = vector.broadcast %slice3A_2277 : vector<1x64xf32> to vector<256x64xf32>
    %mul3A_2280 = arith.mulf %mul3A_2278, %mul3A_2279 : vector<256x64xf32>
    %add3A_2281 = arith.addf %mul3A_2275, %mul3A_2280 : vector<256x64xf32>
    %slice3A_2282 = vector.extract_strided_slice %mul3A_530 {offsets = [0, 6], sizes = [256, 1], strides = [1, 1]} : vector<256x8xf32> to vector<256x1xf32>
    %slice3A_2283 = vector.extract_strided_slice %get3A_533 {offsets = [1, 0], sizes = [1, 64], strides = [1, 1]} : vector<8x64xf32> to vector<1x64xf32>
    %mul3A_2284 = vector.broadcast %slice3A_2282 : vector<256x1xf32> to vector<256x64xf32>
    %mul3A_2285 = vector.broadcast %slice3A_2283 : vector<1x64xf32> to vector<256x64xf32>
    %mul3A_2286 = arith.mulf %mul3A_2284, %mul3A_2285 : vector<256x64xf32>
    %add3A_2287 = arith.addf %add3A_2281, %mul3A_2286 : vector<256x64xf32>
    %get3A_2288 = arith.constant 768 : index
    %get3A_2289 = arith.constant 0 : index
    %get3A_2290 = vector.load %arg6[%get3A_2288, %get3A_2289] : memref<1024x32xf32, #tpu.memory_space<vmem>>, vector<128x32xf32>
    %dot_general3A_2291 = arith.constant dense<0.000000e+00> : vector<256x32xf32>
    %dot_general3A_2292 = tpu.matmul %get3A_10, %get3A_2290, %dot_general3A_2291 {dimension_numbers = #tpu.dot_dimension_numbers<[1], [0], [0], [1], [0, 0, 1, 1], [], []>, transpose_lhs_hint = false} : vector<256x128xf32>, vector<128x32xf32>, vector<256x32xf32> -> vector<256x32xf32>
    %broadcast_in_dim3A_2293 = arith.constant 0.000000e+00 : f32
    %broadcast_in_dim3A_2294 = vector.broadcast %broadcast_in_dim3A_2293 : f32 to vector<256x128xf32>
    %slice3A_2295 = vector.extract_strided_slice %dot_general3A_2292 {offsets = [0, 0], sizes = [256, 8], strides = [1, 1]} : vector<256x32xf32> to vector<256x8xf32>
    %lt3A_2296 = arith.constant 6 : i32
    %lt3A_2297 = vector.broadcast %lt3A_2296 : i32 to vector<1x8xi32>
    %lt3A_2298 = arith.cmpi slt, %iota3A, %lt3A_2297 : vector<1x8xi32>
    %jit3A_2299 = arith.constant -1.000000e+30 : f32
    %broadcast_in_dim3A_2300 = vector.shape_cast %lt3A_2298 : vector<1x8xi1> to vector<1x8xi1>
    %broadcast_in_dim3A_2301 = vector.broadcast %broadcast_in_dim3A_2300 : vector<1x8xi1> to vector<256x8xi1>
    %broadcast_in_dim3A_2302 = vector.broadcast %jit3A_2299 : f32 to vector<256x8xf32>
    %select_n3A_2303 = arith.select %broadcast_in_dim3A_2301, %slice3A_2295, %broadcast_in_dim3A_2302 : vector<256x8xi1>, vector<256x8xf32>
    %reduce_max3A_2304 = arith.constant dense<0xFF800000> : vector<256xf32>
    %reduce_max3A_2305 = vector.multi_reduction <maximumf>, %select_n3A_2303, %reduce_max3A_2304 [1] : vector<256x8xf32> to vector<256xf32>
    %broadcast_in_dim3A_2306 = vector.shape_cast %reduce_max3A_2305 : vector<256xf32> to vector<256x1xf32>
    %sub3A_2307 = vector.broadcast %broadcast_in_dim3A_2306 : vector<256x1xf32> to vector<256x8xf32>
    %sub3A_2308 = arith.subf %select_n3A_2303, %sub3A_2307 : vector<256x8xf32>
    %exp3A_2309 = math.exp %sub3A_2308 : vector<256x8xf32>
    %reduce_sum3A_2310 = arith.constant dense<0.000000e+00> : vector<256xf32>
    %reduce_sum3A_2311 = vector.multi_reduction <add>, %exp3A_2309, %reduce_sum3A_2310 [1] : vector<256x8xf32> to vector<256xf32>
    %broadcast_in_dim3A_2312 = vector.shape_cast %reduce_sum3A_2311 : vector<256xf32> to vector<256x1xf32>
    %div3A_2313 = vector.broadcast %broadcast_in_dim3A_2312 : vector<256x1xf32> to vector<256x8xf32>
    %div3A_2314 = arith.divf %exp3A_2309, %div3A_2313 : vector<256x8xf32>
    %get3A_2315 = arith.constant 192 : index
    %get3A_2316 = arith.constant 0 : index
    %get3A_2317 = vector.load %arg7[%get3A_2315, %get3A_2316] : memref<256x128xf32, #tpu.memory_space<vmem>>, vector<8x128xf32>
    %dot_general3A_2318 = arith.constant dense<0.000000e+00> : vector<256x128xf32>
    %dot_general3A_2319 = tpu.matmul %div3A_2314, %get3A_2317, %dot_general3A_2318 {dimension_numbers = #tpu.dot_dimension_numbers<[1], [0], [0], [1], [0, 0, 1, 1], [], []>, transpose_lhs_hint = false} : vector<256x8xf32>, vector<8x128xf32>, vector<256x128xf32> -> vector<256x128xf32>
    %add3A_2320 = arith.addf %broadcast_in_dim3A_2294, %dot_general3A_2319 : vector<256x128xf32>
    %slice3A_2321 = vector.extract_strided_slice %dot_general3A_2292 {offsets = [0, 8], sizes = [256, 8], strides = [1, 1]} : vector<256x32xf32> to vector<256x8xf32>
    %lt3A_2322 = arith.constant 6 : i32
    %lt3A_2323 = vector.broadcast %lt3A_2322 : i32 to vector<1x8xi32>
    %lt3A_2324 = arith.cmpi slt, %iota3A, %lt3A_2323 : vector<1x8xi32>
    %jit3A_2325 = arith.constant -1.000000e+30 : f32
    %broadcast_in_dim3A_2326 = vector.shape_cast %lt3A_2324 : vector<1x8xi1> to vector<1x8xi1>
    %broadcast_in_dim3A_2327 = vector.broadcast %broadcast_in_dim3A_2326 : vector<1x8xi1> to vector<256x8xi1>
    %broadcast_in_dim3A_2328 = vector.broadcast %jit3A_2325 : f32 to vector<256x8xf32>
    %select_n3A_2329 = arith.select %broadcast_in_dim3A_2327, %slice3A_2321, %broadcast_in_dim3A_2328 : vector<256x8xi1>, vector<256x8xf32>
    %reduce_max3A_2330 = arith.constant dense<0xFF800000> : vector<256xf32>
    %reduce_max3A_2331 = vector.multi_reduction <maximumf>, %select_n3A_2329, %reduce_max3A_2330 [1] : vector<256x8xf32> to vector<256xf32>
    %broadcast_in_dim3A_2332 = vector.shape_cast %reduce_max3A_2331 : vector<256xf32> to vector<256x1xf32>
    %sub3A_2333 = vector.broadcast %broadcast_in_dim3A_2332 : vector<256x1xf32> to vector<256x8xf32>
    %sub3A_2334 = arith.subf %select_n3A_2329, %sub3A_2333 : vector<256x8xf32>
    %exp3A_2335 = math.exp %sub3A_2334 : vector<256x8xf32>
    %reduce_sum3A_2336 = arith.constant dense<0.000000e+00> : vector<256xf32>
    %reduce_sum3A_2337 = vector.multi_reduction <add>, %exp3A_2335, %reduce_sum3A_2336 [1] : vector<256x8xf32> to vector<256xf32>
    %broadcast_in_dim3A_2338 = vector.shape_cast %reduce_sum3A_2337 : vector<256xf32> to vector<256x1xf32>
    %div3A_2339 = vector.broadcast %broadcast_in_dim3A_2338 : vector<256x1xf32> to vector<256x8xf32>
    %div3A_2340 = arith.divf %exp3A_2335, %div3A_2339 : vector<256x8xf32>
    %get3A_2341 = arith.constant 200 : index
    %get3A_2342 = arith.constant 0 : index
    %get3A_2343 = vector.load %arg7[%get3A_2341, %get3A_2342] : memref<256x128xf32, #tpu.memory_space<vmem>>, vector<8x128xf32>
    %dot_general3A_2344 = arith.constant dense<0.000000e+00> : vector<256x128xf32>
    %dot_general3A_2345 = tpu.matmul %div3A_2340, %get3A_2343, %dot_general3A_2344 {dimension_numbers = #tpu.dot_dimension_numbers<[1], [0], [0], [1], [0, 0, 1, 1], [], []>, transpose_lhs_hint = false} : vector<256x8xf32>, vector<8x128xf32>, vector<256x128xf32> -> vector<256x128xf32>
    %add3A_2346 = arith.addf %add3A_2320, %dot_general3A_2345 : vector<256x128xf32>
    %slice3A_2347 = vector.extract_strided_slice %dot_general3A_2292 {offsets = [0, 16], sizes = [256, 8], strides = [1, 1]} : vector<256x32xf32> to vector<256x8xf32>
    %lt3A_2348 = arith.constant 6 : i32
    %lt3A_2349 = vector.broadcast %lt3A_2348 : i32 to vector<1x8xi32>
    %lt3A_2350 = arith.cmpi slt, %iota3A, %lt3A_2349 : vector<1x8xi32>
    %jit3A_2351 = arith.constant -1.000000e+30 : f32
    %broadcast_in_dim3A_2352 = vector.shape_cast %lt3A_2350 : vector<1x8xi1> to vector<1x8xi1>
    %broadcast_in_dim3A_2353 = vector.broadcast %broadcast_in_dim3A_2352 : vector<1x8xi1> to vector<256x8xi1>
    %broadcast_in_dim3A_2354 = vector.broadcast %jit3A_2351 : f32 to vector<256x8xf32>
    %select_n3A_2355 = arith.select %broadcast_in_dim3A_2353, %slice3A_2347, %broadcast_in_dim3A_2354 : vector<256x8xi1>, vector<256x8xf32>
    %reduce_max3A_2356 = arith.constant dense<0xFF800000> : vector<256xf32>
    %reduce_max3A_2357 = vector.multi_reduction <maximumf>, %select_n3A_2355, %reduce_max3A_2356 [1] : vector<256x8xf32> to vector<256xf32>
    %broadcast_in_dim3A_2358 = vector.shape_cast %reduce_max3A_2357 : vector<256xf32> to vector<256x1xf32>
    %sub3A_2359 = vector.broadcast %broadcast_in_dim3A_2358 : vector<256x1xf32> to vector<256x8xf32>
    %sub3A_2360 = arith.subf %select_n3A_2355, %sub3A_2359 : vector<256x8xf32>
    %exp3A_2361 = math.exp %sub3A_2360 : vector<256x8xf32>
    %reduce_sum3A_2362 = arith.constant dense<0.000000e+00> : vector<256xf32>
    %reduce_sum3A_2363 = vector.multi_reduction <add>, %exp3A_2361, %reduce_sum3A_2362 [1] : vector<256x8xf32> to vector<256xf32>
    %broadcast_in_dim3A_2364 = vector.shape_cast %reduce_sum3A_2363 : vector<256xf32> to vector<256x1xf32>
    %div3A_2365 = vector.broadcast %broadcast_in_dim3A_2364 : vector<256x1xf32> to vector<256x8xf32>
    %div3A_2366 = arith.divf %exp3A_2361, %div3A_2365 : vector<256x8xf32>
    %get3A_2367 = arith.constant 208 : index
    %get3A_2368 = arith.constant 0 : index
    %get3A_2369 = vector.load %arg7[%get3A_2367, %get3A_2368] : memref<256x128xf32, #tpu.memory_space<vmem>>, vector<8x128xf32>
    %dot_general3A_2370 = arith.constant dense<0.000000e+00> : vector<256x128xf32>
    %dot_general3A_2371 = tpu.matmul %div3A_2366, %get3A_2369, %dot_general3A_2370 {dimension_numbers = #tpu.dot_dimension_numbers<[1], [0], [0], [1], [0, 0, 1, 1], [], []>, transpose_lhs_hint = false} : vector<256x8xf32>, vector<8x128xf32>, vector<256x128xf32> -> vector<256x128xf32>
    %add3A_2372 = arith.addf %add3A_2346, %dot_general3A_2371 : vector<256x128xf32>
    %slice3A_2373 = vector.extract_strided_slice %dot_general3A_2292 {offsets = [0, 24], sizes = [256, 8], strides = [1, 1]} : vector<256x32xf32> to vector<256x8xf32>
    %lt3A_2374 = arith.constant 6 : i32
    %lt3A_2375 = vector.broadcast %lt3A_2374 : i32 to vector<1x8xi32>
    %lt3A_2376 = arith.cmpi slt, %iota3A, %lt3A_2375 : vector<1x8xi32>
    %jit3A_2377 = arith.constant -1.000000e+30 : f32
    %broadcast_in_dim3A_2378 = vector.shape_cast %lt3A_2376 : vector<1x8xi1> to vector<1x8xi1>
    %broadcast_in_dim3A_2379 = vector.broadcast %broadcast_in_dim3A_2378 : vector<1x8xi1> to vector<256x8xi1>
    %broadcast_in_dim3A_2380 = vector.broadcast %jit3A_2377 : f32 to vector<256x8xf32>
    %select_n3A_2381 = arith.select %broadcast_in_dim3A_2379, %slice3A_2373, %broadcast_in_dim3A_2380 : vector<256x8xi1>, vector<256x8xf32>
    %reduce_max3A_2382 = arith.constant dense<0xFF800000> : vector<256xf32>
    %reduce_max3A_2383 = vector.multi_reduction <maximumf>, %select_n3A_2381, %reduce_max3A_2382 [1] : vector<256x8xf32> to vector<256xf32>
    %broadcast_in_dim3A_2384 = vector.shape_cast %reduce_max3A_2383 : vector<256xf32> to vector<256x1xf32>
    %sub3A_2385 = vector.broadcast %broadcast_in_dim3A_2384 : vector<256x1xf32> to vector<256x8xf32>
    %sub3A_2386 = arith.subf %select_n3A_2381, %sub3A_2385 : vector<256x8xf32>
    %exp3A_2387 = math.exp %sub3A_2386 : vector<256x8xf32>
    %reduce_sum3A_2388 = arith.constant dense<0.000000e+00> : vector<256xf32>
    %reduce_sum3A_2389 = vector.multi_reduction <add>, %exp3A_2387, %reduce_sum3A_2388 [1] : vector<256x8xf32> to vector<256xf32>
    %broadcast_in_dim3A_2390 = vector.shape_cast %reduce_sum3A_2389 : vector<256xf32> to vector<256x1xf32>
    %div3A_2391 = vector.broadcast %broadcast_in_dim3A_2390 : vector<256x1xf32> to vector<256x8xf32>
    %div3A_2392 = arith.divf %exp3A_2387, %div3A_2391 : vector<256x8xf32>
    %get3A_2393 = arith.constant 216 : index
    %get3A_2394 = arith.constant 0 : index
    %get3A_2395 = vector.load %arg7[%get3A_2393, %get3A_2394] : memref<256x128xf32, #tpu.memory_space<vmem>>, vector<8x128xf32>
    %dot_general3A_2396 = arith.constant dense<0.000000e+00> : vector<256x128xf32>
    %dot_general3A_2397 = tpu.matmul %div3A_2392, %get3A_2395, %dot_general3A_2396 {dimension_numbers = #tpu.dot_dimension_numbers<[1], [0], [0], [1], [0, 0, 1, 1], [], []>, transpose_lhs_hint = false} : vector<256x8xf32>, vector<8x128xf32>, vector<256x128xf32> -> vector<256x128xf32>
    %add3A_2398 = arith.addf %add3A_2372, %dot_general3A_2397 : vector<256x128xf32>
    %dot_general3A_2399 = arith.constant dense<0.000000e+00> : vector<256x128xf32>
    %dot_general3A_2400 = tpu.matmul %add3A_2398, %get3A_536, %dot_general3A_2399 {dimension_numbers = #tpu.dot_dimension_numbers<[1], [0], [0], [1], [0, 0, 1, 1], [], []>, transpose_lhs_hint = false} : vector<256x128xf32>, vector<128x128xf32>, vector<256x128xf32> -> vector<256x128xf32>
    %add3A_2401 = vector.broadcast %get3A_539 : vector<1x128xf32> to vector<256x128xf32>
    %add3A_2402 = arith.addf %dot_general3A_2400, %add3A_2401 : vector<256x128xf32>
    %reduce_sum3A_2403 = arith.constant dense<0.000000e+00> : vector<256xf32>
    %reduce_sum3A_2404 = vector.multi_reduction <add>, %add3A_2287, %reduce_sum3A_2403 [1] : vector<256x64xf32> to vector<256xf32>
    %broadcast_in_dim3A_2405 = vector.shape_cast %reduce_sum3A_2404 : vector<256xf32> to vector<256x1xf32>
    %reduce_sum3A_2406 = arith.constant dense<0.000000e+00> : vector<256xf32>
    %reduce_sum3A_2407 = vector.multi_reduction <add>, %add3A_2402, %reduce_sum3A_2406 [1] : vector<256x128xf32> to vector<256xf32>
    %broadcast_in_dim3A_2408 = vector.shape_cast %reduce_sum3A_2407 : vector<256xf32> to vector<256x1xf32>
    %add3A_2409 = arith.addf %broadcast_in_dim3A_2405, %broadcast_in_dim3A_2408 : vector<256x1xf32>
    %mul3A_2410 = arith.constant 0.00520833349 : f32
    %mul3A_2411 = vector.broadcast %mul3A_2410 : f32 to vector<256x1xf32>
    %mul3A_2412 = arith.mulf %add3A_2409, %mul3A_2411 : vector<256x1xf32>
    %mul3A_2413 = arith.mulf %add3A_2287, %add3A_2287 : vector<256x64xf32>
    %reduce_sum3A_2414 = arith.constant dense<0.000000e+00> : vector<256xf32>
    %reduce_sum3A_2415 = vector.multi_reduction <add>, %mul3A_2413, %reduce_sum3A_2414 [1] : vector<256x64xf32> to vector<256xf32>
    %broadcast_in_dim3A_2416 = vector.shape_cast %reduce_sum3A_2415 : vector<256xf32> to vector<256x1xf32>
    %mul3A_2417 = arith.mulf %add3A_2402, %add3A_2402 : vector<256x128xf32>
    %reduce_sum3A_2418 = arith.constant dense<0.000000e+00> : vector<256xf32>
    %reduce_sum3A_2419 = vector.multi_reduction <add>, %mul3A_2417, %reduce_sum3A_2418 [1] : vector<256x128xf32> to vector<256xf32>
    %broadcast_in_dim3A_2420 = vector.shape_cast %reduce_sum3A_2419 : vector<256xf32> to vector<256x1xf32>
    %add3A_2421 = arith.addf %broadcast_in_dim3A_2416, %broadcast_in_dim3A_2420 : vector<256x1xf32>
    %mul3A_2422 = arith.constant 0.00520833349 : f32
    %mul3A_2423 = vector.broadcast %mul3A_2422 : f32 to vector<256x1xf32>
    %mul3A_2424 = arith.mulf %add3A_2421, %mul3A_2423 : vector<256x1xf32>
    %mul3A_2425 = arith.mulf %mul3A_2412, %mul3A_2412 : vector<256x1xf32>
    %sub3A_2426 = arith.subf %mul3A_2424, %mul3A_2425 : vector<256x1xf32>
    %add3A_2427 = arith.constant 9.99999974E-6 : f32
    %add3A_2428 = vector.broadcast %add3A_2427 : f32 to vector<256x1xf32>
    %add3A_2429 = arith.addf %sub3A_2426, %add3A_2428 : vector<256x1xf32>
    %rsqrt3A_2430 = math.rsqrt %add3A_2429 : vector<256x1xf32>
    %sub3A_2431 = vector.broadcast %mul3A_2412 : vector<256x1xf32> to vector<256x64xf32>
    %sub3A_2432 = arith.subf %add3A_2287, %sub3A_2431 : vector<256x64xf32>
    %mul3A_2433 = vector.broadcast %rsqrt3A_2430 : vector<256x1xf32> to vector<256x64xf32>
    %mul3A_2434 = arith.mulf %sub3A_2432, %mul3A_2433 : vector<256x64xf32>
    %mul3A_2435 = vector.broadcast %get3A_542 : vector<1x64xf32> to vector<256x64xf32>
    %mul3A_2436 = arith.mulf %mul3A_2434, %mul3A_2435 : vector<256x64xf32>
    %add3A_2437 = vector.broadcast %get3A_545 : vector<1x64xf32> to vector<256x64xf32>
    %add3A_2438 = arith.addf %mul3A_2436, %add3A_2437 : vector<256x64xf32>
    %sub3A_2439 = vector.broadcast %mul3A_2412 : vector<256x1xf32> to vector<256x128xf32>
    %sub3A_2440 = arith.subf %add3A_2402, %sub3A_2439 : vector<256x128xf32>
    %mul3A_2441 = vector.broadcast %rsqrt3A_2430 : vector<256x1xf32> to vector<256x128xf32>
    %mul3A_2442 = arith.mulf %sub3A_2440, %mul3A_2441 : vector<256x128xf32>
    %mul3A_2443 = vector.broadcast %get3A_548 : vector<1x128xf32> to vector<256x128xf32>
    %mul3A_2444 = arith.mulf %mul3A_2442, %mul3A_2443 : vector<256x128xf32>
    %add3A_2445 = vector.broadcast %get3A_551 : vector<1x128xf32> to vector<256x128xf32>
    %add3A_2446 = arith.addf %mul3A_2444, %add3A_2445 : vector<256x128xf32>
    %dot_general3A_2447 = arith.constant dense<0.000000e+00> : vector<256x64xf32>
    %dot_general3A_2448 = tpu.matmul %add3A_2438, %get3A_554, %dot_general3A_2447 {dimension_numbers = #tpu.dot_dimension_numbers<[1], [0], [0], [1], [0, 0, 1, 1], [], []>, transpose_lhs_hint = false} : vector<256x64xf32>, vector<64x64xf32>, vector<256x64xf32> -> vector<256x64xf32>
    %dot_general3A_2449 = arith.constant dense<0.000000e+00> : vector<256x64xf32>
    %dot_general3A_2450 = tpu.matmul %add3A_2446, %get3A_557, %dot_general3A_2449 {dimension_numbers = #tpu.dot_dimension_numbers<[1], [0], [0], [1], [0, 0, 1, 1], [], []>, transpose_lhs_hint = false} : vector<256x128xf32>, vector<128x64xf32>, vector<256x64xf32> -> vector<256x64xf32>
    %add3A_2451 = arith.addf %dot_general3A_2448, %dot_general3A_2450 : vector<256x64xf32>
    %add3A_2452 = vector.broadcast %get3A_560 : vector<1x64xf32> to vector<256x64xf32>
    %add3A_2453 = arith.addf %add3A_2451, %add3A_2452 : vector<256x64xf32>
    %mul3A_2454 = arith.constant 5.000000e-01 : f32
    %mul3A_2455 = vector.broadcast %mul3A_2454 : f32 to vector<256x64xf32>
    %mul3A_2456 = arith.mulf %mul3A_2455, %add3A_2453 : vector<256x64xf32>
    %mul3A_2457 = arith.constant 0.707106769 : f32
    %mul3A_2458 = vector.broadcast %mul3A_2457 : f32 to vector<256x64xf32>
    %mul3A_2459 = arith.mulf %add3A_2453, %mul3A_2458 : vector<256x64xf32>
    %erf3A_2460 = math.erf %mul3A_2459 : vector<256x64xf32>
    %add3A_2461 = arith.constant 1.000000e+00 : f32
    %add3A_2462 = vector.broadcast %add3A_2461 : f32 to vector<256x64xf32>
    %add3A_2463 = arith.addf %add3A_2462, %erf3A_2460 : vector<256x64xf32>
    %mul3A_2464 = arith.mulf %mul3A_2456, %add3A_2463 : vector<256x64xf32>
    %dot_general3A_2465 = arith.constant dense<0.000000e+00> : vector<256x2xf32>
    %dot_general3A_2466 = tpu.matmul %mul3A_2464, %get3A_563, %dot_general3A_2465 {dimension_numbers = #tpu.dot_dimension_numbers<[1], [0], [0], [1], [0, 0, 1, 1], [], []>, transpose_lhs_hint = false} : vector<256x64xf32>, vector<64x2xf32>, vector<256x2xf32> -> vector<256x2xf32>
    %add3A_2467 = vector.broadcast %get3A_566 : vector<1x2xf32> to vector<256x2xf32>
    %add3A_2468 = arith.addf %dot_general3A_2466, %add3A_2467 : vector<256x2xf32>
    %get3A_2469 = arith.constant 0 : index
    %get3A_2470 = arith.constant 6 : index
    %get3A_2471 = vector.load %arg5[%get3A_2469, %get3A_2470] : memref<256x8xf32, #tpu.memory_space<vmem>>, vector<256x1xf32>
    %ne3A_2472 = arith.constant 0.000000e+00 : f32
    %ne3A_2473 = vector.broadcast %ne3A_2472 : f32 to vector<256x1xf32>
    %ne3A_2474 = arith.cmpf one, %get3A_2471, %ne3A_2473 : vector<256x1xf32>
    %convert_element_type3A_2475 = arith.extui %ne3A_2474 : vector<256x1xi1> to vector<256x1xi32>
    %convert_element_type3A_2476 = arith.sitofp %convert_element_type3A_2475 : vector<256x1xi32> to vector<256x1xf32>
    %mul3A_2477 = vector.broadcast %convert_element_type3A_2476 : vector<256x1xf32> to vector<256x2xf32>
    %mul3A_2478 = arith.mulf %add3A_2468, %mul3A_2477 : vector<256x2xf32>
    %swap3A_2479 = arith.constant 6 : index
    %swap3A_2480 = arith.constant 0 : index
    %swap3A_2481 = arith.constant 0 : index
    %swap3A_2482 = vector.load %arg20[%swap3A_2479, %swap3A_2480, %swap3A_2481] : memref<8x256x2xf32, #tpu.memory_space<vmem>>, vector<1x256x2xf32>
    %swap3A_2483 = vector.shape_cast %swap3A_2482 : vector<1x256x2xf32> to vector<256x2xf32>
    %swap3A_2484 = vector.shape_cast %mul3A_2478 : vector<256x2xf32> to vector<1x256x2xf32>
    tpu.vector_store %arg20[%swap3A_2479, %swap3A_2480, %swap3A_2481], %swap3A_2484 {strides = array<i32>} : memref<8x256x2xf32, #tpu.memory_space<vmem>>, vector<1x256x2xf32>,
    %slice3A_2485 = vector.extract_strided_slice %exp3A {offsets = [0, 7], sizes = [256, 1], strides = [1, 1]} : vector<256x8xf32> to vector<256x1xf32>
    %mul3A_2486 = vector.broadcast %slice3A_2485 : vector<256x1xf32> to vector<256x64xf32>
    %mul3A_2487 = arith.mulf %mul3A_2486, %slice3A_14 : vector<256x64xf32>
    %slice3A_2488 = vector.extract_strided_slice %exp3A_389 {offsets = [0, 7], sizes = [256, 1], strides = [1, 1]} : vector<256x8xf32> to vector<256x1xf32>
    %mul3A_2489 = vector.broadcast %slice3A_2488 : vector<256x1xf32> to vector<256x64xf32>
    %mul3A_2490 = arith.mulf %mul3A_2489, %slice3A_30 : vector<256x64xf32>
    %add3A_2491 = arith.addf %mul3A_2487, %mul3A_2490 : vector<256x64xf32>
    %slice3A_2492 = vector.extract_strided_slice %exp3A_391 {offsets = [0, 7], sizes = [256, 1], strides = [1, 1]} : vector<256x8xf32> to vector<256x1xf32>
    %mul3A_2493 = vector.broadcast %slice3A_2492 : vector<256x1xf32> to vector<256x64xf32>
    %mul3A_2494 = arith.mulf %mul3A_2493, %slice3A_53 : vector<256x64xf32>
    %add3A_2495 = arith.addf %add3A_2491, %mul3A_2494 : vector<256x64xf32>
    %slice3A_2496 = vector.extract_strided_slice %exp3A_393 {offsets = [0, 7], sizes = [256, 1], strides = [1, 1]} : vector<256x8xf32> to vector<256x1xf32>
    %mul3A_2497 = vector.broadcast %slice3A_2496 : vector<256x1xf32> to vector<256x64xf32>
    %mul3A_2498 = arith.mulf %mul3A_2497, %slice3A_76 : vector<256x64xf32>
    %add3A_2499 = arith.addf %add3A_2495, %mul3A_2498 : vector<256x64xf32>
    %slice3A_2500 = vector.extract_strided_slice %exp3A_395 {offsets = [0, 7], sizes = [256, 1], strides = [1, 1]} : vector<256x8xf32> to vector<256x1xf32>
    %mul3A_2501 = vector.broadcast %slice3A_2500 : vector<256x1xf32> to vector<256x64xf32>
    %mul3A_2502 = arith.mulf %mul3A_2501, %slice3A_99 : vector<256x64xf32>
    %add3A_2503 = arith.addf %add3A_2499, %mul3A_2502 : vector<256x64xf32>
    %slice3A_2504 = vector.extract_strided_slice %exp3A_397 {offsets = [0, 7], sizes = [256, 1], strides = [1, 1]} : vector<256x8xf32> to vector<256x1xf32>
    %mul3A_2505 = vector.broadcast %slice3A_2504 : vector<256x1xf32> to vector<256x64xf32>
    %mul3A_2506 = arith.mulf %mul3A_2505, %slice3A_122 : vector<256x64xf32>
    %add3A_2507 = arith.addf %add3A_2503, %mul3A_2506 : vector<256x64xf32>
    %slice3A_2508 = vector.extract_strided_slice %exp3A_399 {offsets = [0, 7], sizes = [256, 1], strides = [1, 1]} : vector<256x8xf32> to vector<256x1xf32>
    %mul3A_2509 = vector.broadcast %slice3A_2508 : vector<256x1xf32> to vector<256x64xf32>
    %mul3A_2510 = arith.mulf %mul3A_2509, %slice3A_145 : vector<256x64xf32>
    %add3A_2511 = arith.addf %add3A_2507, %mul3A_2510 : vector<256x64xf32>
    %slice3A_2512 = vector.extract_strided_slice %exp3A_401 {offsets = [0, 7], sizes = [256, 1], strides = [1, 1]} : vector<256x8xf32> to vector<256x1xf32>
    %mul3A_2513 = vector.broadcast %slice3A_2512 : vector<256x1xf32> to vector<256x64xf32>
    %mul3A_2514 = arith.mulf %mul3A_2513, %slice3A_168 : vector<256x64xf32>
    %add3A_2515 = arith.addf %add3A_2511, %mul3A_2514 : vector<256x64xf32>
    %slice3A_2516 = vector.extract_strided_slice %exp3A_403 {offsets = [0, 7], sizes = [256, 1], strides = [1, 1]} : vector<256x8xf32> to vector<256x1xf32>
    %mul3A_2517 = vector.broadcast %slice3A_2516 : vector<256x1xf32> to vector<256x64xf32>
    %mul3A_2518 = arith.mulf %mul3A_2517, %slice3A_191 : vector<256x64xf32>
    %add3A_2519 = arith.addf %add3A_2515, %mul3A_2518 : vector<256x64xf32>
    %slice3A_2520 = vector.extract_strided_slice %exp3A_405 {offsets = [0, 7], sizes = [256, 1], strides = [1, 1]} : vector<256x8xf32> to vector<256x1xf32>
    %mul3A_2521 = vector.broadcast %slice3A_2520 : vector<256x1xf32> to vector<256x64xf32>
    %mul3A_2522 = arith.mulf %mul3A_2521, %slice3A_214 : vector<256x64xf32>
    %add3A_2523 = arith.addf %add3A_2519, %mul3A_2522 : vector<256x64xf32>
    %slice3A_2524 = vector.extract_strided_slice %exp3A_407 {offsets = [0, 7], sizes = [256, 1], strides = [1, 1]} : vector<256x8xf32> to vector<256x1xf32>
    %mul3A_2525 = vector.broadcast %slice3A_2524 : vector<256x1xf32> to vector<256x64xf32>
    %mul3A_2526 = arith.mulf %mul3A_2525, %slice3A_237 : vector<256x64xf32>
    %add3A_2527 = arith.addf %add3A_2523, %mul3A_2526 : vector<256x64xf32>
    %slice3A_2528 = vector.extract_strided_slice %exp3A_409 {offsets = [0, 7], sizes = [256, 1], strides = [1, 1]} : vector<256x8xf32> to vector<256x1xf32>
    %mul3A_2529 = vector.broadcast %slice3A_2528 : vector<256x1xf32> to vector<256x64xf32>
    %mul3A_2530 = arith.mulf %mul3A_2529, %slice3A_260 : vector<256x64xf32>
    %add3A_2531 = arith.addf %add3A_2527, %mul3A_2530 : vector<256x64xf32>
    %slice3A_2532 = vector.extract_strided_slice %exp3A_411 {offsets = [0, 7], sizes = [256, 1], strides = [1, 1]} : vector<256x8xf32> to vector<256x1xf32>
    %mul3A_2533 = vector.broadcast %slice3A_2532 : vector<256x1xf32> to vector<256x64xf32>
    %mul3A_2534 = arith.mulf %mul3A_2533, %slice3A_283 : vector<256x64xf32>
    %add3A_2535 = arith.addf %add3A_2531, %mul3A_2534 : vector<256x64xf32>
    %slice3A_2536 = vector.extract_strided_slice %exp3A_413 {offsets = [0, 7], sizes = [256, 1], strides = [1, 1]} : vector<256x8xf32> to vector<256x1xf32>
    %mul3A_2537 = vector.broadcast %slice3A_2536 : vector<256x1xf32> to vector<256x64xf32>
    %mul3A_2538 = arith.mulf %mul3A_2537, %slice3A_306 : vector<256x64xf32>
    %add3A_2539 = arith.addf %add3A_2535, %mul3A_2538 : vector<256x64xf32>
    %slice3A_2540 = vector.extract_strided_slice %exp3A_415 {offsets = [0, 7], sizes = [256, 1], strides = [1, 1]} : vector<256x8xf32> to vector<256x1xf32>
    %mul3A_2541 = vector.broadcast %slice3A_2540 : vector<256x1xf32> to vector<256x64xf32>
    %mul3A_2542 = arith.mulf %mul3A_2541, %slice3A_329 : vector<256x64xf32>
    %add3A_2543 = arith.addf %add3A_2539, %mul3A_2542 : vector<256x64xf32>
    %slice3A_2544 = vector.extract_strided_slice %exp3A_417 {offsets = [0, 7], sizes = [256, 1], strides = [1, 1]} : vector<256x8xf32> to vector<256x1xf32>
    %mul3A_2545 = vector.broadcast %slice3A_2544 : vector<256x1xf32> to vector<256x64xf32>
    %mul3A_2546 = arith.mulf %mul3A_2545, %slice3A_352 : vector<256x64xf32>
    %add3A_2547 = arith.addf %add3A_2543, %mul3A_2546 : vector<256x64xf32>
    %slice3A_2548 = vector.extract_strided_slice %div3A_434 {offsets = [0, 7], sizes = [256, 1], strides = [1, 1]} : vector<256x8xf32> to vector<256x1xf32>
    %mul3A_2549 = vector.broadcast %slice3A_2548 : vector<256x1xf32> to vector<256x64xf32>
    %mul3A_2550 = arith.mulf %add3A_2547, %mul3A_2549 : vector<256x64xf32>
    %slice3A_2551 = vector.extract_strided_slice %mul3A_529 {offsets = [0, 7], sizes = [256, 1], strides = [1, 1]} : vector<256x8xf32> to vector<256x1xf32>
    %slice3A_2552 = vector.extract_strided_slice %get3A_533 {offsets = [0, 0], sizes = [1, 64], strides = [1, 1]} : vector<8x64xf32> to vector<1x64xf32>
    %mul3A_2553 = vector.broadcast %slice3A_2551 : vector<256x1xf32> to vector<256x64xf32>
    %mul3A_2554 = vector.broadcast %slice3A_2552 : vector<1x64xf32> to vector<256x64xf32>
    %mul3A_2555 = arith.mulf %mul3A_2553, %mul3A_2554 : vector<256x64xf32>
    %add3A_2556 = arith.addf %mul3A_2550, %mul3A_2555 : vector<256x64xf32>
    %slice3A_2557 = vector.extract_strided_slice %mul3A_530 {offsets = [0, 7], sizes = [256, 1], strides = [1, 1]} : vector<256x8xf32> to vector<256x1xf32>
    %slice3A_2558 = vector.extract_strided_slice %get3A_533 {offsets = [1, 0], sizes = [1, 64], strides = [1, 1]} : vector<8x64xf32> to vector<1x64xf32>
    %mul3A_2559 = vector.broadcast %slice3A_2557 : vector<256x1xf32> to vector<256x64xf32>
    %mul3A_2560 = vector.broadcast %slice3A_2558 : vector<1x64xf32> to vector<256x64xf32>
    %mul3A_2561 = arith.mulf %mul3A_2559, %mul3A_2560 : vector<256x64xf32>
    %add3A_2562 = arith.addf %add3A_2556, %mul3A_2561 : vector<256x64xf32>
    %get3A_2563 = arith.constant 896 : index
    %get3A_2564 = arith.constant 0 : index
    %get3A_2565 = vector.load %arg6[%get3A_2563, %get3A_2564] : memref<1024x32xf32, #tpu.memory_space<vmem>>, vector<128x32xf32>
    %dot_general3A_2566 = arith.constant dense<0.000000e+00> : vector<256x32xf32>
    %dot_general3A_2567 = tpu.matmul %get3A_10, %get3A_2565, %dot_general3A_2566 {dimension_numbers = #tpu.dot_dimension_numbers<[1], [0], [0], [1], [0, 0, 1, 1], [], []>, transpose_lhs_hint = false} : vector<256x128xf32>, vector<128x32xf32>, vector<256x32xf32> -> vector<256x32xf32>
    %broadcast_in_dim3A_2568 = arith.constant 0.000000e+00 : f32
    %broadcast_in_dim3A_2569 = vector.broadcast %broadcast_in_dim3A_2568 : f32 to vector<256x128xf32>
    %slice3A_2570 = vector.extract_strided_slice %dot_general3A_2567 {offsets = [0, 0], sizes = [256, 8], strides = [1, 1]} : vector<256x32xf32> to vector<256x8xf32>
    %lt3A_2571 = arith.constant 6 : i32
    %lt3A_2572 = vector.broadcast %lt3A_2571 : i32 to vector<1x8xi32>
    %lt3A_2573 = arith.cmpi slt, %iota3A, %lt3A_2572 : vector<1x8xi32>
    %jit3A_2574 = arith.constant -1.000000e+30 : f32
    %broadcast_in_dim3A_2575 = vector.shape_cast %lt3A_2573 : vector<1x8xi1> to vector<1x8xi1>
    %broadcast_in_dim3A_2576 = vector.broadcast %broadcast_in_dim3A_2575 : vector<1x8xi1> to vector<256x8xi1>
    %broadcast_in_dim3A_2577 = vector.broadcast %jit3A_2574 : f32 to vector<256x8xf32>
    %select_n3A_2578 = arith.select %broadcast_in_dim3A_2576, %slice3A_2570, %broadcast_in_dim3A_2577 : vector<256x8xi1>, vector<256x8xf32>
    %reduce_max3A_2579 = arith.constant dense<0xFF800000> : vector<256xf32>
    %reduce_max3A_2580 = vector.multi_reduction <maximumf>, %select_n3A_2578, %reduce_max3A_2579 [1] : vector<256x8xf32> to vector<256xf32>
    %broadcast_in_dim3A_2581 = vector.shape_cast %reduce_max3A_2580 : vector<256xf32> to vector<256x1xf32>
    %sub3A_2582 = vector.broadcast %broadcast_in_dim3A_2581 : vector<256x1xf32> to vector<256x8xf32>
    %sub3A_2583 = arith.subf %select_n3A_2578, %sub3A_2582 : vector<256x8xf32>
    %exp3A_2584 = math.exp %sub3A_2583 : vector<256x8xf32>
    %reduce_sum3A_2585 = arith.constant dense<0.000000e+00> : vector<256xf32>
    %reduce_sum3A_2586 = vector.multi_reduction <add>, %exp3A_2584, %reduce_sum3A_2585 [1] : vector<256x8xf32> to vector<256xf32>
    %broadcast_in_dim3A_2587 = vector.shape_cast %reduce_sum3A_2586 : vector<256xf32> to vector<256x1xf32>
    %div3A_2588 = vector.broadcast %broadcast_in_dim3A_2587 : vector<256x1xf32> to vector<256x8xf32>
    %div3A_2589 = arith.divf %exp3A_2584, %div3A_2588 : vector<256x8xf32>
    %get3A_2590 = arith.constant 224 : index
    %get3A_2591 = arith.constant 0 : index
    %get3A_2592 = vector.load %arg7[%get3A_2590, %get3A_2591] : memref<256x128xf32, #tpu.memory_space<vmem>>, vector<8x128xf32>
    %dot_general3A_2593 = arith.constant dense<0.000000e+00> : vector<256x128xf32>
    %dot_general3A_2594 = tpu.matmul %div3A_2589, %get3A_2592, %dot_general3A_2593 {dimension_numbers = #tpu.dot_dimension_numbers<[1], [0], [0], [1], [0, 0, 1, 1], [], []>, transpose_lhs_hint = false} : vector<256x8xf32>, vector<8x128xf32>, vector<256x128xf32> -> vector<256x128xf32>
    %add3A_2595 = arith.addf %broadcast_in_dim3A_2569, %dot_general3A_2594 : vector<256x128xf32>
    %slice3A_2596 = vector.extract_strided_slice %dot_general3A_2567 {offsets = [0, 8], sizes = [256, 8], strides = [1, 1]} : vector<256x32xf32> to vector<256x8xf32>
    %lt3A_2597 = arith.constant 6 : i32
    %lt3A_2598 = vector.broadcast %lt3A_2597 : i32 to vector<1x8xi32>
    %lt3A_2599 = arith.cmpi slt, %iota3A, %lt3A_2598 : vector<1x8xi32>
    %jit3A_2600 = arith.constant -1.000000e+30 : f32
    %broadcast_in_dim3A_2601 = vector.shape_cast %lt3A_2599 : vector<1x8xi1> to vector<1x8xi1>
    %broadcast_in_dim3A_2602 = vector.broadcast %broadcast_in_dim3A_2601 : vector<1x8xi1> to vector<256x8xi1>
    %broadcast_in_dim3A_2603 = vector.broadcast %jit3A_2600 : f32 to vector<256x8xf32>
    %select_n3A_2604 = arith.select %broadcast_in_dim3A_2602, %slice3A_2596, %broadcast_in_dim3A_2603 : vector<256x8xi1>, vector<256x8xf32>
    %reduce_max3A_2605 = arith.constant dense<0xFF800000> : vector<256xf32>
    %reduce_max3A_2606 = vector.multi_reduction <maximumf>, %select_n3A_2604, %reduce_max3A_2605 [1] : vector<256x8xf32> to vector<256xf32>
    %broadcast_in_dim3A_2607 = vector.shape_cast %reduce_max3A_2606 : vector<256xf32> to vector<256x1xf32>
    %sub3A_2608 = vector.broadcast %broadcast_in_dim3A_2607 : vector<256x1xf32> to vector<256x8xf32>
    %sub3A_2609 = arith.subf %select_n3A_2604, %sub3A_2608 : vector<256x8xf32>
    %exp3A_2610 = math.exp %sub3A_2609 : vector<256x8xf32>
    %reduce_sum3A_2611 = arith.constant dense<0.000000e+00> : vector<256xf32>
    %reduce_sum3A_2612 = vector.multi_reduction <add>, %exp3A_2610, %reduce_sum3A_2611 [1] : vector<256x8xf32> to vector<256xf32>
    %broadcast_in_dim3A_2613 = vector.shape_cast %reduce_sum3A_2612 : vector<256xf32> to vector<256x1xf32>
    %div3A_2614 = vector.broadcast %broadcast_in_dim3A_2613 : vector<256x1xf32> to vector<256x8xf32>
    %div3A_2615 = arith.divf %exp3A_2610, %div3A_2614 : vector<256x8xf32>
    %get3A_2616 = arith.constant 232 : index
    %get3A_2617 = arith.constant 0 : index
    %get3A_2618 = vector.load %arg7[%get3A_2616, %get3A_2617] : memref<256x128xf32, #tpu.memory_space<vmem>>, vector<8x128xf32>
    %dot_general3A_2619 = arith.constant dense<0.000000e+00> : vector<256x128xf32>
    %dot_general3A_2620 = tpu.matmul %div3A_2615, %get3A_2618, %dot_general3A_2619 {dimension_numbers = #tpu.dot_dimension_numbers<[1], [0], [0], [1], [0, 0, 1, 1], [], []>, transpose_lhs_hint = false} : vector<256x8xf32>, vector<8x128xf32>, vector<256x128xf32> -> vector<256x128xf32>
    %add3A_2621 = arith.addf %add3A_2595, %dot_general3A_2620 : vector<256x128xf32>
    %slice3A_2622 = vector.extract_strided_slice %dot_general3A_2567 {offsets = [0, 16], sizes = [256, 8], strides = [1, 1]} : vector<256x32xf32> to vector<256x8xf32>
    %lt3A_2623 = arith.constant 6 : i32
    %lt3A_2624 = vector.broadcast %lt3A_2623 : i32 to vector<1x8xi32>
    %lt3A_2625 = arith.cmpi slt, %iota3A, %lt3A_2624 : vector<1x8xi32>
    %jit3A_2626 = arith.constant -1.000000e+30 : f32
    %broadcast_in_dim3A_2627 = vector.shape_cast %lt3A_2625 : vector<1x8xi1> to vector<1x8xi1>
    %broadcast_in_dim3A_2628 = vector.broadcast %broadcast_in_dim3A_2627 : vector<1x8xi1> to vector<256x8xi1>
    %broadcast_in_dim3A_2629 = vector.broadcast %jit3A_2626 : f32 to vector<256x8xf32>
    %select_n3A_2630 = arith.select %broadcast_in_dim3A_2628, %slice3A_2622, %broadcast_in_dim3A_2629 : vector<256x8xi1>, vector<256x8xf32>
    %reduce_max3A_2631 = arith.constant dense<0xFF800000> : vector<256xf32>
    %reduce_max3A_2632 = vector.multi_reduction <maximumf>, %select_n3A_2630, %reduce_max3A_2631 [1] : vector<256x8xf32> to vector<256xf32>
    %broadcast_in_dim3A_2633 = vector.shape_cast %reduce_max3A_2632 : vector<256xf32> to vector<256x1xf32>
    %sub3A_2634 = vector.broadcast %broadcast_in_dim3A_2633 : vector<256x1xf32> to vector<256x8xf32>
    %sub3A_2635 = arith.subf %select_n3A_2630, %sub3A_2634 : vector<256x8xf32>
    %exp3A_2636 = math.exp %sub3A_2635 : vector<256x8xf32>
    %reduce_sum3A_2637 = arith.constant dense<0.000000e+00> : vector<256xf32>
    %reduce_sum3A_2638 = vector.multi_reduction <add>, %exp3A_2636, %reduce_sum3A_2637 [1] : vector<256x8xf32> to vector<256xf32>
    %broadcast_in_dim3A_2639 = vector.shape_cast %reduce_sum3A_2638 : vector<256xf32> to vector<256x1xf32>
    %div3A_2640 = vector.broadcast %broadcast_in_dim3A_2639 : vector<256x1xf32> to vector<256x8xf32>
    %div3A_2641 = arith.divf %exp3A_2636, %div3A_2640 : vector<256x8xf32>
    %get3A_2642 = arith.constant 240 : index
    %get3A_2643 = arith.constant 0 : index
    %get3A_2644 = vector.load %arg7[%get3A_2642, %get3A_2643] : memref<256x128xf32, #tpu.memory_space<vmem>>, vector<8x128xf32>
    %dot_general3A_2645 = arith.constant dense<0.000000e+00> : vector<256x128xf32>
    %dot_general3A_2646 = tpu.matmul %div3A_2641, %get3A_2644, %dot_general3A_2645 {dimension_numbers = #tpu.dot_dimension_numbers<[1], [0], [0], [1], [0, 0, 1, 1], [], []>, transpose_lhs_hint = false} : vector<256x8xf32>, vector<8x128xf32>, vector<256x128xf32> -> vector<256x128xf32>
    %add3A_2647 = arith.addf %add3A_2621, %dot_general3A_2646 : vector<256x128xf32>
    %slice3A_2648 = vector.extract_strided_slice %dot_general3A_2567 {offsets = [0, 24], sizes = [256, 8], strides = [1, 1]} : vector<256x32xf32> to vector<256x8xf32>
    %lt3A_2649 = arith.constant 6 : i32
    %lt3A_2650 = vector.broadcast %lt3A_2649 : i32 to vector<1x8xi32>
    %lt3A_2651 = arith.cmpi slt, %iota3A, %lt3A_2650 : vector<1x8xi32>
    %jit3A_2652 = arith.constant -1.000000e+30 : f32
    %broadcast_in_dim3A_2653 = vector.shape_cast %lt3A_2651 : vector<1x8xi1> to vector<1x8xi1>
    %broadcast_in_dim3A_2654 = vector.broadcast %broadcast_in_dim3A_2653 : vector<1x8xi1> to vector<256x8xi1>
    %broadcast_in_dim3A_2655 = vector.broadcast %jit3A_2652 : f32 to vector<256x8xf32>
    %select_n3A_2656 = arith.select %broadcast_in_dim3A_2654, %slice3A_2648, %broadcast_in_dim3A_2655 : vector<256x8xi1>, vector<256x8xf32>
    %reduce_max3A_2657 = arith.constant dense<0xFF800000> : vector<256xf32>
    %reduce_max3A_2658 = vector.multi_reduction <maximumf>, %select_n3A_2656, %reduce_max3A_2657 [1] : vector<256x8xf32> to vector<256xf32>
    %broadcast_in_dim3A_2659 = vector.shape_cast %reduce_max3A_2658 : vector<256xf32> to vector<256x1xf32>
    %sub3A_2660 = vector.broadcast %broadcast_in_dim3A_2659 : vector<256x1xf32> to vector<256x8xf32>
    %sub3A_2661 = arith.subf %select_n3A_2656, %sub3A_2660 : vector<256x8xf32>
    %exp3A_2662 = math.exp %sub3A_2661 : vector<256x8xf32>
    %reduce_sum3A_2663 = arith.constant dense<0.000000e+00> : vector<256xf32>
    %reduce_sum3A_2664 = vector.multi_reduction <add>, %exp3A_2662, %reduce_sum3A_2663 [1] : vector<256x8xf32> to vector<256xf32>
    %broadcast_in_dim3A_2665 = vector.shape_cast %reduce_sum3A_2664 : vector<256xf32> to vector<256x1xf32>
    %div3A_2666 = vector.broadcast %broadcast_in_dim3A_2665 : vector<256x1xf32> to vector<256x8xf32>
    %div3A_2667 = arith.divf %exp3A_2662, %div3A_2666 : vector<256x8xf32>
    %get3A_2668 = arith.constant 248 : index
    %get3A_2669 = arith.constant 0 : index
    %get3A_2670 = vector.load %arg7[%get3A_2668, %get3A_2669] : memref<256x128xf32, #tpu.memory_space<vmem>>, vector<8x128xf32>
    %dot_general3A_2671 = arith.constant dense<0.000000e+00> : vector<256x128xf32>
    %dot_general3A_2672 = tpu.matmul %div3A_2667, %get3A_2670, %dot_general3A_2671 {dimension_numbers = #tpu.dot_dimension_numbers<[1], [0], [0], [1], [0, 0, 1, 1], [], []>, transpose_lhs_hint = false} : vector<256x8xf32>, vector<8x128xf32>, vector<256x128xf32> -> vector<256x128xf32>
    %add3A_2673 = arith.addf %add3A_2647, %dot_general3A_2672 : vector<256x128xf32>
    %dot_general3A_2674 = arith.constant dense<0.000000e+00> : vector<256x128xf32>
    %dot_general3A_2675 = tpu.matmul %add3A_2673, %get3A_536, %dot_general3A_2674 {dimension_numbers = #tpu.dot_dimension_numbers<[1], [0], [0], [1], [0, 0, 1, 1], [], []>, transpose_lhs_hint = false} : vector<256x128xf32>, vector<128x128xf32>, vector<256x128xf32> -> vector<256x128xf32>
    %add3A_2676 = vector.broadcast %get3A_539 : vector<1x128xf32> to vector<256x128xf32>
    %add3A_2677 = arith.addf %dot_general3A_2675, %add3A_2676 : vector<256x128xf32>
    %reduce_sum3A_2678 = arith.constant dense<0.000000e+00> : vector<256xf32>
    %reduce_sum3A_2679 = vector.multi_reduction <add>, %add3A_2562, %reduce_sum3A_2678 [1] : vector<256x64xf32> to vector<256xf32>
    %broadcast_in_dim3A_2680 = vector.shape_cast %reduce_sum3A_2679 : vector<256xf32> to vector<256x1xf32>
    %reduce_sum3A_2681 = arith.constant dense<0.000000e+00> : vector<256xf32>
    %reduce_sum3A_2682 = vector.multi_reduction <add>, %add3A_2677, %reduce_sum3A_2681 [1] : vector<256x128xf32> to vector<256xf32>
    %broadcast_in_dim3A_2683 = vector.shape_cast %reduce_sum3A_2682 : vector<256xf32> to vector<256x1xf32>
    %add3A_2684 = arith.addf %broadcast_in_dim3A_2680, %broadcast_in_dim3A_2683 : vector<256x1xf32>
    %mul3A_2685 = arith.constant 0.00520833349 : f32
    %mul3A_2686 = vector.broadcast %mul3A_2685 : f32 to vector<256x1xf32>
    %mul3A_2687 = arith.mulf %add3A_2684, %mul3A_2686 : vector<256x1xf32>
    %mul3A_2688 = arith.mulf %add3A_2562, %add3A_2562 : vector<256x64xf32>
    %reduce_sum3A_2689 = arith.constant dense<0.000000e+00> : vector<256xf32>
    %reduce_sum3A_2690 = vector.multi_reduction <add>, %mul3A_2688, %reduce_sum3A_2689 [1] : vector<256x64xf32> to vector<256xf32>
    %broadcast_in_dim3A_2691 = vector.shape_cast %reduce_sum3A_2690 : vector<256xf32> to vector<256x1xf32>
    %mul3A_2692 = arith.mulf %add3A_2677, %add3A_2677 : vector<256x128xf32>
    %reduce_sum3A_2693 = arith.constant dense<0.000000e+00> : vector<256xf32>
    %reduce_sum3A_2694 = vector.multi_reduction <add>, %mul3A_2692, %reduce_sum3A_2693 [1] : vector<256x128xf32> to vector<256xf32>
    %broadcast_in_dim3A_2695 = vector.shape_cast %reduce_sum3A_2694 : vector<256xf32> to vector<256x1xf32>
    %add3A_2696 = arith.addf %broadcast_in_dim3A_2691, %broadcast_in_dim3A_2695 : vector<256x1xf32>
    %mul3A_2697 = arith.constant 0.00520833349 : f32
    %mul3A_2698 = vector.broadcast %mul3A_2697 : f32 to vector<256x1xf32>
    %mul3A_2699 = arith.mulf %add3A_2696, %mul3A_2698 : vector<256x1xf32>
    %mul3A_2700 = arith.mulf %mul3A_2687, %mul3A_2687 : vector<256x1xf32>
    %sub3A_2701 = arith.subf %mul3A_2699, %mul3A_2700 : vector<256x1xf32>
    %add3A_2702 = arith.constant 9.99999974E-6 : f32
    %add3A_2703 = vector.broadcast %add3A_2702 : f32 to vector<256x1xf32>
    %add3A_2704 = arith.addf %sub3A_2701, %add3A_2703 : vector<256x1xf32>
    %rsqrt3A_2705 = math.rsqrt %add3A_2704 : vector<256x1xf32>
    %sub3A_2706 = vector.broadcast %mul3A_2687 : vector<256x1xf32> to vector<256x64xf32>
    %sub3A_2707 = arith.subf %add3A_2562, %sub3A_2706 : vector<256x64xf32>
    %mul3A_2708 = vector.broadcast %rsqrt3A_2705 : vector<256x1xf32> to vector<256x64xf32>
    %mul3A_2709 = arith.mulf %sub3A_2707, %mul3A_2708 : vector<256x64xf32>
    %mul3A_2710 = vector.broadcast %get3A_542 : vector<1x64xf32> to vector<256x64xf32>
    %mul3A_2711 = arith.mulf %mul3A_2709, %mul3A_2710 : vector<256x64xf32>
    %add3A_2712 = vector.broadcast %get3A_545 : vector<1x64xf32> to vector<256x64xf32>
    %add3A_2713 = arith.addf %mul3A_2711, %add3A_2712 : vector<256x64xf32>
    %sub3A_2714 = vector.broadcast %mul3A_2687 : vector<256x1xf32> to vector<256x128xf32>
    %sub3A_2715 = arith.subf %add3A_2677, %sub3A_2714 : vector<256x128xf32>
    %mul3A_2716 = vector.broadcast %rsqrt3A_2705 : vector<256x1xf32> to vector<256x128xf32>
    %mul3A_2717 = arith.mulf %sub3A_2715, %mul3A_2716 : vector<256x128xf32>
    %mul3A_2718 = vector.broadcast %get3A_548 : vector<1x128xf32> to vector<256x128xf32>
    %mul3A_2719 = arith.mulf %mul3A_2717, %mul3A_2718 : vector<256x128xf32>
    %add3A_2720 = vector.broadcast %get3A_551 : vector<1x128xf32> to vector<256x128xf32>
    %add3A_2721 = arith.addf %mul3A_2719, %add3A_2720 : vector<256x128xf32>
    %dot_general3A_2722 = arith.constant dense<0.000000e+00> : vector<256x64xf32>
    %dot_general3A_2723 = tpu.matmul %add3A_2713, %get3A_554, %dot_general3A_2722 {dimension_numbers = #tpu.dot_dimension_numbers<[1], [0], [0], [1], [0, 0, 1, 1], [], []>, transpose_lhs_hint = false} : vector<256x64xf32>, vector<64x64xf32>, vector<256x64xf32> -> vector<256x64xf32>
    %dot_general3A_2724 = arith.constant dense<0.000000e+00> : vector<256x64xf32>
    %dot_general3A_2725 = tpu.matmul %add3A_2721, %get3A_557, %dot_general3A_2724 {dimension_numbers = #tpu.dot_dimension_numbers<[1], [0], [0], [1], [0, 0, 1, 1], [], []>, transpose_lhs_hint = false} : vector<256x128xf32>, vector<128x64xf32>, vector<256x64xf32> -> vector<256x64xf32>
    %add3A_2726 = arith.addf %dot_general3A_2723, %dot_general3A_2725 : vector<256x64xf32>
    %add3A_2727 = vector.broadcast %get3A_560 : vector<1x64xf32> to vector<256x64xf32>
    %add3A_2728 = arith.addf %add3A_2726, %add3A_2727 : vector<256x64xf32>
    %mul3A_2729 = arith.constant 5.000000e-01 : f32
    %mul3A_2730 = vector.broadcast %mul3A_2729 : f32 to vector<256x64xf32>
    %mul3A_2731 = arith.mulf %mul3A_2730, %add3A_2728 : vector<256x64xf32>
    %mul3A_2732 = arith.constant 0.707106769 : f32
    %mul3A_2733 = vector.broadcast %mul3A_2732 : f32 to vector<256x64xf32>
    %mul3A_2734 = arith.mulf %add3A_2728, %mul3A_2733 : vector<256x64xf32>
    %erf3A_2735 = math.erf %mul3A_2734 : vector<256x64xf32>
    %add3A_2736 = arith.constant 1.000000e+00 : f32
    %add3A_2737 = vector.broadcast %add3A_2736 : f32 to vector<256x64xf32>
    %add3A_2738 = arith.addf %add3A_2737, %erf3A_2735 : vector<256x64xf32>
    %mul3A_2739 = arith.mulf %mul3A_2731, %add3A_2738 : vector<256x64xf32>
    %dot_general3A_2740 = arith.constant dense<0.000000e+00> : vector<256x2xf32>
    %dot_general3A_2741 = tpu.matmul %mul3A_2739, %get3A_563, %dot_general3A_2740 {dimension_numbers = #tpu.dot_dimension_numbers<[1], [0], [0], [1], [0, 0, 1, 1], [], []>, transpose_lhs_hint = false} : vector<256x64xf32>, vector<64x2xf32>, vector<256x2xf32> -> vector<256x2xf32>
    %add3A_2742 = vector.broadcast %get3A_566 : vector<1x2xf32> to vector<256x2xf32>
    %add3A_2743 = arith.addf %dot_general3A_2741, %add3A_2742 : vector<256x2xf32>
    %get3A_2744 = arith.constant 0 : index
    %get3A_2745 = arith.constant 7 : index
    %get3A_2746 = vector.load %arg5[%get3A_2744, %get3A_2745] : memref<256x8xf32, #tpu.memory_space<vmem>>, vector<256x1xf32>
    %ne3A_2747 = arith.constant 0.000000e+00 : f32
    %ne3A_2748 = vector.broadcast %ne3A_2747 : f32 to vector<256x1xf32>
    %ne3A_2749 = arith.cmpf one, %get3A_2746, %ne3A_2748 : vector<256x1xf32>
    %convert_element_type3A_2750 = arith.extui %ne3A_2749 : vector<256x1xi1> to vector<256x1xi32>
    %convert_element_type3A_2751 = arith.sitofp %convert_element_type3A_2750 : vector<256x1xi32> to vector<256x1xf32>
    %mul3A_2752 = vector.broadcast %convert_element_type3A_2751 : vector<256x1xf32> to vector<256x2xf32>
    %mul3A_2753 = arith.mulf %add3A_2743, %mul3A_2752 : vector<256x2xf32>
    %swap3A_2754 = arith.constant 7 : index
    %swap3A_2755 = arith.constant 0 : index
    %swap3A_2756 = arith.constant 0 : index
    %swap3A_2757 = vector.load %arg20[%swap3A_2754, %swap3A_2755, %swap3A_2756] : memref<8x256x2xf32, #tpu.memory_space<vmem>>, vector<1x256x2xf32>
    %swap3A_2758 = vector.shape_cast %swap3A_2757 : vector<1x256x2xf32> to vector<256x2xf32>
    %swap3A_2759 = vector.shape_cast %mul3A_2753 : vector<256x2xf32> to vector<1x256x2xf32>
    tpu.vector_store %arg20[%swap3A_2754, %swap3A_2755, %swap3A_2756], %swap3A_2759 {strides = array<i32>} : memref<8x256x2xf32, #tpu.memory_space<vmem>>, vector<1x256x2xf32>,
    return
  }
  func.func @transform_0(%arg0: i32) -> (i32, i32) {
    %c0_i32 = arith.constant 0 : i32
    %c0_i32_0 = arith.constant 0 : i32
    return %arg0, %c0_i32 : i32, i32
  }
  func.func @transform_1(%arg0: i32) -> (i32, i32) {
    %add3A = arith.constant 0 : i32
    %add3A_0 = arith.addi %arg0, %add3A : i32
    %c0_i32 = arith.constant 0 : i32
    %c0_i32_1 = arith.constant 0 : i32
    return %add3A_0, %c0_i32 : i32, i32
  }
  func.func @transform_2(%arg0: i32) -> (i32, i32) {
    %add3A = arith.constant 0 : i32
    %add3A_0 = arith.addi %arg0, %add3A : i32
    %c0_i32 = arith.constant 0 : i32
    %c0_i32_1 = arith.constant 0 : i32
    return %add3A_0, %c0_i32 : i32, i32
  }
  func.func @transform_3(%arg0: i32) -> (i32, i32) {
    %add3A = arith.constant 0 : i32
    %add3A_0 = arith.addi %arg0, %add3A : i32
    %c0_i32 = arith.constant 0 : i32
    %c0_i32_1 = arith.constant 0 : i32
    return %add3A_0, %c0_i32 : i32, i32
  }
  func.func @transform_4(%arg0: i32) -> (i32, i32) {
    %add3A = arith.constant 0 : i32
    %add3A_0 = arith.addi %arg0, %add3A : i32
    %c0_i32 = arith.constant 0 : i32
    %c0_i32_1 = arith.constant 0 : i32
    return %add3A_0, %c0_i32 : i32, i32
  }
  func.func @transform_5(%arg0: i32) -> (i32, i32) {
    %c0_i32 = arith.constant 0 : i32
    %c0_i32_0 = arith.constant 0 : i32
    %c0_i32_1 = arith.constant 0 : i32
    return %c0_i32, %c0_i32_0 : i32, i32
  }
  func.func @transform_6(%arg0: i32) -> (i32, i32) {
    %c0_i32 = arith.constant 0 : i32
    %c0_i32_0 = arith.constant 0 : i32
    %c0_i32_1 = arith.constant 0 : i32
    return %c0_i32, %c0_i32_0 : i32, i32
  }
  func.func @transform_7(%arg0: i32) -> (i32, i32) {
    %c0_i32 = arith.constant 0 : i32
    %c0_i32_0 = arith.constant 0 : i32
    %c0_i32_1 = arith.constant 0 : i32
    return %c0_i32, %c0_i32_0 : i32, i32
  }
  func.func @transform_8(%arg0: i32) -> (i32, i32) {
    %c0_i32 = arith.constant 0 : i32
    %c0_i32_0 = arith.constant 0 : i32
    %c0_i32_1 = arith.constant 0 : i32
    return %c0_i32, %c0_i32_0 : i32, i32
  }
  func.func @transform_9(%arg0: i32) -> (i32, i32) {
    %c0_i32 = arith.constant 0 : i32
    %c0_i32_0 = arith.constant 0 : i32
    %c0_i32_1 = arith.constant 0 : i32
    return %c0_i32, %c0_i32_0 : i32, i32
  }
  func.func @transform_10(%arg0: i32) -> (i32, i32) {
    %c0_i32 = arith.constant 0 : i32
    %c0_i32_0 = arith.constant 0 : i32
    %c0_i32_1 = arith.constant 0 : i32
    return %c0_i32, %c0_i32_0 : i32, i32
  }
  func.func @transform_11(%arg0: i32) -> (i32, i32) {
    %c0_i32 = arith.constant 0 : i32
    %c0_i32_0 = arith.constant 0 : i32
    %c0_i32_1 = arith.constant 0 : i32
    return %c0_i32, %c0_i32_0 : i32, i32
  }
  func.func @transform_12(%arg0: i32) -> (i32, i32) {
    %c0_i32 = arith.constant 0 : i32
    %c0_i32_0 = arith.constant 0 : i32
    %c0_i32_1 = arith.constant 0 : i32
    return %c0_i32, %c0_i32_0 : i32, i32
  }
  func.func @transform_13(%arg0: i32) -> (i32, i32) {
    %c0_i32 = arith.constant 0 : i32
    %c0_i32_0 = arith.constant 0 : i32
    %c0_i32_1 = arith.constant 0 : i32
    return %c0_i32, %c0_i32_0 : i32, i32
  }
  func.func @transform_14(%arg0: i32) -> (i32, i32) {
    %c0_i32 = arith.constant 0 : i32
    %c0_i32_0 = arith.constant 0 : i32
    %c0_i32_1 = arith.constant 0 : i32
    return %c0_i32, %c0_i32_0 : i32, i32
  }
  func.func @transform_15(%arg0: i32) -> (i32, i32) {
    %c0_i32 = arith.constant 0 : i32
    %c0_i32_0 = arith.constant 0 : i32
    %c0_i32_1 = arith.constant 0 : i32
    return %c0_i32, %c0_i32_0 : i32, i32
  }
  func.func @transform_16(%arg0: i32) -> (i32, i32) {
    %c0_i32 = arith.constant 0 : i32
    %c0_i32_0 = arith.constant 0 : i32
    %c0_i32_1 = arith.constant 0 : i32
    return %c0_i32, %c0_i32_0 : i32, i32
  }
  func.func @transform_17(%arg0: i32) -> (i32, i32) {
    %c0_i32 = arith.constant 0 : i32
    %c0_i32_0 = arith.constant 0 : i32
    %c0_i32_1 = arith.constant 0 : i32
    return %c0_i32, %c0_i32_0 : i32, i32
  }
  func.func @transform_18(%arg0: i32) -> (i32, i32) {
    %c0_i32 = arith.constant 0 : i32
    %c0_i32_0 = arith.constant 0 : i32
    %c0_i32_1 = arith.constant 0 : i32
    return %c0_i32, %c0_i32_0 : i32, i32
  }
  func.func @transform_19(%arg0: i32) -> (i32, i32, i32) {
    %c0_i32 = arith.constant 0 : i32
    %c0_i32_0 = arith.constant 0 : i32
    %c0_i32_1 = arith.constant 0 : i32
    return %c0_i32, %arg0, %c0_i32_0 : i32, i32, i32
  }
}

</mosaic_0001>

<sc_bundles>
// kernel: kernel.5.cloned.1.call-start
scs
__scs_entry_jumppad:
0x0: {  	(pc) =	sbr.rel $0x88, $3  }
0x1: {  	(tag) =	ssettag $0x0;
	lr =	simm.s32 $0x1  }
0x2: {  	[smem:$0x3F83] =	sst lr;
	_ =	strace $0xD0000000  }
0x3: {  	_ = 	snop  }
0x4: {  	_ = 	snop  }
0x5: {  	_ = 	snop  }
0x6: {  	_ = 	snop  }
0x7: {  	_ = 	snop  }
__scs_overlays_trampoline_lowered:
0x8: {  	[smem:$0x3F92] =	sst s0  }
0x9: {  	[smem:$0x3F93] =	sst s1  }
0xa: {  	[smem:$0x3F94] =	sst s2  }
0xb: {  	[smem:$0x3F95] =	sst s3  }
0xc: {  	[smem:$0x3F96] =	sst s4  }
0xd: {  	[smem:$0x3F97] =	sst s5  }
0xe: {  	[smem:$0x3F98] =	sst s6  }
0xf: {  	[smem:$0x3F99] =	sst s7  }
0x10: {  	[smem:$0x3F9A] =	sst s8  }
0x11: {  	[smem:$0x3F9B] =	sst s9;
	s0 =	simm.s32 @!p0 $0x0  }
0x12: {  	s1 =	sld [smem:$0x3F81];
	s0 =	simm.s32 @p0 $0x1  }
0x13: {  	[smem:$0x3F9C] =	sst s0;
	s0 =	simm.s32 @!p1 $0x0  }
0x14: {  	s2 =	sld [smem:$0x3F80];
	s0 =	simm.s32 @p1 $0x1  }
0x15: {  	[smem:$0x3F9D] =	sst s0;
	s0 =	simm.s32 @!p2 $0x0  }
0x16: {  	s3 =	sld [smem:$0x3FDB];
	s0 =	simm.s32 @p2 $0x1  }
0x17: {  	s4 =	simm.s32 $0x1BF5;
	[smem:$0x3F9F] =	sst s0  }
0x18: {  	s0 =	sld [smem:$0x3F82];
	_ =	swait.ge [sflag:s4], $0x0  }
0x19: {  	s7 =	sld [smem:$0x3F83]  }
0x1a: {  	s8 =	sadd.s32 $0xFFFFE003, lr  }
0x1b: {  	s9 =	sadd.s32 $0xFFFFFEF7, lr;
	s5 =	simm.s32 $0xFFFFFFFF;
	p2 =	slt.u32 s8, $0xFFFFF086  }
0x1c: {  	p1 =	slt.u32 s9, $0xF7A;
	s5 =	simm.s32 @!p2 $0x0  }
0x1d: {  	s5 =	simm.s32 @p1 $0x1;
	p0 =	seq.s32 s7, s2  }
0x1e: {  	s7 =	smul.u32 @!p0 $0xF7A, s2;
	p2 =	seq.s32 @!p0 s5, $0x0  }
0x1f: {  	s9 =	smul.u32 $0xF7A, s1;
	s8 =	simm.s32 @!p0 $0x1BF5;
	p2 =	por !p2, p0  }
0x20: {  	[sflag:s8] =	ssyncset.s32 @!p0 $0xFFFFF086;
	s6 =	sadd.s32 @!p0 s3, s7;
	s7 =	simm.s32 @!p0 $0x108  }
0x21: {  	s3 =	sadd.s32 s3, s9;
	s6 =	sadd.s32 @!p0 $0x88, s6;
	s7 =	simm.s32 @p2 $0x1082  }
0x22: {  	[simem:s7], [sflag:s8] =	dma.local @!p0 [hbm:s6], $0xF7A  }
0x23: {  	s9 =	sor.u32 $0xD0000000, s2;
	s6 =	simm.s32 $0x108;
	_ =	swait.ge @!p0 [sflag:s8], $0x0  }
0x24: {  	s3 =	sadd.s32 $0x88, s3;
	s6 =	simm.s32 @!p1 $0x1082;
	[sflag:s4] =	ssyncset.s32 $0xFFFFF086  }
0x25: {  	[simem:s6], [sflag:s4] =	dma.local [hbm:s3], $0xF7A  }
0x26: {  	[smem:$0x3F83] =	sst s1;
	(tag) =	ssettag s2;
	_ =	strace s9  }
0x27: {  	s1 =	sld [smem:$0x3F93]  }
0x28: {  	s2 =	sld [smem:$0x3F94]  }
0x29: {  	s4 =	sld [smem:$0x3F96]  }
0x2a: {  	p0 =	seq.s32 s5, $0x0;
	s5 =	sld [smem:$0x3F97]  }
0x2b: {  	s6 =	sld [smem:$0x3F98]  }
0x2c: {  	s7 =	sld [smem:$0x3F99]  }
0x2d: {  	s3 =	simm.s32 $0x108;
	s8 =	sld [smem:$0x3F9A]  }
0x2e: {  	s3 =	simm.s32 @!p0 $0x1082;
	s9 =	sld [smem:$0x3F9B]  }
0x2f: {  	lr =	sadd.s32 s0, s3;
	s0 =	sld [smem:$0x3F92]  }
0x30: {  	s3 =	sld [smem:$0x3F95]  }
0x31: {  	[smem:$0x3F9E] =	sst s10  }
0x32: {  	s10 =	sld [smem:$0x3F9C];
	_ =	sdelay $0x3  }
0x33: {  	p0 =	seq.s32 s10, $0x1;
	s10 =	sld [smem:$0x3F9E];
	_ =	sdelay $0x3  }
0x34: {  	[smem:$0x3F9E] =	sst s10  }
0x35: {  	s10 =	sld [smem:$0x3F9D];
	_ =	sdelay $0x3  }
0x36: {  	p1 =	seq.s32 s10, $0x1;
	s10 =	sld [smem:$0x3F9E];
	_ =	sdelay $0x3  }
0x37: {  	[smem:$0x3F9E] =	sst s10  }
0x38: {  	s10 =	sld [smem:$0x3F9F]  }
0x39: {  	_ = 	snop;
	(pc) =	sbr.ind lr, $3  }
0x3a: {  	_ = 	snop  }
0x3b: {  	_ = 	snop  }
0x3c: {  	p2 =	seq.s32 s10, $0x1;
	s10 =	sld [smem:$0x3F9E]  }
0x3d: {  	_ =	shalt  }
0x3e: {  	_ =	shalt  }
0x3f: {  	_ =	shalt  }
0x40: {  	_ =	shalt  }
0x41: {  	_ =	shalt  }
0x42: {  	_ =	shalt  }
0x43: {  	_ =	shalt  }
0x44: {  	_ =	shalt  }
0x45: {  	_ =	shalt  }
0x46: {  	_ =	shalt  }
0x47: {  	_ =	shalt  }
0x48: {  	_ =	shalt  }
0x49: {  	_ =	shalt  }
0x4a: {  	_ =	shalt  }
0x4b: {  	_ =	shalt  }
0x4c: {  	_ =	shalt  }
0x4d: {  	_ =	shalt  }
0x4e: {  	_ =	shalt  }
0x4f: {  	_ =	shalt  }
0x50: {  	_ =	shalt  }
0x51: {  	_ =	shalt  }
0x52: {  	_ =	shalt  }
0x53: {  	_ =	shalt  }
0x54: {  	_ =	shalt  }
0x55: {  	_ =	shalt  }
0x56: {  	_ =	shalt  }
0x57: {  	_ =	shalt  }
0x58: {  	_ =	shalt  }
0x59: {  	_ =	shalt  }
0x5a: {  	_ =	shalt  }
0x5b: {  	_ =	shalt  }
0x5c: {  	_ =	shalt  }
0x5d: {  	_ =	shalt  }
0x5e: {  	_ =	shalt  }
0x5f: {  	_ =	shalt  }
0x60: {  	_ =	shalt  }
0x61: {  	_ =	shalt  }
0x62: {  	_ =	shalt  }
0x63: {  	_ =	shalt  }
0x64: {  	_ =	shalt  }
0x65: {  	_ =	shalt  }
0x66: {  	_ =	shalt  }
0x67: {  	_ =	shalt  }
0x68: {  	_ =	shalt  }
0x69: {  	_ =	shalt  }
0x6a: {  	_ =	shalt  }
0x6b: {  	_ =	shalt  }
0x6c: {  	_ =	shalt  }
0x6d: {  	_ =	shalt  }
0x6e: {  	_ =	shalt  }
0x6f: {  	_ =	shalt  }
0x70: {  	_ =	shalt  }
0x71: {  	_ =	shalt  }
0x72: {  	_ =	shalt  }
0x73: {  	_ =	shalt  }
0x74: {  	_ =	shalt  }
0x75: {  	_ =	shalt  }
0x76: {  	_ =	shalt  }
0x77: {  	_ =	shalt  }
0x78: {  	_ =	shalt  }
0x79: {  	_ =	shalt  }
0x7a: {  	_ =	shalt  }
0x7b: {  	_ =	shalt  }
0x7c: {  	_ =	shalt  }
0x7d: {  	_ =	shalt  }
0x7e: {  	_ =	shalt  }
0x7f: {  	_ =	shalt  }
0x80: {  	_ =	shalt  }
0x81: {  	_ =	shalt  }
0x82: {  	_ =	shalt  }
0x83: {  	_ =	shalt  }
0x84: {  	_ =	shalt  }
0x85: {  	_ =	shalt  }
0x86: {  	_ =	shalt  }
0x87: {  	_ =	shalt  }
.Lfunc_end0:
.L_simem_size_0:
called_computation_lowered:
.L_overlay_start_0:
0x88: {  	s2 =	sld [smem:$0x3FD9]  }
0x89: {  	s3 =	sld [smem:$0x3FFE];
	_ =	sdelay $0x1  }
0x8a: {  	s1 =	srdreg.scid  }
0x8b: {  	s0 =	sand.u32 $0x1, s1  }
0x8c: {  	s17 =	sshll.u32 s0, $0xA;
	s2 =	sadd.s32 s3, s2  }
0x8d: {  	s2 =	sadd.s32 s2, s17  }
0x8e: {  	[smem:$0x3FAA] =	sst s2  }
0x8f: {  	_ = 	snop  }
0x90: {  	s2 =	sld [smem:$0x3FD0];
	(tm) =	ssettm $0x1  }
0x91: {  	s18 =	sld [smem:$0x3FFB];
	_ =	sdelay $0x3  }
0x92: {  	_ =	strace s18  }
0x93: {  	s3 =	sld [smem:$0x3FFC];
	_ =	sdelay $0x3  }
0x94: {  	_ =	strace s3  }
0x95: {  	s3 =	sld [smem:$0x3FFD];
	_ =	sdelay $0x3  }
0x96: {  	_ =	strace s3  }
0x97: {  	_ =	strace $0x8FFFFFFF  }
0x98: {  	s19 =	sld [smem:$0x3FDB];
	_ =	sdelay $0x1  }
0x99: {  	s4 =	simm.s32 $_scs_section_size  }
0x9a: {  	s5 =	simm.s32 $_size__tile_overlayer_lowered;
	s6 =	simm.s32 $_tile_overlayer_lowered  }
0x9b: {  	s22 =	simm.s32 $0x1BFF;
	s21 =	sshll.u32 s6, $0x1;
	s3 =	sadd.s32 s4, s19  }
0x9c: {  	s7 =	simm.s32 $0x0;
	s20 =	sshll.u32 s5, $0x1;
	s5 =	sadd.s32 s21, s3  }
0x9d: {  	[timem:s7], [sflag:s22] =	dma.local [hbm:s5], s20  }
0x9e: {  	_ =	swait.ge [sflag:s22], s20  }
0x9f: {  	s4 =	ssub.s32 $0x0, s20;
	[sflag:s22] =	ssyncset.done $0x0  }
0xa0: {  	[sflag:s22] =	ssyncadd.s32 s4;
	_ =	sdelay $0x1  }
0xa1: {  	s23 =	simm.s32 $0x1B8B  }
0xa2: {  	_ =	swait.ge [sflag:s23], $0x1  }
0xa3: {  	[sflag:s23] =	ssyncset.done $0x0  }
0xa4: {  	s25 =	simm.s32 $0x1B8E;
	s24 =	sld [smem:$0x3FFE];
	[sflag:s23] =	ssyncadd.s32 $0xFFFFFFFF  }
0xa5: {  	s26 =	simm.s32 $execute0_lowered;
	[smem:$0x3FD2] =	sst s25  }
0xa6: {  	s5 =	sshll.u32 s26, $0x1;
	_ =	strace $0x80000046;
	[dreg:$0x1] =	wrdreg $0xFFFFFFFF  }
0xa7: {  	s28 =	simm.s32 $_size_execute0_lowered;
	s3 =	sadd.s32 s3, s5;
	[dreg:$0x0] =	wrdreg $0x0  }
0xa8: {  	s5 =	sshll.u32 s28, $0x1;
	[dreg:$0x2] =	wrdreg s3  }
0xa9: {  	[dreg:$0x3] =	wrdreg s5  }
0xaa: {  	[dreg:$0x4] =	wrdreg $0xC0  }
0xab: {  	_ =	task [dreg:s7], $0x5FFFF  }
0xac: {  	[dreg:$0x1] =	wrdreg $0xFFFFFFFF  }
0xad: {  	[dreg:$0x0] =	wrdreg $0x60  }
0xae: {  	[dreg:$0x2] =	wrdreg s24  }
0xaf: {  	[dreg:$0x3] =	wrdreg s2  }
0xb0: {  	[dreg:$0x4] =	wrdreg $0x9  }
0xb1: {  	_ =	task.clear_ibuf [dreg:s7], $0x5FFFF;
	_ =	strace $0x90000046  }
0xb2: {  	s29 =	simm.s32 $0x9;
	_ =	strace $0x8000004F  }
0xb3: {  	_ =	swait.ge [sflag:s29], $0x1  }
0xb4: {  	[sflag:s29] =	ssyncadd.s32 $0xFFFFFFFF  }
0xb5: {  	_ =	strace $0x9000004F  }
0xb6: {  	_ =	sfence  }
0xb7: {  	s30 =	sld [smem:$0x0];
	_ =	sdelay $0x2  }
0xb8: {  	s31 =	sshll.u32 s1, $0xD;
	s1 =	sshrl.u32 s1, $0x2  }
0xb9: {  	s3 =	sand.u32 $0x4000, s31;
	s1 =	sadd.s32 s1, s30  }
0xba: {  	s0 =	sor.u32 s3, s0;
	s1 =	sshll.u32 s1, $0x11  }
0xbb: {  	s0 =	sor.u32 s1, s0  }
0xbc: {  	s0 =	sadd.s32 $0x8F2B, s0  }
0xbd: {  	[sflag:s0] =	ssyncadd.remote.s32 $0x1  }
0xbe: {  	_ =	sfence.sel $0xFFFF  }
0xbf: {  	[dreg:$0x0] =	wrdreg $0xFFFFFFFF;
	(pc) =	sbr.abs _section_cstart, $3  }
0xc0: {  	[dreg:$0x1] =	wrdreg $0xFFFFFFFF  }
0xc1: {  	_ =	task.clear_ibuf [dreg:s7], $0x2FFFF;
	_ =	strace $0x9FFFFFFF  }
0xc2: {  	(tm) =	ssettm $0x7FFFFFFF  }
0xc3: {  	_ =	shalt  }
tec
execute0_lowered:
.L_overlay_start_1:
0x0: {  	(tag) =	ssettag $0x1  }
0x1: {  	s4 =	rddreg [dreg:$0x0]  }
0x2: {  	s1 =	rddreg [dreg:$0x1]  }
0x3: {  	s0 =	rddreg [dreg:$0x2];
	s2 =	simm.s32 $0x0  }
0x4: {  	s3 =	srdreg.scid;
	s31 =	simm.s32 $0x80;
	s9 =	simm.s32 $0x3  }
0x5: {  	s10 =	simm.s32 $0x0;
	[smem:$0x7FF] =	sst s2;
	s5 =	sand.u32 $0x1, s3  }
0x6: {  	s6 =	sadd.s32 $0x18E00, s4;
	s3 =	stileid.u32;
	s4 =	sadd.s32 $0x2B800, s4  }
0x7: {  	_ =	strace $0x80000047;
	s7 =	sshll.u32 s5, $0x4;
	s5 =	ssub.s32 $0x2, s5  }
0x8: {  	[dreg:$0x3] =	wrdreg s6;
	s29 =	sor.u32 s3, s7;
	s30 =	sshrl.u32 s5, $0x1  }
0x9: {  	[dreg:$0x5] =	wrdreg s4;
	s8 =	smul.u32 $0x130, s29;
	s7 =	ssub.s32 s5, s30  }
0xa: {  	[dreg:$0x4] =	wrdreg s31;
	s4 =	smul.u32 $0x13, s29;
	s6 =	smax.u32 s7, $0x1  }
0xb: {  	s7 =	simm.s32 $0x1;
	s5 =	sadd.s32 s1, s8;
	s8 =	simm.s32 $0x5  }
.LBB2_1:
0xc: {  	_ =	strace $0x80000048;
	s11 =	simm.s32 $0x1;
	p0 =	por $0x0, $0x0  }
0xd: {  	[tilespmem:s2], [sflag:$0x1] =	stream.linear.gather [hbm4b:s5+s2], $0x80, $0x200038;
	[tilespmem:$0x8100] =	vst v63  }
0xe: {  	s11 =	simm.s32 @p0 $0x0  }
0xf: {  	p4 =	por $0x1, $0x1;
	s20 =	sand.u32 $0x1, s2;
	p1 =	sne.s32 s11, $0x0  }
0x10: {  	p2 =	por $0x1, $0x1;
	s18 =	simm.s32 $0x11;
	p0 =	por !p4, !p1  }
0x11: {  	s16 =	simm.s32 $0x0;
	p5 =	por $0x0, $0x0;
	p0 =	por !p0, !p0  }
0x12: {  	s23 =	sadd.s32 $0x0, s4;
	s30 =	sadd.s32 $0x1, s20;
	s12 =	sadd.s32 @p0 s4, s11  }
0x13: {  	_ =	strace $0x90000048;
	s13 =	sand.u32 @p0 $0x1, s7;
	s12 =	sshll.u32 @p0 s12, $0x4  }
0x14: {  	_ =	strace @p0 $0x80000049;
	s15 =	simm.s32 @p0 $0x0;
	s12 =	sand.u32 @p0 $0x1FFFFFF0, s12  }
0x15: {  	s14 =	sshll.u32 @p0 s13, $0x7;
	s13 =	sadd.s32 @p0 $0x1, s13;
	s12 =	sadd.s32 @p0 s1, s12  }
0x16: {  	[tilespmem:s14], [sflag:s13] =	stream.linear.gather @p0 [hbm4b:s12+s15], $0x80, $0x200038;
	[tilespmem:$0x8100] =	vst v63  }
0x17: {  	p3 =	por p2, p2;
	s21 =	sshll.u32 s20, $0xE;
	_ =	strace @p0 $0x90000049  }
0x18: {  	s16 =	sand.u32 $0x80, s16;
	p2 =	por p5, p5;
	_ =	strace $0x8000004A  }
0x19: {  	s17 =	sadd.s32 $0x1, s11;
	s22 =	sor.u32 $0x100, s21;
	_ =	swait.ge [sflag:s30], $0x80  }
0x1a: {  	s21 =	simm.s32 $0x1;
	p6 =	por p1, p1;
	[sflag:s30] =	ssyncset.done $0x0  }
0x1b: {  	p1 =	por p3, p3;
	p4 =	por $0x1, $0x1;
	[sflag:s30] =	ssyncadd.s32 $0xFFFFFF80  }
0x1c: {  	s12 =	simm.s32 $0x12;
	s15 =	sand.u32 @!p3 $0x1, s2;
	_ =	strace $0x9000004A  }
0x1d: {  	s13 =	simm.s32 $0x1;
	p3 =	seq.s32 s17, $0x13;
	_ =	strace $0x8000004B  }
0x1e: {  	s13 =	simm.s32 @!p0 $0x0;
	s17 =	simm.s32 @p3 $0x0;
	s19 =	rddreg [dreg:$0x4]  }
0x1f: {  	p0 =	por $0x0, $0x0;
	s14 =	sadd.s32 $0x1, s13;
	s31 =	rddreg [dreg:$0x3]  }
0x20: {  	[tilespmem:s22], [sflag:$0x5] =	stream.indirect.gather [hbm4b:s31+s19], $0x80, s16, s19, $0x2000b8;
	[tilespmem:$0x8100] =	vst v63  }
0x21: {  	p3 =	sne.s32 s11, s17;
	s21 =	simm.s32 @!p0 $0x0;
	_ =	swait.ge [sflag:s8], $0x4000  }
0x22: {  	p5 =	por !p4, !p3;
	p4 =	por $0x0, $0x0;
	[sflag:s8] =	ssyncset.done $0x0  }
0x23: {  	s13 =	simm.s32 $0x0;
	p6 =	por p4, p6;
	[sflag:s8] =	ssyncadd.s32 $0xFFFFC000  }
0x24: {  	s16 =	simm.s32 $0x0;
	s19 =	simm.s32 $0x0;
	_ =	strace $0x9000004B  }
.LBB2_2:
0x25: {  	_ =	strace @p6 $0x8000004C;
	s13 =	sadd.s32 s21, s13;
	s21 =	smov.u32 s12  }
0x26: {  	s12 =	smov.u32 s18;
	s18 =	sadd.s32 $0xFFFFFFFF, s18;
	p0 =	por p3, p3  }
0x27: {  	s28 =	sshll.u32 @p6 s23, $0xB;
	s20 =	sadd.s32 @p6 $0x3, s20;
	s24 =	simm.s32 @!p0 $0x0  }
0x28: {  	s25 =	rddreg [dreg:$0x5];
	s28 =	sand.u32 @p6 $0x1FFFF800, s28;
	s24 =	simm.s32 @p0 $0x1  }
0x29: {  	s25 =	sadd.s32 @p6 s25, s28;
	s28 =	simm.s32 @p6 $0x0;
	p0 =	sne.s32 s18, $0x0  }
0x2a: {  	[hbm4b:s25+s28] =	stream.linear.scatter @p6 [tilespmem:s22], [sflag:s20], $0x4000, $0x200038;
	[tilespmem:$0x8100] =	vst v63  }
0x2b: {  	s20 =	sadd.s32 @!p1 $0x3, s15;
	s15 =	simm.s32 @!p0 $0x0  }
0x2c: {  	s26 =	simm.s32 $0x1;
	[smem:$0x7FC] =	sst s24;
	s15 =	simm.s32 @p0 $0x1  }
0x2d: {  	s26 =	simm.s32 @!p6 $0x0;
	_ =	strace @p6 $0x9000004C;
	[smem:$0x7FD] =	sst s15  }
0x2e: {  	p5 =	por !p5, !p5;
	s19 =	sadd.s32 s26, s19;
	_ =	strace @!p1 $0x8000004D  }
0x2f: {  	s24 =	sand.u32 @!p2 $0x1, s13;
	s22 =	sand.u32 @p5 $0x1, s14;
	_ =	swait.ge @!p1 [sflag:s20], $0x4000  }
0x30: {  	s15 =	smov.u32 s24;
	s24 =	sadd.s32 @p5 s4, s17;
	[sflag:s20] =	ssyncset.done @!p1 $0x0  }
0x31: {  	s25 =	sshll.u32 @p5 s22, $0x7;
	s24 =	sshll.u32 @p5 s24, $0x4;
	[sflag:s20] =	ssyncadd.s32 @!p1 $0xFFFFC000  }
0x32: {  	s20 =	sadd.s32 @p5 $0x1, s22;
	s22 =	sand.u32 @p5 $0x1FFFFFF0, s24;
	_ =	strace @!p1 $0x9000004D  }
0x33: {  	s24 =	simm.s32 @p5 $0x0;
	s22 =	sadd.s32 @p5 s1, s22;
	_ =	strace @p5 $0x80000049  }
0x34: {  	[tilespmem:s25], [sflag:s20] =	stream.linear.gather @p5 [hbm4b:s22+s24], $0x80, $0x200038;
	[tilespmem:$0x8100] =	vst v63  }
0x35: {  	s16 =	sadd.s32 s26, s16;
	s26 =	sand.u32 $0x1, s19;
	_ =	strace @p5 $0x90000049  }
0x36: {  	s24 =	sadd.s32 $0x1, s26;
	_ =	strace $0x8000004A  }
0x37: {  	_ =	swait.ge [sflag:s24], $0x80  }
0x38: {  	[sflag:s24] =	ssyncset.done $0x0  }
0x39: {  	s20 =	simm.s32 $0x1;
	[sflag:s24] =	ssyncadd.s32 $0xFFFFFF80  }
0x3a: {  	s20 =	simm.s32 @!p5 $0x0;
	_ =	strace $0x9000004A  }
0x3b: {  	s14 =	sadd.s32 s20, s14;
	s20 =	sand.u32 $0x1, s16;
	_ =	strace $0x8000004B  }
0x3c: {  	s29 =	sshll.u32 s19, $0x7;
	s25 =	sshll.u32 s20, $0xE;
	s26 =	rddreg [dreg:$0x4]  }
0x3d: {  	s29 =	sand.u32 $0x80, s29;
	s22 =	sor.u32 $0x100, s25;
	s30 =	rddreg [dreg:$0x3]  }
0x3e: {  	[tilespmem:s22], [sflag:$0x5] =	stream.indirect.gather [hbm4b:s30+s26], $0x80, s29, s26, $0x2000b8;
	[tilespmem:$0x8100] =	vst v63  }
0x3f: {  	_ =	swait.ge [sflag:s8], $0x4000  }
0x40: {  	s31 =	sadd.s32 $0x1, s17;
	[sflag:s8] =	ssyncset.done $0x0  }
0x41: {  	s23 =	sadd.s32 s4, s11;
	s11 =	smov.u32 s17;
	[sflag:s8] =	ssyncadd.s32 $0xFFFFC000  }
0x42: {  	p3 =	seq.s32 s31, $0x13;
	s17 =	smov.u32 s31;
	_ =	strace $0x9000004B  }
0x43: {  	s17 =	simm.s32 @p3 $0x0;
	s31 =	sld [smem:$0x7FD]  }
0x44: {  	p6 =	sne.s32 s12, $0x1;
	p0 =	sne.s32 s21, $0x13;
	p3 =	sne.s32 s11, s17  }
0x45: {  	p5 =	por !p6, !p3;
	p6 =	seq.s32 s21, $0x1;
	s21 =	simm.s32 $0x1  }
0x46: {  	s21 =	simm.s32 @!p0 $0x0;
	p0 =	seq.s32 s31, $0x1  }
.Ltmp0:
0x47: {  	s30 =	sld [smem:$0x7FC];
	(pc) =	sbr.rel @p0 .LBB2_2-.Ltmp0, $4  }
0x48: {  	_ = 	snop  }
0x49: {  	p4 =	seq.s32 s12, $0x13  }
0x4a: {  	p1 =	por p2, p2;
	p2 =	por p4, p4;
	p4 =	seq.s32 s30, $0x1  }
0x4b: {  	p6 =	por p6, p4  }
0x4c: {  	_ =	strace @p6 $0x8000004C;
	s23 =	sshll.u32 @p6 s23, $0xB  }
0x4d: {  	s18 =	rddreg [dreg:$0x5];
	s23 =	sand.u32 @p6 $0x1FFFF800, s23  }
0x4e: {  	s20 =	sadd.s32 @p6 $0x3, s20;
	s18 =	sadd.s32 @p6 s18, s23;
	s23 =	simm.s32 @p6 $0x0  }
0x4f: {  	[hbm4b:s18+s23] =	stream.linear.scatter @p6 [tilespmem:s22], [sflag:s20], $0x4000, $0x200038;
	[tilespmem:$0x8100] =	vst v63  }
0x50: {  	p0 =	por !p5, !p5;
	_ =	strace @p6 $0x9000004C  }
0x51: {  	s15 =	sadd.s32 @!p1 $0x3, s15;
	s17 =	sadd.s32 @p0 s4, s17;
	_ =	strace @!p1 $0x8000004D  }
0x52: {  	s14 =	sand.u32 @p0 $0x1, s14;
	s17 =	sshll.u32 @p0 s17, $0x4;
	_ =	swait.ge @!p1 [sflag:s15], $0x4000  }
0x53: {  	s18 =	simm.s32 $0x1;
	s20 =	sshll.u32 @p0 s14, $0x7;
	[sflag:s15] =	ssyncset.done @!p1 $0x0  }
0x54: {  	s14 =	sadd.s32 @p0 $0x1, s14;
	s18 =	simm.s32 @!p6 $0x0;
	[sflag:s15] =	ssyncadd.s32 @!p1 $0xFFFFC000  }
0x55: {  	s19 =	sadd.s32 s18, s19;
	s15 =	sand.u32 @p0 $0x1FFFFFF0, s17;
	_ =	strace @!p1 $0x9000004D  }
0x56: {  	s17 =	simm.s32 @p0 $0x0;
	s15 =	sadd.s32 @p0 s1, s15;
	_ =	strace @p0 $0x80000049  }
0x57: {  	[tilespmem:s20], [sflag:s14] =	stream.linear.gather @p0 [hbm4b:s15+s17], $0x80, $0x200038;
	[tilespmem:$0x8100] =	vst v63  }
0x58: {  	s25 =	sand.u32 $0x1, s19;
	_ =	strace @p0 $0x90000049  }
0x59: {  	s14 =	sadd.s32 $0x1, s25;
	_ =	strace $0x8000004A  }
0x5a: {  	_ =	swait.ge [sflag:s14], $0x80  }
0x5b: {  	[sflag:s14] =	ssyncset.done $0x0  }
0x5c: {  	[sflag:s14] =	ssyncadd.s32 $0xFFFFFF80  }
0x5d: {  	s26 =	sadd.s32 s18, s16;
	_ =	strace $0x9000004A  }
0x5e: {  	s14 =	sand.u32 $0x1, s26;
	_ =	strace $0x8000004B  }
0x5f: {  	s30 =	sshll.u32 s19, $0x7;
	s31 =	sshll.u32 s14, $0xE;
	s28 =	rddreg [dreg:$0x4]  }
0x60: {  	s17 =	sand.u32 $0x80, s30;
	s18 =	sor.u32 $0x100, s31;
	s29 =	rddreg [dreg:$0x3]  }
0x61: {  	[tilespmem:s18], [sflag:$0x5] =	stream.indirect.gather [hbm4b:s29+s28], $0x80, s17, s28, $0x2000b8;
	[tilespmem:$0x8100] =	vst v63  }
0x62: {  	_ =	swait.ge [sflag:s8], $0x4000  }
0x63: {  	[sflag:s8] =	ssyncset.done $0x0  }
0x64: {  	p5 =	por p3, p3;
	p6 =	seq.s32 s12, $0x1;
	[sflag:s8] =	ssyncadd.s32 $0xFFFFC000  }
0x65: {  	s11 =	sadd.s32 s4, s11;
	p0 =	por p6, p5;
	_ =	strace $0x9000004B  }
0x66: {  	s11 =	sshll.u32 @p0 s11, $0xB;
	_ =	strace @p0 $0x8000004C  }
0x67: {  	s13 =	sadd.s32 s21, s13;
	s11 =	sand.u32 @p0 $0x1FFFF800, s11;
	s12 =	rddreg [dreg:$0x5]  }
0x68: {  	s14 =	sadd.s32 @p0 $0x3, s14;
	s11 =	sadd.s32 @p0 s12, s11;
	s12 =	simm.s32 @p0 $0x0  }
0x69: {  	[hbm4b:s11+s12] =	stream.linear.scatter @p0 [tilespmem:s18], [sflag:s14], $0x4000, $0x200038;
	[tilespmem:$0x8100] =	vst v63  }
0x6a: {  	p1 =	por p2, p2;
	s11 =	sand.u32 @!p2 $0x1, s13;
	_ =	strace @p0 $0x9000004C  }
0x6b: {  	s11 =	sadd.s32 @!p1 $0x3, s11;
	_ =	strace @!p1 $0x8000004D  }
0x6c: {  	_ =	swait.ge @!p1 [sflag:s11], $0x4000  }
0x6d: {  	[sflag:s11] =	ssyncset.done @!p1 $0x0  }
0x6e: {  	s10 =	sadd.s32 $0x1, s10;
	[sflag:s11] =	ssyncadd.s32 @!p1 $0xFFFFC000  }
0x6f: {  	p0 =	sne.s32 s10, s6;
	_ =	strace @!p1 $0x9000004D  }
.Ltmp1:
0x70: {  	_ =	strace $0x8000004E;
	(pc) =	sbr.rel @p0 .LBB2_1-.Ltmp1, $4  }
0x71: {  	_ =	swait.ge [sflag:s9], $0x4000  }
0x72: {  	[sflag:s9] =	ssyncset.done $0x0  }
0x73: {  	[sflag:s9] =	ssyncadd.s32 $0xFFFFC000  }
0x74: {  	_ =	strace $0x9000004E  }
0x75: {  	_ =	sfence.sel $0x180000  }
0x76: {  	[bflag:$0x0] =	sbarrier.arrive $0xFFFF  }
0x77: {  	p0 =	sne.s32 s3, $0x0;
	_ =	strace $0x90000047  }
0x78: {  	s0 =	sadd.s32 @!p0 $0x100000, s0;
	[bflag:$0x2] =	sbarrier.arrive $0xFFFF  }
0x79: {  	[sflag:s0] =	ssyncadd.tile.s32 @!p0 $0x1;
	_ =	shalt  }
.Lfunc_end2:
_tile_overlayer_lowered:
.L_overlay_start_2:
0x7a: {  	(tag) =	ssettag $0x2  }
0x7b: {  	s0 =	rddreg [dreg:$0x0];
	s2 =	stileid.u32  }
0x7c: {  	s1 =	rddreg [dreg:$0x1];
	p0 =	sne.s32 s2, $0x0  }
0x7d: {  	s3 =	rddreg [dreg:$0x2];
	[bflag:$0x3] =	sbarrier.arrive $0xFFFF;
	s2 =	simm.s32 @!p0 $0x1C01  }
0x7e: {  	[timem:s3], [sflag:s2] =	dma.local @!p0 [hbm:s0], s1  }
0x7f: {  	s0 =	simm.s32 @!p0 $0x1  }
0x80: {  	_ =	swait.ge @!p0 [sflag:s0], s1  }
0x81: {  	s1 =	ssub.s32 @!p0 $0x0, s1;
	[sflag:s0] =	ssyncset.done @!p0 $0x0  }
0x82: {  	[sflag:s0] =	ssyncadd.s32 @!p0 s1  }
0x83: {  	[bflag:$0x3] =	sbarrier.arrive $0xFFFF  }
0x84: {  	_ =	shalt  }

</sc_bundles>
